<compile_context>
chip_gen: v7x
topology: tpu7x:2x2x1
jax: 0.10.2.dev20260603
libtpu: 0.0.44.dev20260713+nightly
codegen_flags: <defaults>
</compile_context>

<pallas_src>
import functools

import jax
import jax.numpy as jnp
from jax import lax
from jax.experimental import pallas as pl
from jax.experimental.pallas import tpu as pltpu
from jax.experimental.pallas import tpu_sc as plsc

D_MODEL = 768
N_EXPERTS = 8
TOP_K = 2
D_FF = 768
T_TOKENS = 2048
N_PAIRS = T_TOKENS * TOP_K
BLK = 128
N_BLOCKS = (N_PAIRS + N_EXPERTS * (BLK - 1) + BLK - 1) // BLK
PAD_N = N_BLOCKS * BLK
C_CHUNK = 128
D_HALF = D_MODEL // 2


def _route_body(x_ref, gate_w_ref, slots_ref, wpair_ref, b2e_ref, xbf_ref,
                occ_ref, ranks_ref):
    x = x_ref[...]
    xb = x.astype(jnp.bfloat16)
    lo32 = lax.bitcast_convert_type(xb[:, :D_HALF], jnp.int16).astype(jnp.int32)
    hi32 = lax.bitcast_convert_type(xb[:, D_HALF:], jnp.int16).astype(jnp.int32)
    xbf_ref[...] = (lo32 & 0xFFFF) | (hi32 << 16)
    logits = jnp.dot(x, gate_w_ref[...], preferred_element_type=jnp.float32)
    z = logits - jnp.max(logits, axis=1, keepdims=True)
    ez = jnp.exp(z)
    p = ez / jnp.sum(ez, axis=1, keepdims=True)

    lane = lax.broadcasted_iota(jnp.int32, (T_TOKENS, N_EXPERTS), 1)
    m1 = jnp.max(p, axis=1, keepdims=True)
    i1 = jnp.min(jnp.where(p == m1, lane, N_EXPERTS), axis=1, keepdims=True)
    sel1 = lane == i1
    p2 = jnp.where(sel1, -1.0, p)
    m2 = jnp.max(p2, axis=1, keepdims=True)
    i2 = jnp.min(jnp.where(p2 == m2, lane, N_EXPERTS), axis=1, keepdims=True)
    sel2 = lane == i2
    s = m1 + m2

    occ_ref[...] = jnp.where(sel1 | sel2, 1.0, 0.0)

    r = lax.broadcasted_iota(jnp.int32, (C_CHUNK, C_CHUNK), 0)
    c = lax.broadcasted_iota(jnp.int32, (C_CHUNK, C_CHUNK), 1)
    tril = (r > c).astype(jnp.bfloat16)

    def chunk(i, offset):
        blk = occ_ref[pl.ds(i * C_CHUNK, C_CHUNK), :]
        ranks_ref[pl.ds(i * C_CHUNK, C_CHUNK), :] = (
            jnp.dot(tril, blk.astype(jnp.bfloat16),
                    preferred_element_type=jnp.float32) + offset)
        return offset + jnp.sum(blk, axis=0, keepdims=True)

    counts = lax.fori_loop(0, T_TOKENS // C_CHUNK, chunk,
                           jnp.zeros((1, N_EXPERTS), jnp.float32))

    cb = jnp.ceil(counts * (1.0 / BLK)) * float(BLK)
    r8 = lax.broadcasted_iota(jnp.int32, (N_EXPERTS, N_EXPERTS), 0)
    c8 = lax.broadcasted_iota(jnp.int32, (N_EXPERTS, N_EXPERTS), 1)
    upper = (r8 < c8).astype(jnp.float32)
    base = jnp.dot(cb, upper, preferred_element_type=jnp.float32)

    eye8 = (r8 == c8).astype(jnp.float32)
    bb_col = lax.dot_general(eye8, base * (1.0 / BLK),
                             (((1,), (1,)), ((), ())),
                             preferred_element_type=jnp.float32)
    blocks = lax.broadcasted_iota(jnp.int32, (1, N_BLOCKS), 1).astype(jnp.float32)
    b2e = jnp.sum((bb_col <= blocks).astype(jnp.int32), axis=0,
                  keepdims=True) - 1
    b2e_ref[...] = b2e

    ranks = ranks_ref[...]
    rank1 = jnp.sum(jnp.where(sel1, ranks, 0.0), axis=1, keepdims=True)
    rank2 = jnp.sum(jnp.where(sel2, ranks, 0.0), axis=1, keepdims=True)
    base1 = jnp.sum(jnp.where(sel1, base, 0.0), axis=1, keepdims=True)
    base2 = jnp.sum(jnp.where(sel2, base, 0.0), axis=1, keepdims=True)
    slot1 = (base1 + rank1).astype(jnp.int32)
    slot2 = (base2 + rank2).astype(jnp.int32)
    slots_ref[...] = jnp.concatenate([slot1, slot2], axis=1)
    wpair_ref[...] = jnp.concatenate([m1 / s, m2 / s], axis=1)


def _route(x, gate_w):
    return pl.pallas_call(
        _route_body,
        in_specs=[
            pl.BlockSpec((T_TOKENS, D_MODEL), lambda: (0, 0)),
            pl.BlockSpec((D_MODEL, N_EXPERTS), lambda: (0, 0)),
        ],
        out_specs=[
            pl.BlockSpec((T_TOKENS, TOP_K), lambda: (0, 0)),
            pl.BlockSpec((T_TOKENS, TOP_K), lambda: (0, 0)),
            pl.BlockSpec((1, N_BLOCKS), lambda: (0, 0)),
            pl.BlockSpec((T_TOKENS, D_HALF), lambda: (0, 0)),
        ],
        out_shape=[
            jax.ShapeDtypeStruct((T_TOKENS, TOP_K), jnp.int32),
            jax.ShapeDtypeStruct((T_TOKENS, TOP_K), jnp.float32),
            jax.ShapeDtypeStruct((1, N_BLOCKS), jnp.int32),
            jax.ShapeDtypeStruct((T_TOKENS, D_HALF), jnp.int32),
        ],
        scratch_shapes=[
            pltpu.VMEM((T_TOKENS, N_EXPERTS), jnp.float32),
            pltpu.VMEM((T_TOKENS, N_EXPERTS), jnp.float32),
        ],
    )(x, gate_w)


def _make_sc_gather():
    info = plsc.get_sparse_core_info()
    NC, NS = info.num_cores, info.num_subcores
    NW = NC * NS
    stripe = PAD_N // NW
    gchunk = stripe // 2
    ppw = N_PAIRS // NS
    GSUB = 8
    zchunk = PAD_N // NS
    mesh = plsc.VectorSubcoreMesh(core_axis_name="c", subcore_axis_name="s")

    tpw = T_TOKENS // NW
    ppg = 2 * tpw

    @functools.partial(
        pl.kernel, mesh=mesh,
        out_type=[
            jax.ShapeDtypeStruct((PAD_N, D_HALF), jnp.int32),
            jax.ShapeDtypeStruct((PAD_N,), jnp.float32),
        ],
        scratch_types=[
            pltpu.VMEM((2, 128), jnp.int32),
            pltpu.VMEM((2, 128), jnp.float32),
            pltpu.VMEM((zchunk,), jnp.float32),
            pltpu.VMEM((stripe,), jnp.float32),
            pltpu.VMEM((ppg,), jnp.int32),
            pltpu.VMEM((tpw, D_HALF), jnp.int32),
            pltpu.VMEM_SHARED((PAD_N,), jnp.float32),
            pltpu.SemaphoreType.DMA,
            pltpu.SemaphoreType.DMA,
        ],
        compiler_params=pltpu.CompilerParams(needs_layout_passes=False),
    )
    def sc_gather(x_hbm, slots_hbm, w_hbm, xs_hbm, ws_hbm,
                  idx_v, wv_v, zerof_v, wstr_v, slot_v, xrows_v,
                  wm_sh, semr, semw):
        cid = lax.axis_index("c")
        sid = lax.axis_index("s")
        wid = sid * NC + cid
        pbase_sc = sid * ppw
        gbase = wid * ppg

        rows_cp = pltpu.async_copy(x_hbm.at[pl.ds(wid * tpw, tpw)],
                                   xrows_v, semr)
        pltpu.sync_copy(slots_hbm.at[pl.ds(gbase, ppg)], slot_v)

        for h in range(2):
            pltpu.sync_copy(slots_hbm.at[pl.ds(pbase_sc + h * 128, 128)],
                            idx_v.at[h])
            pltpu.sync_copy(w_hbm.at[pl.ds(pbase_sc + h * 128, 128)],
                            wv_v.at[h])
        z16f = jnp.zeros((16,), jnp.float32)
        for i in range(zchunk // 16):
            zerof_v[pl.ds(i * 16, 16)] = z16f
        pltpu.sync_copy(zerof_v, wm_sh.at[pl.ds(sid * zchunk, zchunk)])
        plsc.subcore_barrier()
        for h in range(2):
            pltpu.sync_copy(wv_v.at[h], wm_sh.at[idx_v.at[h]])
        plsc.subcore_barrier()
        base = wid * stripe
        pltpu.sync_copy(wm_sh.at[pl.ds(base, stripe)], wstr_v)
        pltpu.sync_copy(wstr_v, ws_hbm.at[pl.ds(base, stripe)])

        rows_cp.wait()
        iota16 = lax.iota(jnp.int32, 16)

        def fire(p, _):
            chunk = slot_v[pl.ds((p >> 4) * 16, 16)]
            s = jnp.sum(jnp.where(iota16 == (p & 15), chunk, 0))
            pltpu.async_copy(xrows_v.at[pl.ds(p >> 1, 1)],
                             xs_hbm.at[pl.ds(s, 1)], semw)
            return 0

        lax.fori_loop(0, ppg, fire, 0)
        for h in range(2):
            pltpu.make_async_copy(x_hbm.at[pl.ds(0, tpw)], xrows_v,
                                  semw).wait()

    return sc_gather


def _gemm_body(b2e_ref, xs_ref, gup_ref, down_ref, w_ref, y_ref):
    xw = xs_ref[...]
    xlo = lax.bitcast_convert_type((xw & 0xFFFF).astype(jnp.int16),
                                   jnp.bfloat16)
    xhi = lax.bitcast_convert_type((xw >> 16).astype(jnp.int16),
                                   jnp.bfloat16)
    xs = jnp.concatenate([xlo, xhi], axis=1)
    gu = jnp.dot(xs, gup_ref[0].astype(jnp.bfloat16),
                 preferred_element_type=jnp.float32)
    g = gu[:, :D_FF]
    u = gu[:, D_FF:]
    act = (g * jax.nn.sigmoid(g) * u).astype(jnp.bfloat16)
    y = jnp.dot(act, down_ref[0].astype(jnp.bfloat16),
                preferred_element_type=jnp.float32)
    r = lax.broadcasted_iota(jnp.int32, (BLK, BLK), 0)
    c = lax.broadcasted_iota(jnp.int32, (BLK, BLK), 1)
    eye = (r == c).astype(jnp.float32)
    wcol = lax.dot_general(eye, w_ref[0], (((1,), (1,)), ((), ())),
                           preferred_element_type=jnp.float32)
    yb = (y * wcol).astype(jnp.bfloat16)
    ylo = lax.bitcast_convert_type(yb[:, :D_HALF], jnp.int16).astype(jnp.int32)
    yhi = lax.bitcast_convert_type(yb[:, D_HALF:], jnp.int16).astype(jnp.int32)
    y_ref[...] = (ylo & 0xFFFF) | (yhi << 16)


def _gemm(b2e, xs, gup, down, ws):
    grid_spec = pltpu.PrefetchScalarGridSpec(
        num_scalar_prefetch=1,
        grid=(N_BLOCKS,),
        in_specs=[
            pl.BlockSpec((BLK, D_HALF), lambda b, b2e: (b, 0)),
            pl.BlockSpec((1, D_MODEL, 2 * D_FF),
                         lambda b, b2e: (b2e[0, b], 0, 0)),
            pl.BlockSpec((1, D_FF, D_MODEL),
                         lambda b, b2e: (b2e[0, b], 0, 0)),
            pl.BlockSpec((1, 1, BLK), lambda b, b2e: (b, 0, 0)),
        ],
        out_specs=pl.BlockSpec((BLK, D_HALF), lambda b, b2e: (b, 0)),
    )
    return pl.pallas_call(
        _gemm_body,
        grid_spec=grid_spec,
        out_shape=jax.ShapeDtypeStruct((PAD_N, D_HALF), jnp.int32),
    )(b2e, xs, gup, down, ws.reshape(N_BLOCKS, 1, BLK))


def _make_sc_combine():
    info = plsc.get_sparse_core_info()
    NC, NS = info.num_cores, info.num_subcores
    NW = NC * NS
    tpw = T_TOKENS // NW
    half = tpw // 2
    mesh = plsc.VectorSubcoreMesh(core_axis_name="c", subcore_axis_name="s")

    nchunk = 4
    tpc = tpw // nchunk
    ppc = 2 * tpc

    @functools.partial(
        pl.kernel, mesh=mesh,
        out_type=jax.ShapeDtypeStruct((T_TOKENS, D_MODEL), jnp.float32),
        scratch_types=[
            pltpu.VMEM((2 * tpw,), jnp.int32),
            pltpu.VMEM((2, ppc, D_HALF), jnp.int32),
            pltpu.VMEM((tpc, D_MODEL), jnp.float32),
            pltpu.SemaphoreType.DMA,
            pltpu.SemaphoreType.DMA,
        ],
        compiler_params=pltpu.CompilerParams(needs_layout_passes=False),
    )
    def sc_combine(y_hbm, slots_hbm, out_hbm, idx_v, rows_v, out_v,
                   sem0, sem1):
        wid = lax.axis_index("s") * NC + lax.axis_index("c")
        pltpu.sync_copy(slots_hbm.at[pl.ds(wid * 2 * tpw, 2 * tpw)], idx_v)
        nvec = D_MODEL // 16
        sems = (sem0, sem1)
        iota16 = lax.iota(jnp.int32, 16)

        def fire(c, buf):
            def body(i, _):
                p = c * ppc + i
                chunk = idx_v[pl.ds((p >> 4) * 16, 16)]
                s = jnp.sum(jnp.where(iota16 == (p & 15), chunk, 0))
                pltpu.async_copy(y_hbm.at[pl.ds(s, 1)],
                                 rows_v.at[buf, pl.ds(i, 1)], sems[buf])
                return 0
            lax.fori_loop(0, ppc, body, 0)

        def drain(buf):
            pltpu.make_async_copy(y_hbm.at[pl.ds(0, ppc)],
                                  rows_v.at[buf], sems[buf]).wait()

        fire(0, 0)
        for c in range(nchunk):
            buf = c % 2
            if c + 1 < nchunk:
                fire(c + 1, 1 - buf)
            drain(buf)

            def tok(j, _):
                for v in range(D_HALF // 16):
                    a = plsc.bitcast(rows_v[buf, 2 * j, pl.ds(v * 16, 16)],
                                     jnp.bfloat16)
                    b = plsc.bitcast(rows_v[buf, 2 * j + 1,
                                            pl.ds(v * 16, 16)],
                                     jnp.bfloat16)
                    lo, hi = plsc.unpack(a + b,
                                         format=plsc.PackFormat.INTERLEAVED)
                    out_v[j, pl.ds(v * 16, 16)] = lo
                    out_v[j, pl.ds(D_HALF + v * 16, 16)] = hi
                return 0

            lax.fori_loop(0, tpc, tok, 0)
            pltpu.sync_copy(out_v,
                            out_hbm.at[pl.ds(wid * tpw + c * tpc, tpc)])

    return sc_combine


def kernel(hidden_states, gate_w, gate_up_proj, down_proj):
    batch, seq, d = hidden_states.shape
    x = hidden_states.reshape(batch * seq, d)
    slots2, wpair, b2e, xbf = _route(x, gate_w)
    slots_flat = slots2.reshape(N_PAIRS)
    w_flat = wpair.reshape(N_PAIRS)
    xs, ws = _make_sc_gather()(xbf, slots_flat, w_flat)
    y = _gemm(b2e, xs, gate_up_proj, down_proj, ws)
    out = _make_sc_combine()(y, slots_flat)
    return out.reshape(batch, seq, d)

# --- scband reference (transcript-rebuilt; emitter-appended) ---
"""Pipeline reference for scband-qwen-moe-wrapper-skip-32461362823834 (READ-ONLY COPY).

The authoritative reference and input builder live on the scoring server;
editing this copy changes nothing except your own understanding.
"""

import jax, jax.numpy as jnp
import numpy as np

D_MODEL = 768
N_EXPERTS = 8
TOP_K = 2
D_FF = 768


def setup_inputs(seed: int = 0) -> dict:
    key = jax.random.key(seed)
    k1, k2, k3, k4 = jax.random.split(key, 4)
    hidden_states = jax.random.normal(k1, (1, 2048, D_MODEL), dtype=jnp.float32)
    # gate: Linear(hidden, E, bias=False) -> stored as [D, E] for x @ W
    gate_w = jax.random.normal(k2, (D_MODEL, N_EXPERTS), dtype=jnp.float32) * 0.02
    # fused experts weights (Qwen3VLMoeTextExperts): gate_up_proj [E, D, 2F], down_proj [E, F, D]
    gate_up_proj = jax.random.normal(k3, (N_EXPERTS, D_MODEL, 2 * D_FF), dtype=jnp.float32) * 0.02
    down_proj = jax.random.normal(k4, (N_EXPERTS, D_FF, D_MODEL), dtype=jnp.float32) * 0.02
    return {"hidden_states": hidden_states, "gate_w": gate_w, "gate_up_proj": gate_up_proj, "down_proj": down_proj}


def reference(hidden_states, gate_w, gate_up_proj, down_proj):
    # QwenMoeWrapperSkip.forward with default buffers: _has_modality=False,
    # so the modality-skip branches are no-ops; plain top-k softmax routing.
    batch_size, seq_length, hidden_dim = hidden_states.shape
    bs = batch_size * seq_length
    x = hidden_states.reshape(bs, hidden_dim)
    router_logits = x @ gate_w  # [T, E]
    routing_weights = jax.nn.softmax(router_logits, axis=-1)
    routing_weights, selected_experts = jax.lax.top_k(routing_weights, TOP_K)
    routing_weights = routing_weights / jnp.sum(routing_weights, axis=-1, keepdims=True)
    # scatter normalized top-k weights into a dense [T, E] routing matrix
    rows = jnp.arange(bs)[:, None]
    dense_router = jnp.zeros((bs, N_EXPERTS), dtype=routing_weights.dtype).at[rows, selected_experts].set(routing_weights)
    # fused experts (dense formulation; mathematically identical since non-selected
    # experts have weight exactly 0): SwiGLU per expert
    gate_up = jnp.einsum('td,edf->tef', x, gate_up_proj)  # [T, E, 2F]
    gate, up = jnp.split(gate_up, 2, axis=-1)
    act = jax.nn.silu(gate) * up  # [T, E, F]
    expert_out = jnp.einsum('tef,efd->ted', act, down_proj)  # [T, E, D]
    out = jnp.einsum('ted,te->td', expert_out, dense_router)
    return out.reshape(batch_size, seq_length, hidden_dim)

if __name__ == "__main__":
    import jax
    _d = setup_inputs()
    print(jax.jit(kernel)(*tuple(_d.values())))

</pallas_src>

<mosaic_0001>
#map = affine_map<(d0, d1) -> (0, 0)>
#map1 = affine_map<(d0, d1) -> (0)>
module attributes {stable_mosaic.version = 14 : i64} {
  func.func @sc_combine(%arg0: i32, %arg1: i32, %arg2: memref<5120x384xi32, #tpu.memory_space<hbm>>, %arg3: memref<4096xi32, #tpu.memory_space<hbm>>, %arg4: memref<2048x768xf32, #tpu.memory_space<hbm>>, %arg5: memref<128xi32, #tpu.memory_space<vmem>>, %arg6: memref<2x32x384xi32, #tpu.memory_space<vmem>>, %arg7: memref<16x768xf32, #tpu.memory_space<vmem>>, %arg8: memref<!tpu.dma_semaphore, #tpu.memory_space<semaphore_mem>>, %arg9: memref<!tpu.dma_semaphore, #tpu.memory_space<semaphore_mem>>) attributes {dimension_semantics = [#tpu.dimension_semantics<core_parallel>, #tpu.dimension_semantics<subcore_parallel>], iteration_bounds = array<i64: 2, 16>, scalar_prefetch = 0 : i64, scratch_operands = 5 : i64, tpu.core_type = #tpu.core_type<sc_vector_subcore>, window_params = [{transform_indices = #map}, {transform_indices = #map1}, {transform_indices = #map}]} {
    %mul3A = arith.constant 2 : i32
    %mul3A_0 = arith.muli %arg1, %mul3A : i32
    %add3A = arith.addi %mul3A_0, %arg0 : i32
    %mul3A_1 = arith.constant 2 : i32
    %mul3A_2 = arith.muli %add3A, %mul3A_1 : i32
    %mul3A_3 = arith.constant 64 : i32
    %mul3A_4 = arith.muli %mul3A_2, %mul3A_3 : i32
    "tpu.region"() ({
      %run_scoped3A = tpu.sem_alloc : memref<!tpu.dma_semaphore, #tpu.memory_space<semaphore_mem>>
      %dma_start3A = tpu.memref_slice %arg3[%mul3A_4] : memref<4096xi32, #tpu.memory_space<hbm>> -> memref<128xi32, #tpu.memory_space<hbm>>
      %dma_start3A_135 = tpu.memref_slice %arg3[%mul3A_4] : memref<4096xi32, #tpu.memory_space<hbm>> -> memref<128xi32, #tpu.memory_space<hbm>>
      tpu.enqueue_dma source(%dma_start3A_135 : memref<128xi32, #tpu.memory_space<hbm>>) target(%arg5 : memref<128xi32, #tpu.memory_space<vmem>>) target_semaphore(%run_scoped3A : memref<!tpu.dma_semaphore, #tpu.memory_space<semaphore_mem>>)
      %dma_wait3A_136 = tpu.memref_slice %arg3[%mul3A_4] : memref<4096xi32, #tpu.memory_space<hbm>> -> memref<128xi32, #tpu.memory_space<hbm>>
      %dma_wait3A_137 = tpu.memref_slice %arg3[%mul3A_4] : memref<4096xi32, #tpu.memory_space<hbm>> -> memref<128xi32, #tpu.memory_space<hbm>>
      tpu.wait_dma2 semaphore(%run_scoped3A : memref<!tpu.dma_semaphore, #tpu.memory_space<semaphore_mem>>) src(%dma_wait3A_137 : memref<128xi32, #tpu.memory_space<hbm>>) dst(%arg5 : memref<128xi32, #tpu.memory_space<vmem>>)
      tpu.yield
    }) : () -> ()
    %iota3A = tpu.iota {dimensions = array<i32: 0>} : vector<16xi32>
    %scan3A = arith.constant 0 : i32
    %scan3A_5 = arith.constant 0 : i32
    %scan3A_6 = arith.constant 32 : i32
    %scan3A_7 = arith.addi %scan3A_5, %scan3A_6 : i32
    %scan3A_8 = arith.constant 1 : i32
    %scan3A_9 = scf.for %scan3A_135 = %scan3A_5 to %scan3A_7 step %scan3A_8 iter_args(%scan3A_136 = %scan3A) -> (i32)  : i32 {
      %add3A_137 = arith.constant 0 : i32
      %add3A_138 = arith.addi %add3A_137, %scan3A_135 : i32
      %shift_right_arithmetic3A = arith.constant 4 : i32
      %shift_right_arithmetic3A_139 = arith.shrsi %add3A_138, %shift_right_arithmetic3A : i32
      %mul3A_140 = arith.constant 16 : i32
      %mul3A_141 = arith.muli %shift_right_arithmetic3A_139, %mul3A_140 : i32
      %get3A = arith.index_cast %mul3A_141 : i32 to index
      %get3A_142 = tpu.vector_load %arg5[%get3A] {strides = array<i32>} : memref<128xi32, #tpu.memory_space<vmem>>, vector<16xi32>,
      %and3A = arith.constant 15 : i32
      %and3A_143 = arith.andi %add3A_138, %and3A : i32
      %eq3A = vector.broadcast %and3A_143 : i32 to vector<16xi32>
      %eq3A_144 = arith.cmpi eq, %iota3A, %eq3A : vector<16xi32>
      %jit3A = arith.constant 0 : i32
      %broadcast_in_dim3A = vector.broadcast %jit3A : i32 to vector<16xi32>
      %select_n3A = arith.select %eq3A_144, %get3A_142, %broadcast_in_dim3A : vector<16xi1>, vector<16xi32>
      %reduce_sum3A = arith.constant true
      %reduce_sum3A_145 = vector.broadcast %reduce_sum3A : i1 to vector<16xi1>
      %reduce_sum3A_146 = tpu.scan <sum>, %select_n3A masked %reduce_sum3A_145 : vector<16xi32>, vector<16xi1> -> vector<16xi32>
      %reduce_sum3A_147 = vector.extract %reduce_sum3A_146[15] : i32 from vector<16xi32>
      %dma_start3A = arith.constant 0 : i32
      %dma_start3A_148 = arith.constant 0 : i32
      %dma_start3A_149 = tpu.memref_slice %arg6[%dma_start3A, %scan3A_135, %dma_start3A_148] : memref<2x32x384xi32, #tpu.memory_space<vmem>> -> memref<1x1x384xi32, #tpu.memory_space<vmem>>
      %dma_start3A_150 = tpu.memref_squeeze %dma_start3A_149 : memref<1x1x384xi32, #tpu.memory_space<vmem>> -> memref<1x384xi32, #tpu.memory_space<vmem>>
      %dma_start3A_151 = arith.constant 0 : i32
      %dma_start3A_152 = tpu.memref_slice %arg2[%reduce_sum3A_147, %dma_start3A_151] : memref<5120x384xi32, #tpu.memory_space<hbm>> -> memref<1x384xi32, #tpu.memory_space<hbm>>
      %dma_start3A_153 = arith.constant 0 : i32
      %dma_start3A_154 = tpu.memref_slice %arg6[%dma_start3A, %scan3A_135, %dma_start3A_153] : memref<2x32x384xi32, #tpu.memory_space<vmem>> -> memref<1x1x384xi32, #tpu.memory_space<vmem>>
      %dma_start3A_155 = tpu.memref_squeeze %dma_start3A_154 : memref<1x1x384xi32, #tpu.memory_space<vmem>> -> memref<1x384xi32, #tpu.memory_space<vmem>>
      %dma_start3A_156 = arith.constant 0 : i32
      %dma_start3A_157 = tpu.memref_slice %arg2[%reduce_sum3A_147, %dma_start3A_156] : memref<5120x384xi32, #tpu.memory_space<hbm>> -> memref<1x384xi32, #tpu.memory_space<hbm>>
      tpu.enqueue_dma source(%dma_start3A_157 : memref<1x384xi32, #tpu.memory_space<hbm>>) target(%dma_start3A_155 : memref<1x384xi32, #tpu.memory_space<vmem>>) target_semaphore(%arg8 : memref<!tpu.dma_semaphore, #tpu.memory_space<semaphore_mem>>)
      %scan3A_158 = arith.constant 0 : i32
      scf.yield %scan3A_158 : i32
    }
    %scan3A_10 = arith.constant 32 : i32
    %scan3A_11 = arith.constant 0 : i32
    %scan3A_12 = arith.constant 0 : i32
    %scan3A_13 = arith.constant 32 : i32
    %scan3A_14 = arith.addi %scan3A_12, %scan3A_13 : i32
    %scan3A_15 = arith.constant 1 : i32
    %scan3A_16 = scf.for %scan3A_135 = %scan3A_12 to %scan3A_14 step %scan3A_15 iter_args(%scan3A_136 = %scan3A_11) -> (i32)  : i32 {
      %add3A_137 = arith.constant 32 : i32
      %add3A_138 = arith.addi %add3A_137, %scan3A_135 : i32
      %shift_right_arithmetic3A = arith.constant 4 : i32
      %shift_right_arithmetic3A_139 = arith.shrsi %add3A_138, %shift_right_arithmetic3A : i32
      %mul3A_140 = arith.constant 16 : i32
      %mul3A_141 = arith.muli %shift_right_arithmetic3A_139, %mul3A_140 : i32
      %get3A = arith.index_cast %mul3A_141 : i32 to index
      %get3A_142 = tpu.vector_load %arg5[%get3A] {strides = array<i32>} : memref<128xi32, #tpu.memory_space<vmem>>, vector<16xi32>,
      %and3A = arith.constant 15 : i32
      %and3A_143 = arith.andi %add3A_138, %and3A : i32
      %eq3A = vector.broadcast %and3A_143 : i32 to vector<16xi32>
      %eq3A_144 = arith.cmpi eq, %iota3A, %eq3A : vector<16xi32>
      %jit3A = arith.constant 0 : i32
      %broadcast_in_dim3A = vector.broadcast %jit3A : i32 to vector<16xi32>
      %select_n3A = arith.select %eq3A_144, %get3A_142, %broadcast_in_dim3A : vector<16xi1>, vector<16xi32>
      %reduce_sum3A = arith.constant true
      %reduce_sum3A_145 = vector.broadcast %reduce_sum3A : i1 to vector<16xi1>
      %reduce_sum3A_146 = tpu.scan <sum>, %select_n3A masked %reduce_sum3A_145 : vector<16xi32>, vector<16xi1> -> vector<16xi32>
      %reduce_sum3A_147 = vector.extract %reduce_sum3A_146[15] : i32 from vector<16xi32>
      %dma_start3A = arith.constant 1 : i32
      %dma_start3A_148 = arith.constant 0 : i32
      %dma_start3A_149 = tpu.memref_slice %arg6[%dma_start3A, %scan3A_135, %dma_start3A_148] : memref<2x32x384xi32, #tpu.memory_space<vmem>> -> memref<1x1x384xi32, #tpu.memory_space<vmem>>
      %dma_start3A_150 = tpu.memref_squeeze %dma_start3A_149 : memref<1x1x384xi32, #tpu.memory_space<vmem>> -> memref<1x384xi32, #tpu.memory_space<vmem>>
      %dma_start3A_151 = arith.constant 0 : i32
      %dma_start3A_152 = tpu.memref_slice %arg2[%reduce_sum3A_147, %dma_start3A_151] : memref<5120x384xi32, #tpu.memory_space<hbm>> -> memref<1x384xi32, #tpu.memory_space<hbm>>
      %dma_start3A_153 = arith.constant 0 : i32
      %dma_start3A_154 = tpu.memref_slice %arg6[%dma_start3A, %scan3A_135, %dma_start3A_153] : memref<2x32x384xi32, #tpu.memory_space<vmem>> -> memref<1x1x384xi32, #tpu.memory_space<vmem>>
      %dma_start3A_155 = tpu.memref_squeeze %dma_start3A_154 : memref<1x1x384xi32, #tpu.memory_space<vmem>> -> memref<1x384xi32, #tpu.memory_space<vmem>>
      %dma_start3A_156 = arith.constant 0 : i32
      %dma_start3A_157 = tpu.memref_slice %arg2[%reduce_sum3A_147, %dma_start3A_156] : memref<5120x384xi32, #tpu.memory_space<hbm>> -> memref<1x384xi32, #tpu.memory_space<hbm>>
      tpu.enqueue_dma source(%dma_start3A_157 : memref<1x384xi32, #tpu.memory_space<hbm>>) target(%dma_start3A_155 : memref<1x384xi32, #tpu.memory_space<vmem>>) target_semaphore(%arg9 : memref<!tpu.dma_semaphore, #tpu.memory_space<semaphore_mem>>)
      %scan3A_158 = arith.constant 0 : i32
      scf.yield %scan3A_158 : i32
    }
    %scan3A_17 = arith.constant 32 : i32
    %dma_wait3A = arith.constant 0 : i32
    %dma_wait3A_18 = arith.constant 0 : i32
    %dma_wait3A_19 = arith.constant 0 : i32
    %dma_wait3A_20 = tpu.memref_slice %arg6[%dma_wait3A, %dma_wait3A_18, %dma_wait3A_19] : memref<2x32x384xi32, #tpu.memory_space<vmem>> -> memref<1x32x384xi32, #tpu.memory_space<vmem>>
    %dma_wait3A_21 = tpu.memref_squeeze %dma_wait3A_20 : memref<1x32x384xi32, #tpu.memory_space<vmem>> -> memref<32x384xi32, #tpu.memory_space<vmem>>
    %dma_wait3A_22 = arith.constant 0 : i32
    %dma_wait3A_23 = arith.constant 0 : i32
    %dma_wait3A_24 = tpu.memref_slice %arg2[%dma_wait3A_22, %dma_wait3A_23] : memref<5120x384xi32, #tpu.memory_space<hbm>> -> memref<32x384xi32, #tpu.memory_space<hbm>>
    %dma_wait3A_25 = arith.constant 0 : i32
    %dma_wait3A_26 = arith.constant 0 : i32
    %dma_wait3A_27 = tpu.memref_slice %arg6[%dma_wait3A, %dma_wait3A_25, %dma_wait3A_26] : memref<2x32x384xi32, #tpu.memory_space<vmem>> -> memref<1x32x384xi32, #tpu.memory_space<vmem>>
    %dma_wait3A_28 = tpu.memref_squeeze %dma_wait3A_27 : memref<1x32x384xi32, #tpu.memory_space<vmem>> -> memref<32x384xi32, #tpu.memory_space<vmem>>
    %dma_wait3A_29 = arith.constant 0 : i32
    %dma_wait3A_30 = arith.constant 0 : i32
    %dma_wait3A_31 = tpu.memref_slice %arg2[%dma_wait3A_29, %dma_wait3A_30] : memref<5120x384xi32, #tpu.memory_space<hbm>> -> memref<32x384xi32, #tpu.memory_space<hbm>>
    tpu.wait_dma2 semaphore(%arg8 : memref<!tpu.dma_semaphore, #tpu.memory_space<semaphore_mem>>) src(%dma_wait3A_31 : memref<32x384xi32, #tpu.memory_space<hbm>>) dst(%dma_wait3A_28 : memref<32x384xi32, #tpu.memory_space<vmem>>)
    %scan3A_32 = arith.constant 0 : i32
    %scan3A_33 = arith.constant 0 : i32
    %scan3A_34 = arith.constant 16 : i32
    %scan3A_35 = arith.addi %scan3A_33, %scan3A_34 : i32
    %scan3A_36 = arith.constant 1 : i32
    %scan3A_37 = scf.for %scan3A_135 = %scan3A_33 to %scan3A_35 step %scan3A_36 iter_args(%scan3A_136 = %scan3A_32) -> (i32)  : i32 {
      %mul3A_137 = arith.constant 2 : i32
      %mul3A_138 = arith.muli %mul3A_137, %scan3A_135 : i32
      %get3A = arith.constant 0 : i32
      %get3A_139 = arith.index_cast %get3A : i32 to index
      %get3A_140 = arith.index_cast %mul3A_138 : i32 to index
      %get3A_141 = arith.constant 0 : index
      %get3A_142 = tpu.vector_load %arg6[%get3A_139, %get3A_140, %get3A_141] {strides = array<i32>} : memref<2x32x384xi32, #tpu.memory_space<vmem>>, vector<16xi32>,
      %bitcast3A = vector.bitcast %get3A_142 : vector<16xi32> to vector<32xbf16>
      %mul3A_143 = arith.constant 2 : i32
      %mul3A_144 = arith.muli %mul3A_143, %scan3A_135 : i32
      %add3A_145 = arith.constant 1 : i32
      %add3A_146 = arith.addi %mul3A_144, %add3A_145 : i32
      %get3A_147 = arith.constant 0 : i32
      %get3A_148 = arith.index_cast %get3A_147 : i32 to index
      %get3A_149 = arith.index_cast %add3A_146 : i32 to index
      %get3A_150 = arith.constant 0 : index
      %get3A_151 = tpu.vector_load %arg6[%get3A_148, %get3A_149, %get3A_150] {strides = array<i32>} : memref<2x32x384xi32, #tpu.memory_space<vmem>>, vector<16xi32>,
      %bitcast3A_152 = vector.bitcast %get3A_151 : vector<16xi32> to vector<32xbf16>
      %add3A_153 = arith.addf %bitcast3A, %bitcast3A_152 : vector<32xbf16>
      %unpack3A = tpu.unpack_subelements %add3A_153, 0 {pack_format = #tpu.pack_format<interleaved>} : vector<32xbf16> -> vector<16xf32>
      %unpack3A_154 = tpu.unpack_subelements %add3A_153, 1 {pack_format = #tpu.pack_format<interleaved>} : vector<32xbf16> -> vector<16xf32>
      %swap3A = arith.index_cast %scan3A_135 : i32 to index
      %swap3A_155 = arith.constant 0 : index
      %swap3A_156 = tpu.vector_load %arg7[%swap3A, %swap3A_155] {strides = array<i32>} : memref<16x768xf32, #tpu.memory_space<vmem>>, vector<16xf32>,
      tpu.vector_store %arg7[%swap3A, %swap3A_155], %unpack3A {strides = array<i32>} : memref<16x768xf32, #tpu.memory_space<vmem>>, vector<16xf32>,
      %swap3A_157 = arith.index_cast %scan3A_135 : i32 to index
      %swap3A_158 = arith.constant 384 : index
      %swap3A_159 = tpu.vector_load %arg7[%swap3A_157, %swap3A_158] {strides = array<i32>} : memref<16x768xf32, #tpu.memory_space<vmem>>, vector<16xf32>,
      tpu.vector_store %arg7[%swap3A_157, %swap3A_158], %unpack3A_154 {strides = array<i32>} : memref<16x768xf32, #tpu.memory_space<vmem>>, vector<16xf32>,
      %mul3A_160 = arith.constant 2 : i32
      %mul3A_161 = arith.muli %mul3A_160, %scan3A_135 : i32
      %get3A_162 = arith.constant 0 : i32
      %get3A_163 = arith.index_cast %get3A_162 : i32 to index
      %get3A_164 = arith.index_cast %mul3A_161 : i32 to index
      %get3A_165 = arith.constant 16 : index
      %get3A_166 = tpu.vector_load %arg6[%get3A_163, %get3A_164, %get3A_165] {strides = array<i32>} : memref<2x32x384xi32, #tpu.memory_space<vmem>>, vector<16xi32>,
      %bitcast3A_167 = vector.bitcast %get3A_166 : vector<16xi32> to vector<32xbf16>
      %mul3A_168 = arith.constant 2 : i32
      %mul3A_169 = arith.muli %mul3A_168, %scan3A_135 : i32
      %add3A_170 = arith.constant 1 : i32
      %add3A_171 = arith.addi %mul3A_169, %add3A_170 : i32
      %get3A_172 = arith.constant 0 : i32
      %get3A_173 = arith.index_cast %get3A_172 : i32 to index
      %get3A_174 = arith.index_cast %add3A_171 : i32 to index
      %get3A_175 = arith.constant 16 : index
      %get3A_176 = tpu.vector_load %arg6[%get3A_173, %get3A_174, %get3A_175] {strides = array<i32>} : memref<2x32x384xi32, #tpu.memory_space<vmem>>, vector<16xi32>,
      %bitcast3A_177 = vector.bitcast %get3A_176 : vector<16xi32> to vector<32xbf16>
      %add3A_178 = arith.addf %bitcast3A_167, %bitcast3A_177 : vector<32xbf16>
      %unpack3A_179 = tpu.unpack_subelements %add3A_178, 0 {pack_format = #tpu.pack_format<interleaved>} : vector<32xbf16> -> vector<16xf32>
      %unpack3A_180 = tpu.unpack_subelements %add3A_178, 1 {pack_format = #tpu.pack_format<interleaved>} : vector<32xbf16> -> vector<16xf32>
      %swap3A_181 = arith.index_cast %scan3A_135 : i32 to index
      %swap3A_182 = arith.constant 16 : index
      %swap3A_183 = tpu.vector_load %arg7[%swap3A_181, %swap3A_182] {strides = array<i32>} : memref<16x768xf32, #tpu.memory_space<vmem>>, vector<16xf32>,
      tpu.vector_store %arg7[%swap3A_181, %swap3A_182], %unpack3A_179 {strides = array<i32>} : memref<16x768xf32, #tpu.memory_space<vmem>>, vector<16xf32>,
      %swap3A_184 = arith.index_cast %scan3A_135 : i32 to index
      %swap3A_185 = arith.constant 400 : index
      %swap3A_186 = tpu.vector_load %arg7[%swap3A_184, %swap3A_185] {strides = array<i32>} : memref<16x768xf32, #tpu.memory_space<vmem>>, vector<16xf32>,
      tpu.vector_store %arg7[%swap3A_184, %swap3A_185], %unpack3A_180 {strides = array<i32>} : memref<16x768xf32, #tpu.memory_space<vmem>>, vector<16xf32>,
      %mul3A_187 = arith.constant 2 : i32
      %mul3A_188 = arith.muli %mul3A_187, %scan3A_135 : i32
      %get3A_189 = arith.constant 0 : i32
      %get3A_190 = arith.index_cast %get3A_189 : i32 to index
      %get3A_191 = arith.index_cast %mul3A_188 : i32 to index
      %get3A_192 = arith.constant 32 : index
      %get3A_193 = tpu.vector_load %arg6[%get3A_190, %get3A_191, %get3A_192] {strides = array<i32>} : memref<2x32x384xi32, #tpu.memory_space<vmem>>, vector<16xi32>,
      %bitcast3A_194 = vector.bitcast %get3A_193 : vector<16xi32> to vector<32xbf16>
      %mul3A_195 = arith.constant 2 : i32
      %mul3A_196 = arith.muli %mul3A_195, %scan3A_135 : i32
      %add3A_197 = arith.constant 1 : i32
      %add3A_198 = arith.addi %mul3A_196, %add3A_197 : i32
      %get3A_199 = arith.constant 0 : i32
      %get3A_200 = arith.index_cast %get3A_199 : i32 to index
      %get3A_201 = arith.index_cast %add3A_198 : i32 to index
      %get3A_202 = arith.constant 32 : index
      %get3A_203 = tpu.vector_load %arg6[%get3A_200, %get3A_201, %get3A_202] {strides = array<i32>} : memref<2x32x384xi32, #tpu.memory_space<vmem>>, vector<16xi32>,
      %bitcast3A_204 = vector.bitcast %get3A_203 : vector<16xi32> to vector<32xbf16>
      %add3A_205 = arith.addf %bitcast3A_194, %bitcast3A_204 : vector<32xbf16>
      %unpack3A_206 = tpu.unpack_subelements %add3A_205, 0 {pack_format = #tpu.pack_format<interleaved>} : vector<32xbf16> -> vector<16xf32>
      %unpack3A_207 = tpu.unpack_subelements %add3A_205, 1 {pack_format = #tpu.pack_format<interleaved>} : vector<32xbf16> -> vector<16xf32>
      %swap3A_208 = arith.index_cast %scan3A_135 : i32 to index
      %swap3A_209 = arith.constant 32 : index
      %swap3A_210 = tpu.vector_load %arg7[%swap3A_208, %swap3A_209] {strides = array<i32>} : memref<16x768xf32, #tpu.memory_space<vmem>>, vector<16xf32>,
      tpu.vector_store %arg7[%swap3A_208, %swap3A_209], %unpack3A_206 {strides = array<i32>} : memref<16x768xf32, #tpu.memory_space<vmem>>, vector<16xf32>,
      %swap3A_211 = arith.index_cast %scan3A_135 : i32 to index
      %swap3A_212 = arith.constant 416 : index
      %swap3A_213 = tpu.vector_load %arg7[%swap3A_211, %swap3A_212] {strides = array<i32>} : memref<16x768xf32, #tpu.memory_space<vmem>>, vector<16xf32>,
      tpu.vector_store %arg7[%swap3A_211, %swap3A_212], %unpack3A_207 {strides = array<i32>} : memref<16x768xf32, #tpu.memory_space<vmem>>, vector<16xf32>,
      %mul3A_214 = arith.constant 2 : i32
      %mul3A_215 = arith.muli %mul3A_214, %scan3A_135 : i32
      %get3A_216 = arith.constant 0 : i32
      %get3A_217 = arith.index_cast %get3A_216 : i32 to index
      %get3A_218 = arith.index_cast %mul3A_215 : i32 to index
      %get3A_219 = arith.constant 48 : index
      %get3A_220 = tpu.vector_load %arg6[%get3A_217, %get3A_218, %get3A_219] {strides = array<i32>} : memref<2x32x384xi32, #tpu.memory_space<vmem>>, vector<16xi32>,
      %bitcast3A_221 = vector.bitcast %get3A_220 : vector<16xi32> to vector<32xbf16>
      %mul3A_222 = arith.constant 2 : i32
      %mul3A_223 = arith.muli %mul3A_222, %scan3A_135 : i32
      %add3A_224 = arith.constant 1 : i32
      %add3A_225 = arith.addi %mul3A_223, %add3A_224 : i32
      %get3A_226 = arith.constant 0 : i32
      %get3A_227 = arith.index_cast %get3A_226 : i32 to index
      %get3A_228 = arith.index_cast %add3A_225 : i32 to index
      %get3A_229 = arith.constant 48 : index
      %get3A_230 = tpu.vector_load %arg6[%get3A_227, %get3A_228, %get3A_229] {strides = array<i32>} : memref<2x32x384xi32, #tpu.memory_space<vmem>>, vector<16xi32>,
      %bitcast3A_231 = vector.bitcast %get3A_230 : vector<16xi32> to vector<32xbf16>
      %add3A_232 = arith.addf %bitcast3A_221, %bitcast3A_231 : vector<32xbf16>
      %unpack3A_233 = tpu.unpack_subelements %add3A_232, 0 {pack_format = #tpu.pack_format<interleaved>} : vector<32xbf16> -> vector<16xf32>
      %unpack3A_234 = tpu.unpack_subelements %add3A_232, 1 {pack_format = #tpu.pack_format<interleaved>} : vector<32xbf16> -> vector<16xf32>
      %swap3A_235 = arith.index_cast %scan3A_135 : i32 to index
      %swap3A_236 = arith.constant 48 : index
      %swap3A_237 = tpu.vector_load %arg7[%swap3A_235, %swap3A_236] {strides = array<i32>} : memref<16x768xf32, #tpu.memory_space<vmem>>, vector<16xf32>,
      tpu.vector_store %arg7[%swap3A_235, %swap3A_236], %unpack3A_233 {strides = array<i32>} : memref<16x768xf32, #tpu.memory_space<vmem>>, vector<16xf32>,
      %swap3A_238 = arith.index_cast %scan3A_135 : i32 to index
      %swap3A_239 = arith.constant 432 : index
      %swap3A_240 = tpu.vector_load %arg7[%swap3A_238, %swap3A_239] {strides = array<i32>} : memref<16x768xf32, #tpu.memory_space<vmem>>, vector<16xf32>,
      tpu.vector_store %arg7[%swap3A_238, %swap3A_239], %unpack3A_234 {strides = array<i32>} : memref<16x768xf32, #tpu.memory_space<vmem>>, vector<16xf32>,
      %mul3A_241 = arith.constant 2 : i32
      %mul3A_242 = arith.muli %mul3A_241, %scan3A_135 : i32
      %get3A_243 = arith.constant 0 : i32
      %get3A_244 = arith.index_cast %get3A_243 : i32 to index
      %get3A_245 = arith.index_cast %mul3A_242 : i32 to index
      %get3A_246 = arith.constant 64 : index
      %get3A_247 = tpu.vector_load %arg6[%get3A_244, %get3A_245, %get3A_246] {strides = array<i32>} : memref<2x32x384xi32, #tpu.memory_space<vmem>>, vector<16xi32>,
      %bitcast3A_248 = vector.bitcast %get3A_247 : vector<16xi32> to vector<32xbf16>
      %mul3A_249 = arith.constant 2 : i32
      %mul3A_250 = arith.muli %mul3A_249, %scan3A_135 : i32
      %add3A_251 = arith.constant 1 : i32
      %add3A_252 = arith.addi %mul3A_250, %add3A_251 : i32
      %get3A_253 = arith.constant 0 : i32
      %get3A_254 = arith.index_cast %get3A_253 : i32 to index
      %get3A_255 = arith.index_cast %add3A_252 : i32 to index
      %get3A_256 = arith.constant 64 : index
      %get3A_257 = tpu.vector_load %arg6[%get3A_254, %get3A_255, %get3A_256] {strides = array<i32>} : memref<2x32x384xi32, #tpu.memory_space<vmem>>, vector<16xi32>,
      %bitcast3A_258 = vector.bitcast %get3A_257 : vector<16xi32> to vector<32xbf16>
      %add3A_259 = arith.addf %bitcast3A_248, %bitcast3A_258 : vector<32xbf16>
      %unpack3A_260 = tpu.unpack_subelements %add3A_259, 0 {pack_format = #tpu.pack_format<interleaved>} : vector<32xbf16> -> vector<16xf32>
      %unpack3A_261 = tpu.unpack_subelements %add3A_259, 1 {pack_format = #tpu.pack_format<interleaved>} : vector<32xbf16> -> vector<16xf32>
      %swap3A_262 = arith.index_cast %scan3A_135 : i32 to index
      %swap3A_263 = arith.constant 64 : index
      %swap3A_264 = tpu.vector_load %arg7[%swap3A_262, %swap3A_263] {strides = array<i32>} : memref<16x768xf32, #tpu.memory_space<vmem>>, vector<16xf32>,
      tpu.vector_store %arg7[%swap3A_262, %swap3A_263], %unpack3A_260 {strides = array<i32>} : memref<16x768xf32, #tpu.memory_space<vmem>>, vector<16xf32>,
      %swap3A_265 = arith.index_cast %scan3A_135 : i32 to index
      %swap3A_266 = arith.constant 448 : index
      %swap3A_267 = tpu.vector_load %arg7[%swap3A_265, %swap3A_266] {strides = array<i32>} : memref<16x768xf32, #tpu.memory_space<vmem>>, vector<16xf32>,
      tpu.vector_store %arg7[%swap3A_265, %swap3A_266], %unpack3A_261 {strides = array<i32>} : memref<16x768xf32, #tpu.memory_space<vmem>>, vector<16xf32>,
      %mul3A_268 = arith.constant 2 : i32
      %mul3A_269 = arith.muli %mul3A_268, %scan3A_135 : i32
      %get3A_270 = arith.constant 0 : i32
      %get3A_271 = arith.index_cast %get3A_270 : i32 to index
      %get3A_272 = arith.index_cast %mul3A_269 : i32 to index
      %get3A_273 = arith.constant 80 : index
      %get3A_274 = tpu.vector_load %arg6[%get3A_271, %get3A_272, %get3A_273] {strides = array<i32>} : memref<2x32x384xi32, #tpu.memory_space<vmem>>, vector<16xi32>,
      %bitcast3A_275 = vector.bitcast %get3A_274 : vector<16xi32> to vector<32xbf16>
      %mul3A_276 = arith.constant 2 : i32
      %mul3A_277 = arith.muli %mul3A_276, %scan3A_135 : i32
      %add3A_278 = arith.constant 1 : i32
      %add3A_279 = arith.addi %mul3A_277, %add3A_278 : i32
      %get3A_280 = arith.constant 0 : i32
      %get3A_281 = arith.index_cast %get3A_280 : i32 to index
      %get3A_282 = arith.index_cast %add3A_279 : i32 to index
      %get3A_283 = arith.constant 80 : index
      %get3A_284 = tpu.vector_load %arg6[%get3A_281, %get3A_282, %get3A_283] {strides = array<i32>} : memref<2x32x384xi32, #tpu.memory_space<vmem>>, vector<16xi32>,
      %bitcast3A_285 = vector.bitcast %get3A_284 : vector<16xi32> to vector<32xbf16>
      %add3A_286 = arith.addf %bitcast3A_275, %bitcast3A_285 : vector<32xbf16>
      %unpack3A_287 = tpu.unpack_subelements %add3A_286, 0 {pack_format = #tpu.pack_format<interleaved>} : vector<32xbf16> -> vector<16xf32>
      %unpack3A_288 = tpu.unpack_subelements %add3A_286, 1 {pack_format = #tpu.pack_format<interleaved>} : vector<32xbf16> -> vector<16xf32>
      %swap3A_289 = arith.index_cast %scan3A_135 : i32 to index
      %swap3A_290 = arith.constant 80 : index
      %swap3A_291 = tpu.vector_load %arg7[%swap3A_289, %swap3A_290] {strides = array<i32>} : memref<16x768xf32, #tpu.memory_space<vmem>>, vector<16xf32>,
      tpu.vector_store %arg7[%swap3A_289, %swap3A_290], %unpack3A_287 {strides = array<i32>} : memref<16x768xf32, #tpu.memory_space<vmem>>, vector<16xf32>,
      %swap3A_292 = arith.index_cast %scan3A_135 : i32 to index
      %swap3A_293 = arith.constant 464 : index
      %swap3A_294 = tpu.vector_load %arg7[%swap3A_292, %swap3A_293] {strides = array<i32>} : memref<16x768xf32, #tpu.memory_space<vmem>>, vector<16xf32>,
      tpu.vector_store %arg7[%swap3A_292, %swap3A_293], %unpack3A_288 {strides = array<i32>} : memref<16x768xf32, #tpu.memory_space<vmem>>, vector<16xf32>,
      %mul3A_295 = arith.constant 2 : i32
      %mul3A_296 = arith.muli %mul3A_295, %scan3A_135 : i32
      %get3A_297 = arith.constant 0 : i32
      %get3A_298 = arith.index_cast %get3A_297 : i32 to index
      %get3A_299 = arith.index_cast %mul3A_296 : i32 to index
      %get3A_300 = arith.constant 96 : index
      %get3A_301 = tpu.vector_load %arg6[%get3A_298, %get3A_299, %get3A_300] {strides = array<i32>} : memref<2x32x384xi32, #tpu.memory_space<vmem>>, vector<16xi32>,
      %bitcast3A_302 = vector.bitcast %get3A_301 : vector<16xi32> to vector<32xbf16>
      %mul3A_303 = arith.constant 2 : i32
      %mul3A_304 = arith.muli %mul3A_303, %scan3A_135 : i32
      %add3A_305 = arith.constant 1 : i32
      %add3A_306 = arith.addi %mul3A_304, %add3A_305 : i32
      %get3A_307 = arith.constant 0 : i32
      %get3A_308 = arith.index_cast %get3A_307 : i32 to index
      %get3A_309 = arith.index_cast %add3A_306 : i32 to index
      %get3A_310 = arith.constant 96 : index
      %get3A_311 = tpu.vector_load %arg6[%get3A_308, %get3A_309, %get3A_310] {strides = array<i32>} : memref<2x32x384xi32, #tpu.memory_space<vmem>>, vector<16xi32>,
      %bitcast3A_312 = vector.bitcast %get3A_311 : vector<16xi32> to vector<32xbf16>
      %add3A_313 = arith.addf %bitcast3A_302, %bitcast3A_312 : vector<32xbf16>
      %unpack3A_314 = tpu.unpack_subelements %add3A_313, 0 {pack_format = #tpu.pack_format<interleaved>} : vector<32xbf16> -> vector<16xf32>
      %unpack3A_315 = tpu.unpack_subelements %add3A_313, 1 {pack_format = #tpu.pack_format<interleaved>} : vector<32xbf16> -> vector<16xf32>
      %swap3A_316 = arith.index_cast %scan3A_135 : i32 to index
      %swap3A_317 = arith.constant 96 : index
      %swap3A_318 = tpu.vector_load %arg7[%swap3A_316, %swap3A_317] {strides = array<i32>} : memref<16x768xf32, #tpu.memory_space<vmem>>, vector<16xf32>,
      tpu.vector_store %arg7[%swap3A_316, %swap3A_317], %unpack3A_314 {strides = array<i32>} : memref<16x768xf32, #tpu.memory_space<vmem>>, vector<16xf32>,
      %swap3A_319 = arith.index_cast %scan3A_135 : i32 to index
      %swap3A_320 = arith.constant 480 : index
      %swap3A_321 = tpu.vector_load %arg7[%swap3A_319, %swap3A_320] {strides = array<i32>} : memref<16x768xf32, #tpu.memory_space<vmem>>, vector<16xf32>,
      tpu.vector_store %arg7[%swap3A_319, %swap3A_320], %unpack3A_315 {strides = array<i32>} : memref<16x768xf32, #tpu.memory_space<vmem>>, vector<16xf32>,
      %mul3A_322 = arith.constant 2 : i32
      %mul3A_323 = arith.muli %mul3A_322, %scan3A_135 : i32
      %get3A_324 = arith.constant 0 : i32
      %get3A_325 = arith.index_cast %get3A_324 : i32 to index
      %get3A_326 = arith.index_cast %mul3A_323 : i32 to index
      %get3A_327 = arith.constant 112 : index
      %get3A_328 = tpu.vector_load %arg6[%get3A_325, %get3A_326, %get3A_327] {strides = array<i32>} : memref<2x32x384xi32, #tpu.memory_space<vmem>>, vector<16xi32>,
      %bitcast3A_329 = vector.bitcast %get3A_328 : vector<16xi32> to vector<32xbf16>
      %mul3A_330 = arith.constant 2 : i32
      %mul3A_331 = arith.muli %mul3A_330, %scan3A_135 : i32
      %add3A_332 = arith.constant 1 : i32
      %add3A_333 = arith.addi %mul3A_331, %add3A_332 : i32
      %get3A_334 = arith.constant 0 : i32
      %get3A_335 = arith.index_cast %get3A_334 : i32 to index
      %get3A_336 = arith.index_cast %add3A_333 : i32 to index
      %get3A_337 = arith.constant 112 : index
      %get3A_338 = tpu.vector_load %arg6[%get3A_335, %get3A_336, %get3A_337] {strides = array<i32>} : memref<2x32x384xi32, #tpu.memory_space<vmem>>, vector<16xi32>,
      %bitcast3A_339 = vector.bitcast %get3A_338 : vector<16xi32> to vector<32xbf16>
      %add3A_340 = arith.addf %bitcast3A_329, %bitcast3A_339 : vector<32xbf16>
      %unpack3A_341 = tpu.unpack_subelements %add3A_340, 0 {pack_format = #tpu.pack_format<interleaved>} : vector<32xbf16> -> vector<16xf32>
      %unpack3A_342 = tpu.unpack_subelements %add3A_340, 1 {pack_format = #tpu.pack_format<interleaved>} : vector<32xbf16> -> vector<16xf32>
      %swap3A_343 = arith.index_cast %scan3A_135 : i32 to index
      %swap3A_344 = arith.constant 112 : index
      %swap3A_345 = tpu.vector_load %arg7[%swap3A_343, %swap3A_344] {strides = array<i32>} : memref<16x768xf32, #tpu.memory_space<vmem>>, vector<16xf32>,
      tpu.vector_store %arg7[%swap3A_343, %swap3A_344], %unpack3A_341 {strides = array<i32>} : memref<16x768xf32, #tpu.memory_space<vmem>>, vector<16xf32>,
      %swap3A_346 = arith.index_cast %scan3A_135 : i32 to index
      %swap3A_347 = arith.constant 496 : index
      %swap3A_348 = tpu.vector_load %arg7[%swap3A_346, %swap3A_347] {strides = array<i32>} : memref<16x768xf32, #tpu.memory_space<vmem>>, vector<16xf32>,
      tpu.vector_store %arg7[%swap3A_346, %swap3A_347], %unpack3A_342 {strides = array<i32>} : memref<16x768xf32, #tpu.memory_space<vmem>>, vector<16xf32>,
      %mul3A_349 = arith.constant 2 : i32
      %mul3A_350 = arith.muli %mul3A_349, %scan3A_135 : i32
      %get3A_351 = arith.constant 0 : i32
      %get3A_352 = arith.index_cast %get3A_351 : i32 to index
      %get3A_353 = arith.index_cast %mul3A_350 : i32 to index
      %get3A_354 = arith.constant 128 : index
      %get3A_355 = tpu.vector_load %arg6[%get3A_352, %get3A_353, %get3A_354] {strides = array<i32>} : memref<2x32x384xi32, #tpu.memory_space<vmem>>, vector<16xi32>,
      %bitcast3A_356 = vector.bitcast %get3A_355 : vector<16xi32> to vector<32xbf16>
      %mul3A_357 = arith.constant 2 : i32
      %mul3A_358 = arith.muli %mul3A_357, %scan3A_135 : i32
      %add3A_359 = arith.constant 1 : i32
      %add3A_360 = arith.addi %mul3A_358, %add3A_359 : i32
      %get3A_361 = arith.constant 0 : i32
      %get3A_362 = arith.index_cast %get3A_361 : i32 to index
      %get3A_363 = arith.index_cast %add3A_360 : i32 to index
      %get3A_364 = arith.constant 128 : index
      %get3A_365 = tpu.vector_load %arg6[%get3A_362, %get3A_363, %get3A_364] {strides = array<i32>} : memref<2x32x384xi32, #tpu.memory_space<vmem>>, vector<16xi32>,
      %bitcast3A_366 = vector.bitcast %get3A_365 : vector<16xi32> to vector<32xbf16>
      %add3A_367 = arith.addf %bitcast3A_356, %bitcast3A_366 : vector<32xbf16>
      %unpack3A_368 = tpu.unpack_subelements %add3A_367, 0 {pack_format = #tpu.pack_format<interleaved>} : vector<32xbf16> -> vector<16xf32>
      %unpack3A_369 = tpu.unpack_subelements %add3A_367, 1 {pack_format = #tpu.pack_format<interleaved>} : vector<32xbf16> -> vector<16xf32>
      %swap3A_370 = arith.index_cast %scan3A_135 : i32 to index
      %swap3A_371 = arith.constant 128 : index
      %swap3A_372 = tpu.vector_load %arg7[%swap3A_370, %swap3A_371] {strides = array<i32>} : memref<16x768xf32, #tpu.memory_space<vmem>>, vector<16xf32>,
      tpu.vector_store %arg7[%swap3A_370, %swap3A_371], %unpack3A_368 {strides = array<i32>} : memref<16x768xf32, #tpu.memory_space<vmem>>, vector<16xf32>,
      %swap3A_373 = arith.index_cast %scan3A_135 : i32 to index
      %swap3A_374 = arith.constant 512 : index
      %swap3A_375 = tpu.vector_load %arg7[%swap3A_373, %swap3A_374] {strides = array<i32>} : memref<16x768xf32, #tpu.memory_space<vmem>>, vector<16xf32>,
      tpu.vector_store %arg7[%swap3A_373, %swap3A_374], %unpack3A_369 {strides = array<i32>} : memref<16x768xf32, #tpu.memory_space<vmem>>, vector<16xf32>,
      %mul3A_376 = arith.constant 2 : i32
      %mul3A_377 = arith.muli %mul3A_376, %scan3A_135 : i32
      %get3A_378 = arith.constant 0 : i32
      %get3A_379 = arith.index_cast %get3A_378 : i32 to index
      %get3A_380 = arith.index_cast %mul3A_377 : i32 to index
      %get3A_381 = arith.constant 144 : index
      %get3A_382 = tpu.vector_load %arg6[%get3A_379, %get3A_380, %get3A_381] {strides = array<i32>} : memref<2x32x384xi32, #tpu.memory_space<vmem>>, vector<16xi32>,
      %bitcast3A_383 = vector.bitcast %get3A_382 : vector<16xi32> to vector<32xbf16>
      %mul3A_384 = arith.constant 2 : i32
      %mul3A_385 = arith.muli %mul3A_384, %scan3A_135 : i32
      %add3A_386 = arith.constant 1 : i32
      %add3A_387 = arith.addi %mul3A_385, %add3A_386 : i32
      %get3A_388 = arith.constant 0 : i32
      %get3A_389 = arith.index_cast %get3A_388 : i32 to index
      %get3A_390 = arith.index_cast %add3A_387 : i32 to index
      %get3A_391 = arith.constant 144 : index
      %get3A_392 = tpu.vector_load %arg6[%get3A_389, %get3A_390, %get3A_391] {strides = array<i32>} : memref<2x32x384xi32, #tpu.memory_space<vmem>>, vector<16xi32>,
      %bitcast3A_393 = vector.bitcast %get3A_392 : vector<16xi32> to vector<32xbf16>
      %add3A_394 = arith.addf %bitcast3A_383, %bitcast3A_393 : vector<32xbf16>
      %unpack3A_395 = tpu.unpack_subelements %add3A_394, 0 {pack_format = #tpu.pack_format<interleaved>} : vector<32xbf16> -> vector<16xf32>
      %unpack3A_396 = tpu.unpack_subelements %add3A_394, 1 {pack_format = #tpu.pack_format<interleaved>} : vector<32xbf16> -> vector<16xf32>
      %swap3A_397 = arith.index_cast %scan3A_135 : i32 to index
      %swap3A_398 = arith.constant 144 : index
      %swap3A_399 = tpu.vector_load %arg7[%swap3A_397, %swap3A_398] {strides = array<i32>} : memref<16x768xf32, #tpu.memory_space<vmem>>, vector<16xf32>,
      tpu.vector_store %arg7[%swap3A_397, %swap3A_398], %unpack3A_395 {strides = array<i32>} : memref<16x768xf32, #tpu.memory_space<vmem>>, vector<16xf32>,
      %swap3A_400 = arith.index_cast %scan3A_135 : i32 to index
      %swap3A_401 = arith.constant 528 : index
      %swap3A_402 = tpu.vector_load %arg7[%swap3A_400, %swap3A_401] {strides = array<i32>} : memref<16x768xf32, #tpu.memory_space<vmem>>, vector<16xf32>,
      tpu.vector_store %arg7[%swap3A_400, %swap3A_401], %unpack3A_396 {strides = array<i32>} : memref<16x768xf32, #tpu.memory_space<vmem>>, vector<16xf32>,
      %mul3A_403 = arith.constant 2 : i32
      %mul3A_404 = arith.muli %mul3A_403, %scan3A_135 : i32
      %get3A_405 = arith.constant 0 : i32
      %get3A_406 = arith.index_cast %get3A_405 : i32 to index
      %get3A_407 = arith.index_cast %mul3A_404 : i32 to index
      %get3A_408 = arith.constant 160 : index
      %get3A_409 = tpu.vector_load %arg6[%get3A_406, %get3A_407, %get3A_408] {strides = array<i32>} : memref<2x32x384xi32, #tpu.memory_space<vmem>>, vector<16xi32>,
      %bitcast3A_410 = vector.bitcast %get3A_409 : vector<16xi32> to vector<32xbf16>
      %mul3A_411 = arith.constant 2 : i32
      %mul3A_412 = arith.muli %mul3A_411, %scan3A_135 : i32
      %add3A_413 = arith.constant 1 : i32
      %add3A_414 = arith.addi %mul3A_412, %add3A_413 : i32
      %get3A_415 = arith.constant 0 : i32
      %get3A_416 = arith.index_cast %get3A_415 : i32 to index
      %get3A_417 = arith.index_cast %add3A_414 : i32 to index
      %get3A_418 = arith.constant 160 : index
      %get3A_419 = tpu.vector_load %arg6[%get3A_416, %get3A_417, %get3A_418] {strides = array<i32>} : memref<2x32x384xi32, #tpu.memory_space<vmem>>, vector<16xi32>,
      %bitcast3A_420 = vector.bitcast %get3A_419 : vector<16xi32> to vector<32xbf16>
      %add3A_421 = arith.addf %bitcast3A_410, %bitcast3A_420 : vector<32xbf16>
      %unpack3A_422 = tpu.unpack_subelements %add3A_421, 0 {pack_format = #tpu.pack_format<interleaved>} : vector<32xbf16> -> vector<16xf32>
      %unpack3A_423 = tpu.unpack_subelements %add3A_421, 1 {pack_format = #tpu.pack_format<interleaved>} : vector<32xbf16> -> vector<16xf32>
      %swap3A_424 = arith.index_cast %scan3A_135 : i32 to index
      %swap3A_425 = arith.constant 160 : index
      %swap3A_426 = tpu.vector_load %arg7[%swap3A_424, %swap3A_425] {strides = array<i32>} : memref<16x768xf32, #tpu.memory_space<vmem>>, vector<16xf32>,
      tpu.vector_store %arg7[%swap3A_424, %swap3A_425], %unpack3A_422 {strides = array<i32>} : memref<16x768xf32, #tpu.memory_space<vmem>>, vector<16xf32>,
      %swap3A_427 = arith.index_cast %scan3A_135 : i32 to index
      %swap3A_428 = arith.constant 544 : index
      %swap3A_429 = tpu.vector_load %arg7[%swap3A_427, %swap3A_428] {strides = array<i32>} : memref<16x768xf32, #tpu.memory_space<vmem>>, vector<16xf32>,
      tpu.vector_store %arg7[%swap3A_427, %swap3A_428], %unpack3A_423 {strides = array<i32>} : memref<16x768xf32, #tpu.memory_space<vmem>>, vector<16xf32>,
      %mul3A_430 = arith.constant 2 : i32
      %mul3A_431 = arith.muli %mul3A_430, %scan3A_135 : i32
      %get3A_432 = arith.constant 0 : i32
      %get3A_433 = arith.index_cast %get3A_432 : i32 to index
      %get3A_434 = arith.index_cast %mul3A_431 : i32 to index
      %get3A_435 = arith.constant 176 : index
      %get3A_436 = tpu.vector_load %arg6[%get3A_433, %get3A_434, %get3A_435] {strides = array<i32>} : memref<2x32x384xi32, #tpu.memory_space<vmem>>, vector<16xi32>,
      %bitcast3A_437 = vector.bitcast %get3A_436 : vector<16xi32> to vector<32xbf16>
      %mul3A_438 = arith.constant 2 : i32
      %mul3A_439 = arith.muli %mul3A_438, %scan3A_135 : i32
      %add3A_440 = arith.constant 1 : i32
      %add3A_441 = arith.addi %mul3A_439, %add3A_440 : i32
      %get3A_442 = arith.constant 0 : i32
      %get3A_443 = arith.index_cast %get3A_442 : i32 to index
      %get3A_444 = arith.index_cast %add3A_441 : i32 to index
      %get3A_445 = arith.constant 176 : index
      %get3A_446 = tpu.vector_load %arg6[%get3A_443, %get3A_444, %get3A_445] {strides = array<i32>} : memref<2x32x384xi32, #tpu.memory_space<vmem>>, vector<16xi32>,
      %bitcast3A_447 = vector.bitcast %get3A_446 : vector<16xi32> to vector<32xbf16>
      %add3A_448 = arith.addf %bitcast3A_437, %bitcast3A_447 : vector<32xbf16>
      %unpack3A_449 = tpu.unpack_subelements %add3A_448, 0 {pack_format = #tpu.pack_format<interleaved>} : vector<32xbf16> -> vector<16xf32>
      %unpack3A_450 = tpu.unpack_subelements %add3A_448, 1 {pack_format = #tpu.pack_format<interleaved>} : vector<32xbf16> -> vector<16xf32>
      %swap3A_451 = arith.index_cast %scan3A_135 : i32 to index
      %swap3A_452 = arith.constant 176 : index
      %swap3A_453 = tpu.vector_load %arg7[%swap3A_451, %swap3A_452] {strides = array<i32>} : memref<16x768xf32, #tpu.memory_space<vmem>>, vector<16xf32>,
      tpu.vector_store %arg7[%swap3A_451, %swap3A_452], %unpack3A_449 {strides = array<i32>} : memref<16x768xf32, #tpu.memory_space<vmem>>, vector<16xf32>,
      %swap3A_454 = arith.index_cast %scan3A_135 : i32 to index
      %swap3A_455 = arith.constant 560 : index
      %swap3A_456 = tpu.vector_load %arg7[%swap3A_454, %swap3A_455] {strides = array<i32>} : memref<16x768xf32, #tpu.memory_space<vmem>>, vector<16xf32>,
      tpu.vector_store %arg7[%swap3A_454, %swap3A_455], %unpack3A_450 {strides = array<i32>} : memref<16x768xf32, #tpu.memory_space<vmem>>, vector<16xf32>,
      %mul3A_457 = arith.constant 2 : i32
      %mul3A_458 = arith.muli %mul3A_457, %scan3A_135 : i32
      %get3A_459 = arith.constant 0 : i32
      %get3A_460 = arith.index_cast %get3A_459 : i32 to index
      %get3A_461 = arith.index_cast %mul3A_458 : i32 to index
      %get3A_462 = arith.constant 192 : index
      %get3A_463 = tpu.vector_load %arg6[%get3A_460, %get3A_461, %get3A_462] {strides = array<i32>} : memref<2x32x384xi32, #tpu.memory_space<vmem>>, vector<16xi32>,
      %bitcast3A_464 = vector.bitcast %get3A_463 : vector<16xi32> to vector<32xbf16>
      %mul3A_465 = arith.constant 2 : i32
      %mul3A_466 = arith.muli %mul3A_465, %scan3A_135 : i32
      %add3A_467 = arith.constant 1 : i32
      %add3A_468 = arith.addi %mul3A_466, %add3A_467 : i32
      %get3A_469 = arith.constant 0 : i32
      %get3A_470 = arith.index_cast %get3A_469 : i32 to index
      %get3A_471 = arith.index_cast %add3A_468 : i32 to index
      %get3A_472 = arith.constant 192 : index
      %get3A_473 = tpu.vector_load %arg6[%get3A_470, %get3A_471, %get3A_472] {strides = array<i32>} : memref<2x32x384xi32, #tpu.memory_space<vmem>>, vector<16xi32>,
      %bitcast3A_474 = vector.bitcast %get3A_473 : vector<16xi32> to vector<32xbf16>
      %add3A_475 = arith.addf %bitcast3A_464, %bitcast3A_474 : vector<32xbf16>
      %unpack3A_476 = tpu.unpack_subelements %add3A_475, 0 {pack_format = #tpu.pack_format<interleaved>} : vector<32xbf16> -> vector<16xf32>
      %unpack3A_477 = tpu.unpack_subelements %add3A_475, 1 {pack_format = #tpu.pack_format<interleaved>} : vector<32xbf16> -> vector<16xf32>
      %swap3A_478 = arith.index_cast %scan3A_135 : i32 to index
      %swap3A_479 = arith.constant 192 : index
      %swap3A_480 = tpu.vector_load %arg7[%swap3A_478, %swap3A_479] {strides = array<i32>} : memref<16x768xf32, #tpu.memory_space<vmem>>, vector<16xf32>,
      tpu.vector_store %arg7[%swap3A_478, %swap3A_479], %unpack3A_476 {strides = array<i32>} : memref<16x768xf32, #tpu.memory_space<vmem>>, vector<16xf32>,
      %swap3A_481 = arith.index_cast %scan3A_135 : i32 to index
      %swap3A_482 = arith.constant 576 : index
      %swap3A_483 = tpu.vector_load %arg7[%swap3A_481, %swap3A_482] {strides = array<i32>} : memref<16x768xf32, #tpu.memory_space<vmem>>, vector<16xf32>,
      tpu.vector_store %arg7[%swap3A_481, %swap3A_482], %unpack3A_477 {strides = array<i32>} : memref<16x768xf32, #tpu.memory_space<vmem>>, vector<16xf32>,
      %mul3A_484 = arith.constant 2 : i32
      %mul3A_485 = arith.muli %mul3A_484, %scan3A_135 : i32
      %get3A_486 = arith.constant 0 : i32
      %get3A_487 = arith.index_cast %get3A_486 : i32 to index
      %get3A_488 = arith.index_cast %mul3A_485 : i32 to index
      %get3A_489 = arith.constant 208 : index
      %get3A_490 = tpu.vector_load %arg6[%get3A_487, %get3A_488, %get3A_489] {strides = array<i32>} : memref<2x32x384xi32, #tpu.memory_space<vmem>>, vector<16xi32>,
      %bitcast3A_491 = vector.bitcast %get3A_490 : vector<16xi32> to vector<32xbf16>
      %mul3A_492 = arith.constant 2 : i32
      %mul3A_493 = arith.muli %mul3A_492, %scan3A_135 : i32
      %add3A_494 = arith.constant 1 : i32
      %add3A_495 = arith.addi %mul3A_493, %add3A_494 : i32
      %get3A_496 = arith.constant 0 : i32
      %get3A_497 = arith.index_cast %get3A_496 : i32 to index
      %get3A_498 = arith.index_cast %add3A_495 : i32 to index
      %get3A_499 = arith.constant 208 : index
      %get3A_500 = tpu.vector_load %arg6[%get3A_497, %get3A_498, %get3A_499] {strides = array<i32>} : memref<2x32x384xi32, #tpu.memory_space<vmem>>, vector<16xi32>,
      %bitcast3A_501 = vector.bitcast %get3A_500 : vector<16xi32> to vector<32xbf16>
      %add3A_502 = arith.addf %bitcast3A_491, %bitcast3A_501 : vector<32xbf16>
      %unpack3A_503 = tpu.unpack_subelements %add3A_502, 0 {pack_format = #tpu.pack_format<interleaved>} : vector<32xbf16> -> vector<16xf32>
      %unpack3A_504 = tpu.unpack_subelements %add3A_502, 1 {pack_format = #tpu.pack_format<interleaved>} : vector<32xbf16> -> vector<16xf32>
      %swap3A_505 = arith.index_cast %scan3A_135 : i32 to index
      %swap3A_506 = arith.constant 208 : index
      %swap3A_507 = tpu.vector_load %arg7[%swap3A_505, %swap3A_506] {strides = array<i32>} : memref<16x768xf32, #tpu.memory_space<vmem>>, vector<16xf32>,
      tpu.vector_store %arg7[%swap3A_505, %swap3A_506], %unpack3A_503 {strides = array<i32>} : memref<16x768xf32, #tpu.memory_space<vmem>>, vector<16xf32>,
      %swap3A_508 = arith.index_cast %scan3A_135 : i32 to index
      %swap3A_509 = arith.constant 592 : index
      %swap3A_510 = tpu.vector_load %arg7[%swap3A_508, %swap3A_509] {strides = array<i32>} : memref<16x768xf32, #tpu.memory_space<vmem>>, vector<16xf32>,
      tpu.vector_store %arg7[%swap3A_508, %swap3A_509], %unpack3A_504 {strides = array<i32>} : memref<16x768xf32, #tpu.memory_space<vmem>>, vector<16xf32>,
      %mul3A_511 = arith.constant 2 : i32
      %mul3A_512 = arith.muli %mul3A_511, %scan3A_135 : i32
      %get3A_513 = arith.constant 0 : i32
      %get3A_514 = arith.index_cast %get3A_513 : i32 to index
      %get3A_515 = arith.index_cast %mul3A_512 : i32 to index
      %get3A_516 = arith.constant 224 : index
      %get3A_517 = tpu.vector_load %arg6[%get3A_514, %get3A_515, %get3A_516] {strides = array<i32>} : memref<2x32x384xi32, #tpu.memory_space<vmem>>, vector<16xi32>,
      %bitcast3A_518 = vector.bitcast %get3A_517 : vector<16xi32> to vector<32xbf16>
      %mul3A_519 = arith.constant 2 : i32
      %mul3A_520 = arith.muli %mul3A_519, %scan3A_135 : i32
      %add3A_521 = arith.constant 1 : i32
      %add3A_522 = arith.addi %mul3A_520, %add3A_521 : i32
      %get3A_523 = arith.constant 0 : i32
      %get3A_524 = arith.index_cast %get3A_523 : i32 to index
      %get3A_525 = arith.index_cast %add3A_522 : i32 to index
      %get3A_526 = arith.constant 224 : index
      %get3A_527 = tpu.vector_load %arg6[%get3A_524, %get3A_525, %get3A_526] {strides = array<i32>} : memref<2x32x384xi32, #tpu.memory_space<vmem>>, vector<16xi32>,
      %bitcast3A_528 = vector.bitcast %get3A_527 : vector<16xi32> to vector<32xbf16>
      %add3A_529 = arith.addf %bitcast3A_518, %bitcast3A_528 : vector<32xbf16>
      %unpack3A_530 = tpu.unpack_subelements %add3A_529, 0 {pack_format = #tpu.pack_format<interleaved>} : vector<32xbf16> -> vector<16xf32>
      %unpack3A_531 = tpu.unpack_subelements %add3A_529, 1 {pack_format = #tpu.pack_format<interleaved>} : vector<32xbf16> -> vector<16xf32>
      %swap3A_532 = arith.index_cast %scan3A_135 : i32 to index
      %swap3A_533 = arith.constant 224 : index
      %swap3A_534 = tpu.vector_load %arg7[%swap3A_532, %swap3A_533] {strides = array<i32>} : memref<16x768xf32, #tpu.memory_space<vmem>>, vector<16xf32>,
      tpu.vector_store %arg7[%swap3A_532, %swap3A_533], %unpack3A_530 {strides = array<i32>} : memref<16x768xf32, #tpu.memory_space<vmem>>, vector<16xf32>,
      %swap3A_535 = arith.index_cast %scan3A_135 : i32 to index
      %swap3A_536 = arith.constant 608 : index
      %swap3A_537 = tpu.vector_load %arg7[%swap3A_535, %swap3A_536] {strides = array<i32>} : memref<16x768xf32, #tpu.memory_space<vmem>>, vector<16xf32>,
      tpu.vector_store %arg7[%swap3A_535, %swap3A_536], %unpack3A_531 {strides = array<i32>} : memref<16x768xf32, #tpu.memory_space<vmem>>, vector<16xf32>,
      %mul3A_538 = arith.constant 2 : i32
      %mul3A_539 = arith.muli %mul3A_538, %scan3A_135 : i32
      %get3A_540 = arith.constant 0 : i32
      %get3A_541 = arith.index_cast %get3A_540 : i32 to index
      %get3A_542 = arith.index_cast %mul3A_539 : i32 to index
      %get3A_543 = arith.constant 240 : index
      %get3A_544 = tpu.vector_load %arg6[%get3A_541, %get3A_542, %get3A_543] {strides = array<i32>} : memref<2x32x384xi32, #tpu.memory_space<vmem>>, vector<16xi32>,
      %bitcast3A_545 = vector.bitcast %get3A_544 : vector<16xi32> to vector<32xbf16>
      %mul3A_546 = arith.constant 2 : i32
      %mul3A_547 = arith.muli %mul3A_546, %scan3A_135 : i32
      %add3A_548 = arith.constant 1 : i32
      %add3A_549 = arith.addi %mul3A_547, %add3A_548 : i32
      %get3A_550 = arith.constant 0 : i32
      %get3A_551 = arith.index_cast %get3A_550 : i32 to index
      %get3A_552 = arith.index_cast %add3A_549 : i32 to index
      %get3A_553 = arith.constant 240 : index
      %get3A_554 = tpu.vector_load %arg6[%get3A_551, %get3A_552, %get3A_553] {strides = array<i32>} : memref<2x32x384xi32, #tpu.memory_space<vmem>>, vector<16xi32>,
      %bitcast3A_555 = vector.bitcast %get3A_554 : vector<16xi32> to vector<32xbf16>
      %add3A_556 = arith.addf %bitcast3A_545, %bitcast3A_555 : vector<32xbf16>
      %unpack3A_557 = tpu.unpack_subelements %add3A_556, 0 {pack_format = #tpu.pack_format<interleaved>} : vector<32xbf16> -> vector<16xf32>
      %unpack3A_558 = tpu.unpack_subelements %add3A_556, 1 {pack_format = #tpu.pack_format<interleaved>} : vector<32xbf16> -> vector<16xf32>
      %swap3A_559 = arith.index_cast %scan3A_135 : i32 to index
      %swap3A_560 = arith.constant 240 : index
      %swap3A_561 = tpu.vector_load %arg7[%swap3A_559, %swap3A_560] {strides = array<i32>} : memref<16x768xf32, #tpu.memory_space<vmem>>, vector<16xf32>,
      tpu.vector_store %arg7[%swap3A_559, %swap3A_560], %unpack3A_557 {strides = array<i32>} : memref<16x768xf32, #tpu.memory_space<vmem>>, vector<16xf32>,
      %swap3A_562 = arith.index_cast %scan3A_135 : i32 to index
      %swap3A_563 = arith.constant 624 : index
      %swap3A_564 = tpu.vector_load %arg7[%swap3A_562, %swap3A_563] {strides = array<i32>} : memref<16x768xf32, #tpu.memory_space<vmem>>, vector<16xf32>,
      tpu.vector_store %arg7[%swap3A_562, %swap3A_563], %unpack3A_558 {strides = array<i32>} : memref<16x768xf32, #tpu.memory_space<vmem>>, vector<16xf32>,
      %mul3A_565 = arith.constant 2 : i32
      %mul3A_566 = arith.muli %mul3A_565, %scan3A_135 : i32
      %get3A_567 = arith.constant 0 : i32
      %get3A_568 = arith.index_cast %get3A_567 : i32 to index
      %get3A_569 = arith.index_cast %mul3A_566 : i32 to index
      %get3A_570 = arith.constant 256 : index
      %get3A_571 = tpu.vector_load %arg6[%get3A_568, %get3A_569, %get3A_570] {strides = array<i32>} : memref<2x32x384xi32, #tpu.memory_space<vmem>>, vector<16xi32>,
      %bitcast3A_572 = vector.bitcast %get3A_571 : vector<16xi32> to vector<32xbf16>
      %mul3A_573 = arith.constant 2 : i32
      %mul3A_574 = arith.muli %mul3A_573, %scan3A_135 : i32
      %add3A_575 = arith.constant 1 : i32
      %add3A_576 = arith.addi %mul3A_574, %add3A_575 : i32
      %get3A_577 = arith.constant 0 : i32
      %get3A_578 = arith.index_cast %get3A_577 : i32 to index
      %get3A_579 = arith.index_cast %add3A_576 : i32 to index
      %get3A_580 = arith.constant 256 : index
      %get3A_581 = tpu.vector_load %arg6[%get3A_578, %get3A_579, %get3A_580] {strides = array<i32>} : memref<2x32x384xi32, #tpu.memory_space<vmem>>, vector<16xi32>,
      %bitcast3A_582 = vector.bitcast %get3A_581 : vector<16xi32> to vector<32xbf16>
      %add3A_583 = arith.addf %bitcast3A_572, %bitcast3A_582 : vector<32xbf16>
      %unpack3A_584 = tpu.unpack_subelements %add3A_583, 0 {pack_format = #tpu.pack_format<interleaved>} : vector<32xbf16> -> vector<16xf32>
      %unpack3A_585 = tpu.unpack_subelements %add3A_583, 1 {pack_format = #tpu.pack_format<interleaved>} : vector<32xbf16> -> vector<16xf32>
      %swap3A_586 = arith.index_cast %scan3A_135 : i32 to index
      %swap3A_587 = arith.constant 256 : index
      %swap3A_588 = tpu.vector_load %arg7[%swap3A_586, %swap3A_587] {strides = array<i32>} : memref<16x768xf32, #tpu.memory_space<vmem>>, vector<16xf32>,
      tpu.vector_store %arg7[%swap3A_586, %swap3A_587], %unpack3A_584 {strides = array<i32>} : memref<16x768xf32, #tpu.memory_space<vmem>>, vector<16xf32>,
      %swap3A_589 = arith.index_cast %scan3A_135 : i32 to index
      %swap3A_590 = arith.constant 640 : index
      %swap3A_591 = tpu.vector_load %arg7[%swap3A_589, %swap3A_590] {strides = array<i32>} : memref<16x768xf32, #tpu.memory_space<vmem>>, vector<16xf32>,
      tpu.vector_store %arg7[%swap3A_589, %swap3A_590], %unpack3A_585 {strides = array<i32>} : memref<16x768xf32, #tpu.memory_space<vmem>>, vector<16xf32>,
      %mul3A_592 = arith.constant 2 : i32
      %mul3A_593 = arith.muli %mul3A_592, %scan3A_135 : i32
      %get3A_594 = arith.constant 0 : i32
      %get3A_595 = arith.index_cast %get3A_594 : i32 to index
      %get3A_596 = arith.index_cast %mul3A_593 : i32 to index
      %get3A_597 = arith.constant 272 : index
      %get3A_598 = tpu.vector_load %arg6[%get3A_595, %get3A_596, %get3A_597] {strides = array<i32>} : memref<2x32x384xi32, #tpu.memory_space<vmem>>, vector<16xi32>,
      %bitcast3A_599 = vector.bitcast %get3A_598 : vector<16xi32> to vector<32xbf16>
      %mul3A_600 = arith.constant 2 : i32
      %mul3A_601 = arith.muli %mul3A_600, %scan3A_135 : i32
      %add3A_602 = arith.constant 1 : i32
      %add3A_603 = arith.addi %mul3A_601, %add3A_602 : i32
      %get3A_604 = arith.constant 0 : i32
      %get3A_605 = arith.index_cast %get3A_604 : i32 to index
      %get3A_606 = arith.index_cast %add3A_603 : i32 to index
      %get3A_607 = arith.constant 272 : index
      %get3A_608 = tpu.vector_load %arg6[%get3A_605, %get3A_606, %get3A_607] {strides = array<i32>} : memref<2x32x384xi32, #tpu.memory_space<vmem>>, vector<16xi32>,
      %bitcast3A_609 = vector.bitcast %get3A_608 : vector<16xi32> to vector<32xbf16>
      %add3A_610 = arith.addf %bitcast3A_599, %bitcast3A_609 : vector<32xbf16>
      %unpack3A_611 = tpu.unpack_subelements %add3A_610, 0 {pack_format = #tpu.pack_format<interleaved>} : vector<32xbf16> -> vector<16xf32>
      %unpack3A_612 = tpu.unpack_subelements %add3A_610, 1 {pack_format = #tpu.pack_format<interleaved>} : vector<32xbf16> -> vector<16xf32>
      %swap3A_613 = arith.index_cast %scan3A_135 : i32 to index
      %swap3A_614 = arith.constant 272 : index
      %swap3A_615 = tpu.vector_load %arg7[%swap3A_613, %swap3A_614] {strides = array<i32>} : memref<16x768xf32, #tpu.memory_space<vmem>>, vector<16xf32>,
      tpu.vector_store %arg7[%swap3A_613, %swap3A_614], %unpack3A_611 {strides = array<i32>} : memref<16x768xf32, #tpu.memory_space<vmem>>, vector<16xf32>,
      %swap3A_616 = arith.index_cast %scan3A_135 : i32 to index
      %swap3A_617 = arith.constant 656 : index
      %swap3A_618 = tpu.vector_load %arg7[%swap3A_616, %swap3A_617] {strides = array<i32>} : memref<16x768xf32, #tpu.memory_space<vmem>>, vector<16xf32>,
      tpu.vector_store %arg7[%swap3A_616, %swap3A_617], %unpack3A_612 {strides = array<i32>} : memref<16x768xf32, #tpu.memory_space<vmem>>, vector<16xf32>,
      %mul3A_619 = arith.constant 2 : i32
      %mul3A_620 = arith.muli %mul3A_619, %scan3A_135 : i32
      %get3A_621 = arith.constant 0 : i32
      %get3A_622 = arith.index_cast %get3A_621 : i32 to index
      %get3A_623 = arith.index_cast %mul3A_620 : i32 to index
      %get3A_624 = arith.constant 288 : index
      %get3A_625 = tpu.vector_load %arg6[%get3A_622, %get3A_623, %get3A_624] {strides = array<i32>} : memref<2x32x384xi32, #tpu.memory_space<vmem>>, vector<16xi32>,
      %bitcast3A_626 = vector.bitcast %get3A_625 : vector<16xi32> to vector<32xbf16>
      %mul3A_627 = arith.constant 2 : i32
      %mul3A_628 = arith.muli %mul3A_627, %scan3A_135 : i32
      %add3A_629 = arith.constant 1 : i32
      %add3A_630 = arith.addi %mul3A_628, %add3A_629 : i32
      %get3A_631 = arith.constant 0 : i32
      %get3A_632 = arith.index_cast %get3A_631 : i32 to index
      %get3A_633 = arith.index_cast %add3A_630 : i32 to index
      %get3A_634 = arith.constant 288 : index
      %get3A_635 = tpu.vector_load %arg6[%get3A_632, %get3A_633, %get3A_634] {strides = array<i32>} : memref<2x32x384xi32, #tpu.memory_space<vmem>>, vector<16xi32>,
      %bitcast3A_636 = vector.bitcast %get3A_635 : vector<16xi32> to vector<32xbf16>
      %add3A_637 = arith.addf %bitcast3A_626, %bitcast3A_636 : vector<32xbf16>
      %unpack3A_638 = tpu.unpack_subelements %add3A_637, 0 {pack_format = #tpu.pack_format<interleaved>} : vector<32xbf16> -> vector<16xf32>
      %unpack3A_639 = tpu.unpack_subelements %add3A_637, 1 {pack_format = #tpu.pack_format<interleaved>} : vector<32xbf16> -> vector<16xf32>
      %swap3A_640 = arith.index_cast %scan3A_135 : i32 to index
      %swap3A_641 = arith.constant 288 : index
      %swap3A_642 = tpu.vector_load %arg7[%swap3A_640, %swap3A_641] {strides = array<i32>} : memref<16x768xf32, #tpu.memory_space<vmem>>, vector<16xf32>,
      tpu.vector_store %arg7[%swap3A_640, %swap3A_641], %unpack3A_638 {strides = array<i32>} : memref<16x768xf32, #tpu.memory_space<vmem>>, vector<16xf32>,
      %swap3A_643 = arith.index_cast %scan3A_135 : i32 to index
      %swap3A_644 = arith.constant 672 : index
      %swap3A_645 = tpu.vector_load %arg7[%swap3A_643, %swap3A_644] {strides = array<i32>} : memref<16x768xf32, #tpu.memory_space<vmem>>, vector<16xf32>,
      tpu.vector_store %arg7[%swap3A_643, %swap3A_644], %unpack3A_639 {strides = array<i32>} : memref<16x768xf32, #tpu.memory_space<vmem>>, vector<16xf32>,
      %mul3A_646 = arith.constant 2 : i32
      %mul3A_647 = arith.muli %mul3A_646, %scan3A_135 : i32
      %get3A_648 = arith.constant 0 : i32
      %get3A_649 = arith.index_cast %get3A_648 : i32 to index
      %get3A_650 = arith.index_cast %mul3A_647 : i32 to index
      %get3A_651 = arith.constant 304 : index
      %get3A_652 = tpu.vector_load %arg6[%get3A_649, %get3A_650, %get3A_651] {strides = array<i32>} : memref<2x32x384xi32, #tpu.memory_space<vmem>>, vector<16xi32>,
      %bitcast3A_653 = vector.bitcast %get3A_652 : vector<16xi32> to vector<32xbf16>
      %mul3A_654 = arith.constant 2 : i32
      %mul3A_655 = arith.muli %mul3A_654, %scan3A_135 : i32
      %add3A_656 = arith.constant 1 : i32
      %add3A_657 = arith.addi %mul3A_655, %add3A_656 : i32
      %get3A_658 = arith.constant 0 : i32
      %get3A_659 = arith.index_cast %get3A_658 : i32 to index
      %get3A_660 = arith.index_cast %add3A_657 : i32 to index
      %get3A_661 = arith.constant 304 : index
      %get3A_662 = tpu.vector_load %arg6[%get3A_659, %get3A_660, %get3A_661] {strides = array<i32>} : memref<2x32x384xi32, #tpu.memory_space<vmem>>, vector<16xi32>,
      %bitcast3A_663 = vector.bitcast %get3A_662 : vector<16xi32> to vector<32xbf16>
      %add3A_664 = arith.addf %bitcast3A_653, %bitcast3A_663 : vector<32xbf16>
      %unpack3A_665 = tpu.unpack_subelements %add3A_664, 0 {pack_format = #tpu.pack_format<interleaved>} : vector<32xbf16> -> vector<16xf32>
      %unpack3A_666 = tpu.unpack_subelements %add3A_664, 1 {pack_format = #tpu.pack_format<interleaved>} : vector<32xbf16> -> vector<16xf32>
      %swap3A_667 = arith.index_cast %scan3A_135 : i32 to index
      %swap3A_668 = arith.constant 304 : index
      %swap3A_669 = tpu.vector_load %arg7[%swap3A_667, %swap3A_668] {strides = array<i32>} : memref<16x768xf32, #tpu.memory_space<vmem>>, vector<16xf32>,
      tpu.vector_store %arg7[%swap3A_667, %swap3A_668], %unpack3A_665 {strides = array<i32>} : memref<16x768xf32, #tpu.memory_space<vmem>>, vector<16xf32>,
      %swap3A_670 = arith.index_cast %scan3A_135 : i32 to index
      %swap3A_671 = arith.constant 688 : index
      %swap3A_672 = tpu.vector_load %arg7[%swap3A_670, %swap3A_671] {strides = array<i32>} : memref<16x768xf32, #tpu.memory_space<vmem>>, vector<16xf32>,
      tpu.vector_store %arg7[%swap3A_670, %swap3A_671], %unpack3A_666 {strides = array<i32>} : memref<16x768xf32, #tpu.memory_space<vmem>>, vector<16xf32>,
      %mul3A_673 = arith.constant 2 : i32
      %mul3A_674 = arith.muli %mul3A_673, %scan3A_135 : i32
      %get3A_675 = arith.constant 0 : i32
      %get3A_676 = arith.index_cast %get3A_675 : i32 to index
      %get3A_677 = arith.index_cast %mul3A_674 : i32 to index
      %get3A_678 = arith.constant 320 : index
      %get3A_679 = tpu.vector_load %arg6[%get3A_676, %get3A_677, %get3A_678] {strides = array<i32>} : memref<2x32x384xi32, #tpu.memory_space<vmem>>, vector<16xi32>,
      %bitcast3A_680 = vector.bitcast %get3A_679 : vector<16xi32> to vector<32xbf16>
      %mul3A_681 = arith.constant 2 : i32
      %mul3A_682 = arith.muli %mul3A_681, %scan3A_135 : i32
      %add3A_683 = arith.constant 1 : i32
      %add3A_684 = arith.addi %mul3A_682, %add3A_683 : i32
      %get3A_685 = arith.constant 0 : i32
      %get3A_686 = arith.index_cast %get3A_685 : i32 to index
      %get3A_687 = arith.index_cast %add3A_684 : i32 to index
      %get3A_688 = arith.constant 320 : index
      %get3A_689 = tpu.vector_load %arg6[%get3A_686, %get3A_687, %get3A_688] {strides = array<i32>} : memref<2x32x384xi32, #tpu.memory_space<vmem>>, vector<16xi32>,
      %bitcast3A_690 = vector.bitcast %get3A_689 : vector<16xi32> to vector<32xbf16>
      %add3A_691 = arith.addf %bitcast3A_680, %bitcast3A_690 : vector<32xbf16>
      %unpack3A_692 = tpu.unpack_subelements %add3A_691, 0 {pack_format = #tpu.pack_format<interleaved>} : vector<32xbf16> -> vector<16xf32>
      %unpack3A_693 = tpu.unpack_subelements %add3A_691, 1 {pack_format = #tpu.pack_format<interleaved>} : vector<32xbf16> -> vector<16xf32>
      %swap3A_694 = arith.index_cast %scan3A_135 : i32 to index
      %swap3A_695 = arith.constant 320 : index
      %swap3A_696 = tpu.vector_load %arg7[%swap3A_694, %swap3A_695] {strides = array<i32>} : memref<16x768xf32, #tpu.memory_space<vmem>>, vector<16xf32>,
      tpu.vector_store %arg7[%swap3A_694, %swap3A_695], %unpack3A_692 {strides = array<i32>} : memref<16x768xf32, #tpu.memory_space<vmem>>, vector<16xf32>,
      %swap3A_697 = arith.index_cast %scan3A_135 : i32 to index
      %swap3A_698 = arith.constant 704 : index
      %swap3A_699 = tpu.vector_load %arg7[%swap3A_697, %swap3A_698] {strides = array<i32>} : memref<16x768xf32, #tpu.memory_space<vmem>>, vector<16xf32>,
      tpu.vector_store %arg7[%swap3A_697, %swap3A_698], %unpack3A_693 {strides = array<i32>} : memref<16x768xf32, #tpu.memory_space<vmem>>, vector<16xf32>,
      %mul3A_700 = arith.constant 2 : i32
      %mul3A_701 = arith.muli %mul3A_700, %scan3A_135 : i32
      %get3A_702 = arith.constant 0 : i32
      %get3A_703 = arith.index_cast %get3A_702 : i32 to index
      %get3A_704 = arith.index_cast %mul3A_701 : i32 to index
      %get3A_705 = arith.constant 336 : index
      %get3A_706 = tpu.vector_load %arg6[%get3A_703, %get3A_704, %get3A_705] {strides = array<i32>} : memref<2x32x384xi32, #tpu.memory_space<vmem>>, vector<16xi32>,
      %bitcast3A_707 = vector.bitcast %get3A_706 : vector<16xi32> to vector<32xbf16>
      %mul3A_708 = arith.constant 2 : i32
      %mul3A_709 = arith.muli %mul3A_708, %scan3A_135 : i32
      %add3A_710 = arith.constant 1 : i32
      %add3A_711 = arith.addi %mul3A_709, %add3A_710 : i32
      %get3A_712 = arith.constant 0 : i32
      %get3A_713 = arith.index_cast %get3A_712 : i32 to index
      %get3A_714 = arith.index_cast %add3A_711 : i32 to index
      %get3A_715 = arith.constant 336 : index
      %get3A_716 = tpu.vector_load %arg6[%get3A_713, %get3A_714, %get3A_715] {strides = array<i32>} : memref<2x32x384xi32, #tpu.memory_space<vmem>>, vector<16xi32>,
      %bitcast3A_717 = vector.bitcast %get3A_716 : vector<16xi32> to vector<32xbf16>
      %add3A_718 = arith.addf %bitcast3A_707, %bitcast3A_717 : vector<32xbf16>
      %unpack3A_719 = tpu.unpack_subelements %add3A_718, 0 {pack_format = #tpu.pack_format<interleaved>} : vector<32xbf16> -> vector<16xf32>
      %unpack3A_720 = tpu.unpack_subelements %add3A_718, 1 {pack_format = #tpu.pack_format<interleaved>} : vector<32xbf16> -> vector<16xf32>
      %swap3A_721 = arith.index_cast %scan3A_135 : i32 to index
      %swap3A_722 = arith.constant 336 : index
      %swap3A_723 = tpu.vector_load %arg7[%swap3A_721, %swap3A_722] {strides = array<i32>} : memref<16x768xf32, #tpu.memory_space<vmem>>, vector<16xf32>,
      tpu.vector_store %arg7[%swap3A_721, %swap3A_722], %unpack3A_719 {strides = array<i32>} : memref<16x768xf32, #tpu.memory_space<vmem>>, vector<16xf32>,
      %swap3A_724 = arith.index_cast %scan3A_135 : i32 to index
      %swap3A_725 = arith.constant 720 : index
      %swap3A_726 = tpu.vector_load %arg7[%swap3A_724, %swap3A_725] {strides = array<i32>} : memref<16x768xf32, #tpu.memory_space<vmem>>, vector<16xf32>,
      tpu.vector_store %arg7[%swap3A_724, %swap3A_725], %unpack3A_720 {strides = array<i32>} : memref<16x768xf32, #tpu.memory_space<vmem>>, vector<16xf32>,
      %mul3A_727 = arith.constant 2 : i32
      %mul3A_728 = arith.muli %mul3A_727, %scan3A_135 : i32
      %get3A_729 = arith.constant 0 : i32
      %get3A_730 = arith.index_cast %get3A_729 : i32 to index
      %get3A_731 = arith.index_cast %mul3A_728 : i32 to index
      %get3A_732 = arith.constant 352 : index
      %get3A_733 = tpu.vector_load %arg6[%get3A_730, %get3A_731, %get3A_732] {strides = array<i32>} : memref<2x32x384xi32, #tpu.memory_space<vmem>>, vector<16xi32>,
      %bitcast3A_734 = vector.bitcast %get3A_733 : vector<16xi32> to vector<32xbf16>
      %mul3A_735 = arith.constant 2 : i32
      %mul3A_736 = arith.muli %mul3A_735, %scan3A_135 : i32
      %add3A_737 = arith.constant 1 : i32
      %add3A_738 = arith.addi %mul3A_736, %add3A_737 : i32
      %get3A_739 = arith.constant 0 : i32
      %get3A_740 = arith.index_cast %get3A_739 : i32 to index
      %get3A_741 = arith.index_cast %add3A_738 : i32 to index
      %get3A_742 = arith.constant 352 : index
      %get3A_743 = tpu.vector_load %arg6[%get3A_740, %get3A_741, %get3A_742] {strides = array<i32>} : memref<2x32x384xi32, #tpu.memory_space<vmem>>, vector<16xi32>,
      %bitcast3A_744 = vector.bitcast %get3A_743 : vector<16xi32> to vector<32xbf16>
      %add3A_745 = arith.addf %bitcast3A_734, %bitcast3A_744 : vector<32xbf16>
      %unpack3A_746 = tpu.unpack_subelements %add3A_745, 0 {pack_format = #tpu.pack_format<interleaved>} : vector<32xbf16> -> vector<16xf32>
      %unpack3A_747 = tpu.unpack_subelements %add3A_745, 1 {pack_format = #tpu.pack_format<interleaved>} : vector<32xbf16> -> vector<16xf32>
      %swap3A_748 = arith.index_cast %scan3A_135 : i32 to index
      %swap3A_749 = arith.constant 352 : index
      %swap3A_750 = tpu.vector_load %arg7[%swap3A_748, %swap3A_749] {strides = array<i32>} : memref<16x768xf32, #tpu.memory_space<vmem>>, vector<16xf32>,
      tpu.vector_store %arg7[%swap3A_748, %swap3A_749], %unpack3A_746 {strides = array<i32>} : memref<16x768xf32, #tpu.memory_space<vmem>>, vector<16xf32>,
      %swap3A_751 = arith.index_cast %scan3A_135 : i32 to index
      %swap3A_752 = arith.constant 736 : index
      %swap3A_753 = tpu.vector_load %arg7[%swap3A_751, %swap3A_752] {strides = array<i32>} : memref<16x768xf32, #tpu.memory_space<vmem>>, vector<16xf32>,
      tpu.vector_store %arg7[%swap3A_751, %swap3A_752], %unpack3A_747 {strides = array<i32>} : memref<16x768xf32, #tpu.memory_space<vmem>>, vector<16xf32>,
      %mul3A_754 = arith.constant 2 : i32
      %mul3A_755 = arith.muli %mul3A_754, %scan3A_135 : i32
      %get3A_756 = arith.constant 0 : i32
      %get3A_757 = arith.index_cast %get3A_756 : i32 to index
      %get3A_758 = arith.index_cast %mul3A_755 : i32 to index
      %get3A_759 = arith.constant 368 : index
      %get3A_760 = tpu.vector_load %arg6[%get3A_757, %get3A_758, %get3A_759] {strides = array<i32>} : memref<2x32x384xi32, #tpu.memory_space<vmem>>, vector<16xi32>,
      %bitcast3A_761 = vector.bitcast %get3A_760 : vector<16xi32> to vector<32xbf16>
      %mul3A_762 = arith.constant 2 : i32
      %mul3A_763 = arith.muli %mul3A_762, %scan3A_135 : i32
      %add3A_764 = arith.constant 1 : i32
      %add3A_765 = arith.addi %mul3A_763, %add3A_764 : i32
      %get3A_766 = arith.constant 0 : i32
      %get3A_767 = arith.index_cast %get3A_766 : i32 to index
      %get3A_768 = arith.index_cast %add3A_765 : i32 to index
      %get3A_769 = arith.constant 368 : index
      %get3A_770 = tpu.vector_load %arg6[%get3A_767, %get3A_768, %get3A_769] {strides = array<i32>} : memref<2x32x384xi32, #tpu.memory_space<vmem>>, vector<16xi32>,
      %bitcast3A_771 = vector.bitcast %get3A_770 : vector<16xi32> to vector<32xbf16>
      %add3A_772 = arith.addf %bitcast3A_761, %bitcast3A_771 : vector<32xbf16>
      %unpack3A_773 = tpu.unpack_subelements %add3A_772, 0 {pack_format = #tpu.pack_format<interleaved>} : vector<32xbf16> -> vector<16xf32>
      %unpack3A_774 = tpu.unpack_subelements %add3A_772, 1 {pack_format = #tpu.pack_format<interleaved>} : vector<32xbf16> -> vector<16xf32>
      %swap3A_775 = arith.index_cast %scan3A_135 : i32 to index
      %swap3A_776 = arith.constant 368 : index
      %swap3A_777 = tpu.vector_load %arg7[%swap3A_775, %swap3A_776] {strides = array<i32>} : memref<16x768xf32, #tpu.memory_space<vmem>>, vector<16xf32>,
      tpu.vector_store %arg7[%swap3A_775, %swap3A_776], %unpack3A_773 {strides = array<i32>} : memref<16x768xf32, #tpu.memory_space<vmem>>, vector<16xf32>,
      %swap3A_778 = arith.index_cast %scan3A_135 : i32 to index
      %swap3A_779 = arith.constant 752 : index
      %swap3A_780 = tpu.vector_load %arg7[%swap3A_778, %swap3A_779] {strides = array<i32>} : memref<16x768xf32, #tpu.memory_space<vmem>>, vector<16xf32>,
      tpu.vector_store %arg7[%swap3A_778, %swap3A_779], %unpack3A_774 {strides = array<i32>} : memref<16x768xf32, #tpu.memory_space<vmem>>, vector<16xf32>,
      %scan3A_781 = arith.constant 0 : i32
      scf.yield %scan3A_781 : i32
    }
    %scan3A_38 = arith.constant 16 : i32
    %mul3A_39 = arith.constant 64 : i32
    %mul3A_40 = arith.muli %add3A, %mul3A_39 : i32
    %add3A_41 = arith.constant 0 : i32
    %add3A_42 = arith.addi %mul3A_40, %add3A_41 : i32
    "tpu.region"() ({
      %run_scoped3A = tpu.sem_alloc : memref<!tpu.dma_semaphore, #tpu.memory_space<semaphore_mem>>
      %dma_start3A = arith.constant 0 : i32
      %dma_start3A_135 = tpu.memref_slice %arg4[%add3A_42, %dma_start3A] : memref<2048x768xf32, #tpu.memory_space<hbm>> -> memref<16x768xf32, #tpu.memory_space<hbm>>
      %dma_start3A_136 = arith.constant 0 : i32
      %dma_start3A_137 = tpu.memref_slice %arg4[%add3A_42, %dma_start3A_136] : memref<2048x768xf32, #tpu.memory_space<hbm>> -> memref<16x768xf32, #tpu.memory_space<hbm>>
      tpu.enqueue_dma source(%arg7 : memref<16x768xf32, #tpu.memory_space<vmem>>) target(%dma_start3A_137 : memref<16x768xf32, #tpu.memory_space<hbm>>) target_semaphore(%run_scoped3A : memref<!tpu.dma_semaphore, #tpu.memory_space<semaphore_mem>>)
      %dma_wait3A_138 = arith.constant 0 : i32
      %dma_wait3A_139 = tpu.memref_slice %arg4[%add3A_42, %dma_wait3A_138] : memref<2048x768xf32, #tpu.memory_space<hbm>> -> memref<16x768xf32, #tpu.memory_space<hbm>>
      %dma_wait3A_140 = arith.constant 0 : i32
      %dma_wait3A_141 = tpu.memref_slice %arg4[%add3A_42, %dma_wait3A_140] : memref<2048x768xf32, #tpu.memory_space<hbm>> -> memref<16x768xf32, #tpu.memory_space<hbm>>
      tpu.wait_dma2 semaphore(%run_scoped3A : memref<!tpu.dma_semaphore, #tpu.memory_space<semaphore_mem>>) src(%arg7 : memref<16x768xf32, #tpu.memory_space<vmem>>) dst(%dma_wait3A_141 : memref<16x768xf32, #tpu.memory_space<hbm>>)
      tpu.yield
    }) : () -> ()
    %scan3A_43 = arith.constant 0 : i32
    %scan3A_44 = arith.constant 0 : i32
    %scan3A_45 = arith.constant 32 : i32
    %scan3A_46 = arith.addi %scan3A_44, %scan3A_45 : i32
    %scan3A_47 = arith.constant 1 : i32
    %scan3A_48 = scf.for %scan3A_135 = %scan3A_44 to %scan3A_46 step %scan3A_47 iter_args(%scan3A_136 = %scan3A_43) -> (i32)  : i32 {
      %add3A_137 = arith.constant 64 : i32
      %add3A_138 = arith.addi %add3A_137, %scan3A_135 : i32
      %shift_right_arithmetic3A = arith.constant 4 : i32
      %shift_right_arithmetic3A_139 = arith.shrsi %add3A_138, %shift_right_arithmetic3A : i32
      %mul3A_140 = arith.constant 16 : i32
      %mul3A_141 = arith.muli %shift_right_arithmetic3A_139, %mul3A_140 : i32
      %get3A = arith.index_cast %mul3A_141 : i32 to index
      %get3A_142 = tpu.vector_load %arg5[%get3A] {strides = array<i32>} : memref<128xi32, #tpu.memory_space<vmem>>, vector<16xi32>,
      %and3A = arith.constant 15 : i32
      %and3A_143 = arith.andi %add3A_138, %and3A : i32
      %eq3A = vector.broadcast %and3A_143 : i32 to vector<16xi32>
      %eq3A_144 = arith.cmpi eq, %iota3A, %eq3A : vector<16xi32>
      %jit3A = arith.constant 0 : i32
      %broadcast_in_dim3A = vector.broadcast %jit3A : i32 to vector<16xi32>
      %select_n3A = arith.select %eq3A_144, %get3A_142, %broadcast_in_dim3A : vector<16xi1>, vector<16xi32>
      %reduce_sum3A = arith.constant true
      %reduce_sum3A_145 = vector.broadcast %reduce_sum3A : i1 to vector<16xi1>
      %reduce_sum3A_146 = tpu.scan <sum>, %select_n3A masked %reduce_sum3A_145 : vector<16xi32>, vector<16xi1> -> vector<16xi32>
      %reduce_sum3A_147 = vector.extract %reduce_sum3A_146[15] : i32 from vector<16xi32>
      %dma_start3A = arith.constant 0 : i32
      %dma_start3A_148 = arith.constant 0 : i32
      %dma_start3A_149 = tpu.memref_slice %arg6[%dma_start3A, %scan3A_135, %dma_start3A_148] : memref<2x32x384xi32, #tpu.memory_space<vmem>> -> memref<1x1x384xi32, #tpu.memory_space<vmem>>
      %dma_start3A_150 = tpu.memref_squeeze %dma_start3A_149 : memref<1x1x384xi32, #tpu.memory_space<vmem>> -> memref<1x384xi32, #tpu.memory_space<vmem>>
      %dma_start3A_151 = arith.constant 0 : i32
      %dma_start3A_152 = tpu.memref_slice %arg2[%reduce_sum3A_147, %dma_start3A_151] : memref<5120x384xi32, #tpu.memory_space<hbm>> -> memref<1x384xi32, #tpu.memory_space<hbm>>
      %dma_start3A_153 = arith.constant 0 : i32
      %dma_start3A_154 = tpu.memref_slice %arg6[%dma_start3A, %scan3A_135, %dma_start3A_153] : memref<2x32x384xi32, #tpu.memory_space<vmem>> -> memref<1x1x384xi32, #tpu.memory_space<vmem>>
      %dma_start3A_155 = tpu.memref_squeeze %dma_start3A_154 : memref<1x1x384xi32, #tpu.memory_space<vmem>> -> memref<1x384xi32, #tpu.memory_space<vmem>>
      %dma_start3A_156 = arith.constant 0 : i32
      %dma_start3A_157 = tpu.memref_slice %arg2[%reduce_sum3A_147, %dma_start3A_156] : memref<5120x384xi32, #tpu.memory_space<hbm>> -> memref<1x384xi32, #tpu.memory_space<hbm>>
      tpu.enqueue_dma source(%dma_start3A_157 : memref<1x384xi32, #tpu.memory_space<hbm>>) target(%dma_start3A_155 : memref<1x384xi32, #tpu.memory_space<vmem>>) target_semaphore(%arg8 : memref<!tpu.dma_semaphore, #tpu.memory_space<semaphore_mem>>)
      %scan3A_158 = arith.constant 0 : i32
      scf.yield %scan3A_158 : i32
    }
    %scan3A_49 = arith.constant 32 : i32
    %dma_wait3A_50 = arith.constant 1 : i32
    %dma_wait3A_51 = arith.constant 0 : i32
    %dma_wait3A_52 = arith.constant 0 : i32
    %dma_wait3A_53 = tpu.memref_slice %arg6[%dma_wait3A_50, %dma_wait3A_51, %dma_wait3A_52] : memref<2x32x384xi32, #tpu.memory_space<vmem>> -> memref<1x32x384xi32, #tpu.memory_space<vmem>>
    %dma_wait3A_54 = tpu.memref_squeeze %dma_wait3A_53 : memref<1x32x384xi32, #tpu.memory_space<vmem>> -> memref<32x384xi32, #tpu.memory_space<vmem>>
    %dma_wait3A_55 = arith.constant 0 : i32
    %dma_wait3A_56 = arith.constant 0 : i32
    %dma_wait3A_57 = tpu.memref_slice %arg2[%dma_wait3A_55, %dma_wait3A_56] : memref<5120x384xi32, #tpu.memory_space<hbm>> -> memref<32x384xi32, #tpu.memory_space<hbm>>
    %dma_wait3A_58 = arith.constant 0 : i32
    %dma_wait3A_59 = arith.constant 0 : i32
    %dma_wait3A_60 = tpu.memref_slice %arg6[%dma_wait3A_50, %dma_wait3A_58, %dma_wait3A_59] : memref<2x32x384xi32, #tpu.memory_space<vmem>> -> memref<1x32x384xi32, #tpu.memory_space<vmem>>
    %dma_wait3A_61 = tpu.memref_squeeze %dma_wait3A_60 : memref<1x32x384xi32, #tpu.memory_space<vmem>> -> memref<32x384xi32, #tpu.memory_space<vmem>>
    %dma_wait3A_62 = arith.constant 0 : i32
    %dma_wait3A_63 = arith.constant 0 : i32
    %dma_wait3A_64 = tpu.memref_slice %arg2[%dma_wait3A_62, %dma_wait3A_63] : memref<5120x384xi32, #tpu.memory_space<hbm>> -> memref<32x384xi32, #tpu.memory_space<hbm>>
    tpu.wait_dma2 semaphore(%arg9 : memref<!tpu.dma_semaphore, #tpu.memory_space<semaphore_mem>>) src(%dma_wait3A_64 : memref<32x384xi32, #tpu.memory_space<hbm>>) dst(%dma_wait3A_61 : memref<32x384xi32, #tpu.memory_space<vmem>>)
    %scan3A_65 = arith.constant 0 : i32
    %scan3A_66 = arith.constant 0 : i32
    %scan3A_67 = arith.constant 16 : i32
    %scan3A_68 = arith.addi %scan3A_66, %scan3A_67 : i32
    %scan3A_69 = arith.constant 1 : i32
    %scan3A_70 = scf.for %scan3A_135 = %scan3A_66 to %scan3A_68 step %scan3A_69 iter_args(%scan3A_136 = %scan3A_65) -> (i32)  : i32 {
      %mul3A_137 = arith.constant 2 : i32
      %mul3A_138 = arith.muli %mul3A_137, %scan3A_135 : i32
      %get3A = arith.constant 1 : i32
      %get3A_139 = arith.index_cast %get3A : i32 to index
      %get3A_140 = arith.index_cast %mul3A_138 : i32 to index
      %get3A_141 = arith.constant 0 : index
      %get3A_142 = tpu.vector_load %arg6[%get3A_139, %get3A_140, %get3A_141] {strides = array<i32>} : memref<2x32x384xi32, #tpu.memory_space<vmem>>, vector<16xi32>,
      %bitcast3A = vector.bitcast %get3A_142 : vector<16xi32> to vector<32xbf16>
      %mul3A_143 = arith.constant 2 : i32
      %mul3A_144 = arith.muli %mul3A_143, %scan3A_135 : i32
      %add3A_145 = arith.constant 1 : i32
      %add3A_146 = arith.addi %mul3A_144, %add3A_145 : i32
      %get3A_147 = arith.constant 1 : i32
      %get3A_148 = arith.index_cast %get3A_147 : i32 to index
      %get3A_149 = arith.index_cast %add3A_146 : i32 to index
      %get3A_150 = arith.constant 0 : index
      %get3A_151 = tpu.vector_load %arg6[%get3A_148, %get3A_149, %get3A_150] {strides = array<i32>} : memref<2x32x384xi32, #tpu.memory_space<vmem>>, vector<16xi32>,
      %bitcast3A_152 = vector.bitcast %get3A_151 : vector<16xi32> to vector<32xbf16>
      %add3A_153 = arith.addf %bitcast3A, %bitcast3A_152 : vector<32xbf16>
      %unpack3A = tpu.unpack_subelements %add3A_153, 0 {pack_format = #tpu.pack_format<interleaved>} : vector<32xbf16> -> vector<16xf32>
      %unpack3A_154 = tpu.unpack_subelements %add3A_153, 1 {pack_format = #tpu.pack_format<interleaved>} : vector<32xbf16> -> vector<16xf32>
      %swap3A = arith.index_cast %scan3A_135 : i32 to index
      %swap3A_155 = arith.constant 0 : index
      %swap3A_156 = tpu.vector_load %arg7[%swap3A, %swap3A_155] {strides = array<i32>} : memref<16x768xf32, #tpu.memory_space<vmem>>, vector<16xf32>,
      tpu.vector_store %arg7[%swap3A, %swap3A_155], %unpack3A {strides = array<i32>} : memref<16x768xf32, #tpu.memory_space<vmem>>, vector<16xf32>,
      %swap3A_157 = arith.index_cast %scan3A_135 : i32 to index
      %swap3A_158 = arith.constant 384 : index
      %swap3A_159 = tpu.vector_load %arg7[%swap3A_157, %swap3A_158] {strides = array<i32>} : memref<16x768xf32, #tpu.memory_space<vmem>>, vector<16xf32>,
      tpu.vector_store %arg7[%swap3A_157, %swap3A_158], %unpack3A_154 {strides = array<i32>} : memref<16x768xf32, #tpu.memory_space<vmem>>, vector<16xf32>,
      %mul3A_160 = arith.constant 2 : i32
      %mul3A_161 = arith.muli %mul3A_160, %scan3A_135 : i32
      %get3A_162 = arith.constant 1 : i32
      %get3A_163 = arith.index_cast %get3A_162 : i32 to index
      %get3A_164 = arith.index_cast %mul3A_161 : i32 to index
      %get3A_165 = arith.constant 16 : index
      %get3A_166 = tpu.vector_load %arg6[%get3A_163, %get3A_164, %get3A_165] {strides = array<i32>} : memref<2x32x384xi32, #tpu.memory_space<vmem>>, vector<16xi32>,
      %bitcast3A_167 = vector.bitcast %get3A_166 : vector<16xi32> to vector<32xbf16>
      %mul3A_168 = arith.constant 2 : i32
      %mul3A_169 = arith.muli %mul3A_168, %scan3A_135 : i32
      %add3A_170 = arith.constant 1 : i32
      %add3A_171 = arith.addi %mul3A_169, %add3A_170 : i32
      %get3A_172 = arith.constant 1 : i32
      %get3A_173 = arith.index_cast %get3A_172 : i32 to index
      %get3A_174 = arith.index_cast %add3A_171 : i32 to index
      %get3A_175 = arith.constant 16 : index
      %get3A_176 = tpu.vector_load %arg6[%get3A_173, %get3A_174, %get3A_175] {strides = array<i32>} : memref<2x32x384xi32, #tpu.memory_space<vmem>>, vector<16xi32>,
      %bitcast3A_177 = vector.bitcast %get3A_176 : vector<16xi32> to vector<32xbf16>
      %add3A_178 = arith.addf %bitcast3A_167, %bitcast3A_177 : vector<32xbf16>
      %unpack3A_179 = tpu.unpack_subelements %add3A_178, 0 {pack_format = #tpu.pack_format<interleaved>} : vector<32xbf16> -> vector<16xf32>
      %unpack3A_180 = tpu.unpack_subelements %add3A_178, 1 {pack_format = #tpu.pack_format<interleaved>} : vector<32xbf16> -> vector<16xf32>
      %swap3A_181 = arith.index_cast %scan3A_135 : i32 to index
      %swap3A_182 = arith.constant 16 : index
      %swap3A_183 = tpu.vector_load %arg7[%swap3A_181, %swap3A_182] {strides = array<i32>} : memref<16x768xf32, #tpu.memory_space<vmem>>, vector<16xf32>,
      tpu.vector_store %arg7[%swap3A_181, %swap3A_182], %unpack3A_179 {strides = array<i32>} : memref<16x768xf32, #tpu.memory_space<vmem>>, vector<16xf32>,
      %swap3A_184 = arith.index_cast %scan3A_135 : i32 to index
      %swap3A_185 = arith.constant 400 : index
      %swap3A_186 = tpu.vector_load %arg7[%swap3A_184, %swap3A_185] {strides = array<i32>} : memref<16x768xf32, #tpu.memory_space<vmem>>, vector<16xf32>,
      tpu.vector_store %arg7[%swap3A_184, %swap3A_185], %unpack3A_180 {strides = array<i32>} : memref<16x768xf32, #tpu.memory_space<vmem>>, vector<16xf32>,
      %mul3A_187 = arith.constant 2 : i32
      %mul3A_188 = arith.muli %mul3A_187, %scan3A_135 : i32
      %get3A_189 = arith.constant 1 : i32
      %get3A_190 = arith.index_cast %get3A_189 : i32 to index
      %get3A_191 = arith.index_cast %mul3A_188 : i32 to index
      %get3A_192 = arith.constant 32 : index
      %get3A_193 = tpu.vector_load %arg6[%get3A_190, %get3A_191, %get3A_192] {strides = array<i32>} : memref<2x32x384xi32, #tpu.memory_space<vmem>>, vector<16xi32>,
      %bitcast3A_194 = vector.bitcast %get3A_193 : vector<16xi32> to vector<32xbf16>
      %mul3A_195 = arith.constant 2 : i32
      %mul3A_196 = arith.muli %mul3A_195, %scan3A_135 : i32
      %add3A_197 = arith.constant 1 : i32
      %add3A_198 = arith.addi %mul3A_196, %add3A_197 : i32
      %get3A_199 = arith.constant 1 : i32
      %get3A_200 = arith.index_cast %get3A_199 : i32 to index
      %get3A_201 = arith.index_cast %add3A_198 : i32 to index
      %get3A_202 = arith.constant 32 : index
      %get3A_203 = tpu.vector_load %arg6[%get3A_200, %get3A_201, %get3A_202] {strides = array<i32>} : memref<2x32x384xi32, #tpu.memory_space<vmem>>, vector<16xi32>,
      %bitcast3A_204 = vector.bitcast %get3A_203 : vector<16xi32> to vector<32xbf16>
      %add3A_205 = arith.addf %bitcast3A_194, %bitcast3A_204 : vector<32xbf16>
      %unpack3A_206 = tpu.unpack_subelements %add3A_205, 0 {pack_format = #tpu.pack_format<interleaved>} : vector<32xbf16> -> vector<16xf32>
      %unpack3A_207 = tpu.unpack_subelements %add3A_205, 1 {pack_format = #tpu.pack_format<interleaved>} : vector<32xbf16> -> vector<16xf32>
      %swap3A_208 = arith.index_cast %scan3A_135 : i32 to index
      %swap3A_209 = arith.constant 32 : index
      %swap3A_210 = tpu.vector_load %arg7[%swap3A_208, %swap3A_209] {strides = array<i32>} : memref<16x768xf32, #tpu.memory_space<vmem>>, vector<16xf32>,
      tpu.vector_store %arg7[%swap3A_208, %swap3A_209], %unpack3A_206 {strides = array<i32>} : memref<16x768xf32, #tpu.memory_space<vmem>>, vector<16xf32>,
      %swap3A_211 = arith.index_cast %scan3A_135 : i32 to index
      %swap3A_212 = arith.constant 416 : index
      %swap3A_213 = tpu.vector_load %arg7[%swap3A_211, %swap3A_212] {strides = array<i32>} : memref<16x768xf32, #tpu.memory_space<vmem>>, vector<16xf32>,
      tpu.vector_store %arg7[%swap3A_211, %swap3A_212], %unpack3A_207 {strides = array<i32>} : memref<16x768xf32, #tpu.memory_space<vmem>>, vector<16xf32>,
      %mul3A_214 = arith.constant 2 : i32
      %mul3A_215 = arith.muli %mul3A_214, %scan3A_135 : i32
      %get3A_216 = arith.constant 1 : i32
      %get3A_217 = arith.index_cast %get3A_216 : i32 to index
      %get3A_218 = arith.index_cast %mul3A_215 : i32 to index
      %get3A_219 = arith.constant 48 : index
      %get3A_220 = tpu.vector_load %arg6[%get3A_217, %get3A_218, %get3A_219] {strides = array<i32>} : memref<2x32x384xi32, #tpu.memory_space<vmem>>, vector<16xi32>,
      %bitcast3A_221 = vector.bitcast %get3A_220 : vector<16xi32> to vector<32xbf16>
      %mul3A_222 = arith.constant 2 : i32
      %mul3A_223 = arith.muli %mul3A_222, %scan3A_135 : i32
      %add3A_224 = arith.constant 1 : i32
      %add3A_225 = arith.addi %mul3A_223, %add3A_224 : i32
      %get3A_226 = arith.constant 1 : i32
      %get3A_227 = arith.index_cast %get3A_226 : i32 to index
      %get3A_228 = arith.index_cast %add3A_225 : i32 to index
      %get3A_229 = arith.constant 48 : index
      %get3A_230 = tpu.vector_load %arg6[%get3A_227, %get3A_228, %get3A_229] {strides = array<i32>} : memref<2x32x384xi32, #tpu.memory_space<vmem>>, vector<16xi32>,
      %bitcast3A_231 = vector.bitcast %get3A_230 : vector<16xi32> to vector<32xbf16>
      %add3A_232 = arith.addf %bitcast3A_221, %bitcast3A_231 : vector<32xbf16>
      %unpack3A_233 = tpu.unpack_subelements %add3A_232, 0 {pack_format = #tpu.pack_format<interleaved>} : vector<32xbf16> -> vector<16xf32>
      %unpack3A_234 = tpu.unpack_subelements %add3A_232, 1 {pack_format = #tpu.pack_format<interleaved>} : vector<32xbf16> -> vector<16xf32>
      %swap3A_235 = arith.index_cast %scan3A_135 : i32 to index
      %swap3A_236 = arith.constant 48 : index
      %swap3A_237 = tpu.vector_load %arg7[%swap3A_235, %swap3A_236] {strides = array<i32>} : memref<16x768xf32, #tpu.memory_space<vmem>>, vector<16xf32>,
      tpu.vector_store %arg7[%swap3A_235, %swap3A_236], %unpack3A_233 {strides = array<i32>} : memref<16x768xf32, #tpu.memory_space<vmem>>, vector<16xf32>,
      %swap3A_238 = arith.index_cast %scan3A_135 : i32 to index
      %swap3A_239 = arith.constant 432 : index
      %swap3A_240 = tpu.vector_load %arg7[%swap3A_238, %swap3A_239] {strides = array<i32>} : memref<16x768xf32, #tpu.memory_space<vmem>>, vector<16xf32>,
      tpu.vector_store %arg7[%swap3A_238, %swap3A_239], %unpack3A_234 {strides = array<i32>} : memref<16x768xf32, #tpu.memory_space<vmem>>, vector<16xf32>,
      %mul3A_241 = arith.constant 2 : i32
      %mul3A_242 = arith.muli %mul3A_241, %scan3A_135 : i32
      %get3A_243 = arith.constant 1 : i32
      %get3A_244 = arith.index_cast %get3A_243 : i32 to index
      %get3A_245 = arith.index_cast %mul3A_242 : i32 to index
      %get3A_246 = arith.constant 64 : index
      %get3A_247 = tpu.vector_load %arg6[%get3A_244, %get3A_245, %get3A_246] {strides = array<i32>} : memref<2x32x384xi32, #tpu.memory_space<vmem>>, vector<16xi32>,
      %bitcast3A_248 = vector.bitcast %get3A_247 : vector<16xi32> to vector<32xbf16>
      %mul3A_249 = arith.constant 2 : i32
      %mul3A_250 = arith.muli %mul3A_249, %scan3A_135 : i32
      %add3A_251 = arith.constant 1 : i32
      %add3A_252 = arith.addi %mul3A_250, %add3A_251 : i32
      %get3A_253 = arith.constant 1 : i32
      %get3A_254 = arith.index_cast %get3A_253 : i32 to index
      %get3A_255 = arith.index_cast %add3A_252 : i32 to index
      %get3A_256 = arith.constant 64 : index
      %get3A_257 = tpu.vector_load %arg6[%get3A_254, %get3A_255, %get3A_256] {strides = array<i32>} : memref<2x32x384xi32, #tpu.memory_space<vmem>>, vector<16xi32>,
      %bitcast3A_258 = vector.bitcast %get3A_257 : vector<16xi32> to vector<32xbf16>
      %add3A_259 = arith.addf %bitcast3A_248, %bitcast3A_258 : vector<32xbf16>
      %unpack3A_260 = tpu.unpack_subelements %add3A_259, 0 {pack_format = #tpu.pack_format<interleaved>} : vector<32xbf16> -> vector<16xf32>
      %unpack3A_261 = tpu.unpack_subelements %add3A_259, 1 {pack_format = #tpu.pack_format<interleaved>} : vector<32xbf16> -> vector<16xf32>
      %swap3A_262 = arith.index_cast %scan3A_135 : i32 to index
      %swap3A_263 = arith.constant 64 : index
      %swap3A_264 = tpu.vector_load %arg7[%swap3A_262, %swap3A_263] {strides = array<i32>} : memref<16x768xf32, #tpu.memory_space<vmem>>, vector<16xf32>,
      tpu.vector_store %arg7[%swap3A_262, %swap3A_263], %unpack3A_260 {strides = array<i32>} : memref<16x768xf32, #tpu.memory_space<vmem>>, vector<16xf32>,
      %swap3A_265 = arith.index_cast %scan3A_135 : i32 to index
      %swap3A_266 = arith.constant 448 : index
      %swap3A_267 = tpu.vector_load %arg7[%swap3A_265, %swap3A_266] {strides = array<i32>} : memref<16x768xf32, #tpu.memory_space<vmem>>, vector<16xf32>,
      tpu.vector_store %arg7[%swap3A_265, %swap3A_266], %unpack3A_261 {strides = array<i32>} : memref<16x768xf32, #tpu.memory_space<vmem>>, vector<16xf32>,
      %mul3A_268 = arith.constant 2 : i32
      %mul3A_269 = arith.muli %mul3A_268, %scan3A_135 : i32
      %get3A_270 = arith.constant 1 : i32
      %get3A_271 = arith.index_cast %get3A_270 : i32 to index
      %get3A_272 = arith.index_cast %mul3A_269 : i32 to index
      %get3A_273 = arith.constant 80 : index
      %get3A_274 = tpu.vector_load %arg6[%get3A_271, %get3A_272, %get3A_273] {strides = array<i32>} : memref<2x32x384xi32, #tpu.memory_space<vmem>>, vector<16xi32>,
      %bitcast3A_275 = vector.bitcast %get3A_274 : vector<16xi32> to vector<32xbf16>
      %mul3A_276 = arith.constant 2 : i32
      %mul3A_277 = arith.muli %mul3A_276, %scan3A_135 : i32
      %add3A_278 = arith.constant 1 : i32
      %add3A_279 = arith.addi %mul3A_277, %add3A_278 : i32
      %get3A_280 = arith.constant 1 : i32
      %get3A_281 = arith.index_cast %get3A_280 : i32 to index
      %get3A_282 = arith.index_cast %add3A_279 : i32 to index
      %get3A_283 = arith.constant 80 : index
      %get3A_284 = tpu.vector_load %arg6[%get3A_281, %get3A_282, %get3A_283] {strides = array<i32>} : memref<2x32x384xi32, #tpu.memory_space<vmem>>, vector<16xi32>,
      %bitcast3A_285 = vector.bitcast %get3A_284 : vector<16xi32> to vector<32xbf16>
      %add3A_286 = arith.addf %bitcast3A_275, %bitcast3A_285 : vector<32xbf16>
      %unpack3A_287 = tpu.unpack_subelements %add3A_286, 0 {pack_format = #tpu.pack_format<interleaved>} : vector<32xbf16> -> vector<16xf32>
      %unpack3A_288 = tpu.unpack_subelements %add3A_286, 1 {pack_format = #tpu.pack_format<interleaved>} : vector<32xbf16> -> vector<16xf32>
      %swap3A_289 = arith.index_cast %scan3A_135 : i32 to index
      %swap3A_290 = arith.constant 80 : index
      %swap3A_291 = tpu.vector_load %arg7[%swap3A_289, %swap3A_290] {strides = array<i32>} : memref<16x768xf32, #tpu.memory_space<vmem>>, vector<16xf32>,
      tpu.vector_store %arg7[%swap3A_289, %swap3A_290], %unpack3A_287 {strides = array<i32>} : memref<16x768xf32, #tpu.memory_space<vmem>>, vector<16xf32>,
      %swap3A_292 = arith.index_cast %scan3A_135 : i32 to index
      %swap3A_293 = arith.constant 464 : index
      %swap3A_294 = tpu.vector_load %arg7[%swap3A_292, %swap3A_293] {strides = array<i32>} : memref<16x768xf32, #tpu.memory_space<vmem>>, vector<16xf32>,
      tpu.vector_store %arg7[%swap3A_292, %swap3A_293], %unpack3A_288 {strides = array<i32>} : memref<16x768xf32, #tpu.memory_space<vmem>>, vector<16xf32>,
      %mul3A_295 = arith.constant 2 : i32
      %mul3A_296 = arith.muli %mul3A_295, %scan3A_135 : i32
      %get3A_297 = arith.constant 1 : i32
      %get3A_298 = arith.index_cast %get3A_297 : i32 to index
      %get3A_299 = arith.index_cast %mul3A_296 : i32 to index
      %get3A_300 = arith.constant 96 : index
      %get3A_301 = tpu.vector_load %arg6[%get3A_298, %get3A_299, %get3A_300] {strides = array<i32>} : memref<2x32x384xi32, #tpu.memory_space<vmem>>, vector<16xi32>,
      %bitcast3A_302 = vector.bitcast %get3A_301 : vector<16xi32> to vector<32xbf16>
      %mul3A_303 = arith.constant 2 : i32
      %mul3A_304 = arith.muli %mul3A_303, %scan3A_135 : i32
      %add3A_305 = arith.constant 1 : i32
      %add3A_306 = arith.addi %mul3A_304, %add3A_305 : i32
      %get3A_307 = arith.constant 1 : i32
      %get3A_308 = arith.index_cast %get3A_307 : i32 to index
      %get3A_309 = arith.index_cast %add3A_306 : i32 to index
      %get3A_310 = arith.constant 96 : index
      %get3A_311 = tpu.vector_load %arg6[%get3A_308, %get3A_309, %get3A_310] {strides = array<i32>} : memref<2x32x384xi32, #tpu.memory_space<vmem>>, vector<16xi32>,
      %bitcast3A_312 = vector.bitcast %get3A_311 : vector<16xi32> to vector<32xbf16>
      %add3A_313 = arith.addf %bitcast3A_302, %bitcast3A_312 : vector<32xbf16>
      %unpack3A_314 = tpu.unpack_subelements %add3A_313, 0 {pack_format = #tpu.pack_format<interleaved>} : vector<32xbf16> -> vector<16xf32>
      %unpack3A_315 = tpu.unpack_subelements %add3A_313, 1 {pack_format = #tpu.pack_format<interleaved>} : vector<32xbf16> -> vector<16xf32>
      %swap3A_316 = arith.index_cast %scan3A_135 : i32 to index
      %swap3A_317 = arith.constant 96 : index
      %swap3A_318 = tpu.vector_load %arg7[%swap3A_316, %swap3A_317] {strides = array<i32>} : memref<16x768xf32, #tpu.memory_space<vmem>>, vector<16xf32>,
      tpu.vector_store %arg7[%swap3A_316, %swap3A_317], %unpack3A_314 {strides = array<i32>} : memref<16x768xf32, #tpu.memory_space<vmem>>, vector<16xf32>,
      %swap3A_319 = arith.index_cast %scan3A_135 : i32 to index
      %swap3A_320 = arith.constant 480 : index
      %swap3A_321 = tpu.vector_load %arg7[%swap3A_319, %swap3A_320] {strides = array<i32>} : memref<16x768xf32, #tpu.memory_space<vmem>>, vector<16xf32>,
      tpu.vector_store %arg7[%swap3A_319, %swap3A_320], %unpack3A_315 {strides = array<i32>} : memref<16x768xf32, #tpu.memory_space<vmem>>, vector<16xf32>,
      %mul3A_322 = arith.constant 2 : i32
      %mul3A_323 = arith.muli %mul3A_322, %scan3A_135 : i32
      %get3A_324 = arith.constant 1 : i32
      %get3A_325 = arith.index_cast %get3A_324 : i32 to index
      %get3A_326 = arith.index_cast %mul3A_323 : i32 to index
      %get3A_327 = arith.constant 112 : index
      %get3A_328 = tpu.vector_load %arg6[%get3A_325, %get3A_326, %get3A_327] {strides = array<i32>} : memref<2x32x384xi32, #tpu.memory_space<vmem>>, vector<16xi32>,
      %bitcast3A_329 = vector.bitcast %get3A_328 : vector<16xi32> to vector<32xbf16>
      %mul3A_330 = arith.constant 2 : i32
      %mul3A_331 = arith.muli %mul3A_330, %scan3A_135 : i32
      %add3A_332 = arith.constant 1 : i32
      %add3A_333 = arith.addi %mul3A_331, %add3A_332 : i32
      %get3A_334 = arith.constant 1 : i32
      %get3A_335 = arith.index_cast %get3A_334 : i32 to index
      %get3A_336 = arith.index_cast %add3A_333 : i32 to index
      %get3A_337 = arith.constant 112 : index
      %get3A_338 = tpu.vector_load %arg6[%get3A_335, %get3A_336, %get3A_337] {strides = array<i32>} : memref<2x32x384xi32, #tpu.memory_space<vmem>>, vector<16xi32>,
      %bitcast3A_339 = vector.bitcast %get3A_338 : vector<16xi32> to vector<32xbf16>
      %add3A_340 = arith.addf %bitcast3A_329, %bitcast3A_339 : vector<32xbf16>
      %unpack3A_341 = tpu.unpack_subelements %add3A_340, 0 {pack_format = #tpu.pack_format<interleaved>} : vector<32xbf16> -> vector<16xf32>
      %unpack3A_342 = tpu.unpack_subelements %add3A_340, 1 {pack_format = #tpu.pack_format<interleaved>} : vector<32xbf16> -> vector<16xf32>
      %swap3A_343 = arith.index_cast %scan3A_135 : i32 to index
      %swap3A_344 = arith.constant 112 : index
      %swap3A_345 = tpu.vector_load %arg7[%swap3A_343, %swap3A_344] {strides = array<i32>} : memref<16x768xf32, #tpu.memory_space<vmem>>, vector<16xf32>,
      tpu.vector_store %arg7[%swap3A_343, %swap3A_344], %unpack3A_341 {strides = array<i32>} : memref<16x768xf32, #tpu.memory_space<vmem>>, vector<16xf32>,
      %swap3A_346 = arith.index_cast %scan3A_135 : i32 to index
      %swap3A_347 = arith.constant 496 : index
      %swap3A_348 = tpu.vector_load %arg7[%swap3A_346, %swap3A_347] {strides = array<i32>} : memref<16x768xf32, #tpu.memory_space<vmem>>, vector<16xf32>,
      tpu.vector_store %arg7[%swap3A_346, %swap3A_347], %unpack3A_342 {strides = array<i32>} : memref<16x768xf32, #tpu.memory_space<vmem>>, vector<16xf32>,
      %mul3A_349 = arith.constant 2 : i32
      %mul3A_350 = arith.muli %mul3A_349, %scan3A_135 : i32
      %get3A_351 = arith.constant 1 : i32
      %get3A_352 = arith.index_cast %get3A_351 : i32 to index
      %get3A_353 = arith.index_cast %mul3A_350 : i32 to index
      %get3A_354 = arith.constant 128 : index
      %get3A_355 = tpu.vector_load %arg6[%get3A_352, %get3A_353, %get3A_354] {strides = array<i32>} : memref<2x32x384xi32, #tpu.memory_space<vmem>>, vector<16xi32>,
      %bitcast3A_356 = vector.bitcast %get3A_355 : vector<16xi32> to vector<32xbf16>
      %mul3A_357 = arith.constant 2 : i32
      %mul3A_358 = arith.muli %mul3A_357, %scan3A_135 : i32
      %add3A_359 = arith.constant 1 : i32
      %add3A_360 = arith.addi %mul3A_358, %add3A_359 : i32
      %get3A_361 = arith.constant 1 : i32
      %get3A_362 = arith.index_cast %get3A_361 : i32 to index
      %get3A_363 = arith.index_cast %add3A_360 : i32 to index
      %get3A_364 = arith.constant 128 : index
      %get3A_365 = tpu.vector_load %arg6[%get3A_362, %get3A_363, %get3A_364] {strides = array<i32>} : memref<2x32x384xi32, #tpu.memory_space<vmem>>, vector<16xi32>,
      %bitcast3A_366 = vector.bitcast %get3A_365 : vector<16xi32> to vector<32xbf16>
      %add3A_367 = arith.addf %bitcast3A_356, %bitcast3A_366 : vector<32xbf16>
      %unpack3A_368 = tpu.unpack_subelements %add3A_367, 0 {pack_format = #tpu.pack_format<interleaved>} : vector<32xbf16> -> vector<16xf32>
      %unpack3A_369 = tpu.unpack_subelements %add3A_367, 1 {pack_format = #tpu.pack_format<interleaved>} : vector<32xbf16> -> vector<16xf32>
      %swap3A_370 = arith.index_cast %scan3A_135 : i32 to index
      %swap3A_371 = arith.constant 128 : index
      %swap3A_372 = tpu.vector_load %arg7[%swap3A_370, %swap3A_371] {strides = array<i32>} : memref<16x768xf32, #tpu.memory_space<vmem>>, vector<16xf32>,
      tpu.vector_store %arg7[%swap3A_370, %swap3A_371], %unpack3A_368 {strides = array<i32>} : memref<16x768xf32, #tpu.memory_space<vmem>>, vector<16xf32>,
      %swap3A_373 = arith.index_cast %scan3A_135 : i32 to index
      %swap3A_374 = arith.constant 512 : index
      %swap3A_375 = tpu.vector_load %arg7[%swap3A_373, %swap3A_374] {strides = array<i32>} : memref<16x768xf32, #tpu.memory_space<vmem>>, vector<16xf32>,
      tpu.vector_store %arg7[%swap3A_373, %swap3A_374], %unpack3A_369 {strides = array<i32>} : memref<16x768xf32, #tpu.memory_space<vmem>>, vector<16xf32>,
      %mul3A_376 = arith.constant 2 : i32
      %mul3A_377 = arith.muli %mul3A_376, %scan3A_135 : i32
      %get3A_378 = arith.constant 1 : i32
      %get3A_379 = arith.index_cast %get3A_378 : i32 to index
      %get3A_380 = arith.index_cast %mul3A_377 : i32 to index
      %get3A_381 = arith.constant 144 : index
      %get3A_382 = tpu.vector_load %arg6[%get3A_379, %get3A_380, %get3A_381] {strides = array<i32>} : memref<2x32x384xi32, #tpu.memory_space<vmem>>, vector<16xi32>,
      %bitcast3A_383 = vector.bitcast %get3A_382 : vector<16xi32> to vector<32xbf16>
      %mul3A_384 = arith.constant 2 : i32
      %mul3A_385 = arith.muli %mul3A_384, %scan3A_135 : i32
      %add3A_386 = arith.constant 1 : i32
      %add3A_387 = arith.addi %mul3A_385, %add3A_386 : i32
      %get3A_388 = arith.constant 1 : i32
      %get3A_389 = arith.index_cast %get3A_388 : i32 to index
      %get3A_390 = arith.index_cast %add3A_387 : i32 to index
      %get3A_391 = arith.constant 144 : index
      %get3A_392 = tpu.vector_load %arg6[%get3A_389, %get3A_390, %get3A_391] {strides = array<i32>} : memref<2x32x384xi32, #tpu.memory_space<vmem>>, vector<16xi32>,
      %bitcast3A_393 = vector.bitcast %get3A_392 : vector<16xi32> to vector<32xbf16>
      %add3A_394 = arith.addf %bitcast3A_383, %bitcast3A_393 : vector<32xbf16>
      %unpack3A_395 = tpu.unpack_subelements %add3A_394, 0 {pack_format = #tpu.pack_format<interleaved>} : vector<32xbf16> -> vector<16xf32>
      %unpack3A_396 = tpu.unpack_subelements %add3A_394, 1 {pack_format = #tpu.pack_format<interleaved>} : vector<32xbf16> -> vector<16xf32>
      %swap3A_397 = arith.index_cast %scan3A_135 : i32 to index
      %swap3A_398 = arith.constant 144 : index
      %swap3A_399 = tpu.vector_load %arg7[%swap3A_397, %swap3A_398] {strides = array<i32>} : memref<16x768xf32, #tpu.memory_space<vmem>>, vector<16xf32>,
      tpu.vector_store %arg7[%swap3A_397, %swap3A_398], %unpack3A_395 {strides = array<i32>} : memref<16x768xf32, #tpu.memory_space<vmem>>, vector<16xf32>,
      %swap3A_400 = arith.index_cast %scan3A_135 : i32 to index
      %swap3A_401 = arith.constant 528 : index
      %swap3A_402 = tpu.vector_load %arg7[%swap3A_400, %swap3A_401] {strides = array<i32>} : memref<16x768xf32, #tpu.memory_space<vmem>>, vector<16xf32>,
      tpu.vector_store %arg7[%swap3A_400, %swap3A_401], %unpack3A_396 {strides = array<i32>} : memref<16x768xf32, #tpu.memory_space<vmem>>, vector<16xf32>,
      %mul3A_403 = arith.constant 2 : i32
      %mul3A_404 = arith.muli %mul3A_403, %scan3A_135 : i32
      %get3A_405 = arith.constant 1 : i32
      %get3A_406 = arith.index_cast %get3A_405 : i32 to index
      %get3A_407 = arith.index_cast %mul3A_404 : i32 to index
      %get3A_408 = arith.constant 160 : index
      %get3A_409 = tpu.vector_load %arg6[%get3A_406, %get3A_407, %get3A_408] {strides = array<i32>} : memref<2x32x384xi32, #tpu.memory_space<vmem>>, vector<16xi32>,
      %bitcast3A_410 = vector.bitcast %get3A_409 : vector<16xi32> to vector<32xbf16>
      %mul3A_411 = arith.constant 2 : i32
      %mul3A_412 = arith.muli %mul3A_411, %scan3A_135 : i32
      %add3A_413 = arith.constant 1 : i32
      %add3A_414 = arith.addi %mul3A_412, %add3A_413 : i32
      %get3A_415 = arith.constant 1 : i32
      %get3A_416 = arith.index_cast %get3A_415 : i32 to index
      %get3A_417 = arith.index_cast %add3A_414 : i32 to index
      %get3A_418 = arith.constant 160 : index
      %get3A_419 = tpu.vector_load %arg6[%get3A_416, %get3A_417, %get3A_418] {strides = array<i32>} : memref<2x32x384xi32, #tpu.memory_space<vmem>>, vector<16xi32>,
      %bitcast3A_420 = vector.bitcast %get3A_419 : vector<16xi32> to vector<32xbf16>
      %add3A_421 = arith.addf %bitcast3A_410, %bitcast3A_420 : vector<32xbf16>
      %unpack3A_422 = tpu.unpack_subelements %add3A_421, 0 {pack_format = #tpu.pack_format<interleaved>} : vector<32xbf16> -> vector<16xf32>
      %unpack3A_423 = tpu.unpack_subelements %add3A_421, 1 {pack_format = #tpu.pack_format<interleaved>} : vector<32xbf16> -> vector<16xf32>
      %swap3A_424 = arith.index_cast %scan3A_135 : i32 to index
      %swap3A_425 = arith.constant 160 : index
      %swap3A_426 = tpu.vector_load %arg7[%swap3A_424, %swap3A_425] {strides = array<i32>} : memref<16x768xf32, #tpu.memory_space<vmem>>, vector<16xf32>,
      tpu.vector_store %arg7[%swap3A_424, %swap3A_425], %unpack3A_422 {strides = array<i32>} : memref<16x768xf32, #tpu.memory_space<vmem>>, vector<16xf32>,
      %swap3A_427 = arith.index_cast %scan3A_135 : i32 to index
      %swap3A_428 = arith.constant 544 : index
      %swap3A_429 = tpu.vector_load %arg7[%swap3A_427, %swap3A_428] {strides = array<i32>} : memref<16x768xf32, #tpu.memory_space<vmem>>, vector<16xf32>,
      tpu.vector_store %arg7[%swap3A_427, %swap3A_428], %unpack3A_423 {strides = array<i32>} : memref<16x768xf32, #tpu.memory_space<vmem>>, vector<16xf32>,
      %mul3A_430 = arith.constant 2 : i32
      %mul3A_431 = arith.muli %mul3A_430, %scan3A_135 : i32
      %get3A_432 = arith.constant 1 : i32
      %get3A_433 = arith.index_cast %get3A_432 : i32 to index
      %get3A_434 = arith.index_cast %mul3A_431 : i32 to index
      %get3A_435 = arith.constant 176 : index
      %get3A_436 = tpu.vector_load %arg6[%get3A_433, %get3A_434, %get3A_435] {strides = array<i32>} : memref<2x32x384xi32, #tpu.memory_space<vmem>>, vector<16xi32>,
      %bitcast3A_437 = vector.bitcast %get3A_436 : vector<16xi32> to vector<32xbf16>
      %mul3A_438 = arith.constant 2 : i32
      %mul3A_439 = arith.muli %mul3A_438, %scan3A_135 : i32
      %add3A_440 = arith.constant 1 : i32
      %add3A_441 = arith.addi %mul3A_439, %add3A_440 : i32
      %get3A_442 = arith.constant 1 : i32
      %get3A_443 = arith.index_cast %get3A_442 : i32 to index
      %get3A_444 = arith.index_cast %add3A_441 : i32 to index
      %get3A_445 = arith.constant 176 : index
      %get3A_446 = tpu.vector_load %arg6[%get3A_443, %get3A_444, %get3A_445] {strides = array<i32>} : memref<2x32x384xi32, #tpu.memory_space<vmem>>, vector<16xi32>,
      %bitcast3A_447 = vector.bitcast %get3A_446 : vector<16xi32> to vector<32xbf16>
      %add3A_448 = arith.addf %bitcast3A_437, %bitcast3A_447 : vector<32xbf16>
      %unpack3A_449 = tpu.unpack_subelements %add3A_448, 0 {pack_format = #tpu.pack_format<interleaved>} : vector<32xbf16> -> vector<16xf32>
      %unpack3A_450 = tpu.unpack_subelements %add3A_448, 1 {pack_format = #tpu.pack_format<interleaved>} : vector<32xbf16> -> vector<16xf32>
      %swap3A_451 = arith.index_cast %scan3A_135 : i32 to index
      %swap3A_452 = arith.constant 176 : index
      %swap3A_453 = tpu.vector_load %arg7[%swap3A_451, %swap3A_452] {strides = array<i32>} : memref<16x768xf32, #tpu.memory_space<vmem>>, vector<16xf32>,
      tpu.vector_store %arg7[%swap3A_451, %swap3A_452], %unpack3A_449 {strides = array<i32>} : memref<16x768xf32, #tpu.memory_space<vmem>>, vector<16xf32>,
      %swap3A_454 = arith.index_cast %scan3A_135 : i32 to index
      %swap3A_455 = arith.constant 560 : index
      %swap3A_456 = tpu.vector_load %arg7[%swap3A_454, %swap3A_455] {strides = array<i32>} : memref<16x768xf32, #tpu.memory_space<vmem>>, vector<16xf32>,
      tpu.vector_store %arg7[%swap3A_454, %swap3A_455], %unpack3A_450 {strides = array<i32>} : memref<16x768xf32, #tpu.memory_space<vmem>>, vector<16xf32>,
      %mul3A_457 = arith.constant 2 : i32
      %mul3A_458 = arith.muli %mul3A_457, %scan3A_135 : i32
      %get3A_459 = arith.constant 1 : i32
      %get3A_460 = arith.index_cast %get3A_459 : i32 to index
      %get3A_461 = arith.index_cast %mul3A_458 : i32 to index
      %get3A_462 = arith.constant 192 : index
      %get3A_463 = tpu.vector_load %arg6[%get3A_460, %get3A_461, %get3A_462] {strides = array<i32>} : memref<2x32x384xi32, #tpu.memory_space<vmem>>, vector<16xi32>,
      %bitcast3A_464 = vector.bitcast %get3A_463 : vector<16xi32> to vector<32xbf16>
      %mul3A_465 = arith.constant 2 : i32
      %mul3A_466 = arith.muli %mul3A_465, %scan3A_135 : i32
      %add3A_467 = arith.constant 1 : i32
      %add3A_468 = arith.addi %mul3A_466, %add3A_467 : i32
      %get3A_469 = arith.constant 1 : i32
      %get3A_470 = arith.index_cast %get3A_469 : i32 to index
      %get3A_471 = arith.index_cast %add3A_468 : i32 to index
      %get3A_472 = arith.constant 192 : index
      %get3A_473 = tpu.vector_load %arg6[%get3A_470, %get3A_471, %get3A_472] {strides = array<i32>} : memref<2x32x384xi32, #tpu.memory_space<vmem>>, vector<16xi32>,
      %bitcast3A_474 = vector.bitcast %get3A_473 : vector<16xi32> to vector<32xbf16>
      %add3A_475 = arith.addf %bitcast3A_464, %bitcast3A_474 : vector<32xbf16>
      %unpack3A_476 = tpu.unpack_subelements %add3A_475, 0 {pack_format = #tpu.pack_format<interleaved>} : vector<32xbf16> -> vector<16xf32>
      %unpack3A_477 = tpu.unpack_subelements %add3A_475, 1 {pack_format = #tpu.pack_format<interleaved>} : vector<32xbf16> -> vector<16xf32>
      %swap3A_478 = arith.index_cast %scan3A_135 : i32 to index
      %swap3A_479 = arith.constant 192 : index
      %swap3A_480 = tpu.vector_load %arg7[%swap3A_478, %swap3A_479] {strides = array<i32>} : memref<16x768xf32, #tpu.memory_space<vmem>>, vector<16xf32>,
      tpu.vector_store %arg7[%swap3A_478, %swap3A_479], %unpack3A_476 {strides = array<i32>} : memref<16x768xf32, #tpu.memory_space<vmem>>, vector<16xf32>,
      %swap3A_481 = arith.index_cast %scan3A_135 : i32 to index
      %swap3A_482 = arith.constant 576 : index
      %swap3A_483 = tpu.vector_load %arg7[%swap3A_481, %swap3A_482] {strides = array<i32>} : memref<16x768xf32, #tpu.memory_space<vmem>>, vector<16xf32>,
      tpu.vector_store %arg7[%swap3A_481, %swap3A_482], %unpack3A_477 {strides = array<i32>} : memref<16x768xf32, #tpu.memory_space<vmem>>, vector<16xf32>,
      %mul3A_484 = arith.constant 2 : i32
      %mul3A_485 = arith.muli %mul3A_484, %scan3A_135 : i32
      %get3A_486 = arith.constant 1 : i32
      %get3A_487 = arith.index_cast %get3A_486 : i32 to index
      %get3A_488 = arith.index_cast %mul3A_485 : i32 to index
      %get3A_489 = arith.constant 208 : index
      %get3A_490 = tpu.vector_load %arg6[%get3A_487, %get3A_488, %get3A_489] {strides = array<i32>} : memref<2x32x384xi32, #tpu.memory_space<vmem>>, vector<16xi32>,
      %bitcast3A_491 = vector.bitcast %get3A_490 : vector<16xi32> to vector<32xbf16>
      %mul3A_492 = arith.constant 2 : i32
      %mul3A_493 = arith.muli %mul3A_492, %scan3A_135 : i32
      %add3A_494 = arith.constant 1 : i32
      %add3A_495 = arith.addi %mul3A_493, %add3A_494 : i32
      %get3A_496 = arith.constant 1 : i32
      %get3A_497 = arith.index_cast %get3A_496 : i32 to index
      %get3A_498 = arith.index_cast %add3A_495 : i32 to index
      %get3A_499 = arith.constant 208 : index
      %get3A_500 = tpu.vector_load %arg6[%get3A_497, %get3A_498, %get3A_499] {strides = array<i32>} : memref<2x32x384xi32, #tpu.memory_space<vmem>>, vector<16xi32>,
      %bitcast3A_501 = vector.bitcast %get3A_500 : vector<16xi32> to vector<32xbf16>
      %add3A_502 = arith.addf %bitcast3A_491, %bitcast3A_501 : vector<32xbf16>
      %unpack3A_503 = tpu.unpack_subelements %add3A_502, 0 {pack_format = #tpu.pack_format<interleaved>} : vector<32xbf16> -> vector<16xf32>
      %unpack3A_504 = tpu.unpack_subelements %add3A_502, 1 {pack_format = #tpu.pack_format<interleaved>} : vector<32xbf16> -> vector<16xf32>
      %swap3A_505 = arith.index_cast %scan3A_135 : i32 to index
      %swap3A_506 = arith.constant 208 : index
      %swap3A_507 = tpu.vector_load %arg7[%swap3A_505, %swap3A_506] {strides = array<i32>} : memref<16x768xf32, #tpu.memory_space<vmem>>, vector<16xf32>,
      tpu.vector_store %arg7[%swap3A_505, %swap3A_506], %unpack3A_503 {strides = array<i32>} : memref<16x768xf32, #tpu.memory_space<vmem>>, vector<16xf32>,
      %swap3A_508 = arith.index_cast %scan3A_135 : i32 to index
      %swap3A_509 = arith.constant 592 : index
      %swap3A_510 = tpu.vector_load %arg7[%swap3A_508, %swap3A_509] {strides = array<i32>} : memref<16x768xf32, #tpu.memory_space<vmem>>, vector<16xf32>,
      tpu.vector_store %arg7[%swap3A_508, %swap3A_509], %unpack3A_504 {strides = array<i32>} : memref<16x768xf32, #tpu.memory_space<vmem>>, vector<16xf32>,
      %mul3A_511 = arith.constant 2 : i32
      %mul3A_512 = arith.muli %mul3A_511, %scan3A_135 : i32
      %get3A_513 = arith.constant 1 : i32
      %get3A_514 = arith.index_cast %get3A_513 : i32 to index
      %get3A_515 = arith.index_cast %mul3A_512 : i32 to index
      %get3A_516 = arith.constant 224 : index
      %get3A_517 = tpu.vector_load %arg6[%get3A_514, %get3A_515, %get3A_516] {strides = array<i32>} : memref<2x32x384xi32, #tpu.memory_space<vmem>>, vector<16xi32>,
      %bitcast3A_518 = vector.bitcast %get3A_517 : vector<16xi32> to vector<32xbf16>
      %mul3A_519 = arith.constant 2 : i32
      %mul3A_520 = arith.muli %mul3A_519, %scan3A_135 : i32
      %add3A_521 = arith.constant 1 : i32
      %add3A_522 = arith.addi %mul3A_520, %add3A_521 : i32
      %get3A_523 = arith.constant 1 : i32
      %get3A_524 = arith.index_cast %get3A_523 : i32 to index
      %get3A_525 = arith.index_cast %add3A_522 : i32 to index
      %get3A_526 = arith.constant 224 : index
      %get3A_527 = tpu.vector_load %arg6[%get3A_524, %get3A_525, %get3A_526] {strides = array<i32>} : memref<2x32x384xi32, #tpu.memory_space<vmem>>, vector<16xi32>,
      %bitcast3A_528 = vector.bitcast %get3A_527 : vector<16xi32> to vector<32xbf16>
      %add3A_529 = arith.addf %bitcast3A_518, %bitcast3A_528 : vector<32xbf16>
      %unpack3A_530 = tpu.unpack_subelements %add3A_529, 0 {pack_format = #tpu.pack_format<interleaved>} : vector<32xbf16> -> vector<16xf32>
      %unpack3A_531 = tpu.unpack_subelements %add3A_529, 1 {pack_format = #tpu.pack_format<interleaved>} : vector<32xbf16> -> vector<16xf32>
      %swap3A_532 = arith.index_cast %scan3A_135 : i32 to index
      %swap3A_533 = arith.constant 224 : index
      %swap3A_534 = tpu.vector_load %arg7[%swap3A_532, %swap3A_533] {strides = array<i32>} : memref<16x768xf32, #tpu.memory_space<vmem>>, vector<16xf32>,
      tpu.vector_store %arg7[%swap3A_532, %swap3A_533], %unpack3A_530 {strides = array<i32>} : memref<16x768xf32, #tpu.memory_space<vmem>>, vector<16xf32>,
      %swap3A_535 = arith.index_cast %scan3A_135 : i32 to index
      %swap3A_536 = arith.constant 608 : index
      %swap3A_537 = tpu.vector_load %arg7[%swap3A_535, %swap3A_536] {strides = array<i32>} : memref<16x768xf32, #tpu.memory_space<vmem>>, vector<16xf32>,
      tpu.vector_store %arg7[%swap3A_535, %swap3A_536], %unpack3A_531 {strides = array<i32>} : memref<16x768xf32, #tpu.memory_space<vmem>>, vector<16xf32>,
      %mul3A_538 = arith.constant 2 : i32
      %mul3A_539 = arith.muli %mul3A_538, %scan3A_135 : i32
      %get3A_540 = arith.constant 1 : i32
      %get3A_541 = arith.index_cast %get3A_540 : i32 to index
      %get3A_542 = arith.index_cast %mul3A_539 : i32 to index
      %get3A_543 = arith.constant 240 : index
      %get3A_544 = tpu.vector_load %arg6[%get3A_541, %get3A_542, %get3A_543] {strides = array<i32>} : memref<2x32x384xi32, #tpu.memory_space<vmem>>, vector<16xi32>,
      %bitcast3A_545 = vector.bitcast %get3A_544 : vector<16xi32> to vector<32xbf16>
      %mul3A_546 = arith.constant 2 : i32
      %mul3A_547 = arith.muli %mul3A_546, %scan3A_135 : i32
      %add3A_548 = arith.constant 1 : i32
      %add3A_549 = arith.addi %mul3A_547, %add3A_548 : i32
      %get3A_550 = arith.constant 1 : i32
      %get3A_551 = arith.index_cast %get3A_550 : i32 to index
      %get3A_552 = arith.index_cast %add3A_549 : i32 to index
      %get3A_553 = arith.constant 240 : index
      %get3A_554 = tpu.vector_load %arg6[%get3A_551, %get3A_552, %get3A_553] {strides = array<i32>} : memref<2x32x384xi32, #tpu.memory_space<vmem>>, vector<16xi32>,
      %bitcast3A_555 = vector.bitcast %get3A_554 : vector<16xi32> to vector<32xbf16>
      %add3A_556 = arith.addf %bitcast3A_545, %bitcast3A_555 : vector<32xbf16>
      %unpack3A_557 = tpu.unpack_subelements %add3A_556, 0 {pack_format = #tpu.pack_format<interleaved>} : vector<32xbf16> -> vector<16xf32>
      %unpack3A_558 = tpu.unpack_subelements %add3A_556, 1 {pack_format = #tpu.pack_format<interleaved>} : vector<32xbf16> -> vector<16xf32>
      %swap3A_559 = arith.index_cast %scan3A_135 : i32 to index
      %swap3A_560 = arith.constant 240 : index
      %swap3A_561 = tpu.vector_load %arg7[%swap3A_559, %swap3A_560] {strides = array<i32>} : memref<16x768xf32, #tpu.memory_space<vmem>>, vector<16xf32>,
      tpu.vector_store %arg7[%swap3A_559, %swap3A_560], %unpack3A_557 {strides = array<i32>} : memref<16x768xf32, #tpu.memory_space<vmem>>, vector<16xf32>,
      %swap3A_562 = arith.index_cast %scan3A_135 : i32 to index
      %swap3A_563 = arith.constant 624 : index
      %swap3A_564 = tpu.vector_load %arg7[%swap3A_562, %swap3A_563] {strides = array<i32>} : memref<16x768xf32, #tpu.memory_space<vmem>>, vector<16xf32>,
      tpu.vector_store %arg7[%swap3A_562, %swap3A_563], %unpack3A_558 {strides = array<i32>} : memref<16x768xf32, #tpu.memory_space<vmem>>, vector<16xf32>,
      %mul3A_565 = arith.constant 2 : i32
      %mul3A_566 = arith.muli %mul3A_565, %scan3A_135 : i32
      %get3A_567 = arith.constant 1 : i32
      %get3A_568 = arith.index_cast %get3A_567 : i32 to index
      %get3A_569 = arith.index_cast %mul3A_566 : i32 to index
      %get3A_570 = arith.constant 256 : index
      %get3A_571 = tpu.vector_load %arg6[%get3A_568, %get3A_569, %get3A_570] {strides = array<i32>} : memref<2x32x384xi32, #tpu.memory_space<vmem>>, vector<16xi32>,
      %bitcast3A_572 = vector.bitcast %get3A_571 : vector<16xi32> to vector<32xbf16>
      %mul3A_573 = arith.constant 2 : i32
      %mul3A_574 = arith.muli %mul3A_573, %scan3A_135 : i32
      %add3A_575 = arith.constant 1 : i32
      %add3A_576 = arith.addi %mul3A_574, %add3A_575 : i32
      %get3A_577 = arith.constant 1 : i32
      %get3A_578 = arith.index_cast %get3A_577 : i32 to index
      %get3A_579 = arith.index_cast %add3A_576 : i32 to index
      %get3A_580 = arith.constant 256 : index
      %get3A_581 = tpu.vector_load %arg6[%get3A_578, %get3A_579, %get3A_580] {strides = array<i32>} : memref<2x32x384xi32, #tpu.memory_space<vmem>>, vector<16xi32>,
      %bitcast3A_582 = vector.bitcast %get3A_581 : vector<16xi32> to vector<32xbf16>
      %add3A_583 = arith.addf %bitcast3A_572, %bitcast3A_582 : vector<32xbf16>
      %unpack3A_584 = tpu.unpack_subelements %add3A_583, 0 {pack_format = #tpu.pack_format<interleaved>} : vector<32xbf16> -> vector<16xf32>
      %unpack3A_585 = tpu.unpack_subelements %add3A_583, 1 {pack_format = #tpu.pack_format<interleaved>} : vector<32xbf16> -> vector<16xf32>
      %swap3A_586 = arith.index_cast %scan3A_135 : i32 to index
      %swap3A_587 = arith.constant 256 : index
      %swap3A_588 = tpu.vector_load %arg7[%swap3A_586, %swap3A_587] {strides = array<i32>} : memref<16x768xf32, #tpu.memory_space<vmem>>, vector<16xf32>,
      tpu.vector_store %arg7[%swap3A_586, %swap3A_587], %unpack3A_584 {strides = array<i32>} : memref<16x768xf32, #tpu.memory_space<vmem>>, vector<16xf32>,
      %swap3A_589 = arith.index_cast %scan3A_135 : i32 to index
      %swap3A_590 = arith.constant 640 : index
      %swap3A_591 = tpu.vector_load %arg7[%swap3A_589, %swap3A_590] {strides = array<i32>} : memref<16x768xf32, #tpu.memory_space<vmem>>, vector<16xf32>,
      tpu.vector_store %arg7[%swap3A_589, %swap3A_590], %unpack3A_585 {strides = array<i32>} : memref<16x768xf32, #tpu.memory_space<vmem>>, vector<16xf32>,
      %mul3A_592 = arith.constant 2 : i32
      %mul3A_593 = arith.muli %mul3A_592, %scan3A_135 : i32
      %get3A_594 = arith.constant 1 : i32
      %get3A_595 = arith.index_cast %get3A_594 : i32 to index
      %get3A_596 = arith.index_cast %mul3A_593 : i32 to index
      %get3A_597 = arith.constant 272 : index
      %get3A_598 = tpu.vector_load %arg6[%get3A_595, %get3A_596, %get3A_597] {strides = array<i32>} : memref<2x32x384xi32, #tpu.memory_space<vmem>>, vector<16xi32>,
      %bitcast3A_599 = vector.bitcast %get3A_598 : vector<16xi32> to vector<32xbf16>
      %mul3A_600 = arith.constant 2 : i32
      %mul3A_601 = arith.muli %mul3A_600, %scan3A_135 : i32
      %add3A_602 = arith.constant 1 : i32
      %add3A_603 = arith.addi %mul3A_601, %add3A_602 : i32
      %get3A_604 = arith.constant 1 : i32
      %get3A_605 = arith.index_cast %get3A_604 : i32 to index
      %get3A_606 = arith.index_cast %add3A_603 : i32 to index
      %get3A_607 = arith.constant 272 : index
      %get3A_608 = tpu.vector_load %arg6[%get3A_605, %get3A_606, %get3A_607] {strides = array<i32>} : memref<2x32x384xi32, #tpu.memory_space<vmem>>, vector<16xi32>,
      %bitcast3A_609 = vector.bitcast %get3A_608 : vector<16xi32> to vector<32xbf16>
      %add3A_610 = arith.addf %bitcast3A_599, %bitcast3A_609 : vector<32xbf16>
      %unpack3A_611 = tpu.unpack_subelements %add3A_610, 0 {pack_format = #tpu.pack_format<interleaved>} : vector<32xbf16> -> vector<16xf32>
      %unpack3A_612 = tpu.unpack_subelements %add3A_610, 1 {pack_format = #tpu.pack_format<interleaved>} : vector<32xbf16> -> vector<16xf32>
      %swap3A_613 = arith.index_cast %scan3A_135 : i32 to index
      %swap3A_614 = arith.constant 272 : index
      %swap3A_615 = tpu.vector_load %arg7[%swap3A_613, %swap3A_614] {strides = array<i32>} : memref<16x768xf32, #tpu.memory_space<vmem>>, vector<16xf32>,
      tpu.vector_store %arg7[%swap3A_613, %swap3A_614], %unpack3A_611 {strides = array<i32>} : memref<16x768xf32, #tpu.memory_space<vmem>>, vector<16xf32>,
      %swap3A_616 = arith.index_cast %scan3A_135 : i32 to index
      %swap3A_617 = arith.constant 656 : index
      %swap3A_618 = tpu.vector_load %arg7[%swap3A_616, %swap3A_617] {strides = array<i32>} : memref<16x768xf32, #tpu.memory_space<vmem>>, vector<16xf32>,
      tpu.vector_store %arg7[%swap3A_616, %swap3A_617], %unpack3A_612 {strides = array<i32>} : memref<16x768xf32, #tpu.memory_space<vmem>>, vector<16xf32>,
      %mul3A_619 = arith.constant 2 : i32
      %mul3A_620 = arith.muli %mul3A_619, %scan3A_135 : i32
      %get3A_621 = arith.constant 1 : i32
      %get3A_622 = arith.index_cast %get3A_621 : i32 to index
      %get3A_623 = arith.index_cast %mul3A_620 : i32 to index
      %get3A_624 = arith.constant 288 : index
      %get3A_625 = tpu.vector_load %arg6[%get3A_622, %get3A_623, %get3A_624] {strides = array<i32>} : memref<2x32x384xi32, #tpu.memory_space<vmem>>, vector<16xi32>,
      %bitcast3A_626 = vector.bitcast %get3A_625 : vector<16xi32> to vector<32xbf16>
      %mul3A_627 = arith.constant 2 : i32
      %mul3A_628 = arith.muli %mul3A_627, %scan3A_135 : i32
      %add3A_629 = arith.constant 1 : i32
      %add3A_630 = arith.addi %mul3A_628, %add3A_629 : i32
      %get3A_631 = arith.constant 1 : i32
      %get3A_632 = arith.index_cast %get3A_631 : i32 to index
      %get3A_633 = arith.index_cast %add3A_630 : i32 to index
      %get3A_634 = arith.constant 288 : index
      %get3A_635 = tpu.vector_load %arg6[%get3A_632, %get3A_633, %get3A_634] {strides = array<i32>} : memref<2x32x384xi32, #tpu.memory_space<vmem>>, vector<16xi32>,
      %bitcast3A_636 = vector.bitcast %get3A_635 : vector<16xi32> to vector<32xbf16>
      %add3A_637 = arith.addf %bitcast3A_626, %bitcast3A_636 : vector<32xbf16>
      %unpack3A_638 = tpu.unpack_subelements %add3A_637, 0 {pack_format = #tpu.pack_format<interleaved>} : vector<32xbf16> -> vector<16xf32>
      %unpack3A_639 = tpu.unpack_subelements %add3A_637, 1 {pack_format = #tpu.pack_format<interleaved>} : vector<32xbf16> -> vector<16xf32>
      %swap3A_640 = arith.index_cast %scan3A_135 : i32 to index
      %swap3A_641 = arith.constant 288 : index
      %swap3A_642 = tpu.vector_load %arg7[%swap3A_640, %swap3A_641] {strides = array<i32>} : memref<16x768xf32, #tpu.memory_space<vmem>>, vector<16xf32>,
      tpu.vector_store %arg7[%swap3A_640, %swap3A_641], %unpack3A_638 {strides = array<i32>} : memref<16x768xf32, #tpu.memory_space<vmem>>, vector<16xf32>,
      %swap3A_643 = arith.index_cast %scan3A_135 : i32 to index
      %swap3A_644 = arith.constant 672 : index
      %swap3A_645 = tpu.vector_load %arg7[%swap3A_643, %swap3A_644] {strides = array<i32>} : memref<16x768xf32, #tpu.memory_space<vmem>>, vector<16xf32>,
      tpu.vector_store %arg7[%swap3A_643, %swap3A_644], %unpack3A_639 {strides = array<i32>} : memref<16x768xf32, #tpu.memory_space<vmem>>, vector<16xf32>,
      %mul3A_646 = arith.constant 2 : i32
      %mul3A_647 = arith.muli %mul3A_646, %scan3A_135 : i32
      %get3A_648 = arith.constant 1 : i32
      %get3A_649 = arith.index_cast %get3A_648 : i32 to index
      %get3A_650 = arith.index_cast %mul3A_647 : i32 to index
      %get3A_651 = arith.constant 304 : index
      %get3A_652 = tpu.vector_load %arg6[%get3A_649, %get3A_650, %get3A_651] {strides = array<i32>} : memref<2x32x384xi32, #tpu.memory_space<vmem>>, vector<16xi32>,
      %bitcast3A_653 = vector.bitcast %get3A_652 : vector<16xi32> to vector<32xbf16>
      %mul3A_654 = arith.constant 2 : i32
      %mul3A_655 = arith.muli %mul3A_654, %scan3A_135 : i32
      %add3A_656 = arith.constant 1 : i32
      %add3A_657 = arith.addi %mul3A_655, %add3A_656 : i32
      %get3A_658 = arith.constant 1 : i32
      %get3A_659 = arith.index_cast %get3A_658 : i32 to index
      %get3A_660 = arith.index_cast %add3A_657 : i32 to index
      %get3A_661 = arith.constant 304 : index
      %get3A_662 = tpu.vector_load %arg6[%get3A_659, %get3A_660, %get3A_661] {strides = array<i32>} : memref<2x32x384xi32, #tpu.memory_space<vmem>>, vector<16xi32>,
      %bitcast3A_663 = vector.bitcast %get3A_662 : vector<16xi32> to vector<32xbf16>
      %add3A_664 = arith.addf %bitcast3A_653, %bitcast3A_663 : vector<32xbf16>
      %unpack3A_665 = tpu.unpack_subelements %add3A_664, 0 {pack_format = #tpu.pack_format<interleaved>} : vector<32xbf16> -> vector<16xf32>
      %unpack3A_666 = tpu.unpack_subelements %add3A_664, 1 {pack_format = #tpu.pack_format<interleaved>} : vector<32xbf16> -> vector<16xf32>
      %swap3A_667 = arith.index_cast %scan3A_135 : i32 to index
      %swap3A_668 = arith.constant 304 : index
      %swap3A_669 = tpu.vector_load %arg7[%swap3A_667, %swap3A_668] {strides = array<i32>} : memref<16x768xf32, #tpu.memory_space<vmem>>, vector<16xf32>,
      tpu.vector_store %arg7[%swap3A_667, %swap3A_668], %unpack3A_665 {strides = array<i32>} : memref<16x768xf32, #tpu.memory_space<vmem>>, vector<16xf32>,
      %swap3A_670 = arith.index_cast %scan3A_135 : i32 to index
      %swap3A_671 = arith.constant 688 : index
      %swap3A_672 = tpu.vector_load %arg7[%swap3A_670, %swap3A_671] {strides = array<i32>} : memref<16x768xf32, #tpu.memory_space<vmem>>, vector<16xf32>,
      tpu.vector_store %arg7[%swap3A_670, %swap3A_671], %unpack3A_666 {strides = array<i32>} : memref<16x768xf32, #tpu.memory_space<vmem>>, vector<16xf32>,
      %mul3A_673 = arith.constant 2 : i32
      %mul3A_674 = arith.muli %mul3A_673, %scan3A_135 : i32
      %get3A_675 = arith.constant 1 : i32
      %get3A_676 = arith.index_cast %get3A_675 : i32 to index
      %get3A_677 = arith.index_cast %mul3A_674 : i32 to index
      %get3A_678 = arith.constant 320 : index
      %get3A_679 = tpu.vector_load %arg6[%get3A_676, %get3A_677, %get3A_678] {strides = array<i32>} : memref<2x32x384xi32, #tpu.memory_space<vmem>>, vector<16xi32>,
      %bitcast3A_680 = vector.bitcast %get3A_679 : vector<16xi32> to vector<32xbf16>
      %mul3A_681 = arith.constant 2 : i32
      %mul3A_682 = arith.muli %mul3A_681, %scan3A_135 : i32
      %add3A_683 = arith.constant 1 : i32
      %add3A_684 = arith.addi %mul3A_682, %add3A_683 : i32
      %get3A_685 = arith.constant 1 : i32
      %get3A_686 = arith.index_cast %get3A_685 : i32 to index
      %get3A_687 = arith.index_cast %add3A_684 : i32 to index
      %get3A_688 = arith.constant 320 : index
      %get3A_689 = tpu.vector_load %arg6[%get3A_686, %get3A_687, %get3A_688] {strides = array<i32>} : memref<2x32x384xi32, #tpu.memory_space<vmem>>, vector<16xi32>,
      %bitcast3A_690 = vector.bitcast %get3A_689 : vector<16xi32> to vector<32xbf16>
      %add3A_691 = arith.addf %bitcast3A_680, %bitcast3A_690 : vector<32xbf16>
      %unpack3A_692 = tpu.unpack_subelements %add3A_691, 0 {pack_format = #tpu.pack_format<interleaved>} : vector<32xbf16> -> vector<16xf32>
      %unpack3A_693 = tpu.unpack_subelements %add3A_691, 1 {pack_format = #tpu.pack_format<interleaved>} : vector<32xbf16> -> vector<16xf32>
      %swap3A_694 = arith.index_cast %scan3A_135 : i32 to index
      %swap3A_695 = arith.constant 320 : index
      %swap3A_696 = tpu.vector_load %arg7[%swap3A_694, %swap3A_695] {strides = array<i32>} : memref<16x768xf32, #tpu.memory_space<vmem>>, vector<16xf32>,
      tpu.vector_store %arg7[%swap3A_694, %swap3A_695], %unpack3A_692 {strides = array<i32>} : memref<16x768xf32, #tpu.memory_space<vmem>>, vector<16xf32>,
      %swap3A_697 = arith.index_cast %scan3A_135 : i32 to index
      %swap3A_698 = arith.constant 704 : index
      %swap3A_699 = tpu.vector_load %arg7[%swap3A_697, %swap3A_698] {strides = array<i32>} : memref<16x768xf32, #tpu.memory_space<vmem>>, vector<16xf32>,
      tpu.vector_store %arg7[%swap3A_697, %swap3A_698], %unpack3A_693 {strides = array<i32>} : memref<16x768xf32, #tpu.memory_space<vmem>>, vector<16xf32>,
      %mul3A_700 = arith.constant 2 : i32
      %mul3A_701 = arith.muli %mul3A_700, %scan3A_135 : i32
      %get3A_702 = arith.constant 1 : i32
      %get3A_703 = arith.index_cast %get3A_702 : i32 to index
      %get3A_704 = arith.index_cast %mul3A_701 : i32 to index
      %get3A_705 = arith.constant 336 : index
      %get3A_706 = tpu.vector_load %arg6[%get3A_703, %get3A_704, %get3A_705] {strides = array<i32>} : memref<2x32x384xi32, #tpu.memory_space<vmem>>, vector<16xi32>,
      %bitcast3A_707 = vector.bitcast %get3A_706 : vector<16xi32> to vector<32xbf16>
      %mul3A_708 = arith.constant 2 : i32
      %mul3A_709 = arith.muli %mul3A_708, %scan3A_135 : i32
      %add3A_710 = arith.constant 1 : i32
      %add3A_711 = arith.addi %mul3A_709, %add3A_710 : i32
      %get3A_712 = arith.constant 1 : i32
      %get3A_713 = arith.index_cast %get3A_712 : i32 to index
      %get3A_714 = arith.index_cast %add3A_711 : i32 to index
      %get3A_715 = arith.constant 336 : index
      %get3A_716 = tpu.vector_load %arg6[%get3A_713, %get3A_714, %get3A_715] {strides = array<i32>} : memref<2x32x384xi32, #tpu.memory_space<vmem>>, vector<16xi32>,
      %bitcast3A_717 = vector.bitcast %get3A_716 : vector<16xi32> to vector<32xbf16>
      %add3A_718 = arith.addf %bitcast3A_707, %bitcast3A_717 : vector<32xbf16>
      %unpack3A_719 = tpu.unpack_subelements %add3A_718, 0 {pack_format = #tpu.pack_format<interleaved>} : vector<32xbf16> -> vector<16xf32>
      %unpack3A_720 = tpu.unpack_subelements %add3A_718, 1 {pack_format = #tpu.pack_format<interleaved>} : vector<32xbf16> -> vector<16xf32>
      %swap3A_721 = arith.index_cast %scan3A_135 : i32 to index
      %swap3A_722 = arith.constant 336 : index
      %swap3A_723 = tpu.vector_load %arg7[%swap3A_721, %swap3A_722] {strides = array<i32>} : memref<16x768xf32, #tpu.memory_space<vmem>>, vector<16xf32>,
      tpu.vector_store %arg7[%swap3A_721, %swap3A_722], %unpack3A_719 {strides = array<i32>} : memref<16x768xf32, #tpu.memory_space<vmem>>, vector<16xf32>,
      %swap3A_724 = arith.index_cast %scan3A_135 : i32 to index
      %swap3A_725 = arith.constant 720 : index
      %swap3A_726 = tpu.vector_load %arg7[%swap3A_724, %swap3A_725] {strides = array<i32>} : memref<16x768xf32, #tpu.memory_space<vmem>>, vector<16xf32>,
      tpu.vector_store %arg7[%swap3A_724, %swap3A_725], %unpack3A_720 {strides = array<i32>} : memref<16x768xf32, #tpu.memory_space<vmem>>, vector<16xf32>,
      %mul3A_727 = arith.constant 2 : i32
      %mul3A_728 = arith.muli %mul3A_727, %scan3A_135 : i32
      %get3A_729 = arith.constant 1 : i32
      %get3A_730 = arith.index_cast %get3A_729 : i32 to index
      %get3A_731 = arith.index_cast %mul3A_728 : i32 to index
      %get3A_732 = arith.constant 352 : index
      %get3A_733 = tpu.vector_load %arg6[%get3A_730, %get3A_731, %get3A_732] {strides = array<i32>} : memref<2x32x384xi32, #tpu.memory_space<vmem>>, vector<16xi32>,
      %bitcast3A_734 = vector.bitcast %get3A_733 : vector<16xi32> to vector<32xbf16>
      %mul3A_735 = arith.constant 2 : i32
      %mul3A_736 = arith.muli %mul3A_735, %scan3A_135 : i32
      %add3A_737 = arith.constant 1 : i32
      %add3A_738 = arith.addi %mul3A_736, %add3A_737 : i32
      %get3A_739 = arith.constant 1 : i32
      %get3A_740 = arith.index_cast %get3A_739 : i32 to index
      %get3A_741 = arith.index_cast %add3A_738 : i32 to index
      %get3A_742 = arith.constant 352 : index
      %get3A_743 = tpu.vector_load %arg6[%get3A_740, %get3A_741, %get3A_742] {strides = array<i32>} : memref<2x32x384xi32, #tpu.memory_space<vmem>>, vector<16xi32>,
      %bitcast3A_744 = vector.bitcast %get3A_743 : vector<16xi32> to vector<32xbf16>
      %add3A_745 = arith.addf %bitcast3A_734, %bitcast3A_744 : vector<32xbf16>
      %unpack3A_746 = tpu.unpack_subelements %add3A_745, 0 {pack_format = #tpu.pack_format<interleaved>} : vector<32xbf16> -> vector<16xf32>
      %unpack3A_747 = tpu.unpack_subelements %add3A_745, 1 {pack_format = #tpu.pack_format<interleaved>} : vector<32xbf16> -> vector<16xf32>
      %swap3A_748 = arith.index_cast %scan3A_135 : i32 to index
      %swap3A_749 = arith.constant 352 : index
      %swap3A_750 = tpu.vector_load %arg7[%swap3A_748, %swap3A_749] {strides = array<i32>} : memref<16x768xf32, #tpu.memory_space<vmem>>, vector<16xf32>,
      tpu.vector_store %arg7[%swap3A_748, %swap3A_749], %unpack3A_746 {strides = array<i32>} : memref<16x768xf32, #tpu.memory_space<vmem>>, vector<16xf32>,
      %swap3A_751 = arith.index_cast %scan3A_135 : i32 to index
      %swap3A_752 = arith.constant 736 : index
      %swap3A_753 = tpu.vector_load %arg7[%swap3A_751, %swap3A_752] {strides = array<i32>} : memref<16x768xf32, #tpu.memory_space<vmem>>, vector<16xf32>,
      tpu.vector_store %arg7[%swap3A_751, %swap3A_752], %unpack3A_747 {strides = array<i32>} : memref<16x768xf32, #tpu.memory_space<vmem>>, vector<16xf32>,
      %mul3A_754 = arith.constant 2 : i32
      %mul3A_755 = arith.muli %mul3A_754, %scan3A_135 : i32
      %get3A_756 = arith.constant 1 : i32
      %get3A_757 = arith.index_cast %get3A_756 : i32 to index
      %get3A_758 = arith.index_cast %mul3A_755 : i32 to index
      %get3A_759 = arith.constant 368 : index
      %get3A_760 = tpu.vector_load %arg6[%get3A_757, %get3A_758, %get3A_759] {strides = array<i32>} : memref<2x32x384xi32, #tpu.memory_space<vmem>>, vector<16xi32>,
      %bitcast3A_761 = vector.bitcast %get3A_760 : vector<16xi32> to vector<32xbf16>
      %mul3A_762 = arith.constant 2 : i32
      %mul3A_763 = arith.muli %mul3A_762, %scan3A_135 : i32
      %add3A_764 = arith.constant 1 : i32
      %add3A_765 = arith.addi %mul3A_763, %add3A_764 : i32
      %get3A_766 = arith.constant 1 : i32
      %get3A_767 = arith.index_cast %get3A_766 : i32 to index
      %get3A_768 = arith.index_cast %add3A_765 : i32 to index
      %get3A_769 = arith.constant 368 : index
      %get3A_770 = tpu.vector_load %arg6[%get3A_767, %get3A_768, %get3A_769] {strides = array<i32>} : memref<2x32x384xi32, #tpu.memory_space<vmem>>, vector<16xi32>,
      %bitcast3A_771 = vector.bitcast %get3A_770 : vector<16xi32> to vector<32xbf16>
      %add3A_772 = arith.addf %bitcast3A_761, %bitcast3A_771 : vector<32xbf16>
      %unpack3A_773 = tpu.unpack_subelements %add3A_772, 0 {pack_format = #tpu.pack_format<interleaved>} : vector<32xbf16> -> vector<16xf32>
      %unpack3A_774 = tpu.unpack_subelements %add3A_772, 1 {pack_format = #tpu.pack_format<interleaved>} : vector<32xbf16> -> vector<16xf32>
      %swap3A_775 = arith.index_cast %scan3A_135 : i32 to index
      %swap3A_776 = arith.constant 368 : index
      %swap3A_777 = tpu.vector_load %arg7[%swap3A_775, %swap3A_776] {strides = array<i32>} : memref<16x768xf32, #tpu.memory_space<vmem>>, vector<16xf32>,
      tpu.vector_store %arg7[%swap3A_775, %swap3A_776], %unpack3A_773 {strides = array<i32>} : memref<16x768xf32, #tpu.memory_space<vmem>>, vector<16xf32>,
      %swap3A_778 = arith.index_cast %scan3A_135 : i32 to index
      %swap3A_779 = arith.constant 752 : index
      %swap3A_780 = tpu.vector_load %arg7[%swap3A_778, %swap3A_779] {strides = array<i32>} : memref<16x768xf32, #tpu.memory_space<vmem>>, vector<16xf32>,
      tpu.vector_store %arg7[%swap3A_778, %swap3A_779], %unpack3A_774 {strides = array<i32>} : memref<16x768xf32, #tpu.memory_space<vmem>>, vector<16xf32>,
      %scan3A_781 = arith.constant 0 : i32
      scf.yield %scan3A_781 : i32
    }
    %scan3A_71 = arith.constant 16 : i32
    %mul3A_72 = arith.constant 64 : i32
    %mul3A_73 = arith.muli %add3A, %mul3A_72 : i32
    %add3A_74 = arith.constant 16 : i32
    %add3A_75 = arith.addi %mul3A_73, %add3A_74 : i32
    "tpu.region"() ({
      %run_scoped3A = tpu.sem_alloc : memref<!tpu.dma_semaphore, #tpu.memory_space<semaphore_mem>>
      %dma_start3A = arith.constant 0 : i32
      %dma_start3A_135 = tpu.memref_slice %arg4[%add3A_75, %dma_start3A] : memref<2048x768xf32, #tpu.memory_space<hbm>> -> memref<16x768xf32, #tpu.memory_space<hbm>>
      %dma_start3A_136 = arith.constant 0 : i32
      %dma_start3A_137 = tpu.memref_slice %arg4[%add3A_75, %dma_start3A_136] : memref<2048x768xf32, #tpu.memory_space<hbm>> -> memref<16x768xf32, #tpu.memory_space<hbm>>
      tpu.enqueue_dma source(%arg7 : memref<16x768xf32, #tpu.memory_space<vmem>>) target(%dma_start3A_137 : memref<16x768xf32, #tpu.memory_space<hbm>>) target_semaphore(%run_scoped3A : memref<!tpu.dma_semaphore, #tpu.memory_space<semaphore_mem>>)
      %dma_wait3A_138 = arith.constant 0 : i32
      %dma_wait3A_139 = tpu.memref_slice %arg4[%add3A_75, %dma_wait3A_138] : memref<2048x768xf32, #tpu.memory_space<hbm>> -> memref<16x768xf32, #tpu.memory_space<hbm>>
      %dma_wait3A_140 = arith.constant 0 : i32
      %dma_wait3A_141 = tpu.memref_slice %arg4[%add3A_75, %dma_wait3A_140] : memref<2048x768xf32, #tpu.memory_space<hbm>> -> memref<16x768xf32, #tpu.memory_space<hbm>>
      tpu.wait_dma2 semaphore(%run_scoped3A : memref<!tpu.dma_semaphore, #tpu.memory_space<semaphore_mem>>) src(%arg7 : memref<16x768xf32, #tpu.memory_space<vmem>>) dst(%dma_wait3A_141 : memref<16x768xf32, #tpu.memory_space<hbm>>)
      tpu.yield
    }) : () -> ()
    %scan3A_76 = arith.constant 0 : i32
    %scan3A_77 = arith.constant 0 : i32
    %scan3A_78 = arith.constant 32 : i32
    %scan3A_79 = arith.addi %scan3A_77, %scan3A_78 : i32
    %scan3A_80 = arith.constant 1 : i32
    %scan3A_81 = scf.for %scan3A_135 = %scan3A_77 to %scan3A_79 step %scan3A_80 iter_args(%scan3A_136 = %scan3A_76) -> (i32)  : i32 {
      %add3A_137 = arith.constant 96 : i32
      %add3A_138 = arith.addi %add3A_137, %scan3A_135 : i32
      %shift_right_arithmetic3A = arith.constant 4 : i32
      %shift_right_arithmetic3A_139 = arith.shrsi %add3A_138, %shift_right_arithmetic3A : i32
      %mul3A_140 = arith.constant 16 : i32
      %mul3A_141 = arith.muli %shift_right_arithmetic3A_139, %mul3A_140 : i32
      %get3A = arith.index_cast %mul3A_141 : i32 to index
      %get3A_142 = tpu.vector_load %arg5[%get3A] {strides = array<i32>} : memref<128xi32, #tpu.memory_space<vmem>>, vector<16xi32>,
      %and3A = arith.constant 15 : i32
      %and3A_143 = arith.andi %add3A_138, %and3A : i32
      %eq3A = vector.broadcast %and3A_143 : i32 to vector<16xi32>
      %eq3A_144 = arith.cmpi eq, %iota3A, %eq3A : vector<16xi32>
      %jit3A = arith.constant 0 : i32
      %broadcast_in_dim3A = vector.broadcast %jit3A : i32 to vector<16xi32>
      %select_n3A = arith.select %eq3A_144, %get3A_142, %broadcast_in_dim3A : vector<16xi1>, vector<16xi32>
      %reduce_sum3A = arith.constant true
      %reduce_sum3A_145 = vector.broadcast %reduce_sum3A : i1 to vector<16xi1>
      %reduce_sum3A_146 = tpu.scan <sum>, %select_n3A masked %reduce_sum3A_145 : vector<16xi32>, vector<16xi1> -> vector<16xi32>
      %reduce_sum3A_147 = vector.extract %reduce_sum3A_146[15] : i32 from vector<16xi32>
      %dma_start3A = arith.constant 1 : i32
      %dma_start3A_148 = arith.constant 0 : i32
      %dma_start3A_149 = tpu.memref_slice %arg6[%dma_start3A, %scan3A_135, %dma_start3A_148] : memref<2x32x384xi32, #tpu.memory_space<vmem>> -> memref<1x1x384xi32, #tpu.memory_space<vmem>>
      %dma_start3A_150 = tpu.memref_squeeze %dma_start3A_149 : memref<1x1x384xi32, #tpu.memory_space<vmem>> -> memref<1x384xi32, #tpu.memory_space<vmem>>
      %dma_start3A_151 = arith.constant 0 : i32
      %dma_start3A_152 = tpu.memref_slice %arg2[%reduce_sum3A_147, %dma_start3A_151] : memref<5120x384xi32, #tpu.memory_space<hbm>> -> memref<1x384xi32, #tpu.memory_space<hbm>>
      %dma_start3A_153 = arith.constant 0 : i32
      %dma_start3A_154 = tpu.memref_slice %arg6[%dma_start3A, %scan3A_135, %dma_start3A_153] : memref<2x32x384xi32, #tpu.memory_space<vmem>> -> memref<1x1x384xi32, #tpu.memory_space<vmem>>
      %dma_start3A_155 = tpu.memref_squeeze %dma_start3A_154 : memref<1x1x384xi32, #tpu.memory_space<vmem>> -> memref<1x384xi32, #tpu.memory_space<vmem>>
      %dma_start3A_156 = arith.constant 0 : i32
      %dma_start3A_157 = tpu.memref_slice %arg2[%reduce_sum3A_147, %dma_start3A_156] : memref<5120x384xi32, #tpu.memory_space<hbm>> -> memref<1x384xi32, #tpu.memory_space<hbm>>
      tpu.enqueue_dma source(%dma_start3A_157 : memref<1x384xi32, #tpu.memory_space<hbm>>) target(%dma_start3A_155 : memref<1x384xi32, #tpu.memory_space<vmem>>) target_semaphore(%arg9 : memref<!tpu.dma_semaphore, #tpu.memory_space<semaphore_mem>>)
      %scan3A_158 = arith.constant 0 : i32
      scf.yield %scan3A_158 : i32
    }
    %scan3A_82 = arith.constant 32 : i32
    %dma_wait3A_83 = arith.constant 0 : i32
    %dma_wait3A_84 = arith.constant 0 : i32
    %dma_wait3A_85 = arith.constant 0 : i32
    %dma_wait3A_86 = tpu.memref_slice %arg6[%dma_wait3A_83, %dma_wait3A_84, %dma_wait3A_85] : memref<2x32x384xi32, #tpu.memory_space<vmem>> -> memref<1x32x384xi32, #tpu.memory_space<vmem>>
    %dma_wait3A_87 = tpu.memref_squeeze %dma_wait3A_86 : memref<1x32x384xi32, #tpu.memory_space<vmem>> -> memref<32x384xi32, #tpu.memory_space<vmem>>
    %dma_wait3A_88 = arith.constant 0 : i32
    %dma_wait3A_89 = arith.constant 0 : i32
    %dma_wait3A_90 = tpu.memref_slice %arg2[%dma_wait3A_88, %dma_wait3A_89] : memref<5120x384xi32, #tpu.memory_space<hbm>> -> memref<32x384xi32, #tpu.memory_space<hbm>>
    %dma_wait3A_91 = arith.constant 0 : i32
    %dma_wait3A_92 = arith.constant 0 : i32
    %dma_wait3A_93 = tpu.memref_slice %arg6[%dma_wait3A_83, %dma_wait3A_91, %dma_wait3A_92] : memref<2x32x384xi32, #tpu.memory_space<vmem>> -> memref<1x32x384xi32, #tpu.memory_space<vmem>>
    %dma_wait3A_94 = tpu.memref_squeeze %dma_wait3A_93 : memref<1x32x384xi32, #tpu.memory_space<vmem>> -> memref<32x384xi32, #tpu.memory_space<vmem>>
    %dma_wait3A_95 = arith.constant 0 : i32
    %dma_wait3A_96 = arith.constant 0 : i32
    %dma_wait3A_97 = tpu.memref_slice %arg2[%dma_wait3A_95, %dma_wait3A_96] : memref<5120x384xi32, #tpu.memory_space<hbm>> -> memref<32x384xi32, #tpu.memory_space<hbm>>
    tpu.wait_dma2 semaphore(%arg8 : memref<!tpu.dma_semaphore, #tpu.memory_space<semaphore_mem>>) src(%dma_wait3A_97 : memref<32x384xi32, #tpu.memory_space<hbm>>) dst(%dma_wait3A_94 : memref<32x384xi32, #tpu.memory_space<vmem>>)
    %scan3A_98 = arith.constant 0 : i32
    %scan3A_99 = arith.constant 0 : i32
    %scan3A_100 = arith.constant 16 : i32
    %scan3A_101 = arith.addi %scan3A_99, %scan3A_100 : i32
    %scan3A_102 = arith.constant 1 : i32
    %scan3A_103 = scf.for %scan3A_135 = %scan3A_99 to %scan3A_101 step %scan3A_102 iter_args(%scan3A_136 = %scan3A_98) -> (i32)  : i32 {
      %mul3A_137 = arith.constant 2 : i32
      %mul3A_138 = arith.muli %mul3A_137, %scan3A_135 : i32
      %get3A = arith.constant 0 : i32
      %get3A_139 = arith.index_cast %get3A : i32 to index
      %get3A_140 = arith.index_cast %mul3A_138 : i32 to index
      %get3A_141 = arith.constant 0 : index
      %get3A_142 = tpu.vector_load %arg6[%get3A_139, %get3A_140, %get3A_141] {strides = array<i32>} : memref<2x32x384xi32, #tpu.memory_space<vmem>>, vector<16xi32>,
      %bitcast3A = vector.bitcast %get3A_142 : vector<16xi32> to vector<32xbf16>
      %mul3A_143 = arith.constant 2 : i32
      %mul3A_144 = arith.muli %mul3A_143, %scan3A_135 : i32
      %add3A_145 = arith.constant 1 : i32
      %add3A_146 = arith.addi %mul3A_144, %add3A_145 : i32
      %get3A_147 = arith.constant 0 : i32
      %get3A_148 = arith.index_cast %get3A_147 : i32 to index
      %get3A_149 = arith.index_cast %add3A_146 : i32 to index
      %get3A_150 = arith.constant 0 : index
      %get3A_151 = tpu.vector_load %arg6[%get3A_148, %get3A_149, %get3A_150] {strides = array<i32>} : memref<2x32x384xi32, #tpu.memory_space<vmem>>, vector<16xi32>,
      %bitcast3A_152 = vector.bitcast %get3A_151 : vector<16xi32> to vector<32xbf16>
      %add3A_153 = arith.addf %bitcast3A, %bitcast3A_152 : vector<32xbf16>
      %unpack3A = tpu.unpack_subelements %add3A_153, 0 {pack_format = #tpu.pack_format<interleaved>} : vector<32xbf16> -> vector<16xf32>
      %unpack3A_154 = tpu.unpack_subelements %add3A_153, 1 {pack_format = #tpu.pack_format<interleaved>} : vector<32xbf16> -> vector<16xf32>
      %swap3A = arith.index_cast %scan3A_135 : i32 to index
      %swap3A_155 = arith.constant 0 : index
      %swap3A_156 = tpu.vector_load %arg7[%swap3A, %swap3A_155] {strides = array<i32>} : memref<16x768xf32, #tpu.memory_space<vmem>>, vector<16xf32>,
      tpu.vector_store %arg7[%swap3A, %swap3A_155], %unpack3A {strides = array<i32>} : memref<16x768xf32, #tpu.memory_space<vmem>>, vector<16xf32>,
      %swap3A_157 = arith.index_cast %scan3A_135 : i32 to index
      %swap3A_158 = arith.constant 384 : index
      %swap3A_159 = tpu.vector_load %arg7[%swap3A_157, %swap3A_158] {strides = array<i32>} : memref<16x768xf32, #tpu.memory_space<vmem>>, vector<16xf32>,
      tpu.vector_store %arg7[%swap3A_157, %swap3A_158], %unpack3A_154 {strides = array<i32>} : memref<16x768xf32, #tpu.memory_space<vmem>>, vector<16xf32>,
      %mul3A_160 = arith.constant 2 : i32
      %mul3A_161 = arith.muli %mul3A_160, %scan3A_135 : i32
      %get3A_162 = arith.constant 0 : i32
      %get3A_163 = arith.index_cast %get3A_162 : i32 to index
      %get3A_164 = arith.index_cast %mul3A_161 : i32 to index
      %get3A_165 = arith.constant 16 : index
      %get3A_166 = tpu.vector_load %arg6[%get3A_163, %get3A_164, %get3A_165] {strides = array<i32>} : memref<2x32x384xi32, #tpu.memory_space<vmem>>, vector<16xi32>,
      %bitcast3A_167 = vector.bitcast %get3A_166 : vector<16xi32> to vector<32xbf16>
      %mul3A_168 = arith.constant 2 : i32
      %mul3A_169 = arith.muli %mul3A_168, %scan3A_135 : i32
      %add3A_170 = arith.constant 1 : i32
      %add3A_171 = arith.addi %mul3A_169, %add3A_170 : i32
      %get3A_172 = arith.constant 0 : i32
      %get3A_173 = arith.index_cast %get3A_172 : i32 to index
      %get3A_174 = arith.index_cast %add3A_171 : i32 to index
      %get3A_175 = arith.constant 16 : index
      %get3A_176 = tpu.vector_load %arg6[%get3A_173, %get3A_174, %get3A_175] {strides = array<i32>} : memref<2x32x384xi32, #tpu.memory_space<vmem>>, vector<16xi32>,
      %bitcast3A_177 = vector.bitcast %get3A_176 : vector<16xi32> to vector<32xbf16>
      %add3A_178 = arith.addf %bitcast3A_167, %bitcast3A_177 : vector<32xbf16>
      %unpack3A_179 = tpu.unpack_subelements %add3A_178, 0 {pack_format = #tpu.pack_format<interleaved>} : vector<32xbf16> -> vector<16xf32>
      %unpack3A_180 = tpu.unpack_subelements %add3A_178, 1 {pack_format = #tpu.pack_format<interleaved>} : vector<32xbf16> -> vector<16xf32>
      %swap3A_181 = arith.index_cast %scan3A_135 : i32 to index
      %swap3A_182 = arith.constant 16 : index
      %swap3A_183 = tpu.vector_load %arg7[%swap3A_181, %swap3A_182] {strides = array<i32>} : memref<16x768xf32, #tpu.memory_space<vmem>>, vector<16xf32>,
      tpu.vector_store %arg7[%swap3A_181, %swap3A_182], %unpack3A_179 {strides = array<i32>} : memref<16x768xf32, #tpu.memory_space<vmem>>, vector<16xf32>,
      %swap3A_184 = arith.index_cast %scan3A_135 : i32 to index
      %swap3A_185 = arith.constant 400 : index
      %swap3A_186 = tpu.vector_load %arg7[%swap3A_184, %swap3A_185] {strides = array<i32>} : memref<16x768xf32, #tpu.memory_space<vmem>>, vector<16xf32>,
      tpu.vector_store %arg7[%swap3A_184, %swap3A_185], %unpack3A_180 {strides = array<i32>} : memref<16x768xf32, #tpu.memory_space<vmem>>, vector<16xf32>,
      %mul3A_187 = arith.constant 2 : i32
      %mul3A_188 = arith.muli %mul3A_187, %scan3A_135 : i32
      %get3A_189 = arith.constant 0 : i32
      %get3A_190 = arith.index_cast %get3A_189 : i32 to index
      %get3A_191 = arith.index_cast %mul3A_188 : i32 to index
      %get3A_192 = arith.constant 32 : index
      %get3A_193 = tpu.vector_load %arg6[%get3A_190, %get3A_191, %get3A_192] {strides = array<i32>} : memref<2x32x384xi32, #tpu.memory_space<vmem>>, vector<16xi32>,
      %bitcast3A_194 = vector.bitcast %get3A_193 : vector<16xi32> to vector<32xbf16>
      %mul3A_195 = arith.constant 2 : i32
      %mul3A_196 = arith.muli %mul3A_195, %scan3A_135 : i32
      %add3A_197 = arith.constant 1 : i32
      %add3A_198 = arith.addi %mul3A_196, %add3A_197 : i32
      %get3A_199 = arith.constant 0 : i32
      %get3A_200 = arith.index_cast %get3A_199 : i32 to index
      %get3A_201 = arith.index_cast %add3A_198 : i32 to index
      %get3A_202 = arith.constant 32 : index
      %get3A_203 = tpu.vector_load %arg6[%get3A_200, %get3A_201, %get3A_202] {strides = array<i32>} : memref<2x32x384xi32, #tpu.memory_space<vmem>>, vector<16xi32>,
      %bitcast3A_204 = vector.bitcast %get3A_203 : vector<16xi32> to vector<32xbf16>
      %add3A_205 = arith.addf %bitcast3A_194, %bitcast3A_204 : vector<32xbf16>
      %unpack3A_206 = tpu.unpack_subelements %add3A_205, 0 {pack_format = #tpu.pack_format<interleaved>} : vector<32xbf16> -> vector<16xf32>
      %unpack3A_207 = tpu.unpack_subelements %add3A_205, 1 {pack_format = #tpu.pack_format<interleaved>} : vector<32xbf16> -> vector<16xf32>
      %swap3A_208 = arith.index_cast %scan3A_135 : i32 to index
      %swap3A_209 = arith.constant 32 : index
      %swap3A_210 = tpu.vector_load %arg7[%swap3A_208, %swap3A_209] {strides = array<i32>} : memref<16x768xf32, #tpu.memory_space<vmem>>, vector<16xf32>,
      tpu.vector_store %arg7[%swap3A_208, %swap3A_209], %unpack3A_206 {strides = array<i32>} : memref<16x768xf32, #tpu.memory_space<vmem>>, vector<16xf32>,
      %swap3A_211 = arith.index_cast %scan3A_135 : i32 to index
      %swap3A_212 = arith.constant 416 : index
      %swap3A_213 = tpu.vector_load %arg7[%swap3A_211, %swap3A_212] {strides = array<i32>} : memref<16x768xf32, #tpu.memory_space<vmem>>, vector<16xf32>,
      tpu.vector_store %arg7[%swap3A_211, %swap3A_212], %unpack3A_207 {strides = array<i32>} : memref<16x768xf32, #tpu.memory_space<vmem>>, vector<16xf32>,
      %mul3A_214 = arith.constant 2 : i32
      %mul3A_215 = arith.muli %mul3A_214, %scan3A_135 : i32
      %get3A_216 = arith.constant 0 : i32
      %get3A_217 = arith.index_cast %get3A_216 : i32 to index
      %get3A_218 = arith.index_cast %mul3A_215 : i32 to index
      %get3A_219 = arith.constant 48 : index
      %get3A_220 = tpu.vector_load %arg6[%get3A_217, %get3A_218, %get3A_219] {strides = array<i32>} : memref<2x32x384xi32, #tpu.memory_space<vmem>>, vector<16xi32>,
      %bitcast3A_221 = vector.bitcast %get3A_220 : vector<16xi32> to vector<32xbf16>
      %mul3A_222 = arith.constant 2 : i32
      %mul3A_223 = arith.muli %mul3A_222, %scan3A_135 : i32
      %add3A_224 = arith.constant 1 : i32
      %add3A_225 = arith.addi %mul3A_223, %add3A_224 : i32
      %get3A_226 = arith.constant 0 : i32
      %get3A_227 = arith.index_cast %get3A_226 : i32 to index
      %get3A_228 = arith.index_cast %add3A_225 : i32 to index
      %get3A_229 = arith.constant 48 : index
      %get3A_230 = tpu.vector_load %arg6[%get3A_227, %get3A_228, %get3A_229] {strides = array<i32>} : memref<2x32x384xi32, #tpu.memory_space<vmem>>, vector<16xi32>,
      %bitcast3A_231 = vector.bitcast %get3A_230 : vector<16xi32> to vector<32xbf16>
      %add3A_232 = arith.addf %bitcast3A_221, %bitcast3A_231 : vector<32xbf16>
      %unpack3A_233 = tpu.unpack_subelements %add3A_232, 0 {pack_format = #tpu.pack_format<interleaved>} : vector<32xbf16> -> vector<16xf32>
      %unpack3A_234 = tpu.unpack_subelements %add3A_232, 1 {pack_format = #tpu.pack_format<interleaved>} : vector<32xbf16> -> vector<16xf32>
      %swap3A_235 = arith.index_cast %scan3A_135 : i32 to index
      %swap3A_236 = arith.constant 48 : index
      %swap3A_237 = tpu.vector_load %arg7[%swap3A_235, %swap3A_236] {strides = array<i32>} : memref<16x768xf32, #tpu.memory_space<vmem>>, vector<16xf32>,
      tpu.vector_store %arg7[%swap3A_235, %swap3A_236], %unpack3A_233 {strides = array<i32>} : memref<16x768xf32, #tpu.memory_space<vmem>>, vector<16xf32>,
      %swap3A_238 = arith.index_cast %scan3A_135 : i32 to index
      %swap3A_239 = arith.constant 432 : index
      %swap3A_240 = tpu.vector_load %arg7[%swap3A_238, %swap3A_239] {strides = array<i32>} : memref<16x768xf32, #tpu.memory_space<vmem>>, vector<16xf32>,
      tpu.vector_store %arg7[%swap3A_238, %swap3A_239], %unpack3A_234 {strides = array<i32>} : memref<16x768xf32, #tpu.memory_space<vmem>>, vector<16xf32>,
      %mul3A_241 = arith.constant 2 : i32
      %mul3A_242 = arith.muli %mul3A_241, %scan3A_135 : i32
      %get3A_243 = arith.constant 0 : i32
      %get3A_244 = arith.index_cast %get3A_243 : i32 to index
      %get3A_245 = arith.index_cast %mul3A_242 : i32 to index
      %get3A_246 = arith.constant 64 : index
      %get3A_247 = tpu.vector_load %arg6[%get3A_244, %get3A_245, %get3A_246] {strides = array<i32>} : memref<2x32x384xi32, #tpu.memory_space<vmem>>, vector<16xi32>,
      %bitcast3A_248 = vector.bitcast %get3A_247 : vector<16xi32> to vector<32xbf16>
      %mul3A_249 = arith.constant 2 : i32
      %mul3A_250 = arith.muli %mul3A_249, %scan3A_135 : i32
      %add3A_251 = arith.constant 1 : i32
      %add3A_252 = arith.addi %mul3A_250, %add3A_251 : i32
      %get3A_253 = arith.constant 0 : i32
      %get3A_254 = arith.index_cast %get3A_253 : i32 to index
      %get3A_255 = arith.index_cast %add3A_252 : i32 to index
      %get3A_256 = arith.constant 64 : index
      %get3A_257 = tpu.vector_load %arg6[%get3A_254, %get3A_255, %get3A_256] {strides = array<i32>} : memref<2x32x384xi32, #tpu.memory_space<vmem>>, vector<16xi32>,
      %bitcast3A_258 = vector.bitcast %get3A_257 : vector<16xi32> to vector<32xbf16>
      %add3A_259 = arith.addf %bitcast3A_248, %bitcast3A_258 : vector<32xbf16>
      %unpack3A_260 = tpu.unpack_subelements %add3A_259, 0 {pack_format = #tpu.pack_format<interleaved>} : vector<32xbf16> -> vector<16xf32>
      %unpack3A_261 = tpu.unpack_subelements %add3A_259, 1 {pack_format = #tpu.pack_format<interleaved>} : vector<32xbf16> -> vector<16xf32>
      %swap3A_262 = arith.index_cast %scan3A_135 : i32 to index
      %swap3A_263 = arith.constant 64 : index
      %swap3A_264 = tpu.vector_load %arg7[%swap3A_262, %swap3A_263] {strides = array<i32>} : memref<16x768xf32, #tpu.memory_space<vmem>>, vector<16xf32>,
      tpu.vector_store %arg7[%swap3A_262, %swap3A_263], %unpack3A_260 {strides = array<i32>} : memref<16x768xf32, #tpu.memory_space<vmem>>, vector<16xf32>,
      %swap3A_265 = arith.index_cast %scan3A_135 : i32 to index
      %swap3A_266 = arith.constant 448 : index
      %swap3A_267 = tpu.vector_load %arg7[%swap3A_265, %swap3A_266] {strides = array<i32>} : memref<16x768xf32, #tpu.memory_space<vmem>>, vector<16xf32>,
      tpu.vector_store %arg7[%swap3A_265, %swap3A_266], %unpack3A_261 {strides = array<i32>} : memref<16x768xf32, #tpu.memory_space<vmem>>, vector<16xf32>,
      %mul3A_268 = arith.constant 2 : i32
      %mul3A_269 = arith.muli %mul3A_268, %scan3A_135 : i32
      %get3A_270 = arith.constant 0 : i32
      %get3A_271 = arith.index_cast %get3A_270 : i32 to index
      %get3A_272 = arith.index_cast %mul3A_269 : i32 to index
      %get3A_273 = arith.constant 80 : index
      %get3A_274 = tpu.vector_load %arg6[%get3A_271, %get3A_272, %get3A_273] {strides = array<i32>} : memref<2x32x384xi32, #tpu.memory_space<vmem>>, vector<16xi32>,
      %bitcast3A_275 = vector.bitcast %get3A_274 : vector<16xi32> to vector<32xbf16>
      %mul3A_276 = arith.constant 2 : i32
      %mul3A_277 = arith.muli %mul3A_276, %scan3A_135 : i32
      %add3A_278 = arith.constant 1 : i32
      %add3A_279 = arith.addi %mul3A_277, %add3A_278 : i32
      %get3A_280 = arith.constant 0 : i32
      %get3A_281 = arith.index_cast %get3A_280 : i32 to index
      %get3A_282 = arith.index_cast %add3A_279 : i32 to index
      %get3A_283 = arith.constant 80 : index
      %get3A_284 = tpu.vector_load %arg6[%get3A_281, %get3A_282, %get3A_283] {strides = array<i32>} : memref<2x32x384xi32, #tpu.memory_space<vmem>>, vector<16xi32>,
      %bitcast3A_285 = vector.bitcast %get3A_284 : vector<16xi32> to vector<32xbf16>
      %add3A_286 = arith.addf %bitcast3A_275, %bitcast3A_285 : vector<32xbf16>
      %unpack3A_287 = tpu.unpack_subelements %add3A_286, 0 {pack_format = #tpu.pack_format<interleaved>} : vector<32xbf16> -> vector<16xf32>
      %unpack3A_288 = tpu.unpack_subelements %add3A_286, 1 {pack_format = #tpu.pack_format<interleaved>} : vector<32xbf16> -> vector<16xf32>
      %swap3A_289 = arith.index_cast %scan3A_135 : i32 to index
      %swap3A_290 = arith.constant 80 : index
      %swap3A_291 = tpu.vector_load %arg7[%swap3A_289, %swap3A_290] {strides = array<i32>} : memref<16x768xf32, #tpu.memory_space<vmem>>, vector<16xf32>,
      tpu.vector_store %arg7[%swap3A_289, %swap3A_290], %unpack3A_287 {strides = array<i32>} : memref<16x768xf32, #tpu.memory_space<vmem>>, vector<16xf32>,
      %swap3A_292 = arith.index_cast %scan3A_135 : i32 to index
      %swap3A_293 = arith.constant 464 : index
      %swap3A_294 = tpu.vector_load %arg7[%swap3A_292, %swap3A_293] {strides = array<i32>} : memref<16x768xf32, #tpu.memory_space<vmem>>, vector<16xf32>,
      tpu.vector_store %arg7[%swap3A_292, %swap3A_293], %unpack3A_288 {strides = array<i32>} : memref<16x768xf32, #tpu.memory_space<vmem>>, vector<16xf32>,
      %mul3A_295 = arith.constant 2 : i32
      %mul3A_296 = arith.muli %mul3A_295, %scan3A_135 : i32
      %get3A_297 = arith.constant 0 : i32
      %get3A_298 = arith.index_cast %get3A_297 : i32 to index
      %get3A_299 = arith.index_cast %mul3A_296 : i32 to index
      %get3A_300 = arith.constant 96 : index
      %get3A_301 = tpu.vector_load %arg6[%get3A_298, %get3A_299, %get3A_300] {strides = array<i32>} : memref<2x32x384xi32, #tpu.memory_space<vmem>>, vector<16xi32>,
      %bitcast3A_302 = vector.bitcast %get3A_301 : vector<16xi32> to vector<32xbf16>
      %mul3A_303 = arith.constant 2 : i32
      %mul3A_304 = arith.muli %mul3A_303, %scan3A_135 : i32
      %add3A_305 = arith.constant 1 : i32
      %add3A_306 = arith.addi %mul3A_304, %add3A_305 : i32
      %get3A_307 = arith.constant 0 : i32
      %get3A_308 = arith.index_cast %get3A_307 : i32 to index
      %get3A_309 = arith.index_cast %add3A_306 : i32 to index
      %get3A_310 = arith.constant 96 : index
      %get3A_311 = tpu.vector_load %arg6[%get3A_308, %get3A_309, %get3A_310] {strides = array<i32>} : memref<2x32x384xi32, #tpu.memory_space<vmem>>, vector<16xi32>,
      %bitcast3A_312 = vector.bitcast %get3A_311 : vector<16xi32> to vector<32xbf16>
      %add3A_313 = arith.addf %bitcast3A_302, %bitcast3A_312 : vector<32xbf16>
      %unpack3A_314 = tpu.unpack_subelements %add3A_313, 0 {pack_format = #tpu.pack_format<interleaved>} : vector<32xbf16> -> vector<16xf32>
      %unpack3A_315 = tpu.unpack_subelements %add3A_313, 1 {pack_format = #tpu.pack_format<interleaved>} : vector<32xbf16> -> vector<16xf32>
      %swap3A_316 = arith.index_cast %scan3A_135 : i32 to index
      %swap3A_317 = arith.constant 96 : index
      %swap3A_318 = tpu.vector_load %arg7[%swap3A_316, %swap3A_317] {strides = array<i32>} : memref<16x768xf32, #tpu.memory_space<vmem>>, vector<16xf32>,
      tpu.vector_store %arg7[%swap3A_316, %swap3A_317], %unpack3A_314 {strides = array<i32>} : memref<16x768xf32, #tpu.memory_space<vmem>>, vector<16xf32>,
      %swap3A_319 = arith.index_cast %scan3A_135 : i32 to index
      %swap3A_320 = arith.constant 480 : index
      %swap3A_321 = tpu.vector_load %arg7[%swap3A_319, %swap3A_320] {strides = array<i32>} : memref<16x768xf32, #tpu.memory_space<vmem>>, vector<16xf32>,
      tpu.vector_store %arg7[%swap3A_319, %swap3A_320], %unpack3A_315 {strides = array<i32>} : memref<16x768xf32, #tpu.memory_space<vmem>>, vector<16xf32>,
      %mul3A_322 = arith.constant 2 : i32
      %mul3A_323 = arith.muli %mul3A_322, %scan3A_135 : i32
      %get3A_324 = arith.constant 0 : i32
      %get3A_325 = arith.index_cast %get3A_324 : i32 to index
      %get3A_326 = arith.index_cast %mul3A_323 : i32 to index
      %get3A_327 = arith.constant 112 : index
      %get3A_328 = tpu.vector_load %arg6[%get3A_325, %get3A_326, %get3A_327] {strides = array<i32>} : memref<2x32x384xi32, #tpu.memory_space<vmem>>, vector<16xi32>,
      %bitcast3A_329 = vector.bitcast %get3A_328 : vector<16xi32> to vector<32xbf16>
      %mul3A_330 = arith.constant 2 : i32
      %mul3A_331 = arith.muli %mul3A_330, %scan3A_135 : i32
      %add3A_332 = arith.constant 1 : i32
      %add3A_333 = arith.addi %mul3A_331, %add3A_332 : i32
      %get3A_334 = arith.constant 0 : i32
      %get3A_335 = arith.index_cast %get3A_334 : i32 to index
      %get3A_336 = arith.index_cast %add3A_333 : i32 to index
      %get3A_337 = arith.constant 112 : index
      %get3A_338 = tpu.vector_load %arg6[%get3A_335, %get3A_336, %get3A_337] {strides = array<i32>} : memref<2x32x384xi32, #tpu.memory_space<vmem>>, vector<16xi32>,
      %bitcast3A_339 = vector.bitcast %get3A_338 : vector<16xi32> to vector<32xbf16>
      %add3A_340 = arith.addf %bitcast3A_329, %bitcast3A_339 : vector<32xbf16>
      %unpack3A_341 = tpu.unpack_subelements %add3A_340, 0 {pack_format = #tpu.pack_format<interleaved>} : vector<32xbf16> -> vector<16xf32>
      %unpack3A_342 = tpu.unpack_subelements %add3A_340, 1 {pack_format = #tpu.pack_format<interleaved>} : vector<32xbf16> -> vector<16xf32>
      %swap3A_343 = arith.index_cast %scan3A_135 : i32 to index
      %swap3A_344 = arith.constant 112 : index
      %swap3A_345 = tpu.vector_load %arg7[%swap3A_343, %swap3A_344] {strides = array<i32>} : memref<16x768xf32, #tpu.memory_space<vmem>>, vector<16xf32>,
      tpu.vector_store %arg7[%swap3A_343, %swap3A_344], %unpack3A_341 {strides = array<i32>} : memref<16x768xf32, #tpu.memory_space<vmem>>, vector<16xf32>,
      %swap3A_346 = arith.index_cast %scan3A_135 : i32 to index
      %swap3A_347 = arith.constant 496 : index
      %swap3A_348 = tpu.vector_load %arg7[%swap3A_346, %swap3A_347] {strides = array<i32>} : memref<16x768xf32, #tpu.memory_space<vmem>>, vector<16xf32>,
      tpu.vector_store %arg7[%swap3A_346, %swap3A_347], %unpack3A_342 {strides = array<i32>} : memref<16x768xf32, #tpu.memory_space<vmem>>, vector<16xf32>,
      %mul3A_349 = arith.constant 2 : i32
      %mul3A_350 = arith.muli %mul3A_349, %scan3A_135 : i32
      %get3A_351 = arith.constant 0 : i32
      %get3A_352 = arith.index_cast %get3A_351 : i32 to index
      %get3A_353 = arith.index_cast %mul3A_350 : i32 to index
      %get3A_354 = arith.constant 128 : index
      %get3A_355 = tpu.vector_load %arg6[%get3A_352, %get3A_353, %get3A_354] {strides = array<i32>} : memref<2x32x384xi32, #tpu.memory_space<vmem>>, vector<16xi32>,
      %bitcast3A_356 = vector.bitcast %get3A_355 : vector<16xi32> to vector<32xbf16>
      %mul3A_357 = arith.constant 2 : i32
      %mul3A_358 = arith.muli %mul3A_357, %scan3A_135 : i32
      %add3A_359 = arith.constant 1 : i32
      %add3A_360 = arith.addi %mul3A_358, %add3A_359 : i32
      %get3A_361 = arith.constant 0 : i32
      %get3A_362 = arith.index_cast %get3A_361 : i32 to index
      %get3A_363 = arith.index_cast %add3A_360 : i32 to index
      %get3A_364 = arith.constant 128 : index
      %get3A_365 = tpu.vector_load %arg6[%get3A_362, %get3A_363, %get3A_364] {strides = array<i32>} : memref<2x32x384xi32, #tpu.memory_space<vmem>>, vector<16xi32>,
      %bitcast3A_366 = vector.bitcast %get3A_365 : vector<16xi32> to vector<32xbf16>
      %add3A_367 = arith.addf %bitcast3A_356, %bitcast3A_366 : vector<32xbf16>
      %unpack3A_368 = tpu.unpack_subelements %add3A_367, 0 {pack_format = #tpu.pack_format<interleaved>} : vector<32xbf16> -> vector<16xf32>
      %unpack3A_369 = tpu.unpack_subelements %add3A_367, 1 {pack_format = #tpu.pack_format<interleaved>} : vector<32xbf16> -> vector<16xf32>
      %swap3A_370 = arith.index_cast %scan3A_135 : i32 to index
      %swap3A_371 = arith.constant 128 : index
      %swap3A_372 = tpu.vector_load %arg7[%swap3A_370, %swap3A_371] {strides = array<i32>} : memref<16x768xf32, #tpu.memory_space<vmem>>, vector<16xf32>,
      tpu.vector_store %arg7[%swap3A_370, %swap3A_371], %unpack3A_368 {strides = array<i32>} : memref<16x768xf32, #tpu.memory_space<vmem>>, vector<16xf32>,
      %swap3A_373 = arith.index_cast %scan3A_135 : i32 to index
      %swap3A_374 = arith.constant 512 : index
      %swap3A_375 = tpu.vector_load %arg7[%swap3A_373, %swap3A_374] {strides = array<i32>} : memref<16x768xf32, #tpu.memory_space<vmem>>, vector<16xf32>,
      tpu.vector_store %arg7[%swap3A_373, %swap3A_374], %unpack3A_369 {strides = array<i32>} : memref<16x768xf32, #tpu.memory_space<vmem>>, vector<16xf32>,
      %mul3A_376 = arith.constant 2 : i32
      %mul3A_377 = arith.muli %mul3A_376, %scan3A_135 : i32
      %get3A_378 = arith.constant 0 : i32
      %get3A_379 = arith.index_cast %get3A_378 : i32 to index
      %get3A_380 = arith.index_cast %mul3A_377 : i32 to index
      %get3A_381 = arith.constant 144 : index
      %get3A_382 = tpu.vector_load %arg6[%get3A_379, %get3A_380, %get3A_381] {strides = array<i32>} : memref<2x32x384xi32, #tpu.memory_space<vmem>>, vector<16xi32>,
      %bitcast3A_383 = vector.bitcast %get3A_382 : vector<16xi32> to vector<32xbf16>
      %mul3A_384 = arith.constant 2 : i32
      %mul3A_385 = arith.muli %mul3A_384, %scan3A_135 : i32
      %add3A_386 = arith.constant 1 : i32
      %add3A_387 = arith.addi %mul3A_385, %add3A_386 : i32
      %get3A_388 = arith.constant 0 : i32
      %get3A_389 = arith.index_cast %get3A_388 : i32 to index
      %get3A_390 = arith.index_cast %add3A_387 : i32 to index
      %get3A_391 = arith.constant 144 : index
      %get3A_392 = tpu.vector_load %arg6[%get3A_389, %get3A_390, %get3A_391] {strides = array<i32>} : memref<2x32x384xi32, #tpu.memory_space<vmem>>, vector<16xi32>,
      %bitcast3A_393 = vector.bitcast %get3A_392 : vector<16xi32> to vector<32xbf16>
      %add3A_394 = arith.addf %bitcast3A_383, %bitcast3A_393 : vector<32xbf16>
      %unpack3A_395 = tpu.unpack_subelements %add3A_394, 0 {pack_format = #tpu.pack_format<interleaved>} : vector<32xbf16> -> vector<16xf32>
      %unpack3A_396 = tpu.unpack_subelements %add3A_394, 1 {pack_format = #tpu.pack_format<interleaved>} : vector<32xbf16> -> vector<16xf32>
      %swap3A_397 = arith.index_cast %scan3A_135 : i32 to index
      %swap3A_398 = arith.constant 144 : index
      %swap3A_399 = tpu.vector_load %arg7[%swap3A_397, %swap3A_398] {strides = array<i32>} : memref<16x768xf32, #tpu.memory_space<vmem>>, vector<16xf32>,
      tpu.vector_store %arg7[%swap3A_397, %swap3A_398], %unpack3A_395 {strides = array<i32>} : memref<16x768xf32, #tpu.memory_space<vmem>>, vector<16xf32>,
      %swap3A_400 = arith.index_cast %scan3A_135 : i32 to index
      %swap3A_401 = arith.constant 528 : index
      %swap3A_402 = tpu.vector_load %arg7[%swap3A_400, %swap3A_401] {strides = array<i32>} : memref<16x768xf32, #tpu.memory_space<vmem>>, vector<16xf32>,
      tpu.vector_store %arg7[%swap3A_400, %swap3A_401], %unpack3A_396 {strides = array<i32>} : memref<16x768xf32, #tpu.memory_space<vmem>>, vector<16xf32>,
      %mul3A_403 = arith.constant 2 : i32
      %mul3A_404 = arith.muli %mul3A_403, %scan3A_135 : i32
      %get3A_405 = arith.constant 0 : i32
      %get3A_406 = arith.index_cast %get3A_405 : i32 to index
      %get3A_407 = arith.index_cast %mul3A_404 : i32 to index
      %get3A_408 = arith.constant 160 : index
      %get3A_409 = tpu.vector_load %arg6[%get3A_406, %get3A_407, %get3A_408] {strides = array<i32>} : memref<2x32x384xi32, #tpu.memory_space<vmem>>, vector<16xi32>,
      %bitcast3A_410 = vector.bitcast %get3A_409 : vector<16xi32> to vector<32xbf16>
      %mul3A_411 = arith.constant 2 : i32
      %mul3A_412 = arith.muli %mul3A_411, %scan3A_135 : i32
      %add3A_413 = arith.constant 1 : i32
      %add3A_414 = arith.addi %mul3A_412, %add3A_413 : i32
      %get3A_415 = arith.constant 0 : i32
      %get3A_416 = arith.index_cast %get3A_415 : i32 to index
      %get3A_417 = arith.index_cast %add3A_414 : i32 to index
      %get3A_418 = arith.constant 160 : index
      %get3A_419 = tpu.vector_load %arg6[%get3A_416, %get3A_417, %get3A_418] {strides = array<i32>} : memref<2x32x384xi32, #tpu.memory_space<vmem>>, vector<16xi32>,
      %bitcast3A_420 = vector.bitcast %get3A_419 : vector<16xi32> to vector<32xbf16>
      %add3A_421 = arith.addf %bitcast3A_410, %bitcast3A_420 : vector<32xbf16>
      %unpack3A_422 = tpu.unpack_subelements %add3A_421, 0 {pack_format = #tpu.pack_format<interleaved>} : vector<32xbf16> -> vector<16xf32>
      %unpack3A_423 = tpu.unpack_subelements %add3A_421, 1 {pack_format = #tpu.pack_format<interleaved>} : vector<32xbf16> -> vector<16xf32>
      %swap3A_424 = arith.index_cast %scan3A_135 : i32 to index
      %swap3A_425 = arith.constant 160 : index
      %swap3A_426 = tpu.vector_load %arg7[%swap3A_424, %swap3A_425] {strides = array<i32>} : memref<16x768xf32, #tpu.memory_space<vmem>>, vector<16xf32>,
      tpu.vector_store %arg7[%swap3A_424, %swap3A_425], %unpack3A_422 {strides = array<i32>} : memref<16x768xf32, #tpu.memory_space<vmem>>, vector<16xf32>,
      %swap3A_427 = arith.index_cast %scan3A_135 : i32 to index
      %swap3A_428 = arith.constant 544 : index
      %swap3A_429 = tpu.vector_load %arg7[%swap3A_427, %swap3A_428] {strides = array<i32>} : memref<16x768xf32, #tpu.memory_space<vmem>>, vector<16xf32>,
      tpu.vector_store %arg7[%swap3A_427, %swap3A_428], %unpack3A_423 {strides = array<i32>} : memref<16x768xf32, #tpu.memory_space<vmem>>, vector<16xf32>,
      %mul3A_430 = arith.constant 2 : i32
      %mul3A_431 = arith.muli %mul3A_430, %scan3A_135 : i32
      %get3A_432 = arith.constant 0 : i32
      %get3A_433 = arith.index_cast %get3A_432 : i32 to index
      %get3A_434 = arith.index_cast %mul3A_431 : i32 to index
      %get3A_435 = arith.constant 176 : index
      %get3A_436 = tpu.vector_load %arg6[%get3A_433, %get3A_434, %get3A_435] {strides = array<i32>} : memref<2x32x384xi32, #tpu.memory_space<vmem>>, vector<16xi32>,
      %bitcast3A_437 = vector.bitcast %get3A_436 : vector<16xi32> to vector<32xbf16>
      %mul3A_438 = arith.constant 2 : i32
      %mul3A_439 = arith.muli %mul3A_438, %scan3A_135 : i32
      %add3A_440 = arith.constant 1 : i32
      %add3A_441 = arith.addi %mul3A_439, %add3A_440 : i32
      %get3A_442 = arith.constant 0 : i32
      %get3A_443 = arith.index_cast %get3A_442 : i32 to index
      %get3A_444 = arith.index_cast %add3A_441 : i32 to index
      %get3A_445 = arith.constant 176 : index
      %get3A_446 = tpu.vector_load %arg6[%get3A_443, %get3A_444, %get3A_445] {strides = array<i32>} : memref<2x32x384xi32, #tpu.memory_space<vmem>>, vector<16xi32>,
      %bitcast3A_447 = vector.bitcast %get3A_446 : vector<16xi32> to vector<32xbf16>
      %add3A_448 = arith.addf %bitcast3A_437, %bitcast3A_447 : vector<32xbf16>
      %unpack3A_449 = tpu.unpack_subelements %add3A_448, 0 {pack_format = #tpu.pack_format<interleaved>} : vector<32xbf16> -> vector<16xf32>
      %unpack3A_450 = tpu.unpack_subelements %add3A_448, 1 {pack_format = #tpu.pack_format<interleaved>} : vector<32xbf16> -> vector<16xf32>
      %swap3A_451 = arith.index_cast %scan3A_135 : i32 to index
      %swap3A_452 = arith.constant 176 : index
      %swap3A_453 = tpu.vector_load %arg7[%swap3A_451, %swap3A_452] {strides = array<i32>} : memref<16x768xf32, #tpu.memory_space<vmem>>, vector<16xf32>,
      tpu.vector_store %arg7[%swap3A_451, %swap3A_452], %unpack3A_449 {strides = array<i32>} : memref<16x768xf32, #tpu.memory_space<vmem>>, vector<16xf32>,
      %swap3A_454 = arith.index_cast %scan3A_135 : i32 to index
      %swap3A_455 = arith.constant 560 : index
      %swap3A_456 = tpu.vector_load %arg7[%swap3A_454, %swap3A_455] {strides = array<i32>} : memref<16x768xf32, #tpu.memory_space<vmem>>, vector<16xf32>,
      tpu.vector_store %arg7[%swap3A_454, %swap3A_455], %unpack3A_450 {strides = array<i32>} : memref<16x768xf32, #tpu.memory_space<vmem>>, vector<16xf32>,
      %mul3A_457 = arith.constant 2 : i32
      %mul3A_458 = arith.muli %mul3A_457, %scan3A_135 : i32
      %get3A_459 = arith.constant 0 : i32
      %get3A_460 = arith.index_cast %get3A_459 : i32 to index
      %get3A_461 = arith.index_cast %mul3A_458 : i32 to index
      %get3A_462 = arith.constant 192 : index
      %get3A_463 = tpu.vector_load %arg6[%get3A_460, %get3A_461, %get3A_462] {strides = array<i32>} : memref<2x32x384xi32, #tpu.memory_space<vmem>>, vector<16xi32>,
      %bitcast3A_464 = vector.bitcast %get3A_463 : vector<16xi32> to vector<32xbf16>
      %mul3A_465 = arith.constant 2 : i32
      %mul3A_466 = arith.muli %mul3A_465, %scan3A_135 : i32
      %add3A_467 = arith.constant 1 : i32
      %add3A_468 = arith.addi %mul3A_466, %add3A_467 : i32
      %get3A_469 = arith.constant 0 : i32
      %get3A_470 = arith.index_cast %get3A_469 : i32 to index
      %get3A_471 = arith.index_cast %add3A_468 : i32 to index
      %get3A_472 = arith.constant 192 : index
      %get3A_473 = tpu.vector_load %arg6[%get3A_470, %get3A_471, %get3A_472] {strides = array<i32>} : memref<2x32x384xi32, #tpu.memory_space<vmem>>, vector<16xi32>,
      %bitcast3A_474 = vector.bitcast %get3A_473 : vector<16xi32> to vector<32xbf16>
      %add3A_475 = arith.addf %bitcast3A_464, %bitcast3A_474 : vector<32xbf16>
      %unpack3A_476 = tpu.unpack_subelements %add3A_475, 0 {pack_format = #tpu.pack_format<interleaved>} : vector<32xbf16> -> vector<16xf32>
      %unpack3A_477 = tpu.unpack_subelements %add3A_475, 1 {pack_format = #tpu.pack_format<interleaved>} : vector<32xbf16> -> vector<16xf32>
      %swap3A_478 = arith.index_cast %scan3A_135 : i32 to index
      %swap3A_479 = arith.constant 192 : index
      %swap3A_480 = tpu.vector_load %arg7[%swap3A_478, %swap3A_479] {strides = array<i32>} : memref<16x768xf32, #tpu.memory_space<vmem>>, vector<16xf32>,
      tpu.vector_store %arg7[%swap3A_478, %swap3A_479], %unpack3A_476 {strides = array<i32>} : memref<16x768xf32, #tpu.memory_space<vmem>>, vector<16xf32>,
      %swap3A_481 = arith.index_cast %scan3A_135 : i32 to index
      %swap3A_482 = arith.constant 576 : index
      %swap3A_483 = tpu.vector_load %arg7[%swap3A_481, %swap3A_482] {strides = array<i32>} : memref<16x768xf32, #tpu.memory_space<vmem>>, vector<16xf32>,
      tpu.vector_store %arg7[%swap3A_481, %swap3A_482], %unpack3A_477 {strides = array<i32>} : memref<16x768xf32, #tpu.memory_space<vmem>>, vector<16xf32>,
      %mul3A_484 = arith.constant 2 : i32
      %mul3A_485 = arith.muli %mul3A_484, %scan3A_135 : i32
      %get3A_486 = arith.constant 0 : i32
      %get3A_487 = arith.index_cast %get3A_486 : i32 to index
      %get3A_488 = arith.index_cast %mul3A_485 : i32 to index
      %get3A_489 = arith.constant 208 : index
      %get3A_490 = tpu.vector_load %arg6[%get3A_487, %get3A_488, %get3A_489] {strides = array<i32>} : memref<2x32x384xi32, #tpu.memory_space<vmem>>, vector<16xi32>,
      %bitcast3A_491 = vector.bitcast %get3A_490 : vector<16xi32> to vector<32xbf16>
      %mul3A_492 = arith.constant 2 : i32
      %mul3A_493 = arith.muli %mul3A_492, %scan3A_135 : i32
      %add3A_494 = arith.constant 1 : i32
      %add3A_495 = arith.addi %mul3A_493, %add3A_494 : i32
      %get3A_496 = arith.constant 0 : i32
      %get3A_497 = arith.index_cast %get3A_496 : i32 to index
      %get3A_498 = arith.index_cast %add3A_495 : i32 to index
      %get3A_499 = arith.constant 208 : index
      %get3A_500 = tpu.vector_load %arg6[%get3A_497, %get3A_498, %get3A_499] {strides = array<i32>} : memref<2x32x384xi32, #tpu.memory_space<vmem>>, vector<16xi32>,
      %bitcast3A_501 = vector.bitcast %get3A_500 : vector<16xi32> to vector<32xbf16>
      %add3A_502 = arith.addf %bitcast3A_491, %bitcast3A_501 : vector<32xbf16>
      %unpack3A_503 = tpu.unpack_subelements %add3A_502, 0 {pack_format = #tpu.pack_format<interleaved>} : vector<32xbf16> -> vector<16xf32>
      %unpack3A_504 = tpu.unpack_subelements %add3A_502, 1 {pack_format = #tpu.pack_format<interleaved>} : vector<32xbf16> -> vector<16xf32>
      %swap3A_505 = arith.index_cast %scan3A_135 : i32 to index
      %swap3A_506 = arith.constant 208 : index
      %swap3A_507 = tpu.vector_load %arg7[%swap3A_505, %swap3A_506] {strides = array<i32>} : memref<16x768xf32, #tpu.memory_space<vmem>>, vector<16xf32>,
      tpu.vector_store %arg7[%swap3A_505, %swap3A_506], %unpack3A_503 {strides = array<i32>} : memref<16x768xf32, #tpu.memory_space<vmem>>, vector<16xf32>,
      %swap3A_508 = arith.index_cast %scan3A_135 : i32 to index
      %swap3A_509 = arith.constant 592 : index
      %swap3A_510 = tpu.vector_load %arg7[%swap3A_508, %swap3A_509] {strides = array<i32>} : memref<16x768xf32, #tpu.memory_space<vmem>>, vector<16xf32>,
      tpu.vector_store %arg7[%swap3A_508, %swap3A_509], %unpack3A_504 {strides = array<i32>} : memref<16x768xf32, #tpu.memory_space<vmem>>, vector<16xf32>,
      %mul3A_511 = arith.constant 2 : i32
      %mul3A_512 = arith.muli %mul3A_511, %scan3A_135 : i32
      %get3A_513 = arith.constant 0 : i32
      %get3A_514 = arith.index_cast %get3A_513 : i32 to index
      %get3A_515 = arith.index_cast %mul3A_512 : i32 to index
      %get3A_516 = arith.constant 224 : index
      %get3A_517 = tpu.vector_load %arg6[%get3A_514, %get3A_515, %get3A_516] {strides = array<i32>} : memref<2x32x384xi32, #tpu.memory_space<vmem>>, vector<16xi32>,
      %bitcast3A_518 = vector.bitcast %get3A_517 : vector<16xi32> to vector<32xbf16>
      %mul3A_519 = arith.constant 2 : i32
      %mul3A_520 = arith.muli %mul3A_519, %scan3A_135 : i32
      %add3A_521 = arith.constant 1 : i32
      %add3A_522 = arith.addi %mul3A_520, %add3A_521 : i32
      %get3A_523 = arith.constant 0 : i32
      %get3A_524 = arith.index_cast %get3A_523 : i32 to index
      %get3A_525 = arith.index_cast %add3A_522 : i32 to index
      %get3A_526 = arith.constant 224 : index
      %get3A_527 = tpu.vector_load %arg6[%get3A_524, %get3A_525, %get3A_526] {strides = array<i32>} : memref<2x32x384xi32, #tpu.memory_space<vmem>>, vector<16xi32>,
      %bitcast3A_528 = vector.bitcast %get3A_527 : vector<16xi32> to vector<32xbf16>
      %add3A_529 = arith.addf %bitcast3A_518, %bitcast3A_528 : vector<32xbf16>
      %unpack3A_530 = tpu.unpack_subelements %add3A_529, 0 {pack_format = #tpu.pack_format<interleaved>} : vector<32xbf16> -> vector<16xf32>
      %unpack3A_531 = tpu.unpack_subelements %add3A_529, 1 {pack_format = #tpu.pack_format<interleaved>} : vector<32xbf16> -> vector<16xf32>
      %swap3A_532 = arith.index_cast %scan3A_135 : i32 to index
      %swap3A_533 = arith.constant 224 : index
      %swap3A_534 = tpu.vector_load %arg7[%swap3A_532, %swap3A_533] {strides = array<i32>} : memref<16x768xf32, #tpu.memory_space<vmem>>, vector<16xf32>,
      tpu.vector_store %arg7[%swap3A_532, %swap3A_533], %unpack3A_530 {strides = array<i32>} : memref<16x768xf32, #tpu.memory_space<vmem>>, vector<16xf32>,
      %swap3A_535 = arith.index_cast %scan3A_135 : i32 to index
      %swap3A_536 = arith.constant 608 : index
      %swap3A_537 = tpu.vector_load %arg7[%swap3A_535, %swap3A_536] {strides = array<i32>} : memref<16x768xf32, #tpu.memory_space<vmem>>, vector<16xf32>,
      tpu.vector_store %arg7[%swap3A_535, %swap3A_536], %unpack3A_531 {strides = array<i32>} : memref<16x768xf32, #tpu.memory_space<vmem>>, vector<16xf32>,
      %mul3A_538 = arith.constant 2 : i32
      %mul3A_539 = arith.muli %mul3A_538, %scan3A_135 : i32
      %get3A_540 = arith.constant 0 : i32
      %get3A_541 = arith.index_cast %get3A_540 : i32 to index
      %get3A_542 = arith.index_cast %mul3A_539 : i32 to index
      %get3A_543 = arith.constant 240 : index
      %get3A_544 = tpu.vector_load %arg6[%get3A_541, %get3A_542, %get3A_543] {strides = array<i32>} : memref<2x32x384xi32, #tpu.memory_space<vmem>>, vector<16xi32>,
      %bitcast3A_545 = vector.bitcast %get3A_544 : vector<16xi32> to vector<32xbf16>
      %mul3A_546 = arith.constant 2 : i32
      %mul3A_547 = arith.muli %mul3A_546, %scan3A_135 : i32
      %add3A_548 = arith.constant 1 : i32
      %add3A_549 = arith.addi %mul3A_547, %add3A_548 : i32
      %get3A_550 = arith.constant 0 : i32
      %get3A_551 = arith.index_cast %get3A_550 : i32 to index
      %get3A_552 = arith.index_cast %add3A_549 : i32 to index
      %get3A_553 = arith.constant 240 : index
      %get3A_554 = tpu.vector_load %arg6[%get3A_551, %get3A_552, %get3A_553] {strides = array<i32>} : memref<2x32x384xi32, #tpu.memory_space<vmem>>, vector<16xi32>,
      %bitcast3A_555 = vector.bitcast %get3A_554 : vector<16xi32> to vector<32xbf16>
      %add3A_556 = arith.addf %bitcast3A_545, %bitcast3A_555 : vector<32xbf16>
      %unpack3A_557 = tpu.unpack_subelements %add3A_556, 0 {pack_format = #tpu.pack_format<interleaved>} : vector<32xbf16> -> vector<16xf32>
      %unpack3A_558 = tpu.unpack_subelements %add3A_556, 1 {pack_format = #tpu.pack_format<interleaved>} : vector<32xbf16> -> vector<16xf32>
      %swap3A_559 = arith.index_cast %scan3A_135 : i32 to index
      %swap3A_560 = arith.constant 240 : index
      %swap3A_561 = tpu.vector_load %arg7[%swap3A_559, %swap3A_560] {strides = array<i32>} : memref<16x768xf32, #tpu.memory_space<vmem>>, vector<16xf32>,
      tpu.vector_store %arg7[%swap3A_559, %swap3A_560], %unpack3A_557 {strides = array<i32>} : memref<16x768xf32, #tpu.memory_space<vmem>>, vector<16xf32>,
      %swap3A_562 = arith.index_cast %scan3A_135 : i32 to index
      %swap3A_563 = arith.constant 624 : index
      %swap3A_564 = tpu.vector_load %arg7[%swap3A_562, %swap3A_563] {strides = array<i32>} : memref<16x768xf32, #tpu.memory_space<vmem>>, vector<16xf32>,
      tpu.vector_store %arg7[%swap3A_562, %swap3A_563], %unpack3A_558 {strides = array<i32>} : memref<16x768xf32, #tpu.memory_space<vmem>>, vector<16xf32>,
      %mul3A_565 = arith.constant 2 : i32
      %mul3A_566 = arith.muli %mul3A_565, %scan3A_135 : i32
      %get3A_567 = arith.constant 0 : i32
      %get3A_568 = arith.index_cast %get3A_567 : i32 to index
      %get3A_569 = arith.index_cast %mul3A_566 : i32 to index
      %get3A_570 = arith.constant 256 : index
      %get3A_571 = tpu.vector_load %arg6[%get3A_568, %get3A_569, %get3A_570] {strides = array<i32>} : memref<2x32x384xi32, #tpu.memory_space<vmem>>, vector<16xi32>,
      %bitcast3A_572 = vector.bitcast %get3A_571 : vector<16xi32> to vector<32xbf16>
      %mul3A_573 = arith.constant 2 : i32
      %mul3A_574 = arith.muli %mul3A_573, %scan3A_135 : i32
      %add3A_575 = arith.constant 1 : i32
      %add3A_576 = arith.addi %mul3A_574, %add3A_575 : i32
      %get3A_577 = arith.constant 0 : i32
      %get3A_578 = arith.index_cast %get3A_577 : i32 to index
      %get3A_579 = arith.index_cast %add3A_576 : i32 to index
      %get3A_580 = arith.constant 256 : index
      %get3A_581 = tpu.vector_load %arg6[%get3A_578, %get3A_579, %get3A_580] {strides = array<i32>} : memref<2x32x384xi32, #tpu.memory_space<vmem>>, vector<16xi32>,
      %bitcast3A_582 = vector.bitcast %get3A_581 : vector<16xi32> to vector<32xbf16>
      %add3A_583 = arith.addf %bitcast3A_572, %bitcast3A_582 : vector<32xbf16>
      %unpack3A_584 = tpu.unpack_subelements %add3A_583, 0 {pack_format = #tpu.pack_format<interleaved>} : vector<32xbf16> -> vector<16xf32>
      %unpack3A_585 = tpu.unpack_subelements %add3A_583, 1 {pack_format = #tpu.pack_format<interleaved>} : vector<32xbf16> -> vector<16xf32>
      %swap3A_586 = arith.index_cast %scan3A_135 : i32 to index
      %swap3A_587 = arith.constant 256 : index
      %swap3A_588 = tpu.vector_load %arg7[%swap3A_586, %swap3A_587] {strides = array<i32>} : memref<16x768xf32, #tpu.memory_space<vmem>>, vector<16xf32>,
      tpu.vector_store %arg7[%swap3A_586, %swap3A_587], %unpack3A_584 {strides = array<i32>} : memref<16x768xf32, #tpu.memory_space<vmem>>, vector<16xf32>,
      %swap3A_589 = arith.index_cast %scan3A_135 : i32 to index
      %swap3A_590 = arith.constant 640 : index
      %swap3A_591 = tpu.vector_load %arg7[%swap3A_589, %swap3A_590] {strides = array<i32>} : memref<16x768xf32, #tpu.memory_space<vmem>>, vector<16xf32>,
      tpu.vector_store %arg7[%swap3A_589, %swap3A_590], %unpack3A_585 {strides = array<i32>} : memref<16x768xf32, #tpu.memory_space<vmem>>, vector<16xf32>,
      %mul3A_592 = arith.constant 2 : i32
      %mul3A_593 = arith.muli %mul3A_592, %scan3A_135 : i32
      %get3A_594 = arith.constant 0 : i32
      %get3A_595 = arith.index_cast %get3A_594 : i32 to index
      %get3A_596 = arith.index_cast %mul3A_593 : i32 to index
      %get3A_597 = arith.constant 272 : index
      %get3A_598 = tpu.vector_load %arg6[%get3A_595, %get3A_596, %get3A_597] {strides = array<i32>} : memref<2x32x384xi32, #tpu.memory_space<vmem>>, vector<16xi32>,
      %bitcast3A_599 = vector.bitcast %get3A_598 : vector<16xi32> to vector<32xbf16>
      %mul3A_600 = arith.constant 2 : i32
      %mul3A_601 = arith.muli %mul3A_600, %scan3A_135 : i32
      %add3A_602 = arith.constant 1 : i32
      %add3A_603 = arith.addi %mul3A_601, %add3A_602 : i32
      %get3A_604 = arith.constant 0 : i32
      %get3A_605 = arith.index_cast %get3A_604 : i32 to index
      %get3A_606 = arith.index_cast %add3A_603 : i32 to index
      %get3A_607 = arith.constant 272 : index
      %get3A_608 = tpu.vector_load %arg6[%get3A_605, %get3A_606, %get3A_607] {strides = array<i32>} : memref<2x32x384xi32, #tpu.memory_space<vmem>>, vector<16xi32>,
      %bitcast3A_609 = vector.bitcast %get3A_608 : vector<16xi32> to vector<32xbf16>
      %add3A_610 = arith.addf %bitcast3A_599, %bitcast3A_609 : vector<32xbf16>
      %unpack3A_611 = tpu.unpack_subelements %add3A_610, 0 {pack_format = #tpu.pack_format<interleaved>} : vector<32xbf16> -> vector<16xf32>
      %unpack3A_612 = tpu.unpack_subelements %add3A_610, 1 {pack_format = #tpu.pack_format<interleaved>} : vector<32xbf16> -> vector<16xf32>
      %swap3A_613 = arith.index_cast %scan3A_135 : i32 to index
      %swap3A_614 = arith.constant 272 : index
      %swap3A_615 = tpu.vector_load %arg7[%swap3A_613, %swap3A_614] {strides = array<i32>} : memref<16x768xf32, #tpu.memory_space<vmem>>, vector<16xf32>,
      tpu.vector_store %arg7[%swap3A_613, %swap3A_614], %unpack3A_611 {strides = array<i32>} : memref<16x768xf32, #tpu.memory_space<vmem>>, vector<16xf32>,
      %swap3A_616 = arith.index_cast %scan3A_135 : i32 to index
      %swap3A_617 = arith.constant 656 : index
      %swap3A_618 = tpu.vector_load %arg7[%swap3A_616, %swap3A_617] {strides = array<i32>} : memref<16x768xf32, #tpu.memory_space<vmem>>, vector<16xf32>,
      tpu.vector_store %arg7[%swap3A_616, %swap3A_617], %unpack3A_612 {strides = array<i32>} : memref<16x768xf32, #tpu.memory_space<vmem>>, vector<16xf32>,
      %mul3A_619 = arith.constant 2 : i32
      %mul3A_620 = arith.muli %mul3A_619, %scan3A_135 : i32
      %get3A_621 = arith.constant 0 : i32
      %get3A_622 = arith.index_cast %get3A_621 : i32 to index
      %get3A_623 = arith.index_cast %mul3A_620 : i32 to index
      %get3A_624 = arith.constant 288 : index
      %get3A_625 = tpu.vector_load %arg6[%get3A_622, %get3A_623, %get3A_624] {strides = array<i32>} : memref<2x32x384xi32, #tpu.memory_space<vmem>>, vector<16xi32>,
      %bitcast3A_626 = vector.bitcast %get3A_625 : vector<16xi32> to vector<32xbf16>
      %mul3A_627 = arith.constant 2 : i32
      %mul3A_628 = arith.muli %mul3A_627, %scan3A_135 : i32
      %add3A_629 = arith.constant 1 : i32
      %add3A_630 = arith.addi %mul3A_628, %add3A_629 : i32
      %get3A_631 = arith.constant 0 : i32
      %get3A_632 = arith.index_cast %get3A_631 : i32 to index
      %get3A_633 = arith.index_cast %add3A_630 : i32 to index
      %get3A_634 = arith.constant 288 : index
      %get3A_635 = tpu.vector_load %arg6[%get3A_632, %get3A_633, %get3A_634] {strides = array<i32>} : memref<2x32x384xi32, #tpu.memory_space<vmem>>, vector<16xi32>,
      %bitcast3A_636 = vector.bitcast %get3A_635 : vector<16xi32> to vector<32xbf16>
      %add3A_637 = arith.addf %bitcast3A_626, %bitcast3A_636 : vector<32xbf16>
      %unpack3A_638 = tpu.unpack_subelements %add3A_637, 0 {pack_format = #tpu.pack_format<interleaved>} : vector<32xbf16> -> vector<16xf32>
      %unpack3A_639 = tpu.unpack_subelements %add3A_637, 1 {pack_format = #tpu.pack_format<interleaved>} : vector<32xbf16> -> vector<16xf32>
      %swap3A_640 = arith.index_cast %scan3A_135 : i32 to index
      %swap3A_641 = arith.constant 288 : index
      %swap3A_642 = tpu.vector_load %arg7[%swap3A_640, %swap3A_641] {strides = array<i32>} : memref<16x768xf32, #tpu.memory_space<vmem>>, vector<16xf32>,
      tpu.vector_store %arg7[%swap3A_640, %swap3A_641], %unpack3A_638 {strides = array<i32>} : memref<16x768xf32, #tpu.memory_space<vmem>>, vector<16xf32>,
      %swap3A_643 = arith.index_cast %scan3A_135 : i32 to index
      %swap3A_644 = arith.constant 672 : index
      %swap3A_645 = tpu.vector_load %arg7[%swap3A_643, %swap3A_644] {strides = array<i32>} : memref<16x768xf32, #tpu.memory_space<vmem>>, vector<16xf32>,
      tpu.vector_store %arg7[%swap3A_643, %swap3A_644], %unpack3A_639 {strides = array<i32>} : memref<16x768xf32, #tpu.memory_space<vmem>>, vector<16xf32>,
      %mul3A_646 = arith.constant 2 : i32
      %mul3A_647 = arith.muli %mul3A_646, %scan3A_135 : i32
      %get3A_648 = arith.constant 0 : i32
      %get3A_649 = arith.index_cast %get3A_648 : i32 to index
      %get3A_650 = arith.index_cast %mul3A_647 : i32 to index
      %get3A_651 = arith.constant 304 : index
      %get3A_652 = tpu.vector_load %arg6[%get3A_649, %get3A_650, %get3A_651] {strides = array<i32>} : memref<2x32x384xi32, #tpu.memory_space<vmem>>, vector<16xi32>,
      %bitcast3A_653 = vector.bitcast %get3A_652 : vector<16xi32> to vector<32xbf16>
      %mul3A_654 = arith.constant 2 : i32
      %mul3A_655 = arith.muli %mul3A_654, %scan3A_135 : i32
      %add3A_656 = arith.constant 1 : i32
      %add3A_657 = arith.addi %mul3A_655, %add3A_656 : i32
      %get3A_658 = arith.constant 0 : i32
      %get3A_659 = arith.index_cast %get3A_658 : i32 to index
      %get3A_660 = arith.index_cast %add3A_657 : i32 to index
      %get3A_661 = arith.constant 304 : index
      %get3A_662 = tpu.vector_load %arg6[%get3A_659, %get3A_660, %get3A_661] {strides = array<i32>} : memref<2x32x384xi32, #tpu.memory_space<vmem>>, vector<16xi32>,
      %bitcast3A_663 = vector.bitcast %get3A_662 : vector<16xi32> to vector<32xbf16>
      %add3A_664 = arith.addf %bitcast3A_653, %bitcast3A_663 : vector<32xbf16>
      %unpack3A_665 = tpu.unpack_subelements %add3A_664, 0 {pack_format = #tpu.pack_format<interleaved>} : vector<32xbf16> -> vector<16xf32>
      %unpack3A_666 = tpu.unpack_subelements %add3A_664, 1 {pack_format = #tpu.pack_format<interleaved>} : vector<32xbf16> -> vector<16xf32>
      %swap3A_667 = arith.index_cast %scan3A_135 : i32 to index
      %swap3A_668 = arith.constant 304 : index
      %swap3A_669 = tpu.vector_load %arg7[%swap3A_667, %swap3A_668] {strides = array<i32>} : memref<16x768xf32, #tpu.memory_space<vmem>>, vector<16xf32>,
      tpu.vector_store %arg7[%swap3A_667, %swap3A_668], %unpack3A_665 {strides = array<i32>} : memref<16x768xf32, #tpu.memory_space<vmem>>, vector<16xf32>,
      %swap3A_670 = arith.index_cast %scan3A_135 : i32 to index
      %swap3A_671 = arith.constant 688 : index
      %swap3A_672 = tpu.vector_load %arg7[%swap3A_670, %swap3A_671] {strides = array<i32>} : memref<16x768xf32, #tpu.memory_space<vmem>>, vector<16xf32>,
      tpu.vector_store %arg7[%swap3A_670, %swap3A_671], %unpack3A_666 {strides = array<i32>} : memref<16x768xf32, #tpu.memory_space<vmem>>, vector<16xf32>,
      %mul3A_673 = arith.constant 2 : i32
      %mul3A_674 = arith.muli %mul3A_673, %scan3A_135 : i32
      %get3A_675 = arith.constant 0 : i32
      %get3A_676 = arith.index_cast %get3A_675 : i32 to index
      %get3A_677 = arith.index_cast %mul3A_674 : i32 to index
      %get3A_678 = arith.constant 320 : index
      %get3A_679 = tpu.vector_load %arg6[%get3A_676, %get3A_677, %get3A_678] {strides = array<i32>} : memref<2x32x384xi32, #tpu.memory_space<vmem>>, vector<16xi32>,
      %bitcast3A_680 = vector.bitcast %get3A_679 : vector<16xi32> to vector<32xbf16>
      %mul3A_681 = arith.constant 2 : i32
      %mul3A_682 = arith.muli %mul3A_681, %scan3A_135 : i32
      %add3A_683 = arith.constant 1 : i32
      %add3A_684 = arith.addi %mul3A_682, %add3A_683 : i32
      %get3A_685 = arith.constant 0 : i32
      %get3A_686 = arith.index_cast %get3A_685 : i32 to index
      %get3A_687 = arith.index_cast %add3A_684 : i32 to index
      %get3A_688 = arith.constant 320 : index
      %get3A_689 = tpu.vector_load %arg6[%get3A_686, %get3A_687, %get3A_688] {strides = array<i32>} : memref<2x32x384xi32, #tpu.memory_space<vmem>>, vector<16xi32>,
      %bitcast3A_690 = vector.bitcast %get3A_689 : vector<16xi32> to vector<32xbf16>
      %add3A_691 = arith.addf %bitcast3A_680, %bitcast3A_690 : vector<32xbf16>
      %unpack3A_692 = tpu.unpack_subelements %add3A_691, 0 {pack_format = #tpu.pack_format<interleaved>} : vector<32xbf16> -> vector<16xf32>
      %unpack3A_693 = tpu.unpack_subelements %add3A_691, 1 {pack_format = #tpu.pack_format<interleaved>} : vector<32xbf16> -> vector<16xf32>
      %swap3A_694 = arith.index_cast %scan3A_135 : i32 to index
      %swap3A_695 = arith.constant 320 : index
      %swap3A_696 = tpu.vector_load %arg7[%swap3A_694, %swap3A_695] {strides = array<i32>} : memref<16x768xf32, #tpu.memory_space<vmem>>, vector<16xf32>,
      tpu.vector_store %arg7[%swap3A_694, %swap3A_695], %unpack3A_692 {strides = array<i32>} : memref<16x768xf32, #tpu.memory_space<vmem>>, vector<16xf32>,
      %swap3A_697 = arith.index_cast %scan3A_135 : i32 to index
      %swap3A_698 = arith.constant 704 : index
      %swap3A_699 = tpu.vector_load %arg7[%swap3A_697, %swap3A_698] {strides = array<i32>} : memref<16x768xf32, #tpu.memory_space<vmem>>, vector<16xf32>,
      tpu.vector_store %arg7[%swap3A_697, %swap3A_698], %unpack3A_693 {strides = array<i32>} : memref<16x768xf32, #tpu.memory_space<vmem>>, vector<16xf32>,
      %mul3A_700 = arith.constant 2 : i32
      %mul3A_701 = arith.muli %mul3A_700, %scan3A_135 : i32
      %get3A_702 = arith.constant 0 : i32
      %get3A_703 = arith.index_cast %get3A_702 : i32 to index
      %get3A_704 = arith.index_cast %mul3A_701 : i32 to index
      %get3A_705 = arith.constant 336 : index
      %get3A_706 = tpu.vector_load %arg6[%get3A_703, %get3A_704, %get3A_705] {strides = array<i32>} : memref<2x32x384xi32, #tpu.memory_space<vmem>>, vector<16xi32>,
      %bitcast3A_707 = vector.bitcast %get3A_706 : vector<16xi32> to vector<32xbf16>
      %mul3A_708 = arith.constant 2 : i32
      %mul3A_709 = arith.muli %mul3A_708, %scan3A_135 : i32
      %add3A_710 = arith.constant 1 : i32
      %add3A_711 = arith.addi %mul3A_709, %add3A_710 : i32
      %get3A_712 = arith.constant 0 : i32
      %get3A_713 = arith.index_cast %get3A_712 : i32 to index
      %get3A_714 = arith.index_cast %add3A_711 : i32 to index
      %get3A_715 = arith.constant 336 : index
      %get3A_716 = tpu.vector_load %arg6[%get3A_713, %get3A_714, %get3A_715] {strides = array<i32>} : memref<2x32x384xi32, #tpu.memory_space<vmem>>, vector<16xi32>,
      %bitcast3A_717 = vector.bitcast %get3A_716 : vector<16xi32> to vector<32xbf16>
      %add3A_718 = arith.addf %bitcast3A_707, %bitcast3A_717 : vector<32xbf16>
      %unpack3A_719 = tpu.unpack_subelements %add3A_718, 0 {pack_format = #tpu.pack_format<interleaved>} : vector<32xbf16> -> vector<16xf32>
      %unpack3A_720 = tpu.unpack_subelements %add3A_718, 1 {pack_format = #tpu.pack_format<interleaved>} : vector<32xbf16> -> vector<16xf32>
      %swap3A_721 = arith.index_cast %scan3A_135 : i32 to index
      %swap3A_722 = arith.constant 336 : index
      %swap3A_723 = tpu.vector_load %arg7[%swap3A_721, %swap3A_722] {strides = array<i32>} : memref<16x768xf32, #tpu.memory_space<vmem>>, vector<16xf32>,
      tpu.vector_store %arg7[%swap3A_721, %swap3A_722], %unpack3A_719 {strides = array<i32>} : memref<16x768xf32, #tpu.memory_space<vmem>>, vector<16xf32>,
      %swap3A_724 = arith.index_cast %scan3A_135 : i32 to index
      %swap3A_725 = arith.constant 720 : index
      %swap3A_726 = tpu.vector_load %arg7[%swap3A_724, %swap3A_725] {strides = array<i32>} : memref<16x768xf32, #tpu.memory_space<vmem>>, vector<16xf32>,
      tpu.vector_store %arg7[%swap3A_724, %swap3A_725], %unpack3A_720 {strides = array<i32>} : memref<16x768xf32, #tpu.memory_space<vmem>>, vector<16xf32>,
      %mul3A_727 = arith.constant 2 : i32
      %mul3A_728 = arith.muli %mul3A_727, %scan3A_135 : i32
      %get3A_729 = arith.constant 0 : i32
      %get3A_730 = arith.index_cast %get3A_729 : i32 to index
      %get3A_731 = arith.index_cast %mul3A_728 : i32 to index
      %get3A_732 = arith.constant 352 : index
      %get3A_733 = tpu.vector_load %arg6[%get3A_730, %get3A_731, %get3A_732] {strides = array<i32>} : memref<2x32x384xi32, #tpu.memory_space<vmem>>, vector<16xi32>,
      %bitcast3A_734 = vector.bitcast %get3A_733 : vector<16xi32> to vector<32xbf16>
      %mul3A_735 = arith.constant 2 : i32
      %mul3A_736 = arith.muli %mul3A_735, %scan3A_135 : i32
      %add3A_737 = arith.constant 1 : i32
      %add3A_738 = arith.addi %mul3A_736, %add3A_737 : i32
      %get3A_739 = arith.constant 0 : i32
      %get3A_740 = arith.index_cast %get3A_739 : i32 to index
      %get3A_741 = arith.index_cast %add3A_738 : i32 to index
      %get3A_742 = arith.constant 352 : index
      %get3A_743 = tpu.vector_load %arg6[%get3A_740, %get3A_741, %get3A_742] {strides = array<i32>} : memref<2x32x384xi32, #tpu.memory_space<vmem>>, vector<16xi32>,
      %bitcast3A_744 = vector.bitcast %get3A_743 : vector<16xi32> to vector<32xbf16>
      %add3A_745 = arith.addf %bitcast3A_734, %bitcast3A_744 : vector<32xbf16>
      %unpack3A_746 = tpu.unpack_subelements %add3A_745, 0 {pack_format = #tpu.pack_format<interleaved>} : vector<32xbf16> -> vector<16xf32>
      %unpack3A_747 = tpu.unpack_subelements %add3A_745, 1 {pack_format = #tpu.pack_format<interleaved>} : vector<32xbf16> -> vector<16xf32>
      %swap3A_748 = arith.index_cast %scan3A_135 : i32 to index
      %swap3A_749 = arith.constant 352 : index
      %swap3A_750 = tpu.vector_load %arg7[%swap3A_748, %swap3A_749] {strides = array<i32>} : memref<16x768xf32, #tpu.memory_space<vmem>>, vector<16xf32>,
      tpu.vector_store %arg7[%swap3A_748, %swap3A_749], %unpack3A_746 {strides = array<i32>} : memref<16x768xf32, #tpu.memory_space<vmem>>, vector<16xf32>,
      %swap3A_751 = arith.index_cast %scan3A_135 : i32 to index
      %swap3A_752 = arith.constant 736 : index
      %swap3A_753 = tpu.vector_load %arg7[%swap3A_751, %swap3A_752] {strides = array<i32>} : memref<16x768xf32, #tpu.memory_space<vmem>>, vector<16xf32>,
      tpu.vector_store %arg7[%swap3A_751, %swap3A_752], %unpack3A_747 {strides = array<i32>} : memref<16x768xf32, #tpu.memory_space<vmem>>, vector<16xf32>,
      %mul3A_754 = arith.constant 2 : i32
      %mul3A_755 = arith.muli %mul3A_754, %scan3A_135 : i32
      %get3A_756 = arith.constant 0 : i32
      %get3A_757 = arith.index_cast %get3A_756 : i32 to index
      %get3A_758 = arith.index_cast %mul3A_755 : i32 to index
      %get3A_759 = arith.constant 368 : index
      %get3A_760 = tpu.vector_load %arg6[%get3A_757, %get3A_758, %get3A_759] {strides = array<i32>} : memref<2x32x384xi32, #tpu.memory_space<vmem>>, vector<16xi32>,
      %bitcast3A_761 = vector.bitcast %get3A_760 : vector<16xi32> to vector<32xbf16>
      %mul3A_762 = arith.constant 2 : i32
      %mul3A_763 = arith.muli %mul3A_762, %scan3A_135 : i32
      %add3A_764 = arith.constant 1 : i32
      %add3A_765 = arith.addi %mul3A_763, %add3A_764 : i32
      %get3A_766 = arith.constant 0 : i32
      %get3A_767 = arith.index_cast %get3A_766 : i32 to index
      %get3A_768 = arith.index_cast %add3A_765 : i32 to index
      %get3A_769 = arith.constant 368 : index
      %get3A_770 = tpu.vector_load %arg6[%get3A_767, %get3A_768, %get3A_769] {strides = array<i32>} : memref<2x32x384xi32, #tpu.memory_space<vmem>>, vector<16xi32>,
      %bitcast3A_771 = vector.bitcast %get3A_770 : vector<16xi32> to vector<32xbf16>
      %add3A_772 = arith.addf %bitcast3A_761, %bitcast3A_771 : vector<32xbf16>
      %unpack3A_773 = tpu.unpack_subelements %add3A_772, 0 {pack_format = #tpu.pack_format<interleaved>} : vector<32xbf16> -> vector<16xf32>
      %unpack3A_774 = tpu.unpack_subelements %add3A_772, 1 {pack_format = #tpu.pack_format<interleaved>} : vector<32xbf16> -> vector<16xf32>
      %swap3A_775 = arith.index_cast %scan3A_135 : i32 to index
      %swap3A_776 = arith.constant 368 : index
      %swap3A_777 = tpu.vector_load %arg7[%swap3A_775, %swap3A_776] {strides = array<i32>} : memref<16x768xf32, #tpu.memory_space<vmem>>, vector<16xf32>,
      tpu.vector_store %arg7[%swap3A_775, %swap3A_776], %unpack3A_773 {strides = array<i32>} : memref<16x768xf32, #tpu.memory_space<vmem>>, vector<16xf32>,
      %swap3A_778 = arith.index_cast %scan3A_135 : i32 to index
      %swap3A_779 = arith.constant 752 : index
      %swap3A_780 = tpu.vector_load %arg7[%swap3A_778, %swap3A_779] {strides = array<i32>} : memref<16x768xf32, #tpu.memory_space<vmem>>, vector<16xf32>,
      tpu.vector_store %arg7[%swap3A_778, %swap3A_779], %unpack3A_774 {strides = array<i32>} : memref<16x768xf32, #tpu.memory_space<vmem>>, vector<16xf32>,
      %scan3A_781 = arith.constant 0 : i32
      scf.yield %scan3A_781 : i32
    }
    %scan3A_104 = arith.constant 16 : i32
    %mul3A_105 = arith.constant 64 : i32
    %mul3A_106 = arith.muli %add3A, %mul3A_105 : i32
    %add3A_107 = arith.constant 32 : i32
    %add3A_108 = arith.addi %mul3A_106, %add3A_107 : i32
    "tpu.region"() ({
      %run_scoped3A = tpu.sem_alloc : memref<!tpu.dma_semaphore, #tpu.memory_space<semaphore_mem>>
      %dma_start3A = arith.constant 0 : i32
      %dma_start3A_135 = tpu.memref_slice %arg4[%add3A_108, %dma_start3A] : memref<2048x768xf32, #tpu.memory_space<hbm>> -> memref<16x768xf32, #tpu.memory_space<hbm>>
      %dma_start3A_136 = arith.constant 0 : i32
      %dma_start3A_137 = tpu.memref_slice %arg4[%add3A_108, %dma_start3A_136] : memref<2048x768xf32, #tpu.memory_space<hbm>> -> memref<16x768xf32, #tpu.memory_space<hbm>>
      tpu.enqueue_dma source(%arg7 : memref<16x768xf32, #tpu.memory_space<vmem>>) target(%dma_start3A_137 : memref<16x768xf32, #tpu.memory_space<hbm>>) target_semaphore(%run_scoped3A : memref<!tpu.dma_semaphore, #tpu.memory_space<semaphore_mem>>)
      %dma_wait3A_138 = arith.constant 0 : i32
      %dma_wait3A_139 = tpu.memref_slice %arg4[%add3A_108, %dma_wait3A_138] : memref<2048x768xf32, #tpu.memory_space<hbm>> -> memref<16x768xf32, #tpu.memory_space<hbm>>
      %dma_wait3A_140 = arith.constant 0 : i32
      %dma_wait3A_141 = tpu.memref_slice %arg4[%add3A_108, %dma_wait3A_140] : memref<2048x768xf32, #tpu.memory_space<hbm>> -> memref<16x768xf32, #tpu.memory_space<hbm>>
      tpu.wait_dma2 semaphore(%run_scoped3A : memref<!tpu.dma_semaphore, #tpu.memory_space<semaphore_mem>>) src(%arg7 : memref<16x768xf32, #tpu.memory_space<vmem>>) dst(%dma_wait3A_141 : memref<16x768xf32, #tpu.memory_space<hbm>>)
      tpu.yield
    }) : () -> ()
    %dma_wait3A_109 = arith.constant 1 : i32
    %dma_wait3A_110 = arith.constant 0 : i32
    %dma_wait3A_111 = arith.constant 0 : i32
    %dma_wait3A_112 = tpu.memref_slice %arg6[%dma_wait3A_109, %dma_wait3A_110, %dma_wait3A_111] : memref<2x32x384xi32, #tpu.memory_space<vmem>> -> memref<1x32x384xi32, #tpu.memory_space<vmem>>
    %dma_wait3A_113 = tpu.memref_squeeze %dma_wait3A_112 : memref<1x32x384xi32, #tpu.memory_space<vmem>> -> memref<32x384xi32, #tpu.memory_space<vmem>>
    %dma_wait3A_114 = arith.constant 0 : i32
    %dma_wait3A_115 = arith.constant 0 : i32
    %dma_wait3A_116 = tpu.memref_slice %arg2[%dma_wait3A_114, %dma_wait3A_115] : memref<5120x384xi32, #tpu.memory_space<hbm>> -> memref<32x384xi32, #tpu.memory_space<hbm>>
    %dma_wait3A_117 = arith.constant 0 : i32
    %dma_wait3A_118 = arith.constant 0 : i32
    %dma_wait3A_119 = tpu.memref_slice %arg6[%dma_wait3A_109, %dma_wait3A_117, %dma_wait3A_118] : memref<2x32x384xi32, #tpu.memory_space<vmem>> -> memref<1x32x384xi32, #tpu.memory_space<vmem>>
    %dma_wait3A_120 = tpu.memref_squeeze %dma_wait3A_119 : memref<1x32x384xi32, #tpu.memory_space<vmem>> -> memref<32x384xi32, #tpu.memory_space<vmem>>
    %dma_wait3A_121 = arith.constant 0 : i32
    %dma_wait3A_122 = arith.constant 0 : i32
    %dma_wait3A_123 = tpu.memref_slice %arg2[%dma_wait3A_121, %dma_wait3A_122] : memref<5120x384xi32, #tpu.memory_space<hbm>> -> memref<32x384xi32, #tpu.memory_space<hbm>>
    tpu.wait_dma2 semaphore(%arg9 : memref<!tpu.dma_semaphore, #tpu.memory_space<semaphore_mem>>) src(%dma_wait3A_123 : memref<32x384xi32, #tpu.memory_space<hbm>>) dst(%dma_wait3A_120 : memref<32x384xi32, #tpu.memory_space<vmem>>)
    %scan3A_124 = arith.constant 0 : i32
    %scan3A_125 = arith.constant 0 : i32
    %scan3A_126 = arith.constant 16 : i32
    %scan3A_127 = arith.addi %scan3A_125, %scan3A_126 : i32
    %scan3A_128 = arith.constant 1 : i32
    %scan3A_129 = scf.for %scan3A_135 = %scan3A_125 to %scan3A_127 step %scan3A_128 iter_args(%scan3A_136 = %scan3A_124) -> (i32)  : i32 {
      %mul3A_137 = arith.constant 2 : i32
      %mul3A_138 = arith.muli %mul3A_137, %scan3A_135 : i32
      %get3A = arith.constant 1 : i32
      %get3A_139 = arith.index_cast %get3A : i32 to index
      %get3A_140 = arith.index_cast %mul3A_138 : i32 to index
      %get3A_141 = arith.constant 0 : index
      %get3A_142 = tpu.vector_load %arg6[%get3A_139, %get3A_140, %get3A_141] {strides = array<i32>} : memref<2x32x384xi32, #tpu.memory_space<vmem>>, vector<16xi32>,
      %bitcast3A = vector.bitcast %get3A_142 : vector<16xi32> to vector<32xbf16>
      %mul3A_143 = arith.constant 2 : i32
      %mul3A_144 = arith.muli %mul3A_143, %scan3A_135 : i32
      %add3A_145 = arith.constant 1 : i32
      %add3A_146 = arith.addi %mul3A_144, %add3A_145 : i32
      %get3A_147 = arith.constant 1 : i32
      %get3A_148 = arith.index_cast %get3A_147 : i32 to index
      %get3A_149 = arith.index_cast %add3A_146 : i32 to index
      %get3A_150 = arith.constant 0 : index
      %get3A_151 = tpu.vector_load %arg6[%get3A_148, %get3A_149, %get3A_150] {strides = array<i32>} : memref<2x32x384xi32, #tpu.memory_space<vmem>>, vector<16xi32>,
      %bitcast3A_152 = vector.bitcast %get3A_151 : vector<16xi32> to vector<32xbf16>
      %add3A_153 = arith.addf %bitcast3A, %bitcast3A_152 : vector<32xbf16>
      %unpack3A = tpu.unpack_subelements %add3A_153, 0 {pack_format = #tpu.pack_format<interleaved>} : vector<32xbf16> -> vector<16xf32>
      %unpack3A_154 = tpu.unpack_subelements %add3A_153, 1 {pack_format = #tpu.pack_format<interleaved>} : vector<32xbf16> -> vector<16xf32>
      %swap3A = arith.index_cast %scan3A_135 : i32 to index
      %swap3A_155 = arith.constant 0 : index
      %swap3A_156 = tpu.vector_load %arg7[%swap3A, %swap3A_155] {strides = array<i32>} : memref<16x768xf32, #tpu.memory_space<vmem>>, vector<16xf32>,
      tpu.vector_store %arg7[%swap3A, %swap3A_155], %unpack3A {strides = array<i32>} : memref<16x768xf32, #tpu.memory_space<vmem>>, vector<16xf32>,
      %swap3A_157 = arith.index_cast %scan3A_135 : i32 to index
      %swap3A_158 = arith.constant 384 : index
      %swap3A_159 = tpu.vector_load %arg7[%swap3A_157, %swap3A_158] {strides = array<i32>} : memref<16x768xf32, #tpu.memory_space<vmem>>, vector<16xf32>,
      tpu.vector_store %arg7[%swap3A_157, %swap3A_158], %unpack3A_154 {strides = array<i32>} : memref<16x768xf32, #tpu.memory_space<vmem>>, vector<16xf32>,
      %mul3A_160 = arith.constant 2 : i32
      %mul3A_161 = arith.muli %mul3A_160, %scan3A_135 : i32
      %get3A_162 = arith.constant 1 : i32
      %get3A_163 = arith.index_cast %get3A_162 : i32 to index
      %get3A_164 = arith.index_cast %mul3A_161 : i32 to index
      %get3A_165 = arith.constant 16 : index
      %get3A_166 = tpu.vector_load %arg6[%get3A_163, %get3A_164, %get3A_165] {strides = array<i32>} : memref<2x32x384xi32, #tpu.memory_space<vmem>>, vector<16xi32>,
      %bitcast3A_167 = vector.bitcast %get3A_166 : vector<16xi32> to vector<32xbf16>
      %mul3A_168 = arith.constant 2 : i32
      %mul3A_169 = arith.muli %mul3A_168, %scan3A_135 : i32
      %add3A_170 = arith.constant 1 : i32
      %add3A_171 = arith.addi %mul3A_169, %add3A_170 : i32
      %get3A_172 = arith.constant 1 : i32
      %get3A_173 = arith.index_cast %get3A_172 : i32 to index
      %get3A_174 = arith.index_cast %add3A_171 : i32 to index
      %get3A_175 = arith.constant 16 : index
      %get3A_176 = tpu.vector_load %arg6[%get3A_173, %get3A_174, %get3A_175] {strides = array<i32>} : memref<2x32x384xi32, #tpu.memory_space<vmem>>, vector<16xi32>,
      %bitcast3A_177 = vector.bitcast %get3A_176 : vector<16xi32> to vector<32xbf16>
      %add3A_178 = arith.addf %bitcast3A_167, %bitcast3A_177 : vector<32xbf16>
      %unpack3A_179 = tpu.unpack_subelements %add3A_178, 0 {pack_format = #tpu.pack_format<interleaved>} : vector<32xbf16> -> vector<16xf32>
      %unpack3A_180 = tpu.unpack_subelements %add3A_178, 1 {pack_format = #tpu.pack_format<interleaved>} : vector<32xbf16> -> vector<16xf32>
      %swap3A_181 = arith.index_cast %scan3A_135 : i32 to index
      %swap3A_182 = arith.constant 16 : index
      %swap3A_183 = tpu.vector_load %arg7[%swap3A_181, %swap3A_182] {strides = array<i32>} : memref<16x768xf32, #tpu.memory_space<vmem>>, vector<16xf32>,
      tpu.vector_store %arg7[%swap3A_181, %swap3A_182], %unpack3A_179 {strides = array<i32>} : memref<16x768xf32, #tpu.memory_space<vmem>>, vector<16xf32>,
      %swap3A_184 = arith.index_cast %scan3A_135 : i32 to index
      %swap3A_185 = arith.constant 400 : index
      %swap3A_186 = tpu.vector_load %arg7[%swap3A_184, %swap3A_185] {strides = array<i32>} : memref<16x768xf32, #tpu.memory_space<vmem>>, vector<16xf32>,
      tpu.vector_store %arg7[%swap3A_184, %swap3A_185], %unpack3A_180 {strides = array<i32>} : memref<16x768xf32, #tpu.memory_space<vmem>>, vector<16xf32>,
      %mul3A_187 = arith.constant 2 : i32
      %mul3A_188 = arith.muli %mul3A_187, %scan3A_135 : i32
      %get3A_189 = arith.constant 1 : i32
      %get3A_190 = arith.index_cast %get3A_189 : i32 to index
      %get3A_191 = arith.index_cast %mul3A_188 : i32 to index
      %get3A_192 = arith.constant 32 : index
      %get3A_193 = tpu.vector_load %arg6[%get3A_190, %get3A_191, %get3A_192] {strides = array<i32>} : memref<2x32x384xi32, #tpu.memory_space<vmem>>, vector<16xi32>,
      %bitcast3A_194 = vector.bitcast %get3A_193 : vector<16xi32> to vector<32xbf16>
      %mul3A_195 = arith.constant 2 : i32
      %mul3A_196 = arith.muli %mul3A_195, %scan3A_135 : i32
      %add3A_197 = arith.constant 1 : i32
      %add3A_198 = arith.addi %mul3A_196, %add3A_197 : i32
      %get3A_199 = arith.constant 1 : i32
      %get3A_200 = arith.index_cast %get3A_199 : i32 to index
      %get3A_201 = arith.index_cast %add3A_198 : i32 to index
      %get3A_202 = arith.constant 32 : index
      %get3A_203 = tpu.vector_load %arg6[%get3A_200, %get3A_201, %get3A_202] {strides = array<i32>} : memref<2x32x384xi32, #tpu.memory_space<vmem>>, vector<16xi32>,
      %bitcast3A_204 = vector.bitcast %get3A_203 : vector<16xi32> to vector<32xbf16>
      %add3A_205 = arith.addf %bitcast3A_194, %bitcast3A_204 : vector<32xbf16>
      %unpack3A_206 = tpu.unpack_subelements %add3A_205, 0 {pack_format = #tpu.pack_format<interleaved>} : vector<32xbf16> -> vector<16xf32>
      %unpack3A_207 = tpu.unpack_subelements %add3A_205, 1 {pack_format = #tpu.pack_format<interleaved>} : vector<32xbf16> -> vector<16xf32>
      %swap3A_208 = arith.index_cast %scan3A_135 : i32 to index
      %swap3A_209 = arith.constant 32 : index
      %swap3A_210 = tpu.vector_load %arg7[%swap3A_208, %swap3A_209] {strides = array<i32>} : memref<16x768xf32, #tpu.memory_space<vmem>>, vector<16xf32>,
      tpu.vector_store %arg7[%swap3A_208, %swap3A_209], %unpack3A_206 {strides = array<i32>} : memref<16x768xf32, #tpu.memory_space<vmem>>, vector<16xf32>,
      %swap3A_211 = arith.index_cast %scan3A_135 : i32 to index
      %swap3A_212 = arith.constant 416 : index
      %swap3A_213 = tpu.vector_load %arg7[%swap3A_211, %swap3A_212] {strides = array<i32>} : memref<16x768xf32, #tpu.memory_space<vmem>>, vector<16xf32>,
      tpu.vector_store %arg7[%swap3A_211, %swap3A_212], %unpack3A_207 {strides = array<i32>} : memref<16x768xf32, #tpu.memory_space<vmem>>, vector<16xf32>,
      %mul3A_214 = arith.constant 2 : i32
      %mul3A_215 = arith.muli %mul3A_214, %scan3A_135 : i32
      %get3A_216 = arith.constant 1 : i32
      %get3A_217 = arith.index_cast %get3A_216 : i32 to index
      %get3A_218 = arith.index_cast %mul3A_215 : i32 to index
      %get3A_219 = arith.constant 48 : index
      %get3A_220 = tpu.vector_load %arg6[%get3A_217, %get3A_218, %get3A_219] {strides = array<i32>} : memref<2x32x384xi32, #tpu.memory_space<vmem>>, vector<16xi32>,
      %bitcast3A_221 = vector.bitcast %get3A_220 : vector<16xi32> to vector<32xbf16>
      %mul3A_222 = arith.constant 2 : i32
      %mul3A_223 = arith.muli %mul3A_222, %scan3A_135 : i32
      %add3A_224 = arith.constant 1 : i32
      %add3A_225 = arith.addi %mul3A_223, %add3A_224 : i32
      %get3A_226 = arith.constant 1 : i32
      %get3A_227 = arith.index_cast %get3A_226 : i32 to index
      %get3A_228 = arith.index_cast %add3A_225 : i32 to index
      %get3A_229 = arith.constant 48 : index
      %get3A_230 = tpu.vector_load %arg6[%get3A_227, %get3A_228, %get3A_229] {strides = array<i32>} : memref<2x32x384xi32, #tpu.memory_space<vmem>>, vector<16xi32>,
      %bitcast3A_231 = vector.bitcast %get3A_230 : vector<16xi32> to vector<32xbf16>
      %add3A_232 = arith.addf %bitcast3A_221, %bitcast3A_231 : vector<32xbf16>
      %unpack3A_233 = tpu.unpack_subelements %add3A_232, 0 {pack_format = #tpu.pack_format<interleaved>} : vector<32xbf16> -> vector<16xf32>
      %unpack3A_234 = tpu.unpack_subelements %add3A_232, 1 {pack_format = #tpu.pack_format<interleaved>} : vector<32xbf16> -> vector<16xf32>
      %swap3A_235 = arith.index_cast %scan3A_135 : i32 to index
      %swap3A_236 = arith.constant 48 : index
      %swap3A_237 = tpu.vector_load %arg7[%swap3A_235, %swap3A_236] {strides = array<i32>} : memref<16x768xf32, #tpu.memory_space<vmem>>, vector<16xf32>,
      tpu.vector_store %arg7[%swap3A_235, %swap3A_236], %unpack3A_233 {strides = array<i32>} : memref<16x768xf32, #tpu.memory_space<vmem>>, vector<16xf32>,
      %swap3A_238 = arith.index_cast %scan3A_135 : i32 to index
      %swap3A_239 = arith.constant 432 : index
      %swap3A_240 = tpu.vector_load %arg7[%swap3A_238, %swap3A_239] {strides = array<i32>} : memref<16x768xf32, #tpu.memory_space<vmem>>, vector<16xf32>,
      tpu.vector_store %arg7[%swap3A_238, %swap3A_239], %unpack3A_234 {strides = array<i32>} : memref<16x768xf32, #tpu.memory_space<vmem>>, vector<16xf32>,
      %mul3A_241 = arith.constant 2 : i32
      %mul3A_242 = arith.muli %mul3A_241, %scan3A_135 : i32
      %get3A_243 = arith.constant 1 : i32
      %get3A_244 = arith.index_cast %get3A_243 : i32 to index
      %get3A_245 = arith.index_cast %mul3A_242 : i32 to index
      %get3A_246 = arith.constant 64 : index
      %get3A_247 = tpu.vector_load %arg6[%get3A_244, %get3A_245, %get3A_246] {strides = array<i32>} : memref<2x32x384xi32, #tpu.memory_space<vmem>>, vector<16xi32>,
      %bitcast3A_248 = vector.bitcast %get3A_247 : vector<16xi32> to vector<32xbf16>
      %mul3A_249 = arith.constant 2 : i32
      %mul3A_250 = arith.muli %mul3A_249, %scan3A_135 : i32
      %add3A_251 = arith.constant 1 : i32
      %add3A_252 = arith.addi %mul3A_250, %add3A_251 : i32
      %get3A_253 = arith.constant 1 : i32
      %get3A_254 = arith.index_cast %get3A_253 : i32 to index
      %get3A_255 = arith.index_cast %add3A_252 : i32 to index
      %get3A_256 = arith.constant 64 : index
      %get3A_257 = tpu.vector_load %arg6[%get3A_254, %get3A_255, %get3A_256] {strides = array<i32>} : memref<2x32x384xi32, #tpu.memory_space<vmem>>, vector<16xi32>,
      %bitcast3A_258 = vector.bitcast %get3A_257 : vector<16xi32> to vector<32xbf16>
      %add3A_259 = arith.addf %bitcast3A_248, %bitcast3A_258 : vector<32xbf16>
      %unpack3A_260 = tpu.unpack_subelements %add3A_259, 0 {pack_format = #tpu.pack_format<interleaved>} : vector<32xbf16> -> vector<16xf32>
      %unpack3A_261 = tpu.unpack_subelements %add3A_259, 1 {pack_format = #tpu.pack_format<interleaved>} : vector<32xbf16> -> vector<16xf32>
      %swap3A_262 = arith.index_cast %scan3A_135 : i32 to index
      %swap3A_263 = arith.constant 64 : index
      %swap3A_264 = tpu.vector_load %arg7[%swap3A_262, %swap3A_263] {strides = array<i32>} : memref<16x768xf32, #tpu.memory_space<vmem>>, vector<16xf32>,
      tpu.vector_store %arg7[%swap3A_262, %swap3A_263], %unpack3A_260 {strides = array<i32>} : memref<16x768xf32, #tpu.memory_space<vmem>>, vector<16xf32>,
      %swap3A_265 = arith.index_cast %scan3A_135 : i32 to index
      %swap3A_266 = arith.constant 448 : index
      %swap3A_267 = tpu.vector_load %arg7[%swap3A_265, %swap3A_266] {strides = array<i32>} : memref<16x768xf32, #tpu.memory_space<vmem>>, vector<16xf32>,
      tpu.vector_store %arg7[%swap3A_265, %swap3A_266], %unpack3A_261 {strides = array<i32>} : memref<16x768xf32, #tpu.memory_space<vmem>>, vector<16xf32>,
      %mul3A_268 = arith.constant 2 : i32
      %mul3A_269 = arith.muli %mul3A_268, %scan3A_135 : i32
      %get3A_270 = arith.constant 1 : i32
      %get3A_271 = arith.index_cast %get3A_270 : i32 to index
      %get3A_272 = arith.index_cast %mul3A_269 : i32 to index
      %get3A_273 = arith.constant 80 : index
      %get3A_274 = tpu.vector_load %arg6[%get3A_271, %get3A_272, %get3A_273] {strides = array<i32>} : memref<2x32x384xi32, #tpu.memory_space<vmem>>, vector<16xi32>,
      %bitcast3A_275 = vector.bitcast %get3A_274 : vector<16xi32> to vector<32xbf16>
      %mul3A_276 = arith.constant 2 : i32
      %mul3A_277 = arith.muli %mul3A_276, %scan3A_135 : i32
      %add3A_278 = arith.constant 1 : i32
      %add3A_279 = arith.addi %mul3A_277, %add3A_278 : i32
      %get3A_280 = arith.constant 1 : i32
      %get3A_281 = arith.index_cast %get3A_280 : i32 to index
      %get3A_282 = arith.index_cast %add3A_279 : i32 to index
      %get3A_283 = arith.constant 80 : index
      %get3A_284 = tpu.vector_load %arg6[%get3A_281, %get3A_282, %get3A_283] {strides = array<i32>} : memref<2x32x384xi32, #tpu.memory_space<vmem>>, vector<16xi32>,
      %bitcast3A_285 = vector.bitcast %get3A_284 : vector<16xi32> to vector<32xbf16>
      %add3A_286 = arith.addf %bitcast3A_275, %bitcast3A_285 : vector<32xbf16>
      %unpack3A_287 = tpu.unpack_subelements %add3A_286, 0 {pack_format = #tpu.pack_format<interleaved>} : vector<32xbf16> -> vector<16xf32>
      %unpack3A_288 = tpu.unpack_subelements %add3A_286, 1 {pack_format = #tpu.pack_format<interleaved>} : vector<32xbf16> -> vector<16xf32>
      %swap3A_289 = arith.index_cast %scan3A_135 : i32 to index
      %swap3A_290 = arith.constant 80 : index
      %swap3A_291 = tpu.vector_load %arg7[%swap3A_289, %swap3A_290] {strides = array<i32>} : memref<16x768xf32, #tpu.memory_space<vmem>>, vector<16xf32>,
      tpu.vector_store %arg7[%swap3A_289, %swap3A_290], %unpack3A_287 {strides = array<i32>} : memref<16x768xf32, #tpu.memory_space<vmem>>, vector<16xf32>,
      %swap3A_292 = arith.index_cast %scan3A_135 : i32 to index
      %swap3A_293 = arith.constant 464 : index
      %swap3A_294 = tpu.vector_load %arg7[%swap3A_292, %swap3A_293] {strides = array<i32>} : memref<16x768xf32, #tpu.memory_space<vmem>>, vector<16xf32>,
      tpu.vector_store %arg7[%swap3A_292, %swap3A_293], %unpack3A_288 {strides = array<i32>} : memref<16x768xf32, #tpu.memory_space<vmem>>, vector<16xf32>,
      %mul3A_295 = arith.constant 2 : i32
      %mul3A_296 = arith.muli %mul3A_295, %scan3A_135 : i32
      %get3A_297 = arith.constant 1 : i32
      %get3A_298 = arith.index_cast %get3A_297 : i32 to index
      %get3A_299 = arith.index_cast %mul3A_296 : i32 to index
      %get3A_300 = arith.constant 96 : index
      %get3A_301 = tpu.vector_load %arg6[%get3A_298, %get3A_299, %get3A_300] {strides = array<i32>} : memref<2x32x384xi32, #tpu.memory_space<vmem>>, vector<16xi32>,
      %bitcast3A_302 = vector.bitcast %get3A_301 : vector<16xi32> to vector<32xbf16>
      %mul3A_303 = arith.constant 2 : i32
      %mul3A_304 = arith.muli %mul3A_303, %scan3A_135 : i32
      %add3A_305 = arith.constant 1 : i32
      %add3A_306 = arith.addi %mul3A_304, %add3A_305 : i32
      %get3A_307 = arith.constant 1 : i32
      %get3A_308 = arith.index_cast %get3A_307 : i32 to index
      %get3A_309 = arith.index_cast %add3A_306 : i32 to index
      %get3A_310 = arith.constant 96 : index
      %get3A_311 = tpu.vector_load %arg6[%get3A_308, %get3A_309, %get3A_310] {strides = array<i32>} : memref<2x32x384xi32, #tpu.memory_space<vmem>>, vector<16xi32>,
      %bitcast3A_312 = vector.bitcast %get3A_311 : vector<16xi32> to vector<32xbf16>
      %add3A_313 = arith.addf %bitcast3A_302, %bitcast3A_312 : vector<32xbf16>
      %unpack3A_314 = tpu.unpack_subelements %add3A_313, 0 {pack_format = #tpu.pack_format<interleaved>} : vector<32xbf16> -> vector<16xf32>
      %unpack3A_315 = tpu.unpack_subelements %add3A_313, 1 {pack_format = #tpu.pack_format<interleaved>} : vector<32xbf16> -> vector<16xf32>
      %swap3A_316 = arith.index_cast %scan3A_135 : i32 to index
      %swap3A_317 = arith.constant 96 : index
      %swap3A_318 = tpu.vector_load %arg7[%swap3A_316, %swap3A_317] {strides = array<i32>} : memref<16x768xf32, #tpu.memory_space<vmem>>, vector<16xf32>,
      tpu.vector_store %arg7[%swap3A_316, %swap3A_317], %unpack3A_314 {strides = array<i32>} : memref<16x768xf32, #tpu.memory_space<vmem>>, vector<16xf32>,
      %swap3A_319 = arith.index_cast %scan3A_135 : i32 to index
      %swap3A_320 = arith.constant 480 : index
      %swap3A_321 = tpu.vector_load %arg7[%swap3A_319, %swap3A_320] {strides = array<i32>} : memref<16x768xf32, #tpu.memory_space<vmem>>, vector<16xf32>,
      tpu.vector_store %arg7[%swap3A_319, %swap3A_320], %unpack3A_315 {strides = array<i32>} : memref<16x768xf32, #tpu.memory_space<vmem>>, vector<16xf32>,
      %mul3A_322 = arith.constant 2 : i32
      %mul3A_323 = arith.muli %mul3A_322, %scan3A_135 : i32
      %get3A_324 = arith.constant 1 : i32
      %get3A_325 = arith.index_cast %get3A_324 : i32 to index
      %get3A_326 = arith.index_cast %mul3A_323 : i32 to index
      %get3A_327 = arith.constant 112 : index
      %get3A_328 = tpu.vector_load %arg6[%get3A_325, %get3A_326, %get3A_327] {strides = array<i32>} : memref<2x32x384xi32, #tpu.memory_space<vmem>>, vector<16xi32>,
      %bitcast3A_329 = vector.bitcast %get3A_328 : vector<16xi32> to vector<32xbf16>
      %mul3A_330 = arith.constant 2 : i32
      %mul3A_331 = arith.muli %mul3A_330, %scan3A_135 : i32
      %add3A_332 = arith.constant 1 : i32
      %add3A_333 = arith.addi %mul3A_331, %add3A_332 : i32
      %get3A_334 = arith.constant 1 : i32
      %get3A_335 = arith.index_cast %get3A_334 : i32 to index
      %get3A_336 = arith.index_cast %add3A_333 : i32 to index
      %get3A_337 = arith.constant 112 : index
      %get3A_338 = tpu.vector_load %arg6[%get3A_335, %get3A_336, %get3A_337] {strides = array<i32>} : memref<2x32x384xi32, #tpu.memory_space<vmem>>, vector<16xi32>,
      %bitcast3A_339 = vector.bitcast %get3A_338 : vector<16xi32> to vector<32xbf16>
      %add3A_340 = arith.addf %bitcast3A_329, %bitcast3A_339 : vector<32xbf16>
      %unpack3A_341 = tpu.unpack_subelements %add3A_340, 0 {pack_format = #tpu.pack_format<interleaved>} : vector<32xbf16> -> vector<16xf32>
      %unpack3A_342 = tpu.unpack_subelements %add3A_340, 1 {pack_format = #tpu.pack_format<interleaved>} : vector<32xbf16> -> vector<16xf32>
      %swap3A_343 = arith.index_cast %scan3A_135 : i32 to index
      %swap3A_344 = arith.constant 112 : index
      %swap3A_345 = tpu.vector_load %arg7[%swap3A_343, %swap3A_344] {strides = array<i32>} : memref<16x768xf32, #tpu.memory_space<vmem>>, vector<16xf32>,
      tpu.vector_store %arg7[%swap3A_343, %swap3A_344], %unpack3A_341 {strides = array<i32>} : memref<16x768xf32, #tpu.memory_space<vmem>>, vector<16xf32>,
      %swap3A_346 = arith.index_cast %scan3A_135 : i32 to index
      %swap3A_347 = arith.constant 496 : index
      %swap3A_348 = tpu.vector_load %arg7[%swap3A_346, %swap3A_347] {strides = array<i32>} : memref<16x768xf32, #tpu.memory_space<vmem>>, vector<16xf32>,
      tpu.vector_store %arg7[%swap3A_346, %swap3A_347], %unpack3A_342 {strides = array<i32>} : memref<16x768xf32, #tpu.memory_space<vmem>>, vector<16xf32>,
      %mul3A_349 = arith.constant 2 : i32
      %mul3A_350 = arith.muli %mul3A_349, %scan3A_135 : i32
      %get3A_351 = arith.constant 1 : i32
      %get3A_352 = arith.index_cast %get3A_351 : i32 to index
      %get3A_353 = arith.index_cast %mul3A_350 : i32 to index
      %get3A_354 = arith.constant 128 : index
      %get3A_355 = tpu.vector_load %arg6[%get3A_352, %get3A_353, %get3A_354] {strides = array<i32>} : memref<2x32x384xi32, #tpu.memory_space<vmem>>, vector<16xi32>,
      %bitcast3A_356 = vector.bitcast %get3A_355 : vector<16xi32> to vector<32xbf16>
      %mul3A_357 = arith.constant 2 : i32
      %mul3A_358 = arith.muli %mul3A_357, %scan3A_135 : i32
      %add3A_359 = arith.constant 1 : i32
      %add3A_360 = arith.addi %mul3A_358, %add3A_359 : i32
      %get3A_361 = arith.constant 1 : i32
      %get3A_362 = arith.index_cast %get3A_361 : i32 to index
      %get3A_363 = arith.index_cast %add3A_360 : i32 to index
      %get3A_364 = arith.constant 128 : index
      %get3A_365 = tpu.vector_load %arg6[%get3A_362, %get3A_363, %get3A_364] {strides = array<i32>} : memref<2x32x384xi32, #tpu.memory_space<vmem>>, vector<16xi32>,
      %bitcast3A_366 = vector.bitcast %get3A_365 : vector<16xi32> to vector<32xbf16>
      %add3A_367 = arith.addf %bitcast3A_356, %bitcast3A_366 : vector<32xbf16>
      %unpack3A_368 = tpu.unpack_subelements %add3A_367, 0 {pack_format = #tpu.pack_format<interleaved>} : vector<32xbf16> -> vector<16xf32>
      %unpack3A_369 = tpu.unpack_subelements %add3A_367, 1 {pack_format = #tpu.pack_format<interleaved>} : vector<32xbf16> -> vector<16xf32>
      %swap3A_370 = arith.index_cast %scan3A_135 : i32 to index
      %swap3A_371 = arith.constant 128 : index
      %swap3A_372 = tpu.vector_load %arg7[%swap3A_370, %swap3A_371] {strides = array<i32>} : memref<16x768xf32, #tpu.memory_space<vmem>>, vector<16xf32>,
      tpu.vector_store %arg7[%swap3A_370, %swap3A_371], %unpack3A_368 {strides = array<i32>} : memref<16x768xf32, #tpu.memory_space<vmem>>, vector<16xf32>,
      %swap3A_373 = arith.index_cast %scan3A_135 : i32 to index
      %swap3A_374 = arith.constant 512 : index
      %swap3A_375 = tpu.vector_load %arg7[%swap3A_373, %swap3A_374] {strides = array<i32>} : memref<16x768xf32, #tpu.memory_space<vmem>>, vector<16xf32>,
      tpu.vector_store %arg7[%swap3A_373, %swap3A_374], %unpack3A_369 {strides = array<i32>} : memref<16x768xf32, #tpu.memory_space<vmem>>, vector<16xf32>,
      %mul3A_376 = arith.constant 2 : i32
      %mul3A_377 = arith.muli %mul3A_376, %scan3A_135 : i32
      %get3A_378 = arith.constant 1 : i32
      %get3A_379 = arith.index_cast %get3A_378 : i32 to index
      %get3A_380 = arith.index_cast %mul3A_377 : i32 to index
      %get3A_381 = arith.constant 144 : index
      %get3A_382 = tpu.vector_load %arg6[%get3A_379, %get3A_380, %get3A_381] {strides = array<i32>} : memref<2x32x384xi32, #tpu.memory_space<vmem>>, vector<16xi32>,
      %bitcast3A_383 = vector.bitcast %get3A_382 : vector<16xi32> to vector<32xbf16>
      %mul3A_384 = arith.constant 2 : i32
      %mul3A_385 = arith.muli %mul3A_384, %scan3A_135 : i32
      %add3A_386 = arith.constant 1 : i32
      %add3A_387 = arith.addi %mul3A_385, %add3A_386 : i32
      %get3A_388 = arith.constant 1 : i32
      %get3A_389 = arith.index_cast %get3A_388 : i32 to index
      %get3A_390 = arith.index_cast %add3A_387 : i32 to index
      %get3A_391 = arith.constant 144 : index
      %get3A_392 = tpu.vector_load %arg6[%get3A_389, %get3A_390, %get3A_391] {strides = array<i32>} : memref<2x32x384xi32, #tpu.memory_space<vmem>>, vector<16xi32>,
      %bitcast3A_393 = vector.bitcast %get3A_392 : vector<16xi32> to vector<32xbf16>
      %add3A_394 = arith.addf %bitcast3A_383, %bitcast3A_393 : vector<32xbf16>
      %unpack3A_395 = tpu.unpack_subelements %add3A_394, 0 {pack_format = #tpu.pack_format<interleaved>} : vector<32xbf16> -> vector<16xf32>
      %unpack3A_396 = tpu.unpack_subelements %add3A_394, 1 {pack_format = #tpu.pack_format<interleaved>} : vector<32xbf16> -> vector<16xf32>
      %swap3A_397 = arith.index_cast %scan3A_135 : i32 to index
      %swap3A_398 = arith.constant 144 : index
      %swap3A_399 = tpu.vector_load %arg7[%swap3A_397, %swap3A_398] {strides = array<i32>} : memref<16x768xf32, #tpu.memory_space<vmem>>, vector<16xf32>,
      tpu.vector_store %arg7[%swap3A_397, %swap3A_398], %unpack3A_395 {strides = array<i32>} : memref<16x768xf32, #tpu.memory_space<vmem>>, vector<16xf32>,
      %swap3A_400 = arith.index_cast %scan3A_135 : i32 to index
      %swap3A_401 = arith.constant 528 : index
      %swap3A_402 = tpu.vector_load %arg7[%swap3A_400, %swap3A_401] {strides = array<i32>} : memref<16x768xf32, #tpu.memory_space<vmem>>, vector<16xf32>,
      tpu.vector_store %arg7[%swap3A_400, %swap3A_401], %unpack3A_396 {strides = array<i32>} : memref<16x768xf32, #tpu.memory_space<vmem>>, vector<16xf32>,
      %mul3A_403 = arith.constant 2 : i32
      %mul3A_404 = arith.muli %mul3A_403, %scan3A_135 : i32
      %get3A_405 = arith.constant 1 : i32
      %get3A_406 = arith.index_cast %get3A_405 : i32 to index
      %get3A_407 = arith.index_cast %mul3A_404 : i32 to index
      %get3A_408 = arith.constant 160 : index
      %get3A_409 = tpu.vector_load %arg6[%get3A_406, %get3A_407, %get3A_408] {strides = array<i32>} : memref<2x32x384xi32, #tpu.memory_space<vmem>>, vector<16xi32>,
      %bitcast3A_410 = vector.bitcast %get3A_409 : vector<16xi32> to vector<32xbf16>
      %mul3A_411 = arith.constant 2 : i32
      %mul3A_412 = arith.muli %mul3A_411, %scan3A_135 : i32
      %add3A_413 = arith.constant 1 : i32
      %add3A_414 = arith.addi %mul3A_412, %add3A_413 : i32
      %get3A_415 = arith.constant 1 : i32
      %get3A_416 = arith.index_cast %get3A_415 : i32 to index
      %get3A_417 = arith.index_cast %add3A_414 : i32 to index
      %get3A_418 = arith.constant 160 : index
      %get3A_419 = tpu.vector_load %arg6[%get3A_416, %get3A_417, %get3A_418] {strides = array<i32>} : memref<2x32x384xi32, #tpu.memory_space<vmem>>, vector<16xi32>,
      %bitcast3A_420 = vector.bitcast %get3A_419 : vector<16xi32> to vector<32xbf16>
      %add3A_421 = arith.addf %bitcast3A_410, %bitcast3A_420 : vector<32xbf16>
      %unpack3A_422 = tpu.unpack_subelements %add3A_421, 0 {pack_format = #tpu.pack_format<interleaved>} : vector<32xbf16> -> vector<16xf32>
      %unpack3A_423 = tpu.unpack_subelements %add3A_421, 1 {pack_format = #tpu.pack_format<interleaved>} : vector<32xbf16> -> vector<16xf32>
      %swap3A_424 = arith.index_cast %scan3A_135 : i32 to index
      %swap3A_425 = arith.constant 160 : index
      %swap3A_426 = tpu.vector_load %arg7[%swap3A_424, %swap3A_425] {strides = array<i32>} : memref<16x768xf32, #tpu.memory_space<vmem>>, vector<16xf32>,
      tpu.vector_store %arg7[%swap3A_424, %swap3A_425], %unpack3A_422 {strides = array<i32>} : memref<16x768xf32, #tpu.memory_space<vmem>>, vector<16xf32>,
      %swap3A_427 = arith.index_cast %scan3A_135 : i32 to index
      %swap3A_428 = arith.constant 544 : index
      %swap3A_429 = tpu.vector_load %arg7[%swap3A_427, %swap3A_428] {strides = array<i32>} : memref<16x768xf32, #tpu.memory_space<vmem>>, vector<16xf32>,
      tpu.vector_store %arg7[%swap3A_427, %swap3A_428], %unpack3A_423 {strides = array<i32>} : memref<16x768xf32, #tpu.memory_space<vmem>>, vector<16xf32>,
      %mul3A_430 = arith.constant 2 : i32
      %mul3A_431 = arith.muli %mul3A_430, %scan3A_135 : i32
      %get3A_432 = arith.constant 1 : i32
      %get3A_433 = arith.index_cast %get3A_432 : i32 to index
      %get3A_434 = arith.index_cast %mul3A_431 : i32 to index
      %get3A_435 = arith.constant 176 : index
      %get3A_436 = tpu.vector_load %arg6[%get3A_433, %get3A_434, %get3A_435] {strides = array<i32>} : memref<2x32x384xi32, #tpu.memory_space<vmem>>, vector<16xi32>,
      %bitcast3A_437 = vector.bitcast %get3A_436 : vector<16xi32> to vector<32xbf16>
      %mul3A_438 = arith.constant 2 : i32
      %mul3A_439 = arith.muli %mul3A_438, %scan3A_135 : i32
      %add3A_440 = arith.constant 1 : i32
      %add3A_441 = arith.addi %mul3A_439, %add3A_440 : i32
      %get3A_442 = arith.constant 1 : i32
      %get3A_443 = arith.index_cast %get3A_442 : i32 to index
      %get3A_444 = arith.index_cast %add3A_441 : i32 to index
      %get3A_445 = arith.constant 176 : index
      %get3A_446 = tpu.vector_load %arg6[%get3A_443, %get3A_444, %get3A_445] {strides = array<i32>} : memref<2x32x384xi32, #tpu.memory_space<vmem>>, vector<16xi32>,
      %bitcast3A_447 = vector.bitcast %get3A_446 : vector<16xi32> to vector<32xbf16>
      %add3A_448 = arith.addf %bitcast3A_437, %bitcast3A_447 : vector<32xbf16>
      %unpack3A_449 = tpu.unpack_subelements %add3A_448, 0 {pack_format = #tpu.pack_format<interleaved>} : vector<32xbf16> -> vector<16xf32>
      %unpack3A_450 = tpu.unpack_subelements %add3A_448, 1 {pack_format = #tpu.pack_format<interleaved>} : vector<32xbf16> -> vector<16xf32>
      %swap3A_451 = arith.index_cast %scan3A_135 : i32 to index
      %swap3A_452 = arith.constant 176 : index
      %swap3A_453 = tpu.vector_load %arg7[%swap3A_451, %swap3A_452] {strides = array<i32>} : memref<16x768xf32, #tpu.memory_space<vmem>>, vector<16xf32>,
      tpu.vector_store %arg7[%swap3A_451, %swap3A_452], %unpack3A_449 {strides = array<i32>} : memref<16x768xf32, #tpu.memory_space<vmem>>, vector<16xf32>,
      %swap3A_454 = arith.index_cast %scan3A_135 : i32 to index
      %swap3A_455 = arith.constant 560 : index
      %swap3A_456 = tpu.vector_load %arg7[%swap3A_454, %swap3A_455] {strides = array<i32>} : memref<16x768xf32, #tpu.memory_space<vmem>>, vector<16xf32>,
      tpu.vector_store %arg7[%swap3A_454, %swap3A_455], %unpack3A_450 {strides = array<i32>} : memref<16x768xf32, #tpu.memory_space<vmem>>, vector<16xf32>,
      %mul3A_457 = arith.constant 2 : i32
      %mul3A_458 = arith.muli %mul3A_457, %scan3A_135 : i32
      %get3A_459 = arith.constant 1 : i32
      %get3A_460 = arith.index_cast %get3A_459 : i32 to index
      %get3A_461 = arith.index_cast %mul3A_458 : i32 to index
      %get3A_462 = arith.constant 192 : index
      %get3A_463 = tpu.vector_load %arg6[%get3A_460, %get3A_461, %get3A_462] {strides = array<i32>} : memref<2x32x384xi32, #tpu.memory_space<vmem>>, vector<16xi32>,
      %bitcast3A_464 = vector.bitcast %get3A_463 : vector<16xi32> to vector<32xbf16>
      %mul3A_465 = arith.constant 2 : i32
      %mul3A_466 = arith.muli %mul3A_465, %scan3A_135 : i32
      %add3A_467 = arith.constant 1 : i32
      %add3A_468 = arith.addi %mul3A_466, %add3A_467 : i32
      %get3A_469 = arith.constant 1 : i32
      %get3A_470 = arith.index_cast %get3A_469 : i32 to index
      %get3A_471 = arith.index_cast %add3A_468 : i32 to index
      %get3A_472 = arith.constant 192 : index
      %get3A_473 = tpu.vector_load %arg6[%get3A_470, %get3A_471, %get3A_472] {strides = array<i32>} : memref<2x32x384xi32, #tpu.memory_space<vmem>>, vector<16xi32>,
      %bitcast3A_474 = vector.bitcast %get3A_473 : vector<16xi32> to vector<32xbf16>
      %add3A_475 = arith.addf %bitcast3A_464, %bitcast3A_474 : vector<32xbf16>
      %unpack3A_476 = tpu.unpack_subelements %add3A_475, 0 {pack_format = #tpu.pack_format<interleaved>} : vector<32xbf16> -> vector<16xf32>
      %unpack3A_477 = tpu.unpack_subelements %add3A_475, 1 {pack_format = #tpu.pack_format<interleaved>} : vector<32xbf16> -> vector<16xf32>
      %swap3A_478 = arith.index_cast %scan3A_135 : i32 to index
      %swap3A_479 = arith.constant 192 : index
      %swap3A_480 = tpu.vector_load %arg7[%swap3A_478, %swap3A_479] {strides = array<i32>} : memref<16x768xf32, #tpu.memory_space<vmem>>, vector<16xf32>,
      tpu.vector_store %arg7[%swap3A_478, %swap3A_479], %unpack3A_476 {strides = array<i32>} : memref<16x768xf32, #tpu.memory_space<vmem>>, vector<16xf32>,
      %swap3A_481 = arith.index_cast %scan3A_135 : i32 to index
      %swap3A_482 = arith.constant 576 : index
      %swap3A_483 = tpu.vector_load %arg7[%swap3A_481, %swap3A_482] {strides = array<i32>} : memref<16x768xf32, #tpu.memory_space<vmem>>, vector<16xf32>,
      tpu.vector_store %arg7[%swap3A_481, %swap3A_482], %unpack3A_477 {strides = array<i32>} : memref<16x768xf32, #tpu.memory_space<vmem>>, vector<16xf32>,
      %mul3A_484 = arith.constant 2 : i32
      %mul3A_485 = arith.muli %mul3A_484, %scan3A_135 : i32
      %get3A_486 = arith.constant 1 : i32
      %get3A_487 = arith.index_cast %get3A_486 : i32 to index
      %get3A_488 = arith.index_cast %mul3A_485 : i32 to index
      %get3A_489 = arith.constant 208 : index
      %get3A_490 = tpu.vector_load %arg6[%get3A_487, %get3A_488, %get3A_489] {strides = array<i32>} : memref<2x32x384xi32, #tpu.memory_space<vmem>>, vector<16xi32>,
      %bitcast3A_491 = vector.bitcast %get3A_490 : vector<16xi32> to vector<32xbf16>
      %mul3A_492 = arith.constant 2 : i32
      %mul3A_493 = arith.muli %mul3A_492, %scan3A_135 : i32
      %add3A_494 = arith.constant 1 : i32
      %add3A_495 = arith.addi %mul3A_493, %add3A_494 : i32
      %get3A_496 = arith.constant 1 : i32
      %get3A_497 = arith.index_cast %get3A_496 : i32 to index
      %get3A_498 = arith.index_cast %add3A_495 : i32 to index
      %get3A_499 = arith.constant 208 : index
      %get3A_500 = tpu.vector_load %arg6[%get3A_497, %get3A_498, %get3A_499] {strides = array<i32>} : memref<2x32x384xi32, #tpu.memory_space<vmem>>, vector<16xi32>,
      %bitcast3A_501 = vector.bitcast %get3A_500 : vector<16xi32> to vector<32xbf16>
      %add3A_502 = arith.addf %bitcast3A_491, %bitcast3A_501 : vector<32xbf16>
      %unpack3A_503 = tpu.unpack_subelements %add3A_502, 0 {pack_format = #tpu.pack_format<interleaved>} : vector<32xbf16> -> vector<16xf32>
      %unpack3A_504 = tpu.unpack_subelements %add3A_502, 1 {pack_format = #tpu.pack_format<interleaved>} : vector<32xbf16> -> vector<16xf32>
      %swap3A_505 = arith.index_cast %scan3A_135 : i32 to index
      %swap3A_506 = arith.constant 208 : index
      %swap3A_507 = tpu.vector_load %arg7[%swap3A_505, %swap3A_506] {strides = array<i32>} : memref<16x768xf32, #tpu.memory_space<vmem>>, vector<16xf32>,
      tpu.vector_store %arg7[%swap3A_505, %swap3A_506], %unpack3A_503 {strides = array<i32>} : memref<16x768xf32, #tpu.memory_space<vmem>>, vector<16xf32>,
      %swap3A_508 = arith.index_cast %scan3A_135 : i32 to index
      %swap3A_509 = arith.constant 592 : index
      %swap3A_510 = tpu.vector_load %arg7[%swap3A_508, %swap3A_509] {strides = array<i32>} : memref<16x768xf32, #tpu.memory_space<vmem>>, vector<16xf32>,
      tpu.vector_store %arg7[%swap3A_508, %swap3A_509], %unpack3A_504 {strides = array<i32>} : memref<16x768xf32, #tpu.memory_space<vmem>>, vector<16xf32>,
      %mul3A_511 = arith.constant 2 : i32
      %mul3A_512 = arith.muli %mul3A_511, %scan3A_135 : i32
      %get3A_513 = arith.constant 1 : i32
      %get3A_514 = arith.index_cast %get3A_513 : i32 to index
      %get3A_515 = arith.index_cast %mul3A_512 : i32 to index
      %get3A_516 = arith.constant 224 : index
      %get3A_517 = tpu.vector_load %arg6[%get3A_514, %get3A_515, %get3A_516] {strides = array<i32>} : memref<2x32x384xi32, #tpu.memory_space<vmem>>, vector<16xi32>,
      %bitcast3A_518 = vector.bitcast %get3A_517 : vector<16xi32> to vector<32xbf16>
      %mul3A_519 = arith.constant 2 : i32
      %mul3A_520 = arith.muli %mul3A_519, %scan3A_135 : i32
      %add3A_521 = arith.constant 1 : i32
      %add3A_522 = arith.addi %mul3A_520, %add3A_521 : i32
      %get3A_523 = arith.constant 1 : i32
      %get3A_524 = arith.index_cast %get3A_523 : i32 to index
      %get3A_525 = arith.index_cast %add3A_522 : i32 to index
      %get3A_526 = arith.constant 224 : index
      %get3A_527 = tpu.vector_load %arg6[%get3A_524, %get3A_525, %get3A_526] {strides = array<i32>} : memref<2x32x384xi32, #tpu.memory_space<vmem>>, vector<16xi32>,
      %bitcast3A_528 = vector.bitcast %get3A_527 : vector<16xi32> to vector<32xbf16>
      %add3A_529 = arith.addf %bitcast3A_518, %bitcast3A_528 : vector<32xbf16>
      %unpack3A_530 = tpu.unpack_subelements %add3A_529, 0 {pack_format = #tpu.pack_format<interleaved>} : vector<32xbf16> -> vector<16xf32>
      %unpack3A_531 = tpu.unpack_subelements %add3A_529, 1 {pack_format = #tpu.pack_format<interleaved>} : vector<32xbf16> -> vector<16xf32>
      %swap3A_532 = arith.index_cast %scan3A_135 : i32 to index
      %swap3A_533 = arith.constant 224 : index
      %swap3A_534 = tpu.vector_load %arg7[%swap3A_532, %swap3A_533] {strides = array<i32>} : memref<16x768xf32, #tpu.memory_space<vmem>>, vector<16xf32>,
      tpu.vector_store %arg7[%swap3A_532, %swap3A_533], %unpack3A_530 {strides = array<i32>} : memref<16x768xf32, #tpu.memory_space<vmem>>, vector<16xf32>,
      %swap3A_535 = arith.index_cast %scan3A_135 : i32 to index
      %swap3A_536 = arith.constant 608 : index
      %swap3A_537 = tpu.vector_load %arg7[%swap3A_535, %swap3A_536] {strides = array<i32>} : memref<16x768xf32, #tpu.memory_space<vmem>>, vector<16xf32>,
      tpu.vector_store %arg7[%swap3A_535, %swap3A_536], %unpack3A_531 {strides = array<i32>} : memref<16x768xf32, #tpu.memory_space<vmem>>, vector<16xf32>,
      %mul3A_538 = arith.constant 2 : i32
      %mul3A_539 = arith.muli %mul3A_538, %scan3A_135 : i32
      %get3A_540 = arith.constant 1 : i32
      %get3A_541 = arith.index_cast %get3A_540 : i32 to index
      %get3A_542 = arith.index_cast %mul3A_539 : i32 to index
      %get3A_543 = arith.constant 240 : index
      %get3A_544 = tpu.vector_load %arg6[%get3A_541, %get3A_542, %get3A_543] {strides = array<i32>} : memref<2x32x384xi32, #tpu.memory_space<vmem>>, vector<16xi32>,
      %bitcast3A_545 = vector.bitcast %get3A_544 : vector<16xi32> to vector<32xbf16>
      %mul3A_546 = arith.constant 2 : i32
      %mul3A_547 = arith.muli %mul3A_546, %scan3A_135 : i32
      %add3A_548 = arith.constant 1 : i32
      %add3A_549 = arith.addi %mul3A_547, %add3A_548 : i32
      %get3A_550 = arith.constant 1 : i32
      %get3A_551 = arith.index_cast %get3A_550 : i32 to index
      %get3A_552 = arith.index_cast %add3A_549 : i32 to index
      %get3A_553 = arith.constant 240 : index
      %get3A_554 = tpu.vector_load %arg6[%get3A_551, %get3A_552, %get3A_553] {strides = array<i32>} : memref<2x32x384xi32, #tpu.memory_space<vmem>>, vector<16xi32>,
      %bitcast3A_555 = vector.bitcast %get3A_554 : vector<16xi32> to vector<32xbf16>
      %add3A_556 = arith.addf %bitcast3A_545, %bitcast3A_555 : vector<32xbf16>
      %unpack3A_557 = tpu.unpack_subelements %add3A_556, 0 {pack_format = #tpu.pack_format<interleaved>} : vector<32xbf16> -> vector<16xf32>
      %unpack3A_558 = tpu.unpack_subelements %add3A_556, 1 {pack_format = #tpu.pack_format<interleaved>} : vector<32xbf16> -> vector<16xf32>
      %swap3A_559 = arith.index_cast %scan3A_135 : i32 to index
      %swap3A_560 = arith.constant 240 : index
      %swap3A_561 = tpu.vector_load %arg7[%swap3A_559, %swap3A_560] {strides = array<i32>} : memref<16x768xf32, #tpu.memory_space<vmem>>, vector<16xf32>,
      tpu.vector_store %arg7[%swap3A_559, %swap3A_560], %unpack3A_557 {strides = array<i32>} : memref<16x768xf32, #tpu.memory_space<vmem>>, vector<16xf32>,
      %swap3A_562 = arith.index_cast %scan3A_135 : i32 to index
      %swap3A_563 = arith.constant 624 : index
      %swap3A_564 = tpu.vector_load %arg7[%swap3A_562, %swap3A_563] {strides = array<i32>} : memref<16x768xf32, #tpu.memory_space<vmem>>, vector<16xf32>,
      tpu.vector_store %arg7[%swap3A_562, %swap3A_563], %unpack3A_558 {strides = array<i32>} : memref<16x768xf32, #tpu.memory_space<vmem>>, vector<16xf32>,
      %mul3A_565 = arith.constant 2 : i32
      %mul3A_566 = arith.muli %mul3A_565, %scan3A_135 : i32
      %get3A_567 = arith.constant 1 : i32
      %get3A_568 = arith.index_cast %get3A_567 : i32 to index
      %get3A_569 = arith.index_cast %mul3A_566 : i32 to index
      %get3A_570 = arith.constant 256 : index
      %get3A_571 = tpu.vector_load %arg6[%get3A_568, %get3A_569, %get3A_570] {strides = array<i32>} : memref<2x32x384xi32, #tpu.memory_space<vmem>>, vector<16xi32>,
      %bitcast3A_572 = vector.bitcast %get3A_571 : vector<16xi32> to vector<32xbf16>
      %mul3A_573 = arith.constant 2 : i32
      %mul3A_574 = arith.muli %mul3A_573, %scan3A_135 : i32
      %add3A_575 = arith.constant 1 : i32
      %add3A_576 = arith.addi %mul3A_574, %add3A_575 : i32
      %get3A_577 = arith.constant 1 : i32
      %get3A_578 = arith.index_cast %get3A_577 : i32 to index
      %get3A_579 = arith.index_cast %add3A_576 : i32 to index
      %get3A_580 = arith.constant 256 : index
      %get3A_581 = tpu.vector_load %arg6[%get3A_578, %get3A_579, %get3A_580] {strides = array<i32>} : memref<2x32x384xi32, #tpu.memory_space<vmem>>, vector<16xi32>,
      %bitcast3A_582 = vector.bitcast %get3A_581 : vector<16xi32> to vector<32xbf16>
      %add3A_583 = arith.addf %bitcast3A_572, %bitcast3A_582 : vector<32xbf16>
      %unpack3A_584 = tpu.unpack_subelements %add3A_583, 0 {pack_format = #tpu.pack_format<interleaved>} : vector<32xbf16> -> vector<16xf32>
      %unpack3A_585 = tpu.unpack_subelements %add3A_583, 1 {pack_format = #tpu.pack_format<interleaved>} : vector<32xbf16> -> vector<16xf32>
      %swap3A_586 = arith.index_cast %scan3A_135 : i32 to index
      %swap3A_587 = arith.constant 256 : index
      %swap3A_588 = tpu.vector_load %arg7[%swap3A_586, %swap3A_587] {strides = array<i32>} : memref<16x768xf32, #tpu.memory_space<vmem>>, vector<16xf32>,
      tpu.vector_store %arg7[%swap3A_586, %swap3A_587], %unpack3A_584 {strides = array<i32>} : memref<16x768xf32, #tpu.memory_space<vmem>>, vector<16xf32>,
      %swap3A_589 = arith.index_cast %scan3A_135 : i32 to index
      %swap3A_590 = arith.constant 640 : index
      %swap3A_591 = tpu.vector_load %arg7[%swap3A_589, %swap3A_590] {strides = array<i32>} : memref<16x768xf32, #tpu.memory_space<vmem>>, vector<16xf32>,
      tpu.vector_store %arg7[%swap3A_589, %swap3A_590], %unpack3A_585 {strides = array<i32>} : memref<16x768xf32, #tpu.memory_space<vmem>>, vector<16xf32>,
      %mul3A_592 = arith.constant 2 : i32
      %mul3A_593 = arith.muli %mul3A_592, %scan3A_135 : i32
      %get3A_594 = arith.constant 1 : i32
      %get3A_595 = arith.index_cast %get3A_594 : i32 to index
      %get3A_596 = arith.index_cast %mul3A_593 : i32 to index
      %get3A_597 = arith.constant 272 : index
      %get3A_598 = tpu.vector_load %arg6[%get3A_595, %get3A_596, %get3A_597] {strides = array<i32>} : memref<2x32x384xi32, #tpu.memory_space<vmem>>, vector<16xi32>,
      %bitcast3A_599 = vector.bitcast %get3A_598 : vector<16xi32> to vector<32xbf16>
      %mul3A_600 = arith.constant 2 : i32
      %mul3A_601 = arith.muli %mul3A_600, %scan3A_135 : i32
      %add3A_602 = arith.constant 1 : i32
      %add3A_603 = arith.addi %mul3A_601, %add3A_602 : i32
      %get3A_604 = arith.constant 1 : i32
      %get3A_605 = arith.index_cast %get3A_604 : i32 to index
      %get3A_606 = arith.index_cast %add3A_603 : i32 to index
      %get3A_607 = arith.constant 272 : index
      %get3A_608 = tpu.vector_load %arg6[%get3A_605, %get3A_606, %get3A_607] {strides = array<i32>} : memref<2x32x384xi32, #tpu.memory_space<vmem>>, vector<16xi32>,
      %bitcast3A_609 = vector.bitcast %get3A_608 : vector<16xi32> to vector<32xbf16>
      %add3A_610 = arith.addf %bitcast3A_599, %bitcast3A_609 : vector<32xbf16>
      %unpack3A_611 = tpu.unpack_subelements %add3A_610, 0 {pack_format = #tpu.pack_format<interleaved>} : vector<32xbf16> -> vector<16xf32>
      %unpack3A_612 = tpu.unpack_subelements %add3A_610, 1 {pack_format = #tpu.pack_format<interleaved>} : vector<32xbf16> -> vector<16xf32>
      %swap3A_613 = arith.index_cast %scan3A_135 : i32 to index
      %swap3A_614 = arith.constant 272 : index
      %swap3A_615 = tpu.vector_load %arg7[%swap3A_613, %swap3A_614] {strides = array<i32>} : memref<16x768xf32, #tpu.memory_space<vmem>>, vector<16xf32>,
      tpu.vector_store %arg7[%swap3A_613, %swap3A_614], %unpack3A_611 {strides = array<i32>} : memref<16x768xf32, #tpu.memory_space<vmem>>, vector<16xf32>,
      %swap3A_616 = arith.index_cast %scan3A_135 : i32 to index
      %swap3A_617 = arith.constant 656 : index
      %swap3A_618 = tpu.vector_load %arg7[%swap3A_616, %swap3A_617] {strides = array<i32>} : memref<16x768xf32, #tpu.memory_space<vmem>>, vector<16xf32>,
      tpu.vector_store %arg7[%swap3A_616, %swap3A_617], %unpack3A_612 {strides = array<i32>} : memref<16x768xf32, #tpu.memory_space<vmem>>, vector<16xf32>,
      %mul3A_619 = arith.constant 2 : i32
      %mul3A_620 = arith.muli %mul3A_619, %scan3A_135 : i32
      %get3A_621 = arith.constant 1 : i32
      %get3A_622 = arith.index_cast %get3A_621 : i32 to index
      %get3A_623 = arith.index_cast %mul3A_620 : i32 to index
      %get3A_624 = arith.constant 288 : index
      %get3A_625 = tpu.vector_load %arg6[%get3A_622, %get3A_623, %get3A_624] {strides = array<i32>} : memref<2x32x384xi32, #tpu.memory_space<vmem>>, vector<16xi32>,
      %bitcast3A_626 = vector.bitcast %get3A_625 : vector<16xi32> to vector<32xbf16>
      %mul3A_627 = arith.constant 2 : i32
      %mul3A_628 = arith.muli %mul3A_627, %scan3A_135 : i32
      %add3A_629 = arith.constant 1 : i32
      %add3A_630 = arith.addi %mul3A_628, %add3A_629 : i32
      %get3A_631 = arith.constant 1 : i32
      %get3A_632 = arith.index_cast %get3A_631 : i32 to index
      %get3A_633 = arith.index_cast %add3A_630 : i32 to index
      %get3A_634 = arith.constant 288 : index
      %get3A_635 = tpu.vector_load %arg6[%get3A_632, %get3A_633, %get3A_634] {strides = array<i32>} : memref<2x32x384xi32, #tpu.memory_space<vmem>>, vector<16xi32>,
      %bitcast3A_636 = vector.bitcast %get3A_635 : vector<16xi32> to vector<32xbf16>
      %add3A_637 = arith.addf %bitcast3A_626, %bitcast3A_636 : vector<32xbf16>
      %unpack3A_638 = tpu.unpack_subelements %add3A_637, 0 {pack_format = #tpu.pack_format<interleaved>} : vector<32xbf16> -> vector<16xf32>
      %unpack3A_639 = tpu.unpack_subelements %add3A_637, 1 {pack_format = #tpu.pack_format<interleaved>} : vector<32xbf16> -> vector<16xf32>
      %swap3A_640 = arith.index_cast %scan3A_135 : i32 to index
      %swap3A_641 = arith.constant 288 : index
      %swap3A_642 = tpu.vector_load %arg7[%swap3A_640, %swap3A_641] {strides = array<i32>} : memref<16x768xf32, #tpu.memory_space<vmem>>, vector<16xf32>,
      tpu.vector_store %arg7[%swap3A_640, %swap3A_641], %unpack3A_638 {strides = array<i32>} : memref<16x768xf32, #tpu.memory_space<vmem>>, vector<16xf32>,
      %swap3A_643 = arith.index_cast %scan3A_135 : i32 to index
      %swap3A_644 = arith.constant 672 : index
      %swap3A_645 = tpu.vector_load %arg7[%swap3A_643, %swap3A_644] {strides = array<i32>} : memref<16x768xf32, #tpu.memory_space<vmem>>, vector<16xf32>,
      tpu.vector_store %arg7[%swap3A_643, %swap3A_644], %unpack3A_639 {strides = array<i32>} : memref<16x768xf32, #tpu.memory_space<vmem>>, vector<16xf32>,
      %mul3A_646 = arith.constant 2 : i32
      %mul3A_647 = arith.muli %mul3A_646, %scan3A_135 : i32
      %get3A_648 = arith.constant 1 : i32
      %get3A_649 = arith.index_cast %get3A_648 : i32 to index
      %get3A_650 = arith.index_cast %mul3A_647 : i32 to index
      %get3A_651 = arith.constant 304 : index
      %get3A_652 = tpu.vector_load %arg6[%get3A_649, %get3A_650, %get3A_651] {strides = array<i32>} : memref<2x32x384xi32, #tpu.memory_space<vmem>>, vector<16xi32>,
      %bitcast3A_653 = vector.bitcast %get3A_652 : vector<16xi32> to vector<32xbf16>
      %mul3A_654 = arith.constant 2 : i32
      %mul3A_655 = arith.muli %mul3A_654, %scan3A_135 : i32
      %add3A_656 = arith.constant 1 : i32
      %add3A_657 = arith.addi %mul3A_655, %add3A_656 : i32
      %get3A_658 = arith.constant 1 : i32
      %get3A_659 = arith.index_cast %get3A_658 : i32 to index
      %get3A_660 = arith.index_cast %add3A_657 : i32 to index
      %get3A_661 = arith.constant 304 : index
      %get3A_662 = tpu.vector_load %arg6[%get3A_659, %get3A_660, %get3A_661] {strides = array<i32>} : memref<2x32x384xi32, #tpu.memory_space<vmem>>, vector<16xi32>,
      %bitcast3A_663 = vector.bitcast %get3A_662 : vector<16xi32> to vector<32xbf16>
      %add3A_664 = arith.addf %bitcast3A_653, %bitcast3A_663 : vector<32xbf16>
      %unpack3A_665 = tpu.unpack_subelements %add3A_664, 0 {pack_format = #tpu.pack_format<interleaved>} : vector<32xbf16> -> vector<16xf32>
      %unpack3A_666 = tpu.unpack_subelements %add3A_664, 1 {pack_format = #tpu.pack_format<interleaved>} : vector<32xbf16> -> vector<16xf32>
      %swap3A_667 = arith.index_cast %scan3A_135 : i32 to index
      %swap3A_668 = arith.constant 304 : index
      %swap3A_669 = tpu.vector_load %arg7[%swap3A_667, %swap3A_668] {strides = array<i32>} : memref<16x768xf32, #tpu.memory_space<vmem>>, vector<16xf32>,
      tpu.vector_store %arg7[%swap3A_667, %swap3A_668], %unpack3A_665 {strides = array<i32>} : memref<16x768xf32, #tpu.memory_space<vmem>>, vector<16xf32>,
      %swap3A_670 = arith.index_cast %scan3A_135 : i32 to index
      %swap3A_671 = arith.constant 688 : index
      %swap3A_672 = tpu.vector_load %arg7[%swap3A_670, %swap3A_671] {strides = array<i32>} : memref<16x768xf32, #tpu.memory_space<vmem>>, vector<16xf32>,
      tpu.vector_store %arg7[%swap3A_670, %swap3A_671], %unpack3A_666 {strides = array<i32>} : memref<16x768xf32, #tpu.memory_space<vmem>>, vector<16xf32>,
      %mul3A_673 = arith.constant 2 : i32
      %mul3A_674 = arith.muli %mul3A_673, %scan3A_135 : i32
      %get3A_675 = arith.constant 1 : i32
      %get3A_676 = arith.index_cast %get3A_675 : i32 to index
      %get3A_677 = arith.index_cast %mul3A_674 : i32 to index
      %get3A_678 = arith.constant 320 : index
      %get3A_679 = tpu.vector_load %arg6[%get3A_676, %get3A_677, %get3A_678] {strides = array<i32>} : memref<2x32x384xi32, #tpu.memory_space<vmem>>, vector<16xi32>,
      %bitcast3A_680 = vector.bitcast %get3A_679 : vector<16xi32> to vector<32xbf16>
      %mul3A_681 = arith.constant 2 : i32
      %mul3A_682 = arith.muli %mul3A_681, %scan3A_135 : i32
      %add3A_683 = arith.constant 1 : i32
      %add3A_684 = arith.addi %mul3A_682, %add3A_683 : i32
      %get3A_685 = arith.constant 1 : i32
      %get3A_686 = arith.index_cast %get3A_685 : i32 to index
      %get3A_687 = arith.index_cast %add3A_684 : i32 to index
      %get3A_688 = arith.constant 320 : index
      %get3A_689 = tpu.vector_load %arg6[%get3A_686, %get3A_687, %get3A_688] {strides = array<i32>} : memref<2x32x384xi32, #tpu.memory_space<vmem>>, vector<16xi32>,
      %bitcast3A_690 = vector.bitcast %get3A_689 : vector<16xi32> to vector<32xbf16>
      %add3A_691 = arith.addf %bitcast3A_680, %bitcast3A_690 : vector<32xbf16>
      %unpack3A_692 = tpu.unpack_subelements %add3A_691, 0 {pack_format = #tpu.pack_format<interleaved>} : vector<32xbf16> -> vector<16xf32>
      %unpack3A_693 = tpu.unpack_subelements %add3A_691, 1 {pack_format = #tpu.pack_format<interleaved>} : vector<32xbf16> -> vector<16xf32>
      %swap3A_694 = arith.index_cast %scan3A_135 : i32 to index
      %swap3A_695 = arith.constant 320 : index
      %swap3A_696 = tpu.vector_load %arg7[%swap3A_694, %swap3A_695] {strides = array<i32>} : memref<16x768xf32, #tpu.memory_space<vmem>>, vector<16xf32>,
      tpu.vector_store %arg7[%swap3A_694, %swap3A_695], %unpack3A_692 {strides = array<i32>} : memref<16x768xf32, #tpu.memory_space<vmem>>, vector<16xf32>,
      %swap3A_697 = arith.index_cast %scan3A_135 : i32 to index
      %swap3A_698 = arith.constant 704 : index
      %swap3A_699 = tpu.vector_load %arg7[%swap3A_697, %swap3A_698] {strides = array<i32>} : memref<16x768xf32, #tpu.memory_space<vmem>>, vector<16xf32>,
      tpu.vector_store %arg7[%swap3A_697, %swap3A_698], %unpack3A_693 {strides = array<i32>} : memref<16x768xf32, #tpu.memory_space<vmem>>, vector<16xf32>,
      %mul3A_700 = arith.constant 2 : i32
      %mul3A_701 = arith.muli %mul3A_700, %scan3A_135 : i32
      %get3A_702 = arith.constant 1 : i32
      %get3A_703 = arith.index_cast %get3A_702 : i32 to index
      %get3A_704 = arith.index_cast %mul3A_701 : i32 to index
      %get3A_705 = arith.constant 336 : index
      %get3A_706 = tpu.vector_load %arg6[%get3A_703, %get3A_704, %get3A_705] {strides = array<i32>} : memref<2x32x384xi32, #tpu.memory_space<vmem>>, vector<16xi32>,
      %bitcast3A_707 = vector.bitcast %get3A_706 : vector<16xi32> to vector<32xbf16>
      %mul3A_708 = arith.constant 2 : i32
      %mul3A_709 = arith.muli %mul3A_708, %scan3A_135 : i32
      %add3A_710 = arith.constant 1 : i32
      %add3A_711 = arith.addi %mul3A_709, %add3A_710 : i32
      %get3A_712 = arith.constant 1 : i32
      %get3A_713 = arith.index_cast %get3A_712 : i32 to index
      %get3A_714 = arith.index_cast %add3A_711 : i32 to index
      %get3A_715 = arith.constant 336 : index
      %get3A_716 = tpu.vector_load %arg6[%get3A_713, %get3A_714, %get3A_715] {strides = array<i32>} : memref<2x32x384xi32, #tpu.memory_space<vmem>>, vector<16xi32>,
      %bitcast3A_717 = vector.bitcast %get3A_716 : vector<16xi32> to vector<32xbf16>
      %add3A_718 = arith.addf %bitcast3A_707, %bitcast3A_717 : vector<32xbf16>
      %unpack3A_719 = tpu.unpack_subelements %add3A_718, 0 {pack_format = #tpu.pack_format<interleaved>} : vector<32xbf16> -> vector<16xf32>
      %unpack3A_720 = tpu.unpack_subelements %add3A_718, 1 {pack_format = #tpu.pack_format<interleaved>} : vector<32xbf16> -> vector<16xf32>
      %swap3A_721 = arith.index_cast %scan3A_135 : i32 to index
      %swap3A_722 = arith.constant 336 : index
      %swap3A_723 = tpu.vector_load %arg7[%swap3A_721, %swap3A_722] {strides = array<i32>} : memref<16x768xf32, #tpu.memory_space<vmem>>, vector<16xf32>,
      tpu.vector_store %arg7[%swap3A_721, %swap3A_722], %unpack3A_719 {strides = array<i32>} : memref<16x768xf32, #tpu.memory_space<vmem>>, vector<16xf32>,
      %swap3A_724 = arith.index_cast %scan3A_135 : i32 to index
      %swap3A_725 = arith.constant 720 : index
      %swap3A_726 = tpu.vector_load %arg7[%swap3A_724, %swap3A_725] {strides = array<i32>} : memref<16x768xf32, #tpu.memory_space<vmem>>, vector<16xf32>,
      tpu.vector_store %arg7[%swap3A_724, %swap3A_725], %unpack3A_720 {strides = array<i32>} : memref<16x768xf32, #tpu.memory_space<vmem>>, vector<16xf32>,
      %mul3A_727 = arith.constant 2 : i32
      %mul3A_728 = arith.muli %mul3A_727, %scan3A_135 : i32
      %get3A_729 = arith.constant 1 : i32
      %get3A_730 = arith.index_cast %get3A_729 : i32 to index
      %get3A_731 = arith.index_cast %mul3A_728 : i32 to index
      %get3A_732 = arith.constant 352 : index
      %get3A_733 = tpu.vector_load %arg6[%get3A_730, %get3A_731, %get3A_732] {strides = array<i32>} : memref<2x32x384xi32, #tpu.memory_space<vmem>>, vector<16xi32>,
      %bitcast3A_734 = vector.bitcast %get3A_733 : vector<16xi32> to vector<32xbf16>
      %mul3A_735 = arith.constant 2 : i32
      %mul3A_736 = arith.muli %mul3A_735, %scan3A_135 : i32
      %add3A_737 = arith.constant 1 : i32
      %add3A_738 = arith.addi %mul3A_736, %add3A_737 : i32
      %get3A_739 = arith.constant 1 : i32
      %get3A_740 = arith.index_cast %get3A_739 : i32 to index
      %get3A_741 = arith.index_cast %add3A_738 : i32 to index
      %get3A_742 = arith.constant 352 : index
      %get3A_743 = tpu.vector_load %arg6[%get3A_740, %get3A_741, %get3A_742] {strides = array<i32>} : memref<2x32x384xi32, #tpu.memory_space<vmem>>, vector<16xi32>,
      %bitcast3A_744 = vector.bitcast %get3A_743 : vector<16xi32> to vector<32xbf16>
      %add3A_745 = arith.addf %bitcast3A_734, %bitcast3A_744 : vector<32xbf16>
      %unpack3A_746 = tpu.unpack_subelements %add3A_745, 0 {pack_format = #tpu.pack_format<interleaved>} : vector<32xbf16> -> vector<16xf32>
      %unpack3A_747 = tpu.unpack_subelements %add3A_745, 1 {pack_format = #tpu.pack_format<interleaved>} : vector<32xbf16> -> vector<16xf32>
      %swap3A_748 = arith.index_cast %scan3A_135 : i32 to index
      %swap3A_749 = arith.constant 352 : index
      %swap3A_750 = tpu.vector_load %arg7[%swap3A_748, %swap3A_749] {strides = array<i32>} : memref<16x768xf32, #tpu.memory_space<vmem>>, vector<16xf32>,
      tpu.vector_store %arg7[%swap3A_748, %swap3A_749], %unpack3A_746 {strides = array<i32>} : memref<16x768xf32, #tpu.memory_space<vmem>>, vector<16xf32>,
      %swap3A_751 = arith.index_cast %scan3A_135 : i32 to index
      %swap3A_752 = arith.constant 736 : index
      %swap3A_753 = tpu.vector_load %arg7[%swap3A_751, %swap3A_752] {strides = array<i32>} : memref<16x768xf32, #tpu.memory_space<vmem>>, vector<16xf32>,
      tpu.vector_store %arg7[%swap3A_751, %swap3A_752], %unpack3A_747 {strides = array<i32>} : memref<16x768xf32, #tpu.memory_space<vmem>>, vector<16xf32>,
      %mul3A_754 = arith.constant 2 : i32
      %mul3A_755 = arith.muli %mul3A_754, %scan3A_135 : i32
      %get3A_756 = arith.constant 1 : i32
      %get3A_757 = arith.index_cast %get3A_756 : i32 to index
      %get3A_758 = arith.index_cast %mul3A_755 : i32 to index
      %get3A_759 = arith.constant 368 : index
      %get3A_760 = tpu.vector_load %arg6[%get3A_757, %get3A_758, %get3A_759] {strides = array<i32>} : memref<2x32x384xi32, #tpu.memory_space<vmem>>, vector<16xi32>,
      %bitcast3A_761 = vector.bitcast %get3A_760 : vector<16xi32> to vector<32xbf16>
      %mul3A_762 = arith.constant 2 : i32
      %mul3A_763 = arith.muli %mul3A_762, %scan3A_135 : i32
      %add3A_764 = arith.constant 1 : i32
      %add3A_765 = arith.addi %mul3A_763, %add3A_764 : i32
      %get3A_766 = arith.constant 1 : i32
      %get3A_767 = arith.index_cast %get3A_766 : i32 to index
      %get3A_768 = arith.index_cast %add3A_765 : i32 to index
      %get3A_769 = arith.constant 368 : index
      %get3A_770 = tpu.vector_load %arg6[%get3A_767, %get3A_768, %get3A_769] {strides = array<i32>} : memref<2x32x384xi32, #tpu.memory_space<vmem>>, vector<16xi32>,
      %bitcast3A_771 = vector.bitcast %get3A_770 : vector<16xi32> to vector<32xbf16>
      %add3A_772 = arith.addf %bitcast3A_761, %bitcast3A_771 : vector<32xbf16>
      %unpack3A_773 = tpu.unpack_subelements %add3A_772, 0 {pack_format = #tpu.pack_format<interleaved>} : vector<32xbf16> -> vector<16xf32>
      %unpack3A_774 = tpu.unpack_subelements %add3A_772, 1 {pack_format = #tpu.pack_format<interleaved>} : vector<32xbf16> -> vector<16xf32>
      %swap3A_775 = arith.index_cast %scan3A_135 : i32 to index
      %swap3A_776 = arith.constant 368 : index
      %swap3A_777 = tpu.vector_load %arg7[%swap3A_775, %swap3A_776] {strides = array<i32>} : memref<16x768xf32, #tpu.memory_space<vmem>>, vector<16xf32>,
      tpu.vector_store %arg7[%swap3A_775, %swap3A_776], %unpack3A_773 {strides = array<i32>} : memref<16x768xf32, #tpu.memory_space<vmem>>, vector<16xf32>,
      %swap3A_778 = arith.index_cast %scan3A_135 : i32 to index
      %swap3A_779 = arith.constant 752 : index
      %swap3A_780 = tpu.vector_load %arg7[%swap3A_778, %swap3A_779] {strides = array<i32>} : memref<16x768xf32, #tpu.memory_space<vmem>>, vector<16xf32>,
      tpu.vector_store %arg7[%swap3A_778, %swap3A_779], %unpack3A_774 {strides = array<i32>} : memref<16x768xf32, #tpu.memory_space<vmem>>, vector<16xf32>,
      %scan3A_781 = arith.constant 0 : i32
      scf.yield %scan3A_781 : i32
    }
    %scan3A_130 = arith.constant 16 : i32
    %mul3A_131 = arith.constant 64 : i32
    %mul3A_132 = arith.muli %add3A, %mul3A_131 : i32
    %add3A_133 = arith.constant 48 : i32
    %add3A_134 = arith.addi %mul3A_132, %add3A_133 : i32
    "tpu.region"() ({
      %run_scoped3A = tpu.sem_alloc : memref<!tpu.dma_semaphore, #tpu.memory_space<semaphore_mem>>
      %dma_start3A = arith.constant 0 : i32
      %dma_start3A_135 = tpu.memref_slice %arg4[%add3A_134, %dma_start3A] : memref<2048x768xf32, #tpu.memory_space<hbm>> -> memref<16x768xf32, #tpu.memory_space<hbm>>
      %dma_start3A_136 = arith.constant 0 : i32
      %dma_start3A_137 = tpu.memref_slice %arg4[%add3A_134, %dma_start3A_136] : memref<2048x768xf32, #tpu.memory_space<hbm>> -> memref<16x768xf32, #tpu.memory_space<hbm>>
      tpu.enqueue_dma source(%arg7 : memref<16x768xf32, #tpu.memory_space<vmem>>) target(%dma_start3A_137 : memref<16x768xf32, #tpu.memory_space<hbm>>) target_semaphore(%run_scoped3A : memref<!tpu.dma_semaphore, #tpu.memory_space<semaphore_mem>>)
      %dma_wait3A_138 = arith.constant 0 : i32
      %dma_wait3A_139 = tpu.memref_slice %arg4[%add3A_134, %dma_wait3A_138] : memref<2048x768xf32, #tpu.memory_space<hbm>> -> memref<16x768xf32, #tpu.memory_space<hbm>>
      %dma_wait3A_140 = arith.constant 0 : i32
      %dma_wait3A_141 = tpu.memref_slice %arg4[%add3A_134, %dma_wait3A_140] : memref<2048x768xf32, #tpu.memory_space<hbm>> -> memref<16x768xf32, #tpu.memory_space<hbm>>
      tpu.wait_dma2 semaphore(%run_scoped3A : memref<!tpu.dma_semaphore, #tpu.memory_space<semaphore_mem>>) src(%arg7 : memref<16x768xf32, #tpu.memory_space<vmem>>) dst(%dma_wait3A_141 : memref<16x768xf32, #tpu.memory_space<hbm>>)
      tpu.yield
    }) : () -> ()
    return
  }
}

#map = affine_map<(d0, d1) -> (0, 0)>
#map1 = affine_map<(d0, d1) -> (0)>
module attributes {stable_mosaic.version = 14 : i64} {
  func.func @sc_gather(%arg0: i32, %arg1: i32, %arg2: memref<2048x384xi32, #tpu.memory_space<hbm>>, %arg3: memref<4096xi32, #tpu.memory_space<hbm>>, %arg4: memref<4096xf32, #tpu.memory_space<hbm>>, %arg5: memref<5120x384xi32, #tpu.memory_space<hbm>>, %arg6: memref<5120xf32, #tpu.memory_space<hbm>>, %arg7: memref<2x128xi32, #tpu.memory_space<vmem>>, %arg8: memref<2x128xf32, #tpu.memory_space<vmem>>, %arg9: memref<320xf32, #tpu.memory_space<vmem>>, %arg10: memref<160xf32, #tpu.memory_space<vmem>>, %arg11: memref<128xi32, #tpu.memory_space<vmem>>, %arg12: memref<64x384xi32, #tpu.memory_space<vmem>>, %arg13: memref<5120xf32, #tpu.memory_space<vmem_shared>>, %arg14: memref<!tpu.dma_semaphore, #tpu.memory_space<semaphore_mem>>, %arg15: memref<!tpu.dma_semaphore, #tpu.memory_space<semaphore_mem>>) attributes {dimension_semantics = [#tpu.dimension_semantics<core_parallel>, #tpu.dimension_semantics<subcore_parallel>], iteration_bounds = array<i64: 2, 16>, scalar_prefetch = 0 : i64, scratch_operands = 9 : i64, tpu.core_type = #tpu.core_type<sc_vector_subcore>, window_params = [{transform_indices = #map}, {transform_indices = #map1}, {transform_indices = #map1}, {transform_indices = #map}, {transform_indices = #map1}]} {
    %mul3A = arith.constant 2 : i32
    %mul3A_0 = arith.muli %arg1, %mul3A : i32
    %add3A = arith.addi %mul3A_0, %arg0 : i32
    %mul3A_1 = arith.constant 256 : i32
    %mul3A_2 = arith.muli %arg1, %mul3A_1 : i32
    %mul3A_3 = arith.constant 128 : i32
    %mul3A_4 = arith.muli %add3A, %mul3A_3 : i32
    %mul3A_5 = arith.constant 64 : i32
    %mul3A_6 = arith.muli %add3A, %mul3A_5 : i32
    %dma_start3A = arith.constant 0 : i32
    %dma_start3A_7 = tpu.memref_slice %arg2[%mul3A_6, %dma_start3A] : memref<2048x384xi32, #tpu.memory_space<hbm>> -> memref<64x384xi32, #tpu.memory_space<hbm>>
    %dma_start3A_8 = arith.constant 0 : i32
    %dma_start3A_9 = tpu.memref_slice %arg2[%mul3A_6, %dma_start3A_8] : memref<2048x384xi32, #tpu.memory_space<hbm>> -> memref<64x384xi32, #tpu.memory_space<hbm>>
    tpu.enqueue_dma source(%dma_start3A_9 : memref<64x384xi32, #tpu.memory_space<hbm>>) target(%arg12 : memref<64x384xi32, #tpu.memory_space<vmem>>) target_semaphore(%arg14 : memref<!tpu.dma_semaphore, #tpu.memory_space<semaphore_mem>>)
    "tpu.region"() ({
      %run_scoped3A_91 = tpu.sem_alloc : memref<!tpu.dma_semaphore, #tpu.memory_space<semaphore_mem>>
      %dma_start3A_92 = tpu.memref_slice %arg3[%mul3A_4] : memref<4096xi32, #tpu.memory_space<hbm>> -> memref<128xi32, #tpu.memory_space<hbm>>
      %dma_start3A_93 = tpu.memref_slice %arg3[%mul3A_4] : memref<4096xi32, #tpu.memory_space<hbm>> -> memref<128xi32, #tpu.memory_space<hbm>>
      tpu.enqueue_dma source(%dma_start3A_93 : memref<128xi32, #tpu.memory_space<hbm>>) target(%arg11 : memref<128xi32, #tpu.memory_space<vmem>>) target_semaphore(%run_scoped3A_91 : memref<!tpu.dma_semaphore, #tpu.memory_space<semaphore_mem>>)
      %dma_wait3A_94 = tpu.memref_slice %arg3[%mul3A_4] : memref<4096xi32, #tpu.memory_space<hbm>> -> memref<128xi32, #tpu.memory_space<hbm>>
      %dma_wait3A_95 = tpu.memref_slice %arg3[%mul3A_4] : memref<4096xi32, #tpu.memory_space<hbm>> -> memref<128xi32, #tpu.memory_space<hbm>>
      tpu.wait_dma2 semaphore(%run_scoped3A_91 : memref<!tpu.dma_semaphore, #tpu.memory_space<semaphore_mem>>) src(%dma_wait3A_95 : memref<128xi32, #tpu.memory_space<hbm>>) dst(%arg11 : memref<128xi32, #tpu.memory_space<vmem>>)
      tpu.yield
    }) : () -> ()
    %add3A_10 = arith.constant 0 : i32
    %add3A_11 = arith.addi %mul3A_2, %add3A_10 : i32
    %run_scoped3A = arith.constant 0 : i32
    "tpu.region"() ({
      %run_scoped3A_91 = tpu.sem_alloc : memref<!tpu.dma_semaphore, #tpu.memory_space<semaphore_mem>>
      %dma_start3A_92 = arith.constant 0 : i32
      %dma_start3A_93 = tpu.memref_slice %arg7[%run_scoped3A, %dma_start3A_92] : memref<2x128xi32, #tpu.memory_space<vmem>> -> memref<1x128xi32, #tpu.memory_space<vmem>>
      %dma_start3A_94 = tpu.memref_squeeze %dma_start3A_93 : memref<1x128xi32, #tpu.memory_space<vmem>> -> memref<128xi32, #tpu.memory_space<vmem>>
      %dma_start3A_95 = tpu.memref_slice %arg3[%add3A_11] : memref<4096xi32, #tpu.memory_space<hbm>> -> memref<128xi32, #tpu.memory_space<hbm>>
      %dma_start3A_96 = arith.constant 0 : i32
      %dma_start3A_97 = tpu.memref_slice %arg7[%run_scoped3A, %dma_start3A_96] : memref<2x128xi32, #tpu.memory_space<vmem>> -> memref<1x128xi32, #tpu.memory_space<vmem>>
      %dma_start3A_98 = tpu.memref_squeeze %dma_start3A_97 : memref<1x128xi32, #tpu.memory_space<vmem>> -> memref<128xi32, #tpu.memory_space<vmem>>
      %dma_start3A_99 = tpu.memref_slice %arg3[%add3A_11] : memref<4096xi32, #tpu.memory_space<hbm>> -> memref<128xi32, #tpu.memory_space<hbm>>
      tpu.enqueue_dma source(%dma_start3A_99 : memref<128xi32, #tpu.memory_space<hbm>>) target(%dma_start3A_98 : memref<128xi32, #tpu.memory_space<vmem>>) target_semaphore(%run_scoped3A_91 : memref<!tpu.dma_semaphore, #tpu.memory_space<semaphore_mem>>)
      %dma_wait3A_100 = arith.constant 0 : i32
      %dma_wait3A_101 = tpu.memref_slice %arg7[%run_scoped3A, %dma_wait3A_100] : memref<2x128xi32, #tpu.memory_space<vmem>> -> memref<1x128xi32, #tpu.memory_space<vmem>>
      %dma_wait3A_102 = tpu.memref_squeeze %dma_wait3A_101 : memref<1x128xi32, #tpu.memory_space<vmem>> -> memref<128xi32, #tpu.memory_space<vmem>>
      %dma_wait3A_103 = tpu.memref_slice %arg3[%add3A_11] : memref<4096xi32, #tpu.memory_space<hbm>> -> memref<128xi32, #tpu.memory_space<hbm>>
      %dma_wait3A_104 = arith.constant 0 : i32
      %dma_wait3A_105 = tpu.memref_slice %arg7[%run_scoped3A, %dma_wait3A_104] : memref<2x128xi32, #tpu.memory_space<vmem>> -> memref<1x128xi32, #tpu.memory_space<vmem>>
      %dma_wait3A_106 = tpu.memref_squeeze %dma_wait3A_105 : memref<1x128xi32, #tpu.memory_space<vmem>> -> memref<128xi32, #tpu.memory_space<vmem>>
      %dma_wait3A_107 = tpu.memref_slice %arg3[%add3A_11] : memref<4096xi32, #tpu.memory_space<hbm>> -> memref<128xi32, #tpu.memory_space<hbm>>
      tpu.wait_dma2 semaphore(%run_scoped3A_91 : memref<!tpu.dma_semaphore, #tpu.memory_space<semaphore_mem>>) src(%dma_wait3A_107 : memref<128xi32, #tpu.memory_space<hbm>>) dst(%dma_wait3A_106 : memref<128xi32, #tpu.memory_space<vmem>>)
      tpu.yield
    }) : () -> ()
    %add3A_12 = arith.constant 0 : i32
    %add3A_13 = arith.addi %mul3A_2, %add3A_12 : i32
    %run_scoped3A_14 = arith.constant 0 : i32
    "tpu.region"() ({
      %run_scoped3A_91 = tpu.sem_alloc : memref<!tpu.dma_semaphore, #tpu.memory_space<semaphore_mem>>
      %dma_start3A_92 = arith.constant 0 : i32
      %dma_start3A_93 = tpu.memref_slice %arg8[%run_scoped3A_14, %dma_start3A_92] : memref<2x128xf32, #tpu.memory_space<vmem>> -> memref<1x128xf32, #tpu.memory_space<vmem>>
      %dma_start3A_94 = tpu.memref_squeeze %dma_start3A_93 : memref<1x128xf32, #tpu.memory_space<vmem>> -> memref<128xf32, #tpu.memory_space<vmem>>
      %dma_start3A_95 = tpu.memref_slice %arg4[%add3A_13] : memref<4096xf32, #tpu.memory_space<hbm>> -> memref<128xf32, #tpu.memory_space<hbm>>
      %dma_start3A_96 = arith.constant 0 : i32
      %dma_start3A_97 = tpu.memref_slice %arg8[%run_scoped3A_14, %dma_start3A_96] : memref<2x128xf32, #tpu.memory_space<vmem>> -> memref<1x128xf32, #tpu.memory_space<vmem>>
      %dma_start3A_98 = tpu.memref_squeeze %dma_start3A_97 : memref<1x128xf32, #tpu.memory_space<vmem>> -> memref<128xf32, #tpu.memory_space<vmem>>
      %dma_start3A_99 = tpu.memref_slice %arg4[%add3A_13] : memref<4096xf32, #tpu.memory_space<hbm>> -> memref<128xf32, #tpu.memory_space<hbm>>
      tpu.enqueue_dma source(%dma_start3A_99 : memref<128xf32, #tpu.memory_space<hbm>>) target(%dma_start3A_98 : memref<128xf32, #tpu.memory_space<vmem>>) target_semaphore(%run_scoped3A_91 : memref<!tpu.dma_semaphore, #tpu.memory_space<semaphore_mem>>)
      %dma_wait3A_100 = arith.constant 0 : i32
      %dma_wait3A_101 = tpu.memref_slice %arg8[%run_scoped3A_14, %dma_wait3A_100] : memref<2x128xf32, #tpu.memory_space<vmem>> -> memref<1x128xf32, #tpu.memory_space<vmem>>
      %dma_wait3A_102 = tpu.memref_squeeze %dma_wait3A_101 : memref<1x128xf32, #tpu.memory_space<vmem>> -> memref<128xf32, #tpu.memory_space<vmem>>
      %dma_wait3A_103 = tpu.memref_slice %arg4[%add3A_13] : memref<4096xf32, #tpu.memory_space<hbm>> -> memref<128xf32, #tpu.memory_space<hbm>>
      %dma_wait3A_104 = arith.constant 0 : i32
      %dma_wait3A_105 = tpu.memref_slice %arg8[%run_scoped3A_14, %dma_wait3A_104] : memref<2x128xf32, #tpu.memory_space<vmem>> -> memref<1x128xf32, #tpu.memory_space<vmem>>
      %dma_wait3A_106 = tpu.memref_squeeze %dma_wait3A_105 : memref<1x128xf32, #tpu.memory_space<vmem>> -> memref<128xf32, #tpu.memory_space<vmem>>
      %dma_wait3A_107 = tpu.memref_slice %arg4[%add3A_13] : memref<4096xf32, #tpu.memory_space<hbm>> -> memref<128xf32, #tpu.memory_space<hbm>>
      tpu.wait_dma2 semaphore(%run_scoped3A_91 : memref<!tpu.dma_semaphore, #tpu.memory_space<semaphore_mem>>) src(%dma_wait3A_107 : memref<128xf32, #tpu.memory_space<hbm>>) dst(%dma_wait3A_106 : memref<128xf32, #tpu.memory_space<vmem>>)
      tpu.yield
    }) : () -> ()
    %add3A_15 = arith.constant 128 : i32
    %add3A_16 = arith.addi %mul3A_2, %add3A_15 : i32
    %run_scoped3A_17 = arith.constant 1 : i32
    "tpu.region"() ({
      %run_scoped3A_91 = tpu.sem_alloc : memref<!tpu.dma_semaphore, #tpu.memory_space<semaphore_mem>>
      %dma_start3A_92 = arith.constant 0 : i32
      %dma_start3A_93 = tpu.memref_slice %arg7[%run_scoped3A_17, %dma_start3A_92] : memref<2x128xi32, #tpu.memory_space<vmem>> -> memref<1x128xi32, #tpu.memory_space<vmem>>
      %dma_start3A_94 = tpu.memref_squeeze %dma_start3A_93 : memref<1x128xi32, #tpu.memory_space<vmem>> -> memref<128xi32, #tpu.memory_space<vmem>>
      %dma_start3A_95 = tpu.memref_slice %arg3[%add3A_16] : memref<4096xi32, #tpu.memory_space<hbm>> -> memref<128xi32, #tpu.memory_space<hbm>>
      %dma_start3A_96 = arith.constant 0 : i32
      %dma_start3A_97 = tpu.memref_slice %arg7[%run_scoped3A_17, %dma_start3A_96] : memref<2x128xi32, #tpu.memory_space<vmem>> -> memref<1x128xi32, #tpu.memory_space<vmem>>
      %dma_start3A_98 = tpu.memref_squeeze %dma_start3A_97 : memref<1x128xi32, #tpu.memory_space<vmem>> -> memref<128xi32, #tpu.memory_space<vmem>>
      %dma_start3A_99 = tpu.memref_slice %arg3[%add3A_16] : memref<4096xi32, #tpu.memory_space<hbm>> -> memref<128xi32, #tpu.memory_space<hbm>>
      tpu.enqueue_dma source(%dma_start3A_99 : memref<128xi32, #tpu.memory_space<hbm>>) target(%dma_start3A_98 : memref<128xi32, #tpu.memory_space<vmem>>) target_semaphore(%run_scoped3A_91 : memref<!tpu.dma_semaphore, #tpu.memory_space<semaphore_mem>>)
      %dma_wait3A_100 = arith.constant 0 : i32
      %dma_wait3A_101 = tpu.memref_slice %arg7[%run_scoped3A_17, %dma_wait3A_100] : memref<2x128xi32, #tpu.memory_space<vmem>> -> memref<1x128xi32, #tpu.memory_space<vmem>>
      %dma_wait3A_102 = tpu.memref_squeeze %dma_wait3A_101 : memref<1x128xi32, #tpu.memory_space<vmem>> -> memref<128xi32, #tpu.memory_space<vmem>>
      %dma_wait3A_103 = tpu.memref_slice %arg3[%add3A_16] : memref<4096xi32, #tpu.memory_space<hbm>> -> memref<128xi32, #tpu.memory_space<hbm>>
      %dma_wait3A_104 = arith.constant 0 : i32
      %dma_wait3A_105 = tpu.memref_slice %arg7[%run_scoped3A_17, %dma_wait3A_104] : memref<2x128xi32, #tpu.memory_space<vmem>> -> memref<1x128xi32, #tpu.memory_space<vmem>>
      %dma_wait3A_106 = tpu.memref_squeeze %dma_wait3A_105 : memref<1x128xi32, #tpu.memory_space<vmem>> -> memref<128xi32, #tpu.memory_space<vmem>>
      %dma_wait3A_107 = tpu.memref_slice %arg3[%add3A_16] : memref<4096xi32, #tpu.memory_space<hbm>> -> memref<128xi32, #tpu.memory_space<hbm>>
      tpu.wait_dma2 semaphore(%run_scoped3A_91 : memref<!tpu.dma_semaphore, #tpu.memory_space<semaphore_mem>>) src(%dma_wait3A_107 : memref<128xi32, #tpu.memory_space<hbm>>) dst(%dma_wait3A_106 : memref<128xi32, #tpu.memory_space<vmem>>)
      tpu.yield
    }) : () -> ()
    %add3A_18 = arith.constant 128 : i32
    %add3A_19 = arith.addi %mul3A_2, %add3A_18 : i32
    %run_scoped3A_20 = arith.constant 1 : i32
    "tpu.region"() ({
      %run_scoped3A_91 = tpu.sem_alloc : memref<!tpu.dma_semaphore, #tpu.memory_space<semaphore_mem>>
      %dma_start3A_92 = arith.constant 0 : i32
      %dma_start3A_93 = tpu.memref_slice %arg8[%run_scoped3A_20, %dma_start3A_92] : memref<2x128xf32, #tpu.memory_space<vmem>> -> memref<1x128xf32, #tpu.memory_space<vmem>>
      %dma_start3A_94 = tpu.memref_squeeze %dma_start3A_93 : memref<1x128xf32, #tpu.memory_space<vmem>> -> memref<128xf32, #tpu.memory_space<vmem>>
      %dma_start3A_95 = tpu.memref_slice %arg4[%add3A_19] : memref<4096xf32, #tpu.memory_space<hbm>> -> memref<128xf32, #tpu.memory_space<hbm>>
      %dma_start3A_96 = arith.constant 0 : i32
      %dma_start3A_97 = tpu.memref_slice %arg8[%run_scoped3A_20, %dma_start3A_96] : memref<2x128xf32, #tpu.memory_space<vmem>> -> memref<1x128xf32, #tpu.memory_space<vmem>>
      %dma_start3A_98 = tpu.memref_squeeze %dma_start3A_97 : memref<1x128xf32, #tpu.memory_space<vmem>> -> memref<128xf32, #tpu.memory_space<vmem>>
      %dma_start3A_99 = tpu.memref_slice %arg4[%add3A_19] : memref<4096xf32, #tpu.memory_space<hbm>> -> memref<128xf32, #tpu.memory_space<hbm>>
      tpu.enqueue_dma source(%dma_start3A_99 : memref<128xf32, #tpu.memory_space<hbm>>) target(%dma_start3A_98 : memref<128xf32, #tpu.memory_space<vmem>>) target_semaphore(%run_scoped3A_91 : memref<!tpu.dma_semaphore, #tpu.memory_space<semaphore_mem>>)
      %dma_wait3A_100 = arith.constant 0 : i32
      %dma_wait3A_101 = tpu.memref_slice %arg8[%run_scoped3A_20, %dma_wait3A_100] : memref<2x128xf32, #tpu.memory_space<vmem>> -> memref<1x128xf32, #tpu.memory_space<vmem>>
      %dma_wait3A_102 = tpu.memref_squeeze %dma_wait3A_101 : memref<1x128xf32, #tpu.memory_space<vmem>> -> memref<128xf32, #tpu.memory_space<vmem>>
      %dma_wait3A_103 = tpu.memref_slice %arg4[%add3A_19] : memref<4096xf32, #tpu.memory_space<hbm>> -> memref<128xf32, #tpu.memory_space<hbm>>
      %dma_wait3A_104 = arith.constant 0 : i32
      %dma_wait3A_105 = tpu.memref_slice %arg8[%run_scoped3A_20, %dma_wait3A_104] : memref<2x128xf32, #tpu.memory_space<vmem>> -> memref<1x128xf32, #tpu.memory_space<vmem>>
      %dma_wait3A_106 = tpu.memref_squeeze %dma_wait3A_105 : memref<1x128xf32, #tpu.memory_space<vmem>> -> memref<128xf32, #tpu.memory_space<vmem>>
      %dma_wait3A_107 = tpu.memref_slice %arg4[%add3A_19] : memref<4096xf32, #tpu.memory_space<hbm>> -> memref<128xf32, #tpu.memory_space<hbm>>
      tpu.wait_dma2 semaphore(%run_scoped3A_91 : memref<!tpu.dma_semaphore, #tpu.memory_space<semaphore_mem>>) src(%dma_wait3A_107 : memref<128xf32, #tpu.memory_space<hbm>>) dst(%dma_wait3A_106 : memref<128xf32, #tpu.memory_space<vmem>>)
      tpu.yield
    }) : () -> ()
    %broadcast_in_dim3A = arith.constant 0.000000e+00 : f32
    %broadcast_in_dim3A_21 = vector.broadcast %broadcast_in_dim3A : f32 to vector<16xf32>
    %swap3A = arith.constant 0 : index
    %swap3A_22 = tpu.vector_load %arg9[%swap3A] {strides = array<i32>} : memref<320xf32, #tpu.memory_space<vmem>>, vector<16xf32>,
    tpu.vector_store %arg9[%swap3A], %broadcast_in_dim3A_21 {strides = array<i32>} : memref<320xf32, #tpu.memory_space<vmem>>, vector<16xf32>,
    %swap3A_23 = arith.constant 16 : index
    %swap3A_24 = tpu.vector_load %arg9[%swap3A_23] {strides = array<i32>} : memref<320xf32, #tpu.memory_space<vmem>>, vector<16xf32>,
    tpu.vector_store %arg9[%swap3A_23], %broadcast_in_dim3A_21 {strides = array<i32>} : memref<320xf32, #tpu.memory_space<vmem>>, vector<16xf32>,
    %swap3A_25 = arith.constant 32 : index
    %swap3A_26 = tpu.vector_load %arg9[%swap3A_25] {strides = array<i32>} : memref<320xf32, #tpu.memory_space<vmem>>, vector<16xf32>,
    tpu.vector_store %arg9[%swap3A_25], %broadcast_in_dim3A_21 {strides = array<i32>} : memref<320xf32, #tpu.memory_space<vmem>>, vector<16xf32>,
    %swap3A_27 = arith.constant 48 : index
    %swap3A_28 = tpu.vector_load %arg9[%swap3A_27] {strides = array<i32>} : memref<320xf32, #tpu.memory_space<vmem>>, vector<16xf32>,
    tpu.vector_store %arg9[%swap3A_27], %broadcast_in_dim3A_21 {strides = array<i32>} : memref<320xf32, #tpu.memory_space<vmem>>, vector<16xf32>,
    %swap3A_29 = arith.constant 64 : index
    %swap3A_30 = tpu.vector_load %arg9[%swap3A_29] {strides = array<i32>} : memref<320xf32, #tpu.memory_space<vmem>>, vector<16xf32>,
    tpu.vector_store %arg9[%swap3A_29], %broadcast_in_dim3A_21 {strides = array<i32>} : memref<320xf32, #tpu.memory_space<vmem>>, vector<16xf32>,
    %swap3A_31 = arith.constant 80 : index
    %swap3A_32 = tpu.vector_load %arg9[%swap3A_31] {strides = array<i32>} : memref<320xf32, #tpu.memory_space<vmem>>, vector<16xf32>,
    tpu.vector_store %arg9[%swap3A_31], %broadcast_in_dim3A_21 {strides = array<i32>} : memref<320xf32, #tpu.memory_space<vmem>>, vector<16xf32>,
    %swap3A_33 = arith.constant 96 : index
    %swap3A_34 = tpu.vector_load %arg9[%swap3A_33] {strides = array<i32>} : memref<320xf32, #tpu.memory_space<vmem>>, vector<16xf32>,
    tpu.vector_store %arg9[%swap3A_33], %broadcast_in_dim3A_21 {strides = array<i32>} : memref<320xf32, #tpu.memory_space<vmem>>, vector<16xf32>,
    %swap3A_35 = arith.constant 112 : index
    %swap3A_36 = tpu.vector_load %arg9[%swap3A_35] {strides = array<i32>} : memref<320xf32, #tpu.memory_space<vmem>>, vector<16xf32>,
    tpu.vector_store %arg9[%swap3A_35], %broadcast_in_dim3A_21 {strides = array<i32>} : memref<320xf32, #tpu.memory_space<vmem>>, vector<16xf32>,
    %swap3A_37 = arith.constant 128 : index
    %swap3A_38 = tpu.vector_load %arg9[%swap3A_37] {strides = array<i32>} : memref<320xf32, #tpu.memory_space<vmem>>, vector<16xf32>,
    tpu.vector_store %arg9[%swap3A_37], %broadcast_in_dim3A_21 {strides = array<i32>} : memref<320xf32, #tpu.memory_space<vmem>>, vector<16xf32>,
    %swap3A_39 = arith.constant 144 : index
    %swap3A_40 = tpu.vector_load %arg9[%swap3A_39] {strides = array<i32>} : memref<320xf32, #tpu.memory_space<vmem>>, vector<16xf32>,
    tpu.vector_store %arg9[%swap3A_39], %broadcast_in_dim3A_21 {strides = array<i32>} : memref<320xf32, #tpu.memory_space<vmem>>, vector<16xf32>,
    %swap3A_41 = arith.constant 160 : index
    %swap3A_42 = tpu.vector_load %arg9[%swap3A_41] {strides = array<i32>} : memref<320xf32, #tpu.memory_space<vmem>>, vector<16xf32>,
    tpu.vector_store %arg9[%swap3A_41], %broadcast_in_dim3A_21 {strides = array<i32>} : memref<320xf32, #tpu.memory_space<vmem>>, vector<16xf32>,
    %swap3A_43 = arith.constant 176 : index
    %swap3A_44 = tpu.vector_load %arg9[%swap3A_43] {strides = array<i32>} : memref<320xf32, #tpu.memory_space<vmem>>, vector<16xf32>,
    tpu.vector_store %arg9[%swap3A_43], %broadcast_in_dim3A_21 {strides = array<i32>} : memref<320xf32, #tpu.memory_space<vmem>>, vector<16xf32>,
    %swap3A_45 = arith.constant 192 : index
    %swap3A_46 = tpu.vector_load %arg9[%swap3A_45] {strides = array<i32>} : memref<320xf32, #tpu.memory_space<vmem>>, vector<16xf32>,
    tpu.vector_store %arg9[%swap3A_45], %broadcast_in_dim3A_21 {strides = array<i32>} : memref<320xf32, #tpu.memory_space<vmem>>, vector<16xf32>,
    %swap3A_47 = arith.constant 208 : index
    %swap3A_48 = tpu.vector_load %arg9[%swap3A_47] {strides = array<i32>} : memref<320xf32, #tpu.memory_space<vmem>>, vector<16xf32>,
    tpu.vector_store %arg9[%swap3A_47], %broadcast_in_dim3A_21 {strides = array<i32>} : memref<320xf32, #tpu.memory_space<vmem>>, vector<16xf32>,
    %swap3A_49 = arith.constant 224 : index
    %swap3A_50 = tpu.vector_load %arg9[%swap3A_49] {strides = array<i32>} : memref<320xf32, #tpu.memory_space<vmem>>, vector<16xf32>,
    tpu.vector_store %arg9[%swap3A_49], %broadcast_in_dim3A_21 {strides = array<i32>} : memref<320xf32, #tpu.memory_space<vmem>>, vector<16xf32>,
    %swap3A_51 = arith.constant 240 : index
    %swap3A_52 = tpu.vector_load %arg9[%swap3A_51] {strides = array<i32>} : memref<320xf32, #tpu.memory_space<vmem>>, vector<16xf32>,
    tpu.vector_store %arg9[%swap3A_51], %broadcast_in_dim3A_21 {strides = array<i32>} : memref<320xf32, #tpu.memory_space<vmem>>, vector<16xf32>,
    %swap3A_53 = arith.constant 256 : index
    %swap3A_54 = tpu.vector_load %arg9[%swap3A_53] {strides = array<i32>} : memref<320xf32, #tpu.memory_space<vmem>>, vector<16xf32>,
    tpu.vector_store %arg9[%swap3A_53], %broadcast_in_dim3A_21 {strides = array<i32>} : memref<320xf32, #tpu.memory_space<vmem>>, vector<16xf32>,
    %swap3A_55 = arith.constant 272 : index
    %swap3A_56 = tpu.vector_load %arg9[%swap3A_55] {strides = array<i32>} : memref<320xf32, #tpu.memory_space<vmem>>, vector<16xf32>,
    tpu.vector_store %arg9[%swap3A_55], %broadcast_in_dim3A_21 {strides = array<i32>} : memref<320xf32, #tpu.memory_space<vmem>>, vector<16xf32>,
    %swap3A_57 = arith.constant 288 : index
    %swap3A_58 = tpu.vector_load %arg9[%swap3A_57] {strides = array<i32>} : memref<320xf32, #tpu.memory_space<vmem>>, vector<16xf32>,
    tpu.vector_store %arg9[%swap3A_57], %broadcast_in_dim3A_21 {strides = array<i32>} : memref<320xf32, #tpu.memory_space<vmem>>, vector<16xf32>,
    %swap3A_59 = arith.constant 304 : index
    %swap3A_60 = tpu.vector_load %arg9[%swap3A_59] {strides = array<i32>} : memref<320xf32, #tpu.memory_space<vmem>>, vector<16xf32>,
    tpu.vector_store %arg9[%swap3A_59], %broadcast_in_dim3A_21 {strides = array<i32>} : memref<320xf32, #tpu.memory_space<vmem>>, vector<16xf32>,
    %mul3A_61 = arith.constant 320 : i32
    %mul3A_62 = arith.muli %arg1, %mul3A_61 : i32
    "tpu.region"() ({
      %run_scoped3A_91 = tpu.sem_alloc : memref<!tpu.dma_semaphore, #tpu.memory_space<semaphore_mem>>
      %dma_start3A_92 = tpu.memref_slice %arg13[%mul3A_62] : memref<5120xf32, #tpu.memory_space<vmem_shared>> -> memref<320xf32, #tpu.memory_space<vmem_shared>>
      %dma_start3A_93 = tpu.memref_slice %arg13[%mul3A_62] : memref<5120xf32, #tpu.memory_space<vmem_shared>> -> memref<320xf32, #tpu.memory_space<vmem_shared>>
      tpu.enqueue_dma source(%arg9 : memref<320xf32, #tpu.memory_space<vmem>>) target(%dma_start3A_93 : memref<320xf32, #tpu.memory_space<vmem_shared>>) target_semaphore(%run_scoped3A_91 : memref<!tpu.dma_semaphore, #tpu.memory_space<semaphore_mem>>)
      %dma_wait3A_94 = tpu.memref_slice %arg13[%mul3A_62] : memref<5120xf32, #tpu.memory_space<vmem_shared>> -> memref<320xf32, #tpu.memory_space<vmem_shared>>
      %dma_wait3A_95 = tpu.memref_slice %arg13[%mul3A_62] : memref<5120xf32, #tpu.memory_space<vmem_shared>> -> memref<320xf32, #tpu.memory_space<vmem_shared>>
      tpu.wait_dma2 semaphore(%run_scoped3A_91 : memref<!tpu.dma_semaphore, #tpu.memory_space<semaphore_mem>>) src(%arg9 : memref<320xf32, #tpu.memory_space<vmem>>) dst(%dma_wait3A_95 : memref<320xf32, #tpu.memory_space<vmem_shared>>)
      tpu.yield
    }) : () -> ()
    %barrier3A = arith.constant 0 : index
    tpu.barrier barrier_id(%barrier3A)
    %run_scoped3A_63 = arith.constant 0 : i32
    %run_scoped3A_64 = arith.constant 0 : i32
    "tpu.region"() ({
      %run_scoped3A_91 = tpu.sem_alloc : memref<!tpu.dma_semaphore, #tpu.memory_space<semaphore_mem>>
      %dma_start3A_92 = arith.constant 0 : i32
      %dma_start3A_93 = tpu.memref_slice %arg8[%run_scoped3A_63, %dma_start3A_92] : memref<2x128xf32, #tpu.memory_space<vmem>> -> memref<1x128xf32, #tpu.memory_space<vmem>>
      %dma_start3A_94 = tpu.memref_squeeze %dma_start3A_93 : memref<1x128xf32, #tpu.memory_space<vmem>> -> memref<128xf32, #tpu.memory_space<vmem>>
      %dma_start3A_95 = arith.constant 0 : i32
      %dma_start3A_96 = tpu.memref_slice %arg7[%run_scoped3A_64, %dma_start3A_95] : memref<2x128xi32, #tpu.memory_space<vmem>> -> memref<1x128xi32, #tpu.memory_space<vmem>>
      %dma_start3A_97 = tpu.memref_squeeze %dma_start3A_96 : memref<1x128xi32, #tpu.memory_space<vmem>> -> memref<128xi32, #tpu.memory_space<vmem>>
      %dma_start3A_98 = arith.constant 0 : i32
      %dma_start3A_99 = tpu.memref_slice %arg13[%dma_start3A_98] : memref<5120xf32, #tpu.memory_space<vmem_shared>> -> memref<5120xf32, #tpu.memory_space<vmem_shared>>
      tpu.enqueue_indirect_dma source(%dma_start3A_94 : memref<128xf32, #tpu.memory_space<vmem>>) target(%dma_start3A_99 : memref<5120xf32, #tpu.memory_space<vmem_shared>>) offsets(%dma_start3A_97 : memref<128xi32, #tpu.memory_space<vmem>>) semaphore(%run_scoped3A_91 : memref<!tpu.dma_semaphore, #tpu.memory_space<semaphore_mem>>)
      %dma_wait3A_100 = arith.constant 0 : i32
      %dma_wait3A_101 = tpu.memref_slice %arg8[%run_scoped3A_63, %dma_wait3A_100] : memref<2x128xf32, #tpu.memory_space<vmem>> -> memref<1x128xf32, #tpu.memory_space<vmem>>
      %dma_wait3A_102 = tpu.memref_squeeze %dma_wait3A_101 : memref<1x128xf32, #tpu.memory_space<vmem>> -> memref<128xf32, #tpu.memory_space<vmem>>
      %dma_wait3A_103 = arith.constant 0 : i32
      %dma_wait3A_104 = tpu.memref_slice %arg7[%run_scoped3A_64, %dma_wait3A_103] : memref<2x128xi32, #tpu.memory_space<vmem>> -> memref<1x128xi32, #tpu.memory_space<vmem>>
      %dma_wait3A_105 = tpu.memref_squeeze %dma_wait3A_104 : memref<1x128xi32, #tpu.memory_space<vmem>> -> memref<128xi32, #tpu.memory_space<vmem>>
      %dma_wait3A_106 = arith.constant 0 : i32
      %dma_wait3A_107 = tpu.memref_slice %arg13[%dma_wait3A_106] : memref<5120xf32, #tpu.memory_space<vmem_shared>> -> memref<5120xf32, #tpu.memory_space<vmem_shared>>
      tpu.wait_indirect_dma semaphore(%run_scoped3A_91 : memref<!tpu.dma_semaphore, #tpu.memory_space<semaphore_mem>>) src(%dma_wait3A_102 : memref<128xf32, #tpu.memory_space<vmem>>) dst(%dma_wait3A_107 : memref<5120xf32, #tpu.memory_space<vmem_shared>>)
      tpu.yield
    }) : () -> ()
    %run_scoped3A_65 = arith.constant 1 : i32
    %run_scoped3A_66 = arith.constant 1 : i32
    "tpu.region"() ({
      %run_scoped3A_91 = tpu.sem_alloc : memref<!tpu.dma_semaphore, #tpu.memory_space<semaphore_mem>>
      %dma_start3A_92 = arith.constant 0 : i32
      %dma_start3A_93 = tpu.memref_slice %arg8[%run_scoped3A_65, %dma_start3A_92] : memref<2x128xf32, #tpu.memory_space<vmem>> -> memref<1x128xf32, #tpu.memory_space<vmem>>
      %dma_start3A_94 = tpu.memref_squeeze %dma_start3A_93 : memref<1x128xf32, #tpu.memory_space<vmem>> -> memref<128xf32, #tpu.memory_space<vmem>>
      %dma_start3A_95 = arith.constant 0 : i32
      %dma_start3A_96 = tpu.memref_slice %arg7[%run_scoped3A_66, %dma_start3A_95] : memref<2x128xi32, #tpu.memory_space<vmem>> -> memref<1x128xi32, #tpu.memory_space<vmem>>
      %dma_start3A_97 = tpu.memref_squeeze %dma_start3A_96 : memref<1x128xi32, #tpu.memory_space<vmem>> -> memref<128xi32, #tpu.memory_space<vmem>>
      %dma_start3A_98 = arith.constant 0 : i32
      %dma_start3A_99 = tpu.memref_slice %arg13[%dma_start3A_98] : memref<5120xf32, #tpu.memory_space<vmem_shared>> -> memref<5120xf32, #tpu.memory_space<vmem_shared>>
      tpu.enqueue_indirect_dma source(%dma_start3A_94 : memref<128xf32, #tpu.memory_space<vmem>>) target(%dma_start3A_99 : memref<5120xf32, #tpu.memory_space<vmem_shared>>) offsets(%dma_start3A_97 : memref<128xi32, #tpu.memory_space<vmem>>) semaphore(%run_scoped3A_91 : memref<!tpu.dma_semaphore, #tpu.memory_space<semaphore_mem>>)
      %dma_wait3A_100 = arith.constant 0 : i32
      %dma_wait3A_101 = tpu.memref_slice %arg8[%run_scoped3A_65, %dma_wait3A_100] : memref<2x128xf32, #tpu.memory_space<vmem>> -> memref<1x128xf32, #tpu.memory_space<vmem>>
      %dma_wait3A_102 = tpu.memref_squeeze %dma_wait3A_101 : memref<1x128xf32, #tpu.memory_space<vmem>> -> memref<128xf32, #tpu.memory_space<vmem>>
      %dma_wait3A_103 = arith.constant 0 : i32
      %dma_wait3A_104 = tpu.memref_slice %arg7[%run_scoped3A_66, %dma_wait3A_103] : memref<2x128xi32, #tpu.memory_space<vmem>> -> memref<1x128xi32, #tpu.memory_space<vmem>>
      %dma_wait3A_105 = tpu.memref_squeeze %dma_wait3A_104 : memref<1x128xi32, #tpu.memory_space<vmem>> -> memref<128xi32, #tpu.memory_space<vmem>>
      %dma_wait3A_106 = arith.constant 0 : i32
      %dma_wait3A_107 = tpu.memref_slice %arg13[%dma_wait3A_106] : memref<5120xf32, #tpu.memory_space<vmem_shared>> -> memref<5120xf32, #tpu.memory_space<vmem_shared>>
      tpu.wait_indirect_dma semaphore(%run_scoped3A_91 : memref<!tpu.dma_semaphore, #tpu.memory_space<semaphore_mem>>) src(%dma_wait3A_102 : memref<128xf32, #tpu.memory_space<vmem>>) dst(%dma_wait3A_107 : memref<5120xf32, #tpu.memory_space<vmem_shared>>)
      tpu.yield
    }) : () -> ()
    %barrier3A_67 = arith.constant 0 : index
    tpu.barrier barrier_id(%barrier3A_67)
    %mul3A_68 = arith.constant 160 : i32
    %mul3A_69 = arith.muli %add3A, %mul3A_68 : i32
    "tpu.region"() ({
      %run_scoped3A_91 = tpu.sem_alloc : memref<!tpu.dma_semaphore, #tpu.memory_space<semaphore_mem>>
      %dma_start3A_92 = tpu.memref_slice %arg13[%mul3A_69] : memref<5120xf32, #tpu.memory_space<vmem_shared>> -> memref<160xf32, #tpu.memory_space<vmem_shared>>
      %dma_start3A_93 = tpu.memref_slice %arg13[%mul3A_69] : memref<5120xf32, #tpu.memory_space<vmem_shared>> -> memref<160xf32, #tpu.memory_space<vmem_shared>>
      tpu.enqueue_dma source(%dma_start3A_93 : memref<160xf32, #tpu.memory_space<vmem_shared>>) target(%arg10 : memref<160xf32, #tpu.memory_space<vmem>>) target_semaphore(%run_scoped3A_91 : memref<!tpu.dma_semaphore, #tpu.memory_space<semaphore_mem>>)
      %dma_wait3A_94 = tpu.memref_slice %arg13[%mul3A_69] : memref<5120xf32, #tpu.memory_space<vmem_shared>> -> memref<160xf32, #tpu.memory_space<vmem_shared>>
      %dma_wait3A_95 = tpu.memref_slice %arg13[%mul3A_69] : memref<5120xf32, #tpu.memory_space<vmem_shared>> -> memref<160xf32, #tpu.memory_space<vmem_shared>>
      tpu.wait_dma2 semaphore(%run_scoped3A_91 : memref<!tpu.dma_semaphore, #tpu.memory_space<semaphore_mem>>) src(%dma_wait3A_95 : memref<160xf32, #tpu.memory_space<vmem_shared>>) dst(%arg10 : memref<160xf32, #tpu.memory_space<vmem>>)
      tpu.yield
    }) : () -> ()
    "tpu.region"() ({
      %run_scoped3A_91 = tpu.sem_alloc : memref<!tpu.dma_semaphore, #tpu.memory_space<semaphore_mem>>
      %dma_start3A_92 = tpu.memref_slice %arg6[%mul3A_69] : memref<5120xf32, #tpu.memory_space<hbm>> -> memref<160xf32, #tpu.memory_space<hbm>>
      %dma_start3A_93 = tpu.memref_slice %arg6[%mul3A_69] : memref<5120xf32, #tpu.memory_space<hbm>> -> memref<160xf32, #tpu.memory_space<hbm>>
      tpu.enqueue_dma source(%arg10 : memref<160xf32, #tpu.memory_space<vmem>>) target(%dma_start3A_93 : memref<160xf32, #tpu.memory_space<hbm>>) target_semaphore(%run_scoped3A_91 : memref<!tpu.dma_semaphore, #tpu.memory_space<semaphore_mem>>)
      %dma_wait3A_94 = tpu.memref_slice %arg6[%mul3A_69] : memref<5120xf32, #tpu.memory_space<hbm>> -> memref<160xf32, #tpu.memory_space<hbm>>
      %dma_wait3A_95 = tpu.memref_slice %arg6[%mul3A_69] : memref<5120xf32, #tpu.memory_space<hbm>> -> memref<160xf32, #tpu.memory_space<hbm>>
      tpu.wait_dma2 semaphore(%run_scoped3A_91 : memref<!tpu.dma_semaphore, #tpu.memory_space<semaphore_mem>>) src(%arg10 : memref<160xf32, #tpu.memory_space<vmem>>) dst(%dma_wait3A_95 : memref<160xf32, #tpu.memory_space<hbm>>)
      tpu.yield
    }) : () -> ()
    %dma_wait3A = arith.constant 0 : i32
    %dma_wait3A_70 = tpu.memref_slice %arg2[%mul3A_6, %dma_wait3A] : memref<2048x384xi32, #tpu.memory_space<hbm>> -> memref<64x384xi32, #tpu.memory_space<hbm>>
    %dma_wait3A_71 = arith.constant 0 : i32
    %dma_wait3A_72 = tpu.memref_slice %arg2[%mul3A_6, %dma_wait3A_71] : memref<2048x384xi32, #tpu.memory_space<hbm>> -> memref<64x384xi32, #tpu.memory_space<hbm>>
    tpu.wait_dma2 semaphore(%arg14 : memref<!tpu.dma_semaphore, #tpu.memory_space<semaphore_mem>>) src(%dma_wait3A_72 : memref<64x384xi32, #tpu.memory_space<hbm>>) dst(%arg12 : memref<64x384xi32, #tpu.memory_space<vmem>>)
    %iota3A = tpu.iota {dimensions = array<i32: 0>} : vector<16xi32>
    %scan3A = arith.constant 0 : i32
    %scan3A_73 = arith.constant 0 : i32
    %scan3A_74 = arith.constant 128 : i32
    %scan3A_75 = arith.addi %scan3A_73, %scan3A_74 : i32
    %scan3A_76 = arith.constant 1 : i32
    %scan3A_77 = scf.for %scan3A_91 = %scan3A_73 to %scan3A_75 step %scan3A_76 iter_args(%scan3A_92 = %scan3A) -> (i32)  : i32 {
      %shift_right_arithmetic3A = arith.constant 4 : i32
      %shift_right_arithmetic3A_93 = arith.shrsi %scan3A_91, %shift_right_arithmetic3A : i32
      %mul3A_94 = arith.constant 16 : i32
      %mul3A_95 = arith.muli %shift_right_arithmetic3A_93, %mul3A_94 : i32
      %get3A = arith.index_cast %mul3A_95 : i32 to index
      %get3A_96 = tpu.vector_load %arg11[%get3A] {strides = array<i32>} : memref<128xi32, #tpu.memory_space<vmem>>, vector<16xi32>,
      %and3A = arith.constant 15 : i32
      %and3A_97 = arith.andi %scan3A_91, %and3A : i32
      %eq3A = vector.broadcast %and3A_97 : i32 to vector<16xi32>
      %eq3A_98 = arith.cmpi eq, %iota3A, %eq3A : vector<16xi32>
      %jit3A = arith.constant 0 : i32
      %broadcast_in_dim3A_99 = vector.broadcast %jit3A : i32 to vector<16xi32>
      %select_n3A = arith.select %eq3A_98, %get3A_96, %broadcast_in_dim3A_99 : vector<16xi1>, vector<16xi32>
      %reduce_sum3A = arith.constant true
      %reduce_sum3A_100 = vector.broadcast %reduce_sum3A : i1 to vector<16xi1>
      %reduce_sum3A_101 = tpu.scan <sum>, %select_n3A masked %reduce_sum3A_100 : vector<16xi32>, vector<16xi1> -> vector<16xi32>
      %reduce_sum3A_102 = vector.extract %reduce_sum3A_101[15] : i32 from vector<16xi32>
      %shift_right_arithmetic3A_103 = arith.constant 1 : i32
      %shift_right_arithmetic3A_104 = arith.shrsi %scan3A_91, %shift_right_arithmetic3A_103 : i32
      %dma_start3A_105 = arith.constant 0 : i32
      %dma_start3A_106 = tpu.memref_slice %arg12[%shift_right_arithmetic3A_104, %dma_start3A_105] : memref<64x384xi32, #tpu.memory_space<vmem>> -> memref<1x384xi32, #tpu.memory_space<vmem>>
      %dma_start3A_107 = arith.constant 0 : i32
      %dma_start3A_108 = tpu.memref_slice %arg5[%reduce_sum3A_102, %dma_start3A_107] : memref<5120x384xi32, #tpu.memory_space<hbm>> -> memref<1x384xi32, #tpu.memory_space<hbm>>
      %dma_start3A_109 = arith.constant 0 : i32
      %dma_start3A_110 = tpu.memref_slice %arg5[%reduce_sum3A_102, %dma_start3A_109] : memref<5120x384xi32, #tpu.memory_space<hbm>> -> memref<1x384xi32, #tpu.memory_space<hbm>>
      %dma_start3A_111 = arith.constant 0 : i32
      %dma_start3A_112 = tpu.memref_slice %arg12[%shift_right_arithmetic3A_104, %dma_start3A_111] : memref<64x384xi32, #tpu.memory_space<vmem>> -> memref<1x384xi32, #tpu.memory_space<vmem>>
      tpu.enqueue_dma source(%dma_start3A_112 : memref<1x384xi32, #tpu.memory_space<vmem>>) target(%dma_start3A_110 : memref<1x384xi32, #tpu.memory_space<hbm>>) target_semaphore(%arg15 : memref<!tpu.dma_semaphore, #tpu.memory_space<semaphore_mem>>)
      %scan3A_113 = arith.constant 0 : i32
      scf.yield %scan3A_113 : i32
    }
    %scan3A_78 = arith.constant 128 : i32
    %dma_wait3A_79 = arith.constant 0 : i32
    %dma_wait3A_80 = arith.constant 0 : i32
    %dma_wait3A_81 = tpu.memref_slice %arg2[%dma_wait3A_79, %dma_wait3A_80] : memref<2048x384xi32, #tpu.memory_space<hbm>> -> memref<64x384xi32, #tpu.memory_space<hbm>>
    %dma_wait3A_82 = arith.constant 0 : i32
    %dma_wait3A_83 = arith.constant 0 : i32
    %dma_wait3A_84 = tpu.memref_slice %arg2[%dma_wait3A_82, %dma_wait3A_83] : memref<2048x384xi32, #tpu.memory_space<hbm>> -> memref<64x384xi32, #tpu.memory_space<hbm>>
    tpu.wait_dma2 semaphore(%arg15 : memref<!tpu.dma_semaphore, #tpu.memory_space<semaphore_mem>>) src(%dma_wait3A_84 : memref<64x384xi32, #tpu.memory_space<hbm>>) dst(%arg12 : memref<64x384xi32, #tpu.memory_space<vmem>>)
    %dma_wait3A_85 = arith.constant 0 : i32
    %dma_wait3A_86 = arith.constant 0 : i32
    %dma_wait3A_87 = tpu.memref_slice %arg2[%dma_wait3A_85, %dma_wait3A_86] : memref<2048x384xi32, #tpu.memory_space<hbm>> -> memref<64x384xi32, #tpu.memory_space<hbm>>
    %dma_wait3A_88 = arith.constant 0 : i32
    %dma_wait3A_89 = arith.constant 0 : i32
    %dma_wait3A_90 = tpu.memref_slice %arg2[%dma_wait3A_88, %dma_wait3A_89] : memref<2048x384xi32, #tpu.memory_space<hbm>> -> memref<64x384xi32, #tpu.memory_space<hbm>>
    tpu.wait_dma2 semaphore(%arg15 : memref<!tpu.dma_semaphore, #tpu.memory_space<semaphore_mem>>) src(%dma_wait3A_90 : memref<64x384xi32, #tpu.memory_space<hbm>>) dst(%arg12 : memref<64x384xi32, #tpu.memory_space<vmem>>)
    return
  }
}

module attributes {stable_mosaic.version = 14 : i64} {
  func.func @_route_body(%arg0: memref<2048x768xf32, #tpu.memory_space<vmem>>, %arg1: memref<768x8xf32, #tpu.memory_space<vmem>>, %arg2: memref<2048x2xi32, #tpu.memory_space<vmem>>, %arg3: memref<2048x2xf32, #tpu.memory_space<vmem>>, %arg4: memref<1x40xi32, #tpu.memory_space<vmem>>, %arg5: memref<2048x384xi32, #tpu.memory_space<vmem>>, %arg6: memref<2048x8xf32, #tpu.memory_space<vmem>>, %arg7: memref<2048x8xf32, #tpu.memory_space<vmem>>) attributes {dimension_semantics = [], scalar_prefetch = 0 : i64, scratch_operands = 2 : i64, tpu.core_type = #tpu.core_type<tc>} {
    %get3A = arith.constant 0 : index
    %get3A_0 = arith.constant 0 : index
    %get3A_1 = vector.load %arg0[%get3A, %get3A_0] : memref<2048x768xf32, #tpu.memory_space<vmem>>, vector<2048x768xf32>
    %convert_element_type3A = arith.truncf %get3A_1 : vector<2048x768xf32> to vector<2048x768xbf16>
    %slice3A = vector.extract_strided_slice %convert_element_type3A {offsets = [0, 0], sizes = [2048, 384], strides = [1, 1]} : vector<2048x768xbf16> to vector<2048x384xbf16>
    %bitcast_convert_type3A = tpu.bitcast %slice3A : vector<2048x384xbf16> -> vector<2048x384xi16>
    %convert_element_type3A_2 = arith.extsi %bitcast_convert_type3A : vector<2048x384xi16> to vector<2048x384xi32>
    %slice3A_3 = vector.extract_strided_slice %convert_element_type3A {offsets = [0, 384], sizes = [2048, 384], strides = [1, 1]} : vector<2048x768xbf16> to vector<2048x384xbf16>
    %bitcast_convert_type3A_4 = tpu.bitcast %slice3A_3 : vector<2048x384xbf16> -> vector<2048x384xi16>
    %convert_element_type3A_5 = arith.extsi %bitcast_convert_type3A_4 : vector<2048x384xi16> to vector<2048x384xi32>
    %and3A = arith.constant 65535 : i32
    %and3A_6 = vector.broadcast %and3A : i32 to vector<2048x384xi32>
    %and3A_7 = arith.andi %convert_element_type3A_2, %and3A_6 : vector<2048x384xi32>
    %shift_left3A = arith.constant 16 : i32
    %shift_left3A_8 = vector.broadcast %shift_left3A : i32 to vector<2048x384xi32>
    %shift_left3A_9 = arith.shli %convert_element_type3A_5, %shift_left3A_8 : vector<2048x384xi32>
    %or3A = arith.ori %and3A_7, %shift_left3A_9 : vector<2048x384xi32>
    %swap3A = arith.constant 0 : index
    %swap3A_10 = arith.constant 0 : index
    %swap3A_11 = vector.load %arg5[%swap3A, %swap3A_10] : memref<2048x384xi32, #tpu.memory_space<vmem>>, vector<2048x384xi32>
    tpu.vector_store %arg5[%swap3A, %swap3A_10], %or3A {strides = array<i32>} : memref<2048x384xi32, #tpu.memory_space<vmem>>, vector<2048x384xi32>,
    %get3A_12 = arith.constant 0 : index
    %get3A_13 = arith.constant 0 : index
    %get3A_14 = vector.load %arg1[%get3A_12, %get3A_13] : memref<768x8xf32, #tpu.memory_space<vmem>>, vector<768x8xf32>
    %dot_general3A = arith.constant dense<0.000000e+00> : vector<2048x8xf32>
    %dot_general3A_15 = tpu.matmul %get3A_1, %get3A_14, %dot_general3A {dimension_numbers = #tpu.dot_dimension_numbers<[1], [0], [0], [1], [0, 0, 1, 1], [], []>, transpose_lhs_hint = false} : vector<2048x768xf32>, vector<768x8xf32>, vector<2048x8xf32> -> vector<2048x8xf32>
    %reduce_max3A = arith.constant dense<0xFF800000> : vector<2048xf32>
    %reduce_max3A_16 = vector.multi_reduction <maximumf>, %dot_general3A_15, %reduce_max3A [1] : vector<2048x8xf32> to vector<2048xf32>
    %broadcast_in_dim3A = vector.shape_cast %reduce_max3A_16 : vector<2048xf32> to vector<2048x1xf32>
    %sub3A = vector.broadcast %broadcast_in_dim3A : vector<2048x1xf32> to vector<2048x8xf32>
    %sub3A_17 = arith.subf %dot_general3A_15, %sub3A : vector<2048x8xf32>
    %exp3A = math.exp %sub3A_17 : vector<2048x8xf32>
    %reduce_sum3A = arith.constant dense<0.000000e+00> : vector<2048xf32>
    %reduce_sum3A_18 = vector.multi_reduction <add>, %exp3A, %reduce_sum3A [1] : vector<2048x8xf32> to vector<2048xf32>
    %broadcast_in_dim3A_19 = vector.shape_cast %reduce_sum3A_18 : vector<2048xf32> to vector<2048x1xf32>
    %div3A = vector.broadcast %broadcast_in_dim3A_19 : vector<2048x1xf32> to vector<2048x8xf32>
    %div3A_20 = arith.divf %exp3A, %div3A : vector<2048x8xf32>
    %iota3A = tpu.iota {dimensions = array<i32: 1>} : vector<2048x8xi32>
    %reduce_max3A_21 = arith.constant dense<0xFF800000> : vector<2048xf32>
    %reduce_max3A_22 = vector.multi_reduction <maximumf>, %div3A_20, %reduce_max3A_21 [1] : vector<2048x8xf32> to vector<2048xf32>
    %broadcast_in_dim3A_23 = vector.shape_cast %reduce_max3A_22 : vector<2048xf32> to vector<2048x1xf32>
    %eq3A = vector.broadcast %broadcast_in_dim3A_23 : vector<2048x1xf32> to vector<2048x8xf32>
    %eq3A_24 = arith.cmpf oeq, %div3A_20, %eq3A : vector<2048x8xf32>
    %jit3A = arith.constant 8 : i32
    %broadcast_in_dim3A_25 = vector.broadcast %jit3A : i32 to vector<2048x8xi32>
    %select_n3A = arith.select %eq3A_24, %iota3A, %broadcast_in_dim3A_25 : vector<2048x8xi1>, vector<2048x8xi32>
    %reduce_min3A = arith.constant dense<2147483647> : vector<2048xi32>
    %reduce_min3A_26 = vector.multi_reduction <minsi>, %select_n3A, %reduce_min3A [1] : vector<2048x8xi32> to vector<2048xi32>
    %broadcast_in_dim3A_27 = vector.shape_cast %reduce_min3A_26 : vector<2048xi32> to vector<2048x1xi32>
    %eq3A_28 = vector.broadcast %broadcast_in_dim3A_27 : vector<2048x1xi32> to vector<2048x8xi32>
    %eq3A_29 = arith.cmpi eq, %iota3A, %eq3A_28 : vector<2048x8xi32>
    %jit3A_30 = arith.constant -1.000000e+00 : f32
    %broadcast_in_dim3A_31 = vector.broadcast %jit3A_30 : f32 to vector<2048x8xf32>
    %select_n3A_32 = arith.select %eq3A_29, %broadcast_in_dim3A_31, %div3A_20 : vector<2048x8xi1>, vector<2048x8xf32>
    %reduce_max3A_33 = arith.constant dense<0xFF800000> : vector<2048xf32>
    %reduce_max3A_34 = vector.multi_reduction <maximumf>, %select_n3A_32, %reduce_max3A_33 [1] : vector<2048x8xf32> to vector<2048xf32>
    %broadcast_in_dim3A_35 = vector.shape_cast %reduce_max3A_34 : vector<2048xf32> to vector<2048x1xf32>
    %eq3A_36 = vector.broadcast %broadcast_in_dim3A_35 : vector<2048x1xf32> to vector<2048x8xf32>
    %eq3A_37 = arith.cmpf oeq, %select_n3A_32, %eq3A_36 : vector<2048x8xf32>
    %jit3A_38 = arith.constant 8 : i32
    %broadcast_in_dim3A_39 = vector.broadcast %jit3A_38 : i32 to vector<2048x8xi32>
    %select_n3A_40 = arith.select %eq3A_37, %iota3A, %broadcast_in_dim3A_39 : vector<2048x8xi1>, vector<2048x8xi32>
    %reduce_min3A_41 = arith.constant dense<2147483647> : vector<2048xi32>
    %reduce_min3A_42 = vector.multi_reduction <minsi>, %select_n3A_40, %reduce_min3A_41 [1] : vector<2048x8xi32> to vector<2048xi32>
    %broadcast_in_dim3A_43 = vector.shape_cast %reduce_min3A_42 : vector<2048xi32> to vector<2048x1xi32>
    %eq3A_44 = vector.broadcast %broadcast_in_dim3A_43 : vector<2048x1xi32> to vector<2048x8xi32>
    %eq3A_45 = arith.cmpi eq, %iota3A, %eq3A_44 : vector<2048x8xi32>
    %add3A = arith.addf %broadcast_in_dim3A_23, %broadcast_in_dim3A_35 : vector<2048x1xf32>
    %or3A_46 = arith.ori %eq3A_29, %eq3A_45 : vector<2048x8xi1>
    %jit3A_47 = arith.constant 1.000000e+00 : f32
    %jit3A_48 = arith.constant 0.000000e+00 : f32
    %broadcast_in_dim3A_49 = vector.broadcast %jit3A_47 : f32 to vector<2048x8xf32>
    %broadcast_in_dim3A_50 = vector.broadcast %jit3A_48 : f32 to vector<2048x8xf32>
    %select_n3A_51 = arith.select %or3A_46, %broadcast_in_dim3A_49, %broadcast_in_dim3A_50 : vector<2048x8xi1>, vector<2048x8xf32>
    %swap3A_52 = arith.constant 0 : index
    %swap3A_53 = arith.constant 0 : index
    %swap3A_54 = vector.load %arg6[%swap3A_52, %swap3A_53] : memref<2048x8xf32, #tpu.memory_space<vmem>>, vector<2048x8xf32>
    tpu.vector_store %arg6[%swap3A_52, %swap3A_53], %select_n3A_51 {strides = array<i32>} : memref<2048x8xf32, #tpu.memory_space<vmem>>, vector<2048x8xf32>,
    %iota3A_55 = tpu.iota {dimensions = array<i32: 0>} : vector<128x128xi32>
    %iota3A_56 = tpu.iota {dimensions = array<i32: 1>} : vector<128x128xi32>
    %gt3A = arith.cmpi sgt, %iota3A_55, %iota3A_56 : vector<128x128xi32>
    %convert_element_type3A_57 = arith.extui %gt3A : vector<128x128xi1> to vector<128x128xi32>
    %convert_element_type3A_58 = arith.sitofp %convert_element_type3A_57 : vector<128x128xi32> to vector<128x128xf32>
    %convert_element_type3A_59 = arith.truncf %convert_element_type3A_58 : vector<128x128xf32> to vector<128x128xbf16>
    %broadcast_in_dim3A_60 = arith.constant 0.000000e+00 : f32
    %broadcast_in_dim3A_61 = vector.broadcast %broadcast_in_dim3A_60 : f32 to vector<1x8xf32>
    %scan3A = arith.constant 0 : i32
    %scan3A_62 = arith.constant 16 : i32
    %scan3A_63 = arith.addi %scan3A, %scan3A_62 : i32
    %scan3A_64 = arith.constant 1 : i32
    %scan3A_65 = scf.for %scan3A_144 = %scan3A to %scan3A_63 step %scan3A_64 iter_args(%scan3A_145 = %broadcast_in_dim3A_61) -> (vector<1x8xf32>)  : i32 {
      %mul3A_146 = arith.constant 128 : i32
      %mul3A_147 = arith.muli %scan3A_144, %mul3A_146 : i32
      %get3A_148 = arith.index_cast %mul3A_147 : i32 to index
      %get3A_149 = arith.constant 0 : index
      %get3A_150 = vector.load %arg6[%get3A_148, %get3A_149] : memref<2048x8xf32, #tpu.memory_space<vmem>>, vector<128x8xf32>
      %convert_element_type3A_151 = arith.truncf %get3A_150 : vector<128x8xf32> to vector<128x8xbf16>
      %dot_general3A_152 = arith.constant dense<0.000000e+00> : vector<128x8xf32>
      %dot_general3A_153 = tpu.matmul %convert_element_type3A_59, %convert_element_type3A_151, %dot_general3A_152 {dimension_numbers = #tpu.dot_dimension_numbers<[1], [0], [0], [1], [0, 0, 1, 1], [], []>, transpose_lhs_hint = false} : vector<128x128xbf16>, vector<128x8xbf16>, vector<128x8xf32> -> vector<128x8xf32>
      %add3A_154 = vector.broadcast %scan3A_145 : vector<1x8xf32> to vector<128x8xf32>
      %add3A_155 = arith.addf %dot_general3A_153, %add3A_154 : vector<128x8xf32>
      %mul3A_156 = arith.constant 128 : i32
      %mul3A_157 = arith.muli %scan3A_144, %mul3A_156 : i32
      %swap3A_158 = arith.index_cast %mul3A_157 : i32 to index
      %swap3A_159 = arith.constant 0 : index
      %swap3A_160 = vector.load %arg7[%swap3A_158, %swap3A_159] : memref<2048x8xf32, #tpu.memory_space<vmem>>, vector<128x8xf32>
      tpu.vector_store %arg7[%swap3A_158, %swap3A_159], %add3A_155 {strides = array<i32>} : memref<2048x8xf32, #tpu.memory_space<vmem>>, vector<128x8xf32>,
      %reduce_sum3A_161 = arith.constant dense<0.000000e+00> : vector<8xf32>
      %reduce_sum3A_162 = vector.multi_reduction <add>, %get3A_150, %reduce_sum3A_161 [0] : vector<128x8xf32> to vector<8xf32>
      %broadcast_in_dim3A_163 = vector.shape_cast %reduce_sum3A_162 : vector<8xf32> to vector<1x8xf32>
      %add3A_164 = arith.addf %scan3A_145, %broadcast_in_dim3A_163 : vector<1x8xf32>
      scf.yield %add3A_164 : vector<1x8xf32>
    }
    %scan3A_66 = arith.constant 16 : i32
    %mul3A = arith.constant 7.812500e-03 : f32
    %mul3A_67 = vector.broadcast %mul3A : f32 to vector<1x8xf32>
    %mul3A_68 = arith.mulf %scan3A_65, %mul3A_67 : vector<1x8xf32>
    %ceil3A = math.ceil %mul3A_68 : vector<1x8xf32>
    %mul3A_69 = arith.constant 1.280000e+02 : f32
    %mul3A_70 = vector.broadcast %mul3A_69 : f32 to vector<1x8xf32>
    %mul3A_71 = arith.mulf %ceil3A, %mul3A_70 : vector<1x8xf32>
    %iota3A_72 = tpu.iota {dimensions = array<i32: 0>} : vector<8x8xi32>
    %iota3A_73 = tpu.iota {dimensions = array<i32: 1>} : vector<8x8xi32>
    %lt3A = arith.cmpi slt, %iota3A_72, %iota3A_73 : vector<8x8xi32>
    %convert_element_type3A_74 = arith.extui %lt3A : vector<8x8xi1> to vector<8x8xi32>
    %convert_element_type3A_75 = arith.sitofp %convert_element_type3A_74 : vector<8x8xi32> to vector<8x8xf32>
    %dot_general3A_76 = arith.constant dense<0.000000e+00> : vector<1x8xf32>
    %dot_general3A_77 = tpu.matmul %mul3A_71, %convert_element_type3A_75, %dot_general3A_76 {dimension_numbers = #tpu.dot_dimension_numbers<[1], [0], [0], [1], [0, 0, 1, 1], [], []>, transpose_lhs_hint = false} : vector<1x8xf32>, vector<8x8xf32>, vector<1x8xf32> -> vector<1x8xf32>
    %eq3A_78 = arith.cmpi eq, %iota3A_72, %iota3A_73 : vector<8x8xi32>
    %convert_element_type3A_79 = arith.extui %eq3A_78 : vector<8x8xi1> to vector<8x8xi32>
    %convert_element_type3A_80 = arith.sitofp %convert_element_type3A_79 : vector<8x8xi32> to vector<8x8xf32>
    %mul3A_81 = arith.constant 7.812500e-03 : f32
    %mul3A_82 = vector.broadcast %mul3A_81 : f32 to vector<1x8xf32>
    %mul3A_83 = arith.mulf %dot_general3A_77, %mul3A_82 : vector<1x8xf32>
    %dot_general3A_84 = arith.constant dense<0.000000e+00> : vector<8x1xf32>
    %dot_general3A_85 = tpu.matmul %convert_element_type3A_80, %mul3A_83, %dot_general3A_84 {dimension_numbers = #tpu.dot_dimension_numbers<[1], [1], [0], [0], [0, 0, 1, 0], [], []>, transpose_lhs_hint = false} : vector<8x8xf32>, vector<1x8xf32>, vector<8x1xf32> -> vector<8x1xf32>
    %iota3A_86 = tpu.iota {dimensions = array<i32: 1>} : vector<1x40xi32>
    %convert_element_type3A_87 = arith.sitofp %iota3A_86 : vector<1x40xi32> to vector<1x40xf32>
    %le3A = vector.broadcast %dot_general3A_85 : vector<8x1xf32> to vector<8x40xf32>
    %le3A_88 = vector.broadcast %convert_element_type3A_87 : vector<1x40xf32> to vector<8x40xf32>
    %le3A_89 = arith.cmpf ole, %le3A, %le3A_88 : vector<8x40xf32>
    %convert_element_type3A_90 = arith.extui %le3A_89 : vector<8x40xi1> to vector<8x40xi32>
    %reduce_sum3A_91 = arith.constant dense<0> : vector<40xi32>
    %reduce_sum3A_92 = vector.multi_reduction <add>, %convert_element_type3A_90, %reduce_sum3A_91 [0] : vector<8x40xi32> to vector<40xi32>
    %broadcast_in_dim3A_93 = vector.shape_cast %reduce_sum3A_92 : vector<40xi32> to vector<1x40xi32>
    %sub3A_94 = arith.constant 1 : i32
    %sub3A_95 = vector.broadcast %sub3A_94 : i32 to vector<1x40xi32>
    %sub3A_96 = arith.subi %broadcast_in_dim3A_93, %sub3A_95 : vector<1x40xi32>
    %swap3A_97 = arith.constant 0 : index
    %swap3A_98 = arith.constant 0 : index
    %swap3A_99 = vector.load %arg4[%swap3A_97, %swap3A_98] : memref<1x40xi32, #tpu.memory_space<vmem>>, vector<1x40xi32>
    tpu.vector_store %arg4[%swap3A_97, %swap3A_98], %sub3A_96 {strides = array<i32>} : memref<1x40xi32, #tpu.memory_space<vmem>>, vector<1x40xi32>,
    %get3A_100 = arith.constant 0 : index
    %get3A_101 = arith.constant 0 : index
    %get3A_102 = vector.load %arg7[%get3A_100, %get3A_101] : memref<2048x8xf32, #tpu.memory_space<vmem>>, vector<2048x8xf32>
    %jit3A_103 = arith.constant 0.000000e+00 : f32
    %broadcast_in_dim3A_104 = vector.broadcast %jit3A_103 : f32 to vector<2048x8xf32>
    %select_n3A_105 = arith.select %eq3A_29, %get3A_102, %broadcast_in_dim3A_104 : vector<2048x8xi1>, vector<2048x8xf32>
    %reduce_sum3A_106 = arith.constant dense<0.000000e+00> : vector<2048xf32>
    %reduce_sum3A_107 = vector.multi_reduction <add>, %select_n3A_105, %reduce_sum3A_106 [1] : vector<2048x8xf32> to vector<2048xf32>
    %broadcast_in_dim3A_108 = vector.shape_cast %reduce_sum3A_107 : vector<2048xf32> to vector<2048x1xf32>
    %jit3A_109 = arith.constant 0.000000e+00 : f32
    %broadcast_in_dim3A_110 = vector.broadcast %jit3A_109 : f32 to vector<2048x8xf32>
    %select_n3A_111 = arith.select %eq3A_45, %get3A_102, %broadcast_in_dim3A_110 : vector<2048x8xi1>, vector<2048x8xf32>
    %reduce_sum3A_112 = arith.constant dense<0.000000e+00> : vector<2048xf32>
    %reduce_sum3A_113 = vector.multi_reduction <add>, %select_n3A_111, %reduce_sum3A_112 [1] : vector<2048x8xf32> to vector<2048xf32>
    %broadcast_in_dim3A_114 = vector.shape_cast %reduce_sum3A_113 : vector<2048xf32> to vector<2048x1xf32>
    %jit3A_115 = arith.constant 0.000000e+00 : f32
    %broadcast_in_dim3A_116 = vector.shape_cast %dot_general3A_77 : vector<1x8xf32> to vector<1x8xf32>
    %broadcast_in_dim3A_117 = vector.broadcast %broadcast_in_dim3A_116 : vector<1x8xf32> to vector<2048x8xf32>
    %broadcast_in_dim3A_118 = vector.broadcast %jit3A_115 : f32 to vector<2048x8xf32>
    %select_n3A_119 = arith.select %eq3A_29, %broadcast_in_dim3A_117, %broadcast_in_dim3A_118 : vector<2048x8xi1>, vector<2048x8xf32>
    %reduce_sum3A_120 = arith.constant dense<0.000000e+00> : vector<2048xf32>
    %reduce_sum3A_121 = vector.multi_reduction <add>, %select_n3A_119, %reduce_sum3A_120 [1] : vector<2048x8xf32> to vector<2048xf32>
    %broadcast_in_dim3A_122 = vector.shape_cast %reduce_sum3A_121 : vector<2048xf32> to vector<2048x1xf32>
    %jit3A_123 = arith.constant 0.000000e+00 : f32
    %broadcast_in_dim3A_124 = vector.shape_cast %dot_general3A_77 : vector<1x8xf32> to vector<1x8xf32>
    %broadcast_in_dim3A_125 = vector.broadcast %broadcast_in_dim3A_124 : vector<1x8xf32> to vector<2048x8xf32>
    %broadcast_in_dim3A_126 = vector.broadcast %jit3A_123 : f32 to vector<2048x8xf32>
    %select_n3A_127 = arith.select %eq3A_45, %broadcast_in_dim3A_125, %broadcast_in_dim3A_126 : vector<2048x8xi1>, vector<2048x8xf32>
    %reduce_sum3A_128 = arith.constant dense<0.000000e+00> : vector<2048xf32>
    %reduce_sum3A_129 = vector.multi_reduction <add>, %select_n3A_127, %reduce_sum3A_128 [1] : vector<2048x8xf32> to vector<2048xf32>
    %broadcast_in_dim3A_130 = vector.shape_cast %reduce_sum3A_129 : vector<2048xf32> to vector<2048x1xf32>
    %add3A_131 = arith.addf %broadcast_in_dim3A_122, %broadcast_in_dim3A_108 : vector<2048x1xf32>
    %convert_element_type3A_132 = arith.fptosi %add3A_131 : vector<2048x1xf32> to vector<2048x1xi32>
    %add3A_133 = arith.addf %broadcast_in_dim3A_130, %broadcast_in_dim3A_114 : vector<2048x1xf32>
    %convert_element_type3A_134 = arith.fptosi %add3A_133 : vector<2048x1xf32> to vector<2048x1xi32>
    %concatenate3A = tpu.concatenate %convert_element_type3A_132, %convert_element_type3A_134 in 1 : vector<2048x1xi32>, vector<2048x1xi32> -> vector<2048x2xi32>
    %swap3A_135 = arith.constant 0 : index
    %swap3A_136 = arith.constant 0 : index
    %swap3A_137 = vector.load %arg2[%swap3A_135, %swap3A_136] : memref<2048x2xi32, #tpu.memory_space<vmem>>, vector<2048x2xi32>
    tpu.vector_store %arg2[%swap3A_135, %swap3A_136], %concatenate3A {strides = array<i32>} : memref<2048x2xi32, #tpu.memory_space<vmem>>, vector<2048x2xi32>,
    %div3A_138 = arith.divf %broadcast_in_dim3A_23, %add3A : vector<2048x1xf32>
    %div3A_139 = arith.divf %broadcast_in_dim3A_35, %add3A : vector<2048x1xf32>
    %concatenate3A_140 = tpu.concatenate %div3A_138, %div3A_139 in 1 : vector<2048x1xf32>, vector<2048x1xf32> -> vector<2048x2xf32>
    %swap3A_141 = arith.constant 0 : index
    %swap3A_142 = arith.constant 0 : index
    %swap3A_143 = vector.load %arg3[%swap3A_141, %swap3A_142] : memref<2048x2xf32, #tpu.memory_space<vmem>>, vector<2048x2xf32>
    tpu.vector_store %arg3[%swap3A_141, %swap3A_142], %concatenate3A_140 {strides = array<i32>} : memref<2048x2xf32, #tpu.memory_space<vmem>>, vector<2048x2xf32>,
    return
  }
}

module attributes {stable_mosaic.version = 14 : i64} {
  func.func @_gemm_body(%arg0: i32, %arg1: memref<1x40xi32, #tpu.memory_space<smem>>, %arg2: memref<128x384xi32, #tpu.memory_space<vmem>>, %arg3: memref<1x768x1536xf32, #tpu.memory_space<vmem>>, %arg4: memref<1x768x768xf32, #tpu.memory_space<vmem>>, %arg5: memref<1x1x128xf32, #tpu.memory_space<vmem>>, %arg6: memref<128x384xi32, #tpu.memory_space<vmem>>) attributes {dimension_semantics = [#tpu.dimension_semantics<arbitrary>], iteration_bounds = array<i64: 40>, scalar_prefetch = 1 : i64, scratch_operands = 0 : i64, tpu.core_type = #tpu.core_type<tc>, window_params = [{transform_indices = @transform_0, window_bounds = array<i64: 128, 384>}, {transform_indices = @transform_1, window_bounds = array<i64: 1, 768, 1536>}, {transform_indices = @transform_2, window_bounds = array<i64: 1, 768, 768>}, {transform_indices = @transform_3, window_bounds = array<i64: 1, 1, 128>}, {transform_indices = @transform_4, window_bounds = array<i64: 128, 384>}]} {
    %get3A = arith.constant 0 : index
    %get3A_0 = arith.constant 0 : index
    %get3A_1 = vector.load %arg2[%get3A, %get3A_0] : memref<128x384xi32, #tpu.memory_space<vmem>>, vector<128x384xi32>
    %and3A = arith.constant 65535 : i32
    %and3A_2 = vector.broadcast %and3A : i32 to vector<128x384xi32>
    %and3A_3 = arith.andi %get3A_1, %and3A_2 : vector<128x384xi32>
    %convert_element_type3A = arith.trunci %and3A_3 : vector<128x384xi32> to vector<128x384xi16>
    %bitcast_convert_type3A = tpu.bitcast %convert_element_type3A : vector<128x384xi16> -> vector<128x384xbf16>
    %shift_right_arithmetic3A = arith.constant 16 : i32
    %shift_right_arithmetic3A_4 = vector.broadcast %shift_right_arithmetic3A : i32 to vector<128x384xi32>
    %shift_right_arithmetic3A_5 = arith.shrsi %get3A_1, %shift_right_arithmetic3A_4 : vector<128x384xi32>
    %convert_element_type3A_6 = arith.trunci %shift_right_arithmetic3A_5 : vector<128x384xi32> to vector<128x384xi16>
    %bitcast_convert_type3A_7 = tpu.bitcast %convert_element_type3A_6 : vector<128x384xi16> -> vector<128x384xbf16>
    %concatenate3A = tpu.concatenate %bitcast_convert_type3A, %bitcast_convert_type3A_7 in 1 : vector<128x384xbf16>, vector<128x384xbf16> -> vector<128x768xbf16>
    %get3A_8 = arith.constant 0 : index
    %get3A_9 = arith.constant 0 : index
    %get3A_10 = arith.constant 0 : index
    %get3A_11 = vector.load %arg3[%get3A_8, %get3A_9, %get3A_10] : memref<1x768x1536xf32, #tpu.memory_space<vmem>>, vector<1x768x1536xf32>
    %get3A_12 = vector.shape_cast %get3A_11 : vector<1x768x1536xf32> to vector<768x1536xf32>
    %convert_element_type3A_13 = arith.truncf %get3A_12 : vector<768x1536xf32> to vector<768x1536xbf16>
    %dot_general3A = arith.constant dense<0.000000e+00> : vector<128x1536xf32>
    %dot_general3A_14 = tpu.matmul %concatenate3A, %convert_element_type3A_13, %dot_general3A {dimension_numbers = #tpu.dot_dimension_numbers<[1], [0], [0], [1], [0, 0, 1, 1], [], []>, transpose_lhs_hint = false} : vector<128x768xbf16>, vector<768x1536xbf16>, vector<128x1536xf32> -> vector<128x1536xf32>
    %slice3A = vector.extract_strided_slice %dot_general3A_14 {offsets = [0, 0], sizes = [128, 768], strides = [1, 1]} : vector<128x1536xf32> to vector<128x768xf32>
    %slice3A_15 = vector.extract_strided_slice %dot_general3A_14 {offsets = [0, 768], sizes = [128, 768], strides = [1, 1]} : vector<128x1536xf32> to vector<128x768xf32>
    %logistic3A = arith.negf %slice3A : vector<128x768xf32>
    %logistic3A_16 = math.exp %logistic3A : vector<128x768xf32>
    %logistic3A_17 = arith.constant 1.000000e+00 : f32
    %logistic3A_18 = vector.broadcast %logistic3A_17 : f32 to vector<128x768xf32>
    %logistic3A_19 = arith.addf %logistic3A_18, %logistic3A_16 : vector<128x768xf32>
    %logistic3A_20 = arith.divf %logistic3A_18, %logistic3A_19 : vector<128x768xf32>
    %mul3A = arith.mulf %slice3A, %logistic3A_20 : vector<128x768xf32>
    %mul3A_21 = arith.mulf %mul3A, %slice3A_15 : vector<128x768xf32>
    %convert_element_type3A_22 = arith.truncf %mul3A_21 : vector<128x768xf32> to vector<128x768xbf16>
    %get3A_23 = arith.constant 0 : index
    %get3A_24 = arith.constant 0 : index
    %get3A_25 = arith.constant 0 : index
    %get3A_26 = vector.load %arg4[%get3A_23, %get3A_24, %get3A_25] : memref<1x768x768xf32, #tpu.memory_space<vmem>>, vector<1x768x768xf32>
    %get3A_27 = vector.shape_cast %get3A_26 : vector<1x768x768xf32> to vector<768x768xf32>
    %convert_element_type3A_28 = arith.truncf %get3A_27 : vector<768x768xf32> to vector<768x768xbf16>
    %dot_general3A_29 = arith.constant dense<0.000000e+00> : vector<128x768xf32>
    %dot_general3A_30 = tpu.matmul %convert_element_type3A_22, %convert_element_type3A_28, %dot_general3A_29 {dimension_numbers = #tpu.dot_dimension_numbers<[1], [0], [0], [1], [0, 0, 1, 1], [], []>, transpose_lhs_hint = false} : vector<128x768xbf16>, vector<768x768xbf16>, vector<128x768xf32> -> vector<128x768xf32>
    %iota3A = tpu.iota {dimensions = array<i32: 0>} : vector<128x128xi32>
    %iota3A_31 = tpu.iota {dimensions = array<i32: 1>} : vector<128x128xi32>
    %eq3A = arith.cmpi eq, %iota3A, %iota3A_31 : vector<128x128xi32>
    %convert_element_type3A_32 = arith.extui %eq3A : vector<128x128xi1> to vector<128x128xi32>
    %convert_element_type3A_33 = arith.sitofp %convert_element_type3A_32 : vector<128x128xi32> to vector<128x128xf32>
    %get3A_34 = arith.constant 0 : index
    %get3A_35 = arith.constant 0 : index
    %get3A_36 = arith.constant 0 : index
    %get3A_37 = vector.load %arg5[%get3A_34, %get3A_35, %get3A_36] : memref<1x1x128xf32, #tpu.memory_space<vmem>>, vector<1x1x128xf32>
    %get3A_38 = vector.shape_cast %get3A_37 : vector<1x1x128xf32> to vector<1x128xf32>
    %dot_general3A_39 = arith.constant dense<0.000000e+00> : vector<128x1xf32>
    %dot_general3A_40 = tpu.matmul %convert_element_type3A_33, %get3A_38, %dot_general3A_39 {dimension_numbers = #tpu.dot_dimension_numbers<[1], [1], [0], [0], [0, 0, 1, 0], [], []>, transpose_lhs_hint = false} : vector<128x128xf32>, vector<1x128xf32>, vector<128x1xf32> -> vector<128x1xf32>
    %mul3A_41 = vector.broadcast %dot_general3A_40 : vector<128x1xf32> to vector<128x768xf32>
    %mul3A_42 = arith.mulf %dot_general3A_30, %mul3A_41 : vector<128x768xf32>
    %convert_element_type3A_43 = arith.truncf %mul3A_42 : vector<128x768xf32> to vector<128x768xbf16>
    %slice3A_44 = vector.extract_strided_slice %convert_element_type3A_43 {offsets = [0, 0], sizes = [128, 384], strides = [1, 1]} : vector<128x768xbf16> to vector<128x384xbf16>
    %bitcast_convert_type3A_45 = tpu.bitcast %slice3A_44 : vector<128x384xbf16> -> vector<128x384xi16>
    %convert_element_type3A_46 = arith.extsi %bitcast_convert_type3A_45 : vector<128x384xi16> to vector<128x384xi32>
    %slice3A_47 = vector.extract_strided_slice %convert_element_type3A_43 {offsets = [0, 384], sizes = [128, 384], strides = [1, 1]} : vector<128x768xbf16> to vector<128x384xbf16>
    %bitcast_convert_type3A_48 = tpu.bitcast %slice3A_47 : vector<128x384xbf16> -> vector<128x384xi16>
    %convert_element_type3A_49 = arith.extsi %bitcast_convert_type3A_48 : vector<128x384xi16> to vector<128x384xi32>
    %and3A_50 = arith.constant 65535 : i32
    %and3A_51 = vector.broadcast %and3A_50 : i32 to vector<128x384xi32>
    %and3A_52 = arith.andi %convert_element_type3A_46, %and3A_51 : vector<128x384xi32>
    %shift_left3A = arith.constant 16 : i32
    %shift_left3A_53 = vector.broadcast %shift_left3A : i32 to vector<128x384xi32>
    %shift_left3A_54 = arith.shli %convert_element_type3A_49, %shift_left3A_53 : vector<128x384xi32>
    %or3A = arith.ori %and3A_52, %shift_left3A_54 : vector<128x384xi32>
    %swap3A = arith.constant 0 : index
    %swap3A_55 = arith.constant 0 : index
    %swap3A_56 = vector.load %arg6[%swap3A, %swap3A_55] : memref<128x384xi32, #tpu.memory_space<vmem>>, vector<128x384xi32>
    tpu.vector_store %arg6[%swap3A, %swap3A_55], %or3A {strides = array<i32>} : memref<128x384xi32, #tpu.memory_space<vmem>>, vector<128x384xi32>,
    return
  }
  func.func @transform_0(%arg0: i32, %arg1: memref<1x40xi32, #tpu.memory_space<smem>>) -> (i32, i32) {
    %c0_i32 = arith.constant 0 : i32
    %c0_i32_0 = arith.constant 0 : i32
    return %arg0, %c0_i32 : i32, i32
  }
  func.func @transform_1(%arg0: i32, %arg1: memref<1x40xi32, #tpu.memory_space<smem>>) -> (i32, i32, i32) {
    %get3A = arith.constant 0 : index
    %get3A_0 = arith.index_cast %arg0 : i32 to index
    %get3A_1 = memref.load %arg1[%get3A, %get3A_0] : memref<1x40xi32, #tpu.memory_space<smem>>
    %c0_i32 = arith.constant 0 : i32
    %c0_i32_2 = arith.constant 0 : i32
    %c0_i32_3 = arith.constant 0 : i32
    return %get3A_1, %c0_i32, %c0_i32_2 : i32, i32, i32
  }
  func.func @transform_2(%arg0: i32, %arg1: memref<1x40xi32, #tpu.memory_space<smem>>) -> (i32, i32, i32) {
    %get3A = arith.constant 0 : index
    %get3A_0 = arith.index_cast %arg0 : i32 to index
    %get3A_1 = memref.load %arg1[%get3A, %get3A_0] : memref<1x40xi32, #tpu.memory_space<smem>>
    %c0_i32 = arith.constant 0 : i32
    %c0_i32_2 = arith.constant 0 : i32
    %c0_i32_3 = arith.constant 0 : i32
    return %get3A_1, %c0_i32, %c0_i32_2 : i32, i32, i32
  }
  func.func @transform_3(%arg0: i32, %arg1: memref<1x40xi32, #tpu.memory_space<smem>>) -> (i32, i32, i32) {
    %c0_i32 = arith.constant 0 : i32
    %c0_i32_0 = arith.constant 0 : i32
    %c0_i32_1 = arith.constant 0 : i32
    return %arg0, %c0_i32, %c0_i32_0 : i32, i32, i32
  }
  func.func @transform_4(%arg0: i32, %arg1: memref<1x40xi32, #tpu.memory_space<smem>>) -> (i32, i32) {
    %c0_i32 = arith.constant 0 : i32
    %c0_i32_0 = arith.constant 0 : i32
    return %arg0, %c0_i32 : i32, i32
  }
}

</mosaic_0001>

<sc_bundles>
// kernel: kernel.6.cloned.1.call-start
scs
__scs_entry_jumppad:
0x0: {  	(pc) =	sbr.rel $0x88, $3  }
0x1: {  	(tag) =	ssettag $0x0;
	lr =	simm.s32 $0x1  }
0x2: {  	[smem:$0x3F9D] =	sst lr;
	_ =	strace $0xD0000000  }
0x3: {  	_ = 	snop  }
0x4: {  	_ = 	snop  }
0x5: {  	_ = 	snop  }
0x6: {  	_ = 	snop  }
0x7: {  	_ = 	snop  }
__scs_overlays_trampoline_lowered:
0x8: {  	[smem:$0x3FAC] =	sst s0  }
0x9: {  	[smem:$0x3FAD] =	sst s1  }
0xa: {  	[smem:$0x3FAE] =	sst s2  }
0xb: {  	[smem:$0x3FAF] =	sst s3  }
0xc: {  	[smem:$0x3FB0] =	sst s4  }
0xd: {  	[smem:$0x3FB1] =	sst s5  }
0xe: {  	[smem:$0x3FB2] =	sst s6  }
0xf: {  	[smem:$0x3FB3] =	sst s7  }
0x10: {  	[smem:$0x3FB4] =	sst s8  }
0x11: {  	[smem:$0x3FB5] =	sst s9;
	s0 =	simm.s32 @!p0 $0x0  }
0x12: {  	s1 =	sld [smem:$0x3F9B];
	s0 =	simm.s32 @p0 $0x1  }
0x13: {  	[smem:$0x3FB6] =	sst s0;
	s0 =	simm.s32 @!p1 $0x0  }
0x14: {  	s2 =	sld [smem:$0x3F9A];
	s0 =	simm.s32 @p1 $0x1  }
0x15: {  	[smem:$0x3FB7] =	sst s0;
	s0 =	simm.s32 @!p2 $0x0  }
0x16: {  	s3 =	sld [smem:$0x3FDB];
	s0 =	simm.s32 @p2 $0x1  }
0x17: {  	s4 =	simm.s32 $0x1BF5;
	[smem:$0x3FB9] =	sst s0  }
0x18: {  	s0 =	sld [smem:$0x3F9C];
	_ =	swait.ge [sflag:s4], $0x0  }
0x19: {  	s7 =	sld [smem:$0x3F9D]  }
0x1a: {  	s8 =	sadd.s32 $0xFFFFE003, lr  }
0x1b: {  	s9 =	sadd.s32 $0xFFFFFEF7, lr;
	s5 =	simm.s32 $0xFFFFFFFF;
	p2 =	slt.u32 s8, $0xFFFFF086  }
0x1c: {  	p1 =	slt.u32 s9, $0xF7A;
	s5 =	simm.s32 @!p2 $0x0  }
0x1d: {  	s5 =	simm.s32 @p1 $0x1;
	p0 =	seq.s32 s7, s2  }
0x1e: {  	s7 =	smul.u32 @!p0 $0xF7A, s2;
	p2 =	seq.s32 @!p0 s5, $0x0  }
0x1f: {  	s9 =	smul.u32 $0xF7A, s1;
	s8 =	simm.s32 @!p0 $0x1BF5;
	p2 =	por !p2, p0  }
0x20: {  	[sflag:s8] =	ssyncset.s32 @!p0 $0xFFFFF086;
	s6 =	sadd.s32 @!p0 s3, s7;
	s7 =	simm.s32 @!p0 $0x108  }
0x21: {  	s3 =	sadd.s32 s3, s9;
	s6 =	sadd.s32 @!p0 $0x88, s6;
	s7 =	simm.s32 @p2 $0x1082  }
0x22: {  	[simem:s7], [sflag:s8] =	dma.local @!p0 [hbm:s6], $0xF7A  }
0x23: {  	s9 =	sor.u32 $0xD0000000, s2;
	s6 =	simm.s32 $0x108;
	_ =	swait.ge @!p0 [sflag:s8], $0x0  }
0x24: {  	s3 =	sadd.s32 $0x88, s3;
	s6 =	simm.s32 @!p1 $0x1082;
	[sflag:s4] =	ssyncset.s32 $0xFFFFF086  }
0x25: {  	[simem:s6], [sflag:s4] =	dma.local [hbm:s3], $0xF7A  }
0x26: {  	[smem:$0x3F9D] =	sst s1;
	(tag) =	ssettag s2;
	_ =	strace s9  }
0x27: {  	s1 =	sld [smem:$0x3FAD]  }
0x28: {  	s2 =	sld [smem:$0x3FAE]  }
0x29: {  	s4 =	sld [smem:$0x3FB0]  }
0x2a: {  	p0 =	seq.s32 s5, $0x0;
	s5 =	sld [smem:$0x3FB1]  }
0x2b: {  	s6 =	sld [smem:$0x3FB2]  }
0x2c: {  	s7 =	sld [smem:$0x3FB3]  }
0x2d: {  	s3 =	simm.s32 $0x108;
	s8 =	sld [smem:$0x3FB4]  }
0x2e: {  	s3 =	simm.s32 @!p0 $0x1082;
	s9 =	sld [smem:$0x3FB5]  }
0x2f: {  	lr =	sadd.s32 s0, s3;
	s0 =	sld [smem:$0x3FAC]  }
0x30: {  	s3 =	sld [smem:$0x3FAF]  }
0x31: {  	[smem:$0x3FB8] =	sst s10  }
0x32: {  	s10 =	sld [smem:$0x3FB6];
	_ =	sdelay $0x3  }
0x33: {  	p0 =	seq.s32 s10, $0x1;
	s10 =	sld [smem:$0x3FB8];
	_ =	sdelay $0x3  }
0x34: {  	[smem:$0x3FB8] =	sst s10  }
0x35: {  	s10 =	sld [smem:$0x3FB7];
	_ =	sdelay $0x3  }
0x36: {  	p1 =	seq.s32 s10, $0x1;
	s10 =	sld [smem:$0x3FB8];
	_ =	sdelay $0x3  }
0x37: {  	[smem:$0x3FB8] =	sst s10  }
0x38: {  	s10 =	sld [smem:$0x3FB9]  }
0x39: {  	_ = 	snop;
	(pc) =	sbr.ind lr, $3  }
0x3a: {  	_ = 	snop  }
0x3b: {  	_ = 	snop  }
0x3c: {  	p2 =	seq.s32 s10, $0x1;
	s10 =	sld [smem:$0x3FB8]  }
0x3d: {  	_ =	shalt  }
0x3e: {  	_ =	shalt  }
0x3f: {  	_ =	shalt  }
0x40: {  	_ =	shalt  }
0x41: {  	_ =	shalt  }
0x42: {  	_ =	shalt  }
0x43: {  	_ =	shalt  }
0x44: {  	_ =	shalt  }
0x45: {  	_ =	shalt  }
0x46: {  	_ =	shalt  }
0x47: {  	_ =	shalt  }
0x48: {  	_ =	shalt  }
0x49: {  	_ =	shalt  }
0x4a: {  	_ =	shalt  }
0x4b: {  	_ =	shalt  }
0x4c: {  	_ =	shalt  }
0x4d: {  	_ =	shalt  }
0x4e: {  	_ =	shalt  }
0x4f: {  	_ =	shalt  }
0x50: {  	_ =	shalt  }
0x51: {  	_ =	shalt  }
0x52: {  	_ =	shalt  }
0x53: {  	_ =	shalt  }
0x54: {  	_ =	shalt  }
0x55: {  	_ =	shalt  }
0x56: {  	_ =	shalt  }
0x57: {  	_ =	shalt  }
0x58: {  	_ =	shalt  }
0x59: {  	_ =	shalt  }
0x5a: {  	_ =	shalt  }
0x5b: {  	_ =	shalt  }
0x5c: {  	_ =	shalt  }
0x5d: {  	_ =	shalt  }
0x5e: {  	_ =	shalt  }
0x5f: {  	_ =	shalt  }
0x60: {  	_ =	shalt  }
0x61: {  	_ =	shalt  }
0x62: {  	_ =	shalt  }
0x63: {  	_ =	shalt  }
0x64: {  	_ =	shalt  }
0x65: {  	_ =	shalt  }
0x66: {  	_ =	shalt  }
0x67: {  	_ =	shalt  }
0x68: {  	_ =	shalt  }
0x69: {  	_ =	shalt  }
0x6a: {  	_ =	shalt  }
0x6b: {  	_ =	shalt  }
0x6c: {  	_ =	shalt  }
0x6d: {  	_ =	shalt  }
0x6e: {  	_ =	shalt  }
0x6f: {  	_ =	shalt  }
0x70: {  	_ =	shalt  }
0x71: {  	_ =	shalt  }
0x72: {  	_ =	shalt  }
0x73: {  	_ =	shalt  }
0x74: {  	_ =	shalt  }
0x75: {  	_ =	shalt  }
0x76: {  	_ =	shalt  }
0x77: {  	_ =	shalt  }
0x78: {  	_ =	shalt  }
0x79: {  	_ =	shalt  }
0x7a: {  	_ =	shalt  }
0x7b: {  	_ =	shalt  }
0x7c: {  	_ =	shalt  }
0x7d: {  	_ =	shalt  }
0x7e: {  	_ =	shalt  }
0x7f: {  	_ =	shalt  }
0x80: {  	_ =	shalt  }
0x81: {  	_ =	shalt  }
0x82: {  	_ =	shalt  }
0x83: {  	_ =	shalt  }
0x84: {  	_ =	shalt  }
0x85: {  	_ =	shalt  }
0x86: {  	_ =	shalt  }
0x87: {  	_ =	shalt  }
.Lfunc_end0:
.L_simem_size_0:
called_computation_lowered:
.L_overlay_start_0:
0x88: {  	s2 =	sld [smem:$0x3FD9]  }
0x89: {  	s3 =	sld [smem:$0x3FFE];
	_ =	sdelay $0x1  }
0x8a: {  	s1 =	srdreg.scid  }
0x8b: {  	s0 =	sand.u32 $0x1, s1  }
0x8c: {  	s17 =	sshll.u32 s0, $0xA;
	s2 =	sadd.s32 s3, s2  }
0x8d: {  	s2 =	sadd.s32 s2, s17  }
0x8e: {  	[smem:$0x3FC4] =	sst s2  }
0x8f: {  	_ = 	snop  }
0x90: {  	s2 =	sld [smem:$0x3FD0];
	(tm) =	ssettm $0x1  }
0x91: {  	s18 =	sld [smem:$0x3FFB];
	_ =	sdelay $0x3  }
0x92: {  	_ =	strace s18  }
0x93: {  	s3 =	sld [smem:$0x3FFC];
	_ =	sdelay $0x3  }
0x94: {  	_ =	strace s3  }
0x95: {  	s3 =	sld [smem:$0x3FFD];
	_ =	sdelay $0x3  }
0x96: {  	_ =	strace s3  }
0x97: {  	_ =	strace $0x8FFFFFFF  }
0x98: {  	s19 =	sld [smem:$0x3FDB];
	_ =	sdelay $0x1  }
0x99: {  	s4 =	simm.s32 $_scs_section_size  }
0x9a: {  	s5 =	simm.s32 $_size__tile_overlayer_lowered;
	s6 =	simm.s32 $_tile_overlayer_lowered  }
0x9b: {  	s22 =	simm.s32 $0x1BFF;
	s21 =	sshll.u32 s6, $0x1;
	s3 =	sadd.s32 s4, s19  }
0x9c: {  	s7 =	simm.s32 $0x0;
	s20 =	sshll.u32 s5, $0x1;
	s5 =	sadd.s32 s21, s3  }
0x9d: {  	[timem:s7], [sflag:s22] =	dma.local [hbm:s5], s20  }
0x9e: {  	_ =	swait.ge [sflag:s22], s20  }
0x9f: {  	s4 =	ssub.s32 $0x0, s20;
	[sflag:s22] =	ssyncset.done $0x0  }
0xa0: {  	[sflag:s22] =	ssyncadd.s32 s4;
	_ =	sdelay $0x1  }
0xa1: {  	s23 =	simm.s32 $0x1B8B  }
0xa2: {  	_ =	swait.ge [sflag:s23], $0x1  }
0xa3: {  	[sflag:s23] =	ssyncset.done $0x0  }
0xa4: {  	s25 =	simm.s32 $0x1B8E;
	s24 =	sld [smem:$0x3FFE];
	[sflag:s23] =	ssyncadd.s32 $0xFFFFFFFF  }
0xa5: {  	s26 =	simm.s32 $execute0_lowered;
	[smem:$0x3FD2] =	sst s25  }
0xa6: {  	s5 =	sshll.u32 s26, $0x1;
	_ =	strace $0x80000046;
	[dreg:$0x1] =	wrdreg $0xFFFFFFFF  }
0xa7: {  	s28 =	simm.s32 $_size_execute0_lowered;
	s3 =	sadd.s32 s3, s5;
	[dreg:$0x0] =	wrdreg $0x0  }
0xa8: {  	s5 =	sshll.u32 s28, $0x1;
	[dreg:$0x2] =	wrdreg s3  }
0xa9: {  	[dreg:$0x3] =	wrdreg s5  }
0xaa: {  	[dreg:$0x4] =	wrdreg $0xC0  }
0xab: {  	_ =	task [dreg:s7], $0x5FFFF  }
0xac: {  	[dreg:$0x1] =	wrdreg $0xFFFFFFFF  }
0xad: {  	[dreg:$0x0] =	wrdreg $0x60  }
0xae: {  	[dreg:$0x2] =	wrdreg s2  }
0xaf: {  	[dreg:$0x3] =	wrdreg s24  }
0xb0: {  	[dreg:$0x4] =	wrdreg $0x65000  }
0xb1: {  	[dreg:$0x5] =	wrdreg $0x9  }
0xb2: {  	_ =	task.clear_ibuf [dreg:s7], $0x6FFFF;
	_ =	strace $0x90000046  }
0xb3: {  	s29 =	simm.s32 $0x9;
	_ =	strace $0x80000048  }
0xb4: {  	_ =	swait.ge [sflag:s29], $0x1  }
0xb5: {  	[sflag:s29] =	ssyncadd.s32 $0xFFFFFFFF  }
0xb6: {  	_ =	strace $0x90000048  }
0xb7: {  	_ =	sfence  }
0xb8: {  	s30 =	sld [smem:$0x0];
	_ =	sdelay $0x2  }
0xb9: {  	s31 =	sshll.u32 s1, $0xD;
	s1 =	sshrl.u32 s1, $0x2  }
0xba: {  	s3 =	sand.u32 $0x4000, s31;
	s1 =	sadd.s32 s1, s30  }
0xbb: {  	s0 =	sor.u32 s3, s0;
	s1 =	sshll.u32 s1, $0x11  }
0xbc: {  	s0 =	sor.u32 s1, s0  }
0xbd: {  	s0 =	sadd.s32 $0x8F2B, s0  }
0xbe: {  	[sflag:s0] =	ssyncadd.remote.s32 $0x1  }
0xbf: {  	_ =	sfence.sel $0xFFFF  }
0xc0: {  	[dreg:$0x0] =	wrdreg $0xFFFFFFFF;
	(pc) =	sbr.abs _section_cstart, $3  }
0xc1: {  	[dreg:$0x1] =	wrdreg $0xFFFFFFFF  }
0xc2: {  	_ =	task.clear_ibuf [dreg:s7], $0x2FFFF;
	_ =	strace $0x9FFFFFFF  }
0xc3: {  	(tm) =	ssettm $0x7FFFFFFF  }
tec
execute0_lowered:
.L_overlay_start_1:
0x0: {  	(tag) =	ssettag $0x1  }
0x1: {  	s5 =	rddreg [dreg:$0x0]  }
0x2: {  	s6 =	rddreg [dreg:$0x1];
	s1 =	srdreg.scid  }
0x3: {  	s0 =	stileid.u32;
	s2 =	rddreg [dreg:$0x2]  }
0x4: {  	s3 =	simm.s32 $0x0;
	s16 =	simm.s32 $0x480;
	s17 =	simm.s32 $0x3  }
0x5: {  	s18 =	simm.s32 $0x100;
	s19 =	simm.s32 $0x80;
	s20 =	simm.s32 $0x180  }
0x6: {  	s21 =	simm.s32 $0x200;
	s22 =	simm.s32 $0x380;
	s23 =	simm.s32 $0x1  }
0x7: {  	s24 =	simm.s32 $0x2;
	s25 =	simm.s32 $0x0;
	s4 =	sand.u32 $0x1, s1  }
0x8: {  	s7 =	sshll.u32 s0, $0x1;
	[smem:$0x7FF] =	sst s3;
	s9 =	sadd.s32 $0x1800, s6  }
0x9: {  	s10 =	sadd.s32 $0x1A00, s6;
	s30 =	smul.u32 $0x500, s0;
	s7 =	sor.u32 s4, s7  }
0xa: {  	s29 =	sshll.u32 s0, $0x5;
	_ =	strace $0x80000047;
	s12 =	smul.u32 $0xA0, s7  }
0xb: {  	s11 =	ssub.s32 $0x2, s4;
	s4 =	sadd.s32 $0x1C00, s6;
	s13 =	smul.u32 $0xC00, s7  }
0xc: {  	s26 =	sshrl.u32 s11, $0x1;
	s28 =	sshll.u32 s7, $0x4;
	s7 =	sadd.s32 s9, s29  }
0xd: {  	s31 =	sshrl.u32 s30, $0x2;
	s15 =	ssub.s32 s11, s26;
	s11 =	sor.u32 $0x10, s29  }
0xe: {  	s8 =	sshrl.u32 s12, $0x3;
	s5 =	sadd.s32 s5, s13;
	s12 =	sadd.s32 s12, s2  }
0xf: {  	s14 =	sadd.s32 s8, s6;
	s6 =	sadd.s32 s9, s28;
	s8 =	sadd.s32 s10, s29  }
0x10: {  	s9 =	sadd.s32 s9, s11;
	s10 =	sadd.s32 s10, s11;
	s11 =	sadd.s32 s31, s2  }
0x11: {  	v0 =	vimm.f32 $0.0e+00;
	v1 =	vlaneseq.u32;
	s13 =	sadd.s32 $0x3DC00, s14;
	s14 =	smax.u32 s15, $0x1;
	s15 =	simm.s32 $0x500  }
.LBB2_1:
0x12: {  	[tilespmem:s15], [sflag:$0x1] =	stream.linear.gather [hbm4b:s5+s3], $0x6000, $0x38;
	[tilespmem:$0x6640] =	vst v63  }
0x13: {  	_ = 	snop  }
0x14: {  	[tilespmem:s16], [sflag:$0x3] =	stream.linear.gather [hbm4b:s6+s3], $0x80, $0x38;
	[tilespmem:$0x6640] =	vst v63  }
0x15: {  	_ =	swait.ge [sflag:s17], $0x80  }
0x16: {  	[sflag:s17] =	ssyncset.done $0x0  }
0x17: {  	[sflag:s17] =	ssyncadd.s32 $0xFFFFFF80  }
0x18: {  	[tilespmem:s3], [sflag:$0x3] =	stream.linear.gather [hbm4b:s7+s3], $0x80, $0x38;
	[tilespmem:$0x6640] =	vst v63  }
0x19: {  	_ =	swait.ge [sflag:s17], $0x80  }
0x1a: {  	[sflag:s17] =	ssyncset.done $0x0  }
0x1b: {  	[sflag:s17] =	ssyncadd.s32 $0xFFFFFF80  }
0x1c: {  	[tilespmem:s18], [sflag:$0x3] =	stream.linear.gather [hbm4b:s8+s3], $0x80, $0x38;
	[tilespmem:$0x6640] =	vst v63  }
0x1d: {  	_ =	swait.ge [sflag:s17], $0x80  }
0x1e: {  	[sflag:s17] =	ssyncset.done $0x0  }
0x1f: {  	[sflag:s17] =	ssyncadd.s32 $0xFFFFFF80  }
0x20: {  	[tilespmem:s19], [sflag:$0x3] =	stream.linear.gather [hbm4b:s9+s3], $0x80, $0x38;
	[tilespmem:$0x6640] =	vst v63  }
0x21: {  	_ =	swait.ge [sflag:s17], $0x80  }
0x22: {  	[sflag:s17] =	ssyncset.done $0x0  }
0x23: {  	[sflag:s17] =	ssyncadd.s32 $0xFFFFFF80  }
0x24: {  	[tilespmem:s20], [sflag:$0x3] =	stream.linear.gather [hbm4b:s10+s3], $0x80, $0x38;
	[tilespmem:$0x6640] =	vst v63  }
0x25: {  	_ =	swait.ge [sflag:s17], $0x80  }
0x26: {  	[sflag:s17] =	ssyncset.done $0x0  }
0x27: {  	[sflag:s17] =	ssyncadd.s32 $0xFFFFFF80  }
0x28: {  	[tilespmem:$0x200] =	vst v0  }
0x29: {  	[tilespmem:$0x210] =	vst v0  }
0x2a: {  	[tilespmem:$0x220] =	vst v0  }
0x2b: {  	[tilespmem:$0x230] =	vst v0  }
0x2c: {  	[tilespmem:$0x240] =	vst v0  }
0x2d: {  	[tilespmem:$0x250] =	vst v0  }
0x2e: {  	[tilespmem:$0x260] =	vst v0  }
0x2f: {  	[tilespmem:$0x270] =	vst v0  }
0x30: {  	[tilespmem:$0x280] =	vst v0  }
0x31: {  	[tilespmem:$0x290] =	vst v0  }
0x32: {  	[tilespmem:$0x2A0] =	vst v0  }
0x33: {  	[tilespmem:$0x2B0] =	vst v0  }
0x34: {  	[tilespmem:$0x2C0] =	vst v0  }
0x35: {  	[tilespmem:$0x2D0] =	vst v0  }
0x36: {  	[tilespmem:$0x2E0] =	vst v0  }
0x37: {  	[tilespmem:$0x2F0] =	vst v0  }
0x38: {  	[tilespmem:$0x300] =	vst v0  }
0x39: {  	[tilespmem:$0x310] =	vst v0  }
0x3a: {  	[tilespmem:$0x320] =	vst v0  }
0x3b: {  	[tilespmem:$0x330] =	vst v0  }
0x3c: {  	[spmem:s11] =	stream.linear.scatter [tilespmem:s21], [sflag:$0x3], $0x140, $0x38;
	[tilespmem:$0x6640] =	vst v63  }
0x3d: {  	_ =	swait.ge [sflag:s17], $0x140  }
0x3e: {  	[sflag:s17] =	ssyncset.done $0x0  }
0x3f: {  	[sflag:s17] =	ssyncadd.s32 $0xFFFFFEC0  }
0x40: {  	[bflag:$0x0] =	sbarrier.arrive $0xFFFF  }
0x41: {  	[spmem:s2] =	stream.indirect.scatter [tilespmem:s18], [sflag:$0x3], $0x1, s3, s19, $0xb8;
	[tilespmem:$0x6640] =	vst v63  }
0x42: {  	_ =	swait.ge [sflag:s17], $0x80  }
0x43: {  	[sflag:s17] =	ssyncset.done $0x0  }
0x44: {  	[sflag:s17] =	ssyncadd.s32 $0xFFFFFF80  }
0x45: {  	[spmem:s2] =	stream.indirect.scatter [tilespmem:s20], [sflag:$0x3], $0x1, s19, s19, $0xb8;
	[tilespmem:$0x6640] =	vst v63  }
0x46: {  	_ =	swait.ge [sflag:s17], $0x80  }
0x47: {  	[sflag:s17] =	ssyncset.done $0x0  }
0x48: {  	[sflag:s17] =	ssyncadd.s32 $0xFFFFFF80  }
0x49: {  	[bflag:$0x0] =	sbarrier.arrive $0xFFFF  }
0x4a: {  	[tilespmem:s22], [sflag:$0x3] =	stream.linear.gather [spmem:s12], $0xA0, $0x38;
	[tilespmem:$0x6640] =	vst v63  }
0x4b: {  	_ =	swait.ge [sflag:s17], $0xA0  }
0x4c: {  	[sflag:s17] =	ssyncset.done $0x0  }
0x4d: {  	[sflag:s17] =	ssyncadd.s32 $0xFFFFFF60  }
0x4e: {  	[hbm4b:s13+s3] =	stream.linear.scatter [tilespmem:s22], [sflag:$0x3], $0xA0, $0x38;
	[tilespmem:$0x6640] =	vst v63  }
0x4f: {  	_ =	swait.ge [sflag:s17], $0xA0  }
0x50: {  	[sflag:s17] =	ssyncset.done $0x0  }
0x51: {  	[sflag:s17] =	ssyncadd.s32 $0xFFFFFF60  }
0x52: {  	_ =	swait.ge [sflag:s23], $0x6000  }
0x53: {  	[sflag:s23] =	ssyncset.done $0x0  }
0x54: {  	s26 =	sand.u32 $0x70, s3;
	[sflag:s23] =	ssyncadd.s32 $0xFFFFA000  }
0x55: {  	v2 =	vld [tilespmem:s26+$0x480];
	_ =	sdelay $0x1  }
0x56: {  	s31 =	sand.u32 $0xF, s3  }
0x57: {  	v3 =	vmov s31  }
0x58: {  	vm0 =	veq.s32 v3, v1  }
0x59: {  	v2 =	vnsel vm0, $0x0, v2  }
0x5a: {  	(xrf0) =	vadd.scan.msk.s32 $0xffff, v2;
	_ =	sdelay $0x5  }
0x5b: {  	v2, _, _ =	vpop (xrf0)  }
0x5c: {  	(v2sf) =	vpush v2, $0xF;
	_ =	sdelay $0xe  }
0x5d: {  	s0 =	simm.s32 $0x0;
	s28 =	spop (v2sf)  }
0x5e: {  	s26 =	smul.u32 $0x3000, s0;
	s29 =	sshrl.u32 s28, $0x3  }
0x5f: {  	s28 =	sshll.u32 s28, $0x7;
	s29 =	smul.u32 $0xC00, s29  }
0x60: {  	s28 =	sand.u32 $0x380, s28  }
0x61: {  	s30 =	sand.u32 $0x380, s3;
	s26 =	sshra.s32 s26, $0x2;
	s28 =	sor.u32 s28, s29  }
0x62: {  	s26 =	sor.u32 s30, s26;
	s28 =	sshrl.u32 s28, $0x3  }
0x63: {  	s29 =	sadd.s32 $0x500, s26;
	s1 =	sadd.s32 s4, s28  }
0x64: {  	[hbm4b:s1+s3] =	stream.linear.scatter [tilespmem:s29], [sflag:$0x2], $0x80, $0x38;
	[tilespmem:$0x6640] =	vst v63  }
0x65: {  	s28 =	sadd.s32 $0x900, s26;
	s29 =	sadd.s32 $0x80, s1  }
0x66: {  	[hbm4b:s29+s3] =	stream.linear.scatter [tilespmem:s28], [sflag:$0x2], $0x80, $0x38;
	[tilespmem:$0x6640] =	vst v63  }
0x67: {  	s28 =	simm.s32 $0x1  }
0x68: {  	s26 =	sadd.s32 $0xD00, s26;
	s29 =	sadd.s32 $0x100, s1;
	s31 =	sand.u32 $0x70, s28  }
0x69: {  	[hbm4b:s29+s3] =	stream.linear.scatter [tilespmem:s26], [sflag:$0x2], $0x80, $0x38;
	[tilespmem:$0x6640] =	vst v63  }
0x6a: {  	s29 =	simm.s32 $0x2;
	s26 =	simm.s32 $0x0;
	v2 =	vld [tilespmem:s31+$0x480]  }
.LBB2_2:
0x6b: {  	p0 =	sne.s32 s29, $0x7F  }
0x6c: {  	s30 =	sand.u32 $0xF, s28  }
0x6d: {  	v3 =	vmov s30  }
0x6e: {  	vm0 =	veq.s32 v3, v1  }
0x6f: {  	v2 =	vnsel vm0, $0x0, v2  }
0x70: {  	(xrf0) =	vadd.scan.msk.s32 $0xffff, v2;
	_ =	sdelay $0x5  }
0x71: {  	v2, _, _ =	vpop (xrf0)  }
0x72: {  	(v2sf) =	vpush v2, $0xF;
	_ =	sdelay $0xe  }
0x73: {  	s30 =	sshrl.u32 s28, $0x4;
	s28 =	smov.u32 s29;
	s31 =	spop (v2sf)  }
0x74: {  	s30 =	smul.u32 $0x3000, s30;
	s1 =	sshrl.u32 s31, $0x3  }
0x75: {  	s31 =	sshll.u32 s31, $0x7;
	s1 =	smul.u32 $0xC00, s1  }
0x76: {  	s26 =	sadd.s32 $0x40, s26;
	s31 =	sand.u32 $0x380, s31  }
0x77: {  	s0 =	sand.u32 $0x380, s26;
	s30 =	sshra.s32 s30, $0x2;
	s1 =	sor.u32 s31, s1  }
0x78: {  	s0 =	sor.u32 s0, s30;
	s1 =	sshrl.u32 s1, $0x3  }
0x79: {  	s30 =	sadd.s32 $0x500, s0;
	s1 =	sadd.s32 s4, s1  }
0x7a: {  	[hbm4b:s1+s3] =	stream.linear.scatter [tilespmem:s30], [sflag:$0x2], $0x80, $0x38;
	[tilespmem:$0x6640] =	vst v63  }
.Ltmp0:
0x7b: {  	s30 =	sadd.s32 $0x900, s0;
	s31 =	sadd.s32 $0x80, s1;
	(pc) =	sbr.rel @p0 .LBB2_2-.Ltmp0, $4  }
0x7c: {  	[hbm4b:s31+s3] =	stream.linear.scatter [tilespmem:s30], [sflag:$0x2], $0x80, $0x38;
	[tilespmem:$0x6640] =	vst v63  }
0x7d: {  	s0 =	sadd.s32 $0xD00, s0;
	s1 =	sadd.s32 $0x100, s1;
	s30 =	sand.u32 $0x70, s29  }
0x7e: {  	[hbm4b:s1+s3] =	stream.linear.scatter [tilespmem:s0], [sflag:$0x2], $0x80, $0x38;
	[tilespmem:$0x6640] =	vst v63  }
0x7f: {  	s29 =	sadd.s32 $0x1, s29;
	v2 =	vld [tilespmem:s30+$0x480]  }
0x80: {  	_ = 	snop  }
0x81: {  	s0 =	sand.u32 $0xF, s28  }
0x82: {  	v3 =	vmov s0  }
0x83: {  	vm0 =	veq.s32 v3, v1  }
0x84: {  	v2 =	vnsel vm0, $0x0, v2  }
0x85: {  	(xrf0) =	vadd.scan.msk.s32 $0xffff, v2;
	_ =	sdelay $0x5  }
0x86: {  	v2, _, _ =	vpop (xrf0)  }
0x87: {  	(v2sf) =	vpush v2, $0xF;
	_ =	sdelay $0xe  }
0x88: {  	s28 =	sshrl.u32 s28, $0x4;
	s1 =	spop (v2sf)  }
0x89: {  	s0 =	smul.u32 $0x3000, s28;
	s29 =	sshrl.u32 s1, $0x3  }
0x8a: {  	s1 =	sshll.u32 s1, $0x7;
	s28 =	smul.u32 $0xC00, s29  }
0x8b: {  	s26 =	sadd.s32 $0x40, s26;
	s1 =	sand.u32 $0x380, s1  }
0x8c: {  	s26 =	sand.u32 $0x380, s26;
	s0 =	sshra.s32 s0, $0x2;
	s1 =	sor.u32 s1, s28  }
0x8d: {  	s0 =	sor.u32 s26, s0;
	s1 =	sshrl.u32 s1, $0x3  }
0x8e: {  	s26 =	sadd.s32 $0x500, s0;
	s1 =	sadd.s32 s4, s1  }
0x8f: {  	[hbm4b:s1+s3] =	stream.linear.scatter [tilespmem:s26], [sflag:$0x2], $0x80, $0x38;
	[tilespmem:$0x6640] =	vst v63  }
0x90: {  	s30 =	sadd.s32 $0x900, s0;
	s31 =	sadd.s32 $0x80, s1  }
0x91: {  	[hbm4b:s31+s3] =	stream.linear.scatter [tilespmem:s30], [sflag:$0x2], $0x80, $0x38;
	[tilespmem:$0x6640] =	vst v63  }
0x92: {  	s25 =	sadd.s32 $0x1, s25;
	s0 =	sadd.s32 $0xD00, s0;
	s1 =	sadd.s32 $0x100, s1  }
0x93: {  	[hbm4b:s1+s3] =	stream.linear.scatter [tilespmem:s0], [sflag:$0x2], $0x80, $0x38;
	[tilespmem:$0x6640] =	vst v63  }
0x94: {  	p0 =	sne.s32 s25, s14;
	_ =	swait.ge [sflag:s24], $0x6000  }
.Ltmp1:
0x95: {  	[sflag:s24] =	ssyncset.done $0x0;
	(pc) =	sbr.rel @p0 .LBB2_1-.Ltmp1, $4  }
0x96: {  	[sflag:s24] =	ssyncadd.s32 $0xFFFFA000  }
0x97: {  	_ =	swait.ge [sflag:s24], $0x6000  }
0x98: {  	[sflag:s24] =	ssyncset.done $0x0  }
0x99: {  	[sflag:s24] =	ssyncadd.s32 $0xFFFFA000  }
0x9a: {  	_ =	sfence.sel $0x180000  }
0x9b: {  	[bflag:$0x0] =	sbarrier.arrive $0xFFFF  }
0x9c: {  	_ =	strace $0x90000047  }
0x9d: {  	s0 =	stileid.u32;
	[bflag:$0x2] =	sbarrier.arrive $0xFFFF  }
0x9e: {  	p0 =	sne.s32 s0, $0x0;
	s0 =	rddreg [dreg:$0x3]  }
0x9f: {  	s0 =	sadd.s32 @!p0 $0x100000, s0  }
0xa0: {  	[sflag:s0] =	ssyncadd.tile.s32 @!p0 $0x1;
	_ =	shalt  }
.Lfunc_end2:
_tile_overlayer_lowered:
.L_overlay_start_2:
0xa1: {  	(tag) =	ssettag $0x2  }
0xa2: {  	s0 =	rddreg [dreg:$0x0];
	s2 =	stileid.u32  }
0xa3: {  	s1 =	rddreg [dreg:$0x1];
	p0 =	sne.s32 s2, $0x0  }
0xa4: {  	s3 =	rddreg [dreg:$0x2];
	[bflag:$0x3] =	sbarrier.arrive $0xFFFF;
	s2 =	simm.s32 @!p0 $0x1C03  }
0xa5: {  	[timem:s3], [sflag:s2] =	dma.local @!p0 [hbm:s0], s1  }
0xa6: {  	s0 =	simm.s32 @!p0 $0x3  }
0xa7: {  	_ =	swait.ge @!p0 [sflag:s0], s1  }
0xa8: {  	s1 =	ssub.s32 @!p0 $0x0, s1;
	[sflag:s0] =	ssyncset.done @!p0 $0x0  }
0xa9: {  	[sflag:s0] =	ssyncadd.s32 @!p0 s1  }
0xaa: {  	[bflag:$0x3] =	sbarrier.arrive $0xFFFF  }
0xab: {  	_ =	shalt  }

// kernel: kernel.9.cloned.1.call-start
scs
__scs_entry_jumppad:
0x0: {  	(pc) =	sbr.rel $0x88, $3  }
0x1: {  	(tag) =	ssettag $0x0;
	lr =	simm.s32 $0x1  }
0x2: {  	[smem:$0x3F9D] =	sst lr;
	_ =	strace $0xD0000000  }
0x3: {  	_ = 	snop  }
0x4: {  	_ = 	snop  }
0x5: {  	_ = 	snop  }
0x6: {  	_ = 	snop  }
0x7: {  	_ = 	snop  }
__scs_overlays_trampoline_lowered:
0x8: {  	[smem:$0x3FAC] =	sst s0  }
0x9: {  	[smem:$0x3FAD] =	sst s1  }
0xa: {  	[smem:$0x3FAE] =	sst s2  }
0xb: {  	[smem:$0x3FAF] =	sst s3  }
0xc: {  	[smem:$0x3FB0] =	sst s4  }
0xd: {  	[smem:$0x3FB1] =	sst s5  }
0xe: {  	[smem:$0x3FB2] =	sst s6  }
0xf: {  	[smem:$0x3FB3] =	sst s7  }
0x10: {  	[smem:$0x3FB4] =	sst s8  }
0x11: {  	[smem:$0x3FB5] =	sst s9;
	s0 =	simm.s32 @!p0 $0x0  }
0x12: {  	s1 =	sld [smem:$0x3F9B];
	s0 =	simm.s32 @p0 $0x1  }
0x13: {  	[smem:$0x3FB6] =	sst s0;
	s0 =	simm.s32 @!p1 $0x0  }
0x14: {  	s2 =	sld [smem:$0x3F9A];
	s0 =	simm.s32 @p1 $0x1  }
0x15: {  	[smem:$0x3FB7] =	sst s0;
	s0 =	simm.s32 @!p2 $0x0  }
0x16: {  	s3 =	sld [smem:$0x3FDB];
	s0 =	simm.s32 @p2 $0x1  }
0x17: {  	s4 =	simm.s32 $0x1BF5;
	[smem:$0x3FB9] =	sst s0  }
0x18: {  	s0 =	sld [smem:$0x3F9C];
	_ =	swait.ge [sflag:s4], $0x0  }
0x19: {  	s7 =	sld [smem:$0x3F9D]  }
0x1a: {  	s8 =	sadd.s32 $0xFFFFE003, lr  }
0x1b: {  	s9 =	sadd.s32 $0xFFFFFEF7, lr;
	s5 =	simm.s32 $0xFFFFFFFF;
	p2 =	slt.u32 s8, $0xFFFFF086  }
0x1c: {  	p1 =	slt.u32 s9, $0xF7A;
	s5 =	simm.s32 @!p2 $0x0  }
0x1d: {  	s5 =	simm.s32 @p1 $0x1;
	p0 =	seq.s32 s7, s2  }
0x1e: {  	s7 =	smul.u32 @!p0 $0xF7A, s2;
	p2 =	seq.s32 @!p0 s5, $0x0  }
0x1f: {  	s9 =	smul.u32 $0xF7A, s1;
	s8 =	simm.s32 @!p0 $0x1BF5;
	p2 =	por !p2, p0  }
0x20: {  	[sflag:s8] =	ssyncset.s32 @!p0 $0xFFFFF086;
	s6 =	sadd.s32 @!p0 s3, s7;
	s7 =	simm.s32 @!p0 $0x108  }
0x21: {  	s3 =	sadd.s32 s3, s9;
	s6 =	sadd.s32 @!p0 $0x88, s6;
	s7 =	simm.s32 @p2 $0x1082  }
0x22: {  	[simem:s7], [sflag:s8] =	dma.local @!p0 [hbm:s6], $0xF7A  }
0x23: {  	s9 =	sor.u32 $0xD0000000, s2;
	s6 =	simm.s32 $0x108;
	_ =	swait.ge @!p0 [sflag:s8], $0x0  }
0x24: {  	s3 =	sadd.s32 $0x88, s3;
	s6 =	simm.s32 @!p1 $0x1082;
	[sflag:s4] =	ssyncset.s32 $0xFFFFF086  }
0x25: {  	[simem:s6], [sflag:s4] =	dma.local [hbm:s3], $0xF7A  }
0x26: {  	[smem:$0x3F9D] =	sst s1;
	(tag) =	ssettag s2;
	_ =	strace s9  }
0x27: {  	s1 =	sld [smem:$0x3FAD]  }
0x28: {  	s2 =	sld [smem:$0x3FAE]  }
0x29: {  	s4 =	sld [smem:$0x3FB0]  }
0x2a: {  	p0 =	seq.s32 s5, $0x0;
	s5 =	sld [smem:$0x3FB1]  }
0x2b: {  	s6 =	sld [smem:$0x3FB2]  }
0x2c: {  	s7 =	sld [smem:$0x3FB3]  }
0x2d: {  	s3 =	simm.s32 $0x108;
	s8 =	sld [smem:$0x3FB4]  }
0x2e: {  	s3 =	simm.s32 @!p0 $0x1082;
	s9 =	sld [smem:$0x3FB5]  }
0x2f: {  	lr =	sadd.s32 s0, s3;
	s0 =	sld [smem:$0x3FAC]  }
0x30: {  	s3 =	sld [smem:$0x3FAF]  }
0x31: {  	[smem:$0x3FB8] =	sst s10  }
0x32: {  	s10 =	sld [smem:$0x3FB6];
	_ =	sdelay $0x3  }
0x33: {  	p0 =	seq.s32 s10, $0x1;
	s10 =	sld [smem:$0x3FB8];
	_ =	sdelay $0x3  }
0x34: {  	[smem:$0x3FB8] =	sst s10  }
0x35: {  	s10 =	sld [smem:$0x3FB7];
	_ =	sdelay $0x3  }
0x36: {  	p1 =	seq.s32 s10, $0x1;
	s10 =	sld [smem:$0x3FB8];
	_ =	sdelay $0x3  }
0x37: {  	[smem:$0x3FB8] =	sst s10  }
0x38: {  	s10 =	sld [smem:$0x3FB9]  }
0x39: {  	_ = 	snop;
	(pc) =	sbr.ind lr, $3  }
0x3a: {  	_ = 	snop  }
0x3b: {  	_ = 	snop  }
0x3c: {  	p2 =	seq.s32 s10, $0x1;
	s10 =	sld [smem:$0x3FB8]  }
0x3d: {  	_ =	shalt  }
0x3e: {  	_ =	shalt  }
0x3f: {  	_ =	shalt  }
0x40: {  	_ =	shalt  }
0x41: {  	_ =	shalt  }
0x42: {  	_ =	shalt  }
0x43: {  	_ =	shalt  }
0x44: {  	_ =	shalt  }
0x45: {  	_ =	shalt  }
0x46: {  	_ =	shalt  }
0x47: {  	_ =	shalt  }
0x48: {  	_ =	shalt  }
0x49: {  	_ =	shalt  }
0x4a: {  	_ =	shalt  }
0x4b: {  	_ =	shalt  }
0x4c: {  	_ =	shalt  }
0x4d: {  	_ =	shalt  }
0x4e: {  	_ =	shalt  }
0x4f: {  	_ =	shalt  }
0x50: {  	_ =	shalt  }
0x51: {  	_ =	shalt  }
0x52: {  	_ =	shalt  }
0x53: {  	_ =	shalt  }
0x54: {  	_ =	shalt  }
0x55: {  	_ =	shalt  }
0x56: {  	_ =	shalt  }
0x57: {  	_ =	shalt  }
0x58: {  	_ =	shalt  }
0x59: {  	_ =	shalt  }
0x5a: {  	_ =	shalt  }
0x5b: {  	_ =	shalt  }
0x5c: {  	_ =	shalt  }
0x5d: {  	_ =	shalt  }
0x5e: {  	_ =	shalt  }
0x5f: {  	_ =	shalt  }
0x60: {  	_ =	shalt  }
0x61: {  	_ =	shalt  }
0x62: {  	_ =	shalt  }
0x63: {  	_ =	shalt  }
0x64: {  	_ =	shalt  }
0x65: {  	_ =	shalt  }
0x66: {  	_ =	shalt  }
0x67: {  	_ =	shalt  }
0x68: {  	_ =	shalt  }
0x69: {  	_ =	shalt  }
0x6a: {  	_ =	shalt  }
0x6b: {  	_ =	shalt  }
0x6c: {  	_ =	shalt  }
0x6d: {  	_ =	shalt  }
0x6e: {  	_ =	shalt  }
0x6f: {  	_ =	shalt  }
0x70: {  	_ =	shalt  }
0x71: {  	_ =	shalt  }
0x72: {  	_ =	shalt  }
0x73: {  	_ =	shalt  }
0x74: {  	_ =	shalt  }
0x75: {  	_ =	shalt  }
0x76: {  	_ =	shalt  }
0x77: {  	_ =	shalt  }
0x78: {  	_ =	shalt  }
0x79: {  	_ =	shalt  }
0x7a: {  	_ =	shalt  }
0x7b: {  	_ =	shalt  }
0x7c: {  	_ =	shalt  }
0x7d: {  	_ =	shalt  }
0x7e: {  	_ =	shalt  }
0x7f: {  	_ =	shalt  }
0x80: {  	_ =	shalt  }
0x81: {  	_ =	shalt  }
0x82: {  	_ =	shalt  }
0x83: {  	_ =	shalt  }
0x84: {  	_ =	shalt  }
0x85: {  	_ =	shalt  }
0x86: {  	_ =	shalt  }
0x87: {  	_ =	shalt  }
.Lfunc_end0:
.L_simem_size_0:
called_computation.1_lowered:
.L_overlay_start_0:
0x88: {  	s2 =	sld [smem:$0x3FD9]  }
0x89: {  	s3 =	sld [smem:$0x3FFE];
	_ =	sdelay $0x1  }
0x8a: {  	s1 =	srdreg.scid  }
0x8b: {  	s0 =	sand.u32 $0x1, s1  }
0x8c: {  	s17 =	sshll.u32 s0, $0xA;
	s2 =	sadd.s32 s3, s2  }
0x8d: {  	s2 =	sadd.s32 s2, s17  }
0x8e: {  	[smem:$0x3FC4] =	sst s2  }
0x8f: {  	_ = 	snop  }
0x90: {  	s2 =	sld [smem:$0x3FD0];
	(tm) =	ssettm $0x1  }
0x91: {  	s18 =	sld [smem:$0x3FFB];
	_ =	sdelay $0x3  }
0x92: {  	_ =	strace s18  }
0x93: {  	s3 =	sld [smem:$0x3FFC];
	_ =	sdelay $0x3  }
0x94: {  	_ =	strace s3  }
0x95: {  	s3 =	sld [smem:$0x3FFD];
	_ =	sdelay $0x3  }
0x96: {  	_ =	strace s3  }
0x97: {  	_ =	strace $0x8FFFFFFF  }
0x98: {  	s19 =	sld [smem:$0x3FDB];
	_ =	sdelay $0x1  }
0x99: {  	s4 =	simm.s32 $_scs_section_size  }
0x9a: {  	s5 =	simm.s32 $_size__tile_overlayer_lowered;
	s6 =	simm.s32 $_tile_overlayer_lowered  }
0x9b: {  	s22 =	simm.s32 $0x1BFF;
	s21 =	sshll.u32 s6, $0x1;
	s3 =	sadd.s32 s4, s19  }
0x9c: {  	s7 =	simm.s32 $0x0;
	s20 =	sshll.u32 s5, $0x1;
	s5 =	sadd.s32 s21, s3  }
0x9d: {  	[timem:s7], [sflag:s22] =	dma.local [hbm:s5], s20  }
0x9e: {  	_ =	swait.ge [sflag:s22], s20  }
0x9f: {  	s4 =	ssub.s32 $0x0, s20;
	[sflag:s22] =	ssyncset.done $0x0  }
0xa0: {  	[sflag:s22] =	ssyncadd.s32 s4;
	_ =	sdelay $0x1  }
0xa1: {  	s23 =	simm.s32 $0x1B8B  }
0xa2: {  	_ =	swait.ge [sflag:s23], $0x1  }
0xa3: {  	[sflag:s23] =	ssyncset.done $0x0  }
0xa4: {  	s25 =	simm.s32 $0x1B8E;
	s24 =	sld [smem:$0x3FFE];
	[sflag:s23] =	ssyncadd.s32 $0xFFFFFFFF  }
0xa5: {  	s26 =	simm.s32 $execute0_lowered;
	[smem:$0x3FD2] =	sst s25  }
0xa6: {  	s5 =	sshll.u32 s26, $0x1;
	_ =	strace $0x80000049;
	[dreg:$0x1] =	wrdreg $0xFFFFFFFF  }
0xa7: {  	s28 =	simm.s32 $_size_execute0_lowered;
	s3 =	sadd.s32 s3, s5;
	[dreg:$0x0] =	wrdreg $0x0  }
0xa8: {  	s5 =	sshll.u32 s28, $0x1;
	[dreg:$0x2] =	wrdreg s3  }
0xa9: {  	[dreg:$0x3] =	wrdreg s5  }
0xaa: {  	[dreg:$0x4] =	wrdreg $0xC0  }
0xab: {  	_ =	task [dreg:s7], $0x5FFFF  }
0xac: {  	[dreg:$0x1] =	wrdreg $0xFFFFFFFF  }
0xad: {  	[dreg:$0x0] =	wrdreg $0x60  }
0xae: {  	[dreg:$0x2] =	wrdreg s24  }
0xaf: {  	[dreg:$0x3] =	wrdreg s2  }
0xb0: {  	[dreg:$0x4] =	wrdreg $0x9  }
0xb1: {  	_ =	task.clear_ibuf [dreg:s7], $0x5FFFF;
	_ =	strace $0x90000049  }
0xb2: {  	s29 =	simm.s32 $0x9;
	_ =	strace $0x8000004B  }
0xb3: {  	_ =	swait.ge [sflag:s29], $0x1  }
0xb4: {  	[sflag:s29] =	ssyncadd.s32 $0xFFFFFFFF  }
0xb5: {  	_ =	strace $0x9000004B  }
0xb6: {  	_ =	sfence  }
0xb7: {  	s30 =	sld [smem:$0x0];
	_ =	sdelay $0x2  }
0xb8: {  	s31 =	sshll.u32 s1, $0xD;
	s1 =	sshrl.u32 s1, $0x2  }
0xb9: {  	s3 =	sand.u32 $0x4000, s31;
	s1 =	sadd.s32 s1, s30  }
0xba: {  	s0 =	sor.u32 s3, s0;
	s1 =	sshll.u32 s1, $0x11  }
0xbb: {  	s0 =	sor.u32 s1, s0  }
0xbc: {  	s0 =	sadd.s32 $0x8F2B, s0  }
0xbd: {  	[sflag:s0] =	ssyncadd.remote.s32 $0x1  }
0xbe: {  	_ =	sfence.sel $0xFFFF  }
0xbf: {  	[dreg:$0x0] =	wrdreg $0xFFFFFFFF;
	(pc) =	sbr.abs _section_cstart, $3  }
0xc0: {  	[dreg:$0x1] =	wrdreg $0xFFFFFFFF  }
0xc1: {  	_ =	task.clear_ibuf [dreg:s7], $0x2FFFF;
	_ =	strace $0x9FFFFFFF  }
0xc2: {  	(tm) =	ssettm $0x7FFFFFFF  }
0xc3: {  	_ =	shalt  }
tec
execute0_lowered:
.L_overlay_start_1:
0x0: {  	(tag) =	ssettag $0x1  }
0x1: {  	s4 =	rddreg [dreg:$0x0]  }
0x2: {  	s6 =	rddreg [dreg:$0x1]  }
0x3: {  	s0 =	rddreg [dreg:$0x2];
	s2 =	simm.s32 $0x0;
	s3 =	srdreg.scid  }
0x4: {  	s1 =	stileid.u32;
	s11 =	simm.s32 $0x1;
	s12 =	simm.s32 $0x6080  }
0x5: {  	s13 =	simm.s32 $0x2;
	s14 =	simm.s32 $0x0;
	[smem:$0x7FF] =	sst s2  }
0x6: {  	s5 =	sand.u32 $0x1, s3;
	s30 =	sshll.u32 s1, $0x1;
	s3 =	sadd.s32 $0x1A00, s4  }
0x7: {  	_ =	strace $0x8000004A;
	s7 =	sor.u32 s5, s30;
	s5 =	ssub.s32 $0x2, s5  }
0x8: {  	s8 =	smul.u32 $0xC000, s7;
	s9 =	sshll.u32 s7, $0x4;
	s10 =	sshrl.u32 s5, $0x1  }
0x9: {  	s7 =	smul.u32 $0x1800, s7;
	s4 =	sadd.s32 s9, s4;
	s31 =	ssub.s32 s5, s10  }
0xa: {  	s10 =	simm.s32 $0x3;
	s8 =	sshrl.u32 s8, $0x3;
	s4 =	sadd.s32 $0x1800, s4  }
0xb: {  	s5 =	sadd.s32 s6, s7;
	s9 =	smax.u32 s31, $0x1;
	s8 =	sadd.s32 s6, s8  }
0xc: {  	v0 =	vlaneseq.u32;
	s6 =	sadd.s32 $0x600, s5;
	s7 =	sadd.s32 $0xC00, s8;
	s8 =	sadd.s32 $0x1200, s8  }
.LBB2_1:
0xd: {  	[tilespmem:s2], [sflag:$0x3] =	stream.linear.gather [hbm4b:s4+s2], $0x80, $0x38;
	[tilespmem:$0x9080] =	vst v63  }
0xe: {  	_ =	swait.ge [sflag:s10], $0x80  }
0xf: {  	[sflag:s10] =	ssyncset.done $0x0  }
0x10: {  	s15 =	sand.u32 $0x10, s2;
	[sflag:s10] =	ssyncadd.s32 $0xFFFFFF80  }
0x11: {  	v1 =	vld [tilespmem:s15+$0x0];
	_ =	sdelay $0x1  }
0x12: {  	s26 =	sand.u32 $0xF, s2  }
0x13: {  	v2 =	vmov s26  }
0x14: {  	vm0 =	veq.s32 v2, v0  }
0x15: {  	v1 =	vnsel vm0, $0x0, v1  }
0x16: {  	(xrf0) =	vadd.scan.msk.s32 $0xffff, v1;
	_ =	sdelay $0x5  }
0x17: {  	v1, _, _ =	vpop (xrf0)  }
0x18: {  	(v2sf) =	vpush v1, $0xF;
	_ =	sdelay $0xe  }
0x19: {  	s28 =	simm.s32 $0x0;
	s16 =	spop (v2sf)  }
0x1a: {  	s15 =	smul.u32 $0x3000, s28;
	s17 =	sshrl.u32 s16, $0x3  }
0x1b: {  	s16 =	sshll.u32 s16, $0x7;
	s17 =	smul.u32 $0xC00, s17  }
0x1c: {  	s16 =	sand.u32 $0x380, s16  }
0x1d: {  	s18 =	sand.u32 $0x380, s2;
	s15 =	sshra.s32 s15, $0x2;
	s16 =	sor.u32 s16, s17  }
0x1e: {  	s15 =	sor.u32 s18, s15;
	s16 =	sshrl.u32 s16, $0x3  }
0x1f: {  	s29 =	sadd.s32 $0x80, s15;
	s16 =	sadd.s32 s3, s16  }
0x20: {  	[tilespmem:s29], [sflag:$0x1] =	stream.linear.gather [hbm4b:s16+s2], $0x80, $0x38;
	[tilespmem:$0x9080] =	vst v63  }
0x21: {  	s18 =	sadd.s32 $0x480, s15;
	s17 =	simm.s32 $0x1;
	s30 =	sadd.s32 $0x80, s16  }
0x22: {  	[tilespmem:s18], [sflag:$0x1] =	stream.linear.gather [hbm4b:s30+s2], $0x80, $0x38;
	[tilespmem:$0x9080] =	vst v63  }
0x23: {  	s15 =	sadd.s32 $0x880, s15;
	s31 =	sand.u32 $0x10, s17;
	s16 =	sadd.s32 $0x100, s16  }
0x24: {  	[tilespmem:s15], [sflag:$0x1] =	stream.linear.gather [hbm4b:s16+s2], $0x80, $0x38;
	[tilespmem:$0x9080] =	vst v63  }
0x25: {  	s18 =	simm.s32 $0x2;
	s16 =	simm.s32 $0x0;
	v1 =	vld [tilespmem:s31+$0x0]  }
.LBB2_2:
0x26: {  	p0 =	sne.s32 s18, $0x1F  }
0x27: {  	s15 =	sand.u32 $0xF, s17  }
0x28: {  	v2 =	vmov s15  }
0x29: {  	vm0 =	veq.s32 v2, v0  }
0x2a: {  	v1 =	vnsel vm0, $0x0, v1  }
0x2b: {  	(xrf0) =	vadd.scan.msk.s32 $0xffff, v1;
	_ =	sdelay $0x5  }
0x2c: {  	v1, _, _ =	vpop (xrf0)  }
0x2d: {  	(v2sf) =	vpush v1, $0xF;
	_ =	sdelay $0xe  }
0x2e: {  	s15 =	sshrl.u32 s17, $0x3;
	s17 =	smov.u32 s18;
	s19 =	spop (v2sf)  }
0x2f: {  	s15 =	smul.u32 $0x3000, s15;
	s20 =	sshrl.u32 s19, $0x3  }
0x30: {  	s19 =	sshll.u32 s19, $0x7;
	s20 =	smul.u32 $0xC00, s20  }
0x31: {  	s16 =	sadd.s32 $0x80, s16;
	s19 =	sand.u32 $0x380, s19  }
0x32: {  	s21 =	sand.u32 $0x380, s16;
	s15 =	sshra.s32 s15, $0x2;
	s19 =	sor.u32 s19, s20  }
0x33: {  	s20 =	sor.u32 s21, s15;
	s15 =	sshrl.u32 s19, $0x3  }
0x34: {  	s19 =	sadd.s32 $0x80, s20;
	s21 =	sadd.s32 s3, s15;
	s15 =	simm.s32 $0x0  }
0x35: {  	[tilespmem:s19], [sflag:$0x1] =	stream.linear.gather [hbm4b:s21+s15], $0x80, $0x38;
	[tilespmem:$0x9080] =	vst v63  }
.Ltmp0:
0x36: {  	s22 =	sadd.s32 $0x480, s20;
	s19 =	sadd.s32 $0x80, s21;
	(pc) =	sbr.rel @p0 .LBB2_2-.Ltmp0, $4  }
0x37: {  	[tilespmem:s22], [sflag:$0x1] =	stream.linear.gather [hbm4b:s19+s15], $0x80, $0x38;
	[tilespmem:$0x9080] =	vst v63  }
0x38: {  	s20 =	sadd.s32 $0x880, s20;
	s21 =	sadd.s32 $0x100, s21;
	s19 =	sand.u32 $0x10, s18  }
0x39: {  	[tilespmem:s20], [sflag:$0x1] =	stream.linear.gather [hbm4b:s21+s15], $0x80, $0x38;
	[tilespmem:$0x9080] =	vst v63  }
0x3a: {  	s18 =	sadd.s32 $0x1, s18;
	v1 =	vld [tilespmem:s19+$0x0]  }
0x3b: {  	_ = 	snop  }
0x3c: {  	s18 =	sand.u32 $0xF, s17  }
0x3d: {  	v2 =	vmov s18  }
0x3e: {  	vm0 =	veq.s32 v2, v0  }
0x3f: {  	v1 =	vnsel vm0, $0x0, v1  }
0x40: {  	(xrf0) =	vadd.scan.msk.s32 $0xffff, v1;
	_ =	sdelay $0x5  }
0x41: {  	v1, _, _ =	vpop (xrf0)  }
0x42: {  	(v2sf) =	vpush v1, $0xF;
	_ =	sdelay $0xe  }
0x43: {  	s24 =	sshrl.u32 s17, $0x3;
	s25 =	spop (v2sf)  }
0x44: {  	s17 =	smul.u32 $0x3000, s24;
	s19 =	sshrl.u32 s25, $0x3  }
0x45: {  	s18 =	sshll.u32 s25, $0x7;
	s19 =	smul.u32 $0xC00, s19  }
0x46: {  	s16 =	sadd.s32 $0x80, s16;
	s18 =	sand.u32 $0x380, s18  }
0x47: {  	s16 =	sand.u32 $0x380, s16;
	s17 =	sshra.s32 s17, $0x2;
	s18 =	sor.u32 s18, s19  }
0x48: {  	s16 =	sor.u32 s16, s17;
	s26 =	sshrl.u32 s18, $0x3  }
0x49: {  	p1 =	por $0x1, $0x1;
	s28 =	sadd.s32 $0x80, s16;
	s17 =	sadd.s32 s3, s26  }
0x4a: {  	[tilespmem:s28], [sflag:$0x1] =	stream.linear.gather [hbm4b:s17+s15], $0x80, $0x38;
	[tilespmem:$0x9080] =	vst v63  }
.Ltmp1:
0x4b: {  	s30 =	sadd.s32 $0x480, s16;
	s29 =	sadd.s32 $0x80, s17;
	(pc) =	sbr.rel @!p1 .LBB2_4-.Ltmp1, $4  }
0x4c: {  	[tilespmem:s30], [sflag:$0x1] =	stream.linear.gather [hbm4b:s29+s15], $0x80, $0x38;
	[tilespmem:$0x9080] =	vst v63  }
0x4d: {  	s31 =	sand.u32 $0x10, s15;
	s16 =	sadd.s32 $0x880, s16;
	s17 =	sadd.s32 $0x100, s17  }
0x4e: {  	[tilespmem:s16], [sflag:$0x1] =	stream.linear.gather [hbm4b:s17+s15], $0x80, $0x38;
	[tilespmem:$0x9080] =	vst v63  }
0x4f: {  	p0 =	por $0x0, $0x0;
	s16 =	simm.s32 $0x1;
	v1 =	vld [tilespmem:s31+$0x20]  }
0x50: {  	_ = 	snop  }
0x51: {  	s17 =	sand.u32 $0xF, s15  }
0x52: {  	v2 =	vmov s17  }
0x53: {  	vm0 =	veq.s32 v2, v0  }
0x54: {  	v1 =	vnsel vm0, $0x0, v1  }
0x55: {  	(xrf0) =	vadd.scan.msk.s32 $0xffff, v1;
	_ =	sdelay $0x5  }
0x56: {  	v1, _, _ =	vpop (xrf0)  }
0x57: {  	(v2sf) =	vpush v1, $0xF;
	_ =	sdelay $0xe  }
0x58: {  	s28 =	simm.s32 $0x0;
	s18 =	spop (v2sf)  }
0x59: {  	s17 =	smul.u32 $0x3000, s28;
	s19 =	sshrl.u32 s18, $0x3  }
0x5a: {  	s18 =	sshll.u32 s18, $0x7;
	s19 =	smul.u32 $0xC00, s19  }
0x5b: {  	s18 =	sand.u32 $0x380, s18  }
0x5c: {  	s20 =	sand.u32 $0x380, s15;
	s17 =	sshra.s32 s17, $0x2;
	s18 =	sor.u32 s18, s19  }
0x5d: {  	s17 =	sor.u32 s20, s17;
	s18 =	sshrl.u32 s18, $0x3  }
0x5e: {  	p1 =	por $0x1, $0x1;
	s29 =	sadd.s32 $0x3080, s17;
	s18 =	sadd.s32 s3, s18  }
0x5f: {  	[tilespmem:s29], [sflag:$0x2] =	stream.linear.gather [hbm4b:s18+s2], $0x80, $0x38;
	[tilespmem:$0x9080] =	vst v63  }
.Ltmp2:
0x60: {  	s20 =	sadd.s32 $0x3480, s17;
	s30 =	sadd.s32 $0x80, s18;
	(pc) =	sbr.rel @!p1 .LBB2_6-.Ltmp2, $4  }
0x61: {  	[tilespmem:s20], [sflag:$0x2] =	stream.linear.gather [hbm4b:s30+s2], $0x80, $0x38;
	[tilespmem:$0x9080] =	vst v63  }
0x62: {  	s31 =	sand.u32 $0x10, s16;
	s17 =	sadd.s32 $0x3880, s17;
	s18 =	sadd.s32 $0x100, s18  }
0x63: {  	[tilespmem:s17], [sflag:$0x2] =	stream.linear.gather [hbm4b:s18+s2], $0x80, $0x38;
	[tilespmem:$0x9080] =	vst v63  }
0x64: {  	p0 =	por $0x1, $0x1;
	s18 =	simm.s32 $0x2;
	s17 =	simm.s32 $0x0;
	v1 =	vld [tilespmem:s31+$0x20]  }
.LBB2_7:
0x65: {  	p1 =	sne.s32 s18, $0x1F  }
0x66: {  	s19 =	sand.u32 $0xF, s16  }
0x67: {  	v2 =	vmov s19  }
0x68: {  	vm0 =	veq.s32 v2, v0  }
0x69: {  	v1 =	vnsel vm0, $0x0, v1  }
0x6a: {  	(xrf0) =	vadd.scan.msk.s32 $0xffff, v1;
	_ =	sdelay $0x5  }
0x6b: {  	v1, _, _ =	vpop (xrf0)  }
0x6c: {  	(v2sf) =	vpush v1, $0xF;
	_ =	sdelay $0xe  }
0x6d: {  	s19 =	sshrl.u32 s16, $0x3;
	s16 =	smov.u32 s18;
	s20 =	spop (v2sf)  }
0x6e: {  	s19 =	smul.u32 $0x3000, s19;
	s21 =	sshrl.u32 s20, $0x3  }
0x6f: {  	s20 =	sshll.u32 s20, $0x7;
	s21 =	smul.u32 $0xC00, s21  }
0x70: {  	s17 =	sadd.s32 $0x80, s17;
	s20 =	sand.u32 $0x380, s20  }
0x71: {  	s22 =	sand.u32 $0x380, s17;
	s19 =	sshra.s32 s19, $0x2;
	s20 =	sor.u32 s20, s21  }
0x72: {  	s19 =	sor.u32 s22, s19;
	s20 =	sshrl.u32 s20, $0x3  }
0x73: {  	s21 =	sadd.s32 $0x3080, s19;
	s20 =	sadd.s32 s3, s20  }
0x74: {  	[tilespmem:s21], [sflag:$0x2] =	stream.linear.gather [hbm4b:s20+s2], $0x80, $0x38;
	[tilespmem:$0x9080] =	vst v63  }
.Ltmp3:
0x75: {  	s22 =	sadd.s32 $0x3480, s19;
	s21 =	sadd.s32 $0x80, s20;
	(pc) =	sbr.rel @p1 .LBB2_7-.Ltmp3, $4  }
0x76: {  	[tilespmem:s22], [sflag:$0x2] =	stream.linear.gather [hbm4b:s21+s2], $0x80, $0x38;
	[tilespmem:$0x9080] =	vst v63  }
0x77: {  	s19 =	sadd.s32 $0x3880, s19;
	s20 =	sadd.s32 $0x100, s20;
	s21 =	sand.u32 $0x10, s18  }
0x78: {  	[tilespmem:s19], [sflag:$0x2] =	stream.linear.gather [hbm4b:s20+s2], $0x80, $0x38;
	[tilespmem:$0x9080] =	vst v63  }
0x79: {  	s18 =	sadd.s32 $0x1, s18;
	v1 =	vld [tilespmem:s21+$0x20]  }
.LBB2_8:
0x7a: {  	_ = 	snop  }
0x7b: {  	s18 =	sand.u32 $0xF, s16  }
0x7c: {  	v2 =	vmov s18  }
0x7d: {  	vm0 =	veq.s32 v2, v0  }
0x7e: {  	v1 =	vnsel vm0, $0x0, v1  }
0x7f: {  	(xrf0) =	vadd.scan.msk.s32 $0xffff, v1;
	_ =	sdelay $0x5  }
0x80: {  	v1, _, _ =	vpop (xrf0)  }
0x81: {  	(v2sf) =	vpush v1, $0xF;
	_ =	sdelay $0xe  }
0x82: {  	s29 =	sshrl.u32 s16, $0x3;
	s30 =	spop (v2sf)  }
0x83: {  	s16 =	smul.u32 $0x3000, s29;
	s19 =	sshrl.u32 s30, $0x3  }
0x84: {  	s17 =	sadd.s32 @p0 $0x80, s17;
	s18 =	sshll.u32 s30, $0x7;
	s19 =	smul.u32 $0xC00, s19  }
0x85: {  	s15 =	smov.u32 @p0 s17;
	s18 =	sand.u32 $0x380, s18  }
0x86: {  	s15 =	sand.u32 $0x380, s15;
	s16 =	sshra.s32 s16, $0x2;
	s31 =	sor.u32 s18, s19  }
0x87: {  	s15 =	sor.u32 s15, s16;
	s18 =	sshrl.u32 s31, $0x3  }
0x88: {  	s19 =	sadd.s32 $0x3080, s15;
	s16 =	sadd.s32 s3, s18  }
0x89: {  	[tilespmem:s19], [sflag:$0x2] =	stream.linear.gather [hbm4b:s16+s2], $0x80, $0x38;
	[tilespmem:$0x9080] =	vst v63  }
0x8a: {  	s22 =	simm.s32 $0x0;
	s21 =	sadd.s32 $0x3480, s15;
	s20 =	sadd.s32 $0x80, s16  }
0x8b: {  	[tilespmem:s21], [sflag:$0x2] =	stream.linear.gather [hbm4b:s20+s2], $0x80, $0x38;
	[tilespmem:$0x9080] =	vst v63  }
0x8c: {  	s17 =	smul.u32 $0x3000, s22;
	s15 =	sadd.s32 $0x3880, s15;
	s16 =	sadd.s32 $0x100, s16  }
0x8d: {  	[tilespmem:s15], [sflag:$0x2] =	stream.linear.gather [hbm4b:s16+s2], $0x80, $0x38;
	[tilespmem:$0x9080] =	vst v63  }
0x8e: {  	s23 =	sshra.s32 s17, $0x2;
	s15 =	simm.s32 $0x0;
	_ =	swait.ge [sflag:s11], $0x3000  }
0x8f: {  	s25 =	sor.u32 $0x80, s23;
	s24 =	sand.u32 $0x300, s15;
	[sflag:s11] =	ssyncset.done $0x0  }
0x90: {  	s26 =	sor.u32 $0x80, s24;
	s20 =	sor.u32 s24, s25;
	[sflag:s11] =	ssyncadd.s32 $0xFFFFD000  }
0x91: {  	s21 =	sadd.s32 s26, s25;
	v1 =	vld [tilespmem:s20+$0x0]  }
0x92: {  	v2 =	vld [tilespmem:s21+$0x0];
	_ =	sdelay $0x2  }
0x93: {  	s28 =	simm.s32 $0x0  }
0x94: {  	s16 =	smul.u32 $0x6000, s28  }
0x95: {  	v1 =	vadd.bf16 v2, v1  }
0x96: {  	s22 =	sand.u32 $0x380, s15;
	s16 =	sshra.s32 s16, $0x2  }
0x97: {  	s16 =	sor.u32 s22, s16;
	v2 =	vunpack.i.l.bf16.f32 v1  }
0x98: {  	v1 =	vunpack.i.u.bf16.f32 v1;
	[tilespmem:s16+$0x6080] =	vst v2  }
0x99: {  	[tilespmem:s16+$0x6C80] =	vst v1  }
0x9a: {  	v1 =	vld [tilespmem:s20+$0x10]  }
0x9b: {  	v2 =	vld [tilespmem:s21+$0x10];
	_ =	sdelay $0x4  }
0x9c: {  	v1 =	vadd.bf16 v2, v1;
	_ =	sdelay $0x1  }
0x9d: {  	v2 =	vunpack.i.l.bf16.f32 v1  }
0x9e: {  	v1 =	vunpack.i.u.bf16.f32 v1;
	[tilespmem:s16+$0x6090] =	vst v2  }
0x9f: {  	[tilespmem:s16+$0x6C90] =	vst v1  }
0xa0: {  	v1 =	vld [tilespmem:s20+$0x20]  }
0xa1: {  	v2 =	vld [tilespmem:s21+$0x20];
	_ =	sdelay $0x4  }
0xa2: {  	v1 =	vadd.bf16 v2, v1;
	_ =	sdelay $0x1  }
0xa3: {  	v2 =	vunpack.i.l.bf16.f32 v1  }
0xa4: {  	v1 =	vunpack.i.u.bf16.f32 v1;
	[tilespmem:s16+$0x60A0] =	vst v2  }
0xa5: {  	[tilespmem:s16+$0x6CA0] =	vst v1  }
0xa6: {  	v1 =	vld [tilespmem:s20+$0x30]  }
0xa7: {  	v2 =	vld [tilespmem:s21+$0x30];
	_ =	sdelay $0x4  }
0xa8: {  	v1 =	vadd.bf16 v2, v1;
	_ =	sdelay $0x1  }
0xa9: {  	v2 =	vunpack.i.l.bf16.f32 v1  }
0xaa: {  	v1 =	vunpack.i.u.bf16.f32 v1;
	[tilespmem:s16+$0x60B0] =	vst v2  }
0xab: {  	[tilespmem:s16+$0x6CB0] =	vst v1  }
0xac: {  	v1 =	vld [tilespmem:s20+$0x40]  }
0xad: {  	v2 =	vld [tilespmem:s21+$0x40];
	_ =	sdelay $0x4  }
0xae: {  	v1 =	vadd.bf16 v2, v1;
	_ =	sdelay $0x1  }
0xaf: {  	v2 =	vunpack.i.l.bf16.f32 v1  }
0xb0: {  	v1 =	vunpack.i.u.bf16.f32 v1;
	[tilespmem:s16+$0x60C0] =	vst v2  }
0xb1: {  	[tilespmem:s16+$0x6CC0] =	vst v1  }
0xb2: {  	v1 =	vld [tilespmem:s20+$0x50]  }
0xb3: {  	v2 =	vld [tilespmem:s21+$0x50];
	_ =	sdelay $0x4  }
0xb4: {  	v1 =	vadd.bf16 v2, v1;
	_ =	sdelay $0x1  }
0xb5: {  	v2 =	vunpack.i.l.bf16.f32 v1  }
0xb6: {  	v1 =	vunpack.i.u.bf16.f32 v1;
	[tilespmem:s16+$0x60D0] =	vst v2  }
0xb7: {  	[tilespmem:s16+$0x6CD0] =	vst v1  }
0xb8: {  	v1 =	vld [tilespmem:s20+$0x60]  }
0xb9: {  	v2 =	vld [tilespmem:s21+$0x60];
	_ =	sdelay $0x4  }
0xba: {  	v1 =	vadd.bf16 v2, v1;
	_ =	sdelay $0x1  }
0xbb: {  	v2 =	vunpack.i.l.bf16.f32 v1  }
0xbc: {  	v1 =	vunpack.i.u.bf16.f32 v1;
	[tilespmem:s16+$0x60E0] =	vst v2  }
0xbd: {  	[tilespmem:s16+$0x6CE0] =	vst v1  }
0xbe: {  	v1 =	vld [tilespmem:s20+$0x70]  }
0xbf: {  	v2 =	vld [tilespmem:s21+$0x70];
	_ =	sdelay $0x4  }
0xc0: {  	v1 =	vadd.bf16 v2, v1;
	_ =	sdelay $0x1  }
0xc1: {  	v2 =	vunpack.i.l.bf16.f32 v1  }
0xc2: {  	s29 =	sadd.s32 $0x480, s23;
	v1 =	vunpack.i.u.bf16.f32 v1;
	[tilespmem:s16+$0x60F0] =	vst v2  }
0xc3: {  	s30 =	sor.u32 s24, s29;
	[tilespmem:s16+$0x6CF0] =	vst v1  }
0xc4: {  	s20 =	sadd.s32 s26, s29;
	v1 =	vld [tilespmem:s30+$0x0]  }
0xc5: {  	v2 =	vld [tilespmem:s20+$0x0];
	_ =	sdelay $0x4  }
0xc6: {  	v1 =	vadd.bf16 v2, v1;
	_ =	sdelay $0x1  }
0xc7: {  	v2 =	vunpack.i.l.bf16.f32 v1  }
0xc8: {  	v1 =	vunpack.i.u.bf16.f32 v1;
	[tilespmem:s16+$0x6480] =	vst v2  }
0xc9: {  	[tilespmem:s16+$0x7080] =	vst v1  }
0xca: {  	v1 =	vld [tilespmem:s30+$0x10]  }
0xcb: {  	v2 =	vld [tilespmem:s20+$0x10];
	_ =	sdelay $0x4  }
0xcc: {  	v1 =	vadd.bf16 v2, v1;
	_ =	sdelay $0x1  }
0xcd: {  	v2 =	vunpack.i.l.bf16.f32 v1  }
0xce: {  	v1 =	vunpack.i.u.bf16.f32 v1;
	[tilespmem:s16+$0x6490] =	vst v2  }
0xcf: {  	[tilespmem:s16+$0x7090] =	vst v1  }
0xd0: {  	v1 =	vld [tilespmem:s30+$0x20]  }
0xd1: {  	v2 =	vld [tilespmem:s20+$0x20];
	_ =	sdelay $0x4  }
0xd2: {  	v1 =	vadd.bf16 v2, v1;
	_ =	sdelay $0x1  }
0xd3: {  	v2 =	vunpack.i.l.bf16.f32 v1  }
0xd4: {  	v1 =	vunpack.i.u.bf16.f32 v1;
	[tilespmem:s16+$0x64A0] =	vst v2  }
0xd5: {  	[tilespmem:s16+$0x70A0] =	vst v1  }
0xd6: {  	v1 =	vld [tilespmem:s30+$0x30]  }
0xd7: {  	v2 =	vld [tilespmem:s20+$0x30];
	_ =	sdelay $0x4  }
0xd8: {  	v1 =	vadd.bf16 v2, v1;
	_ =	sdelay $0x1  }
0xd9: {  	v2 =	vunpack.i.l.bf16.f32 v1  }
0xda: {  	v1 =	vunpack.i.u.bf16.f32 v1;
	[tilespmem:s16+$0x64B0] =	vst v2  }
0xdb: {  	[tilespmem:s16+$0x70B0] =	vst v1  }
0xdc: {  	v1 =	vld [tilespmem:s30+$0x40]  }
0xdd: {  	v2 =	vld [tilespmem:s20+$0x40];
	_ =	sdelay $0x4  }
0xde: {  	v1 =	vadd.bf16 v2, v1;
	_ =	sdelay $0x1  }
0xdf: {  	v2 =	vunpack.i.l.bf16.f32 v1  }
0xe0: {  	v1 =	vunpack.i.u.bf16.f32 v1;
	[tilespmem:s16+$0x64C0] =	vst v2  }
0xe1: {  	[tilespmem:s16+$0x70C0] =	vst v1  }
0xe2: {  	v1 =	vld [tilespmem:s30+$0x50]  }
0xe3: {  	v2 =	vld [tilespmem:s20+$0x50];
	_ =	sdelay $0x4  }
0xe4: {  	v1 =	vadd.bf16 v2, v1;
	_ =	sdelay $0x1  }
0xe5: {  	v2 =	vunpack.i.l.bf16.f32 v1  }
0xe6: {  	v1 =	vunpack.i.u.bf16.f32 v1;
	[tilespmem:s16+$0x64D0] =	vst v2  }
0xe7: {  	[tilespmem:s16+$0x70D0] =	vst v1  }
0xe8: {  	v1 =	vld [tilespmem:s30+$0x60]  }
0xe9: {  	v2 =	vld [tilespmem:s20+$0x60];
	_ =	sdelay $0x4  }
0xea: {  	v1 =	vadd.bf16 v2, v1;
	_ =	sdelay $0x1  }
0xeb: {  	v2 =	vunpack.i.l.bf16.f32 v1  }
0xec: {  	v1 =	vunpack.i.u.bf16.f32 v1;
	[tilespmem:s16+$0x64E0] =	vst v2  }
0xed: {  	[tilespmem:s16+$0x70E0] =	vst v1  }
0xee: {  	v1 =	vld [tilespmem:s30+$0x70]  }
0xef: {  	v2 =	vld [tilespmem:s20+$0x70];
	_ =	sdelay $0x4  }
0xf0: {  	v1 =	vadd.bf16 v2, v1;
	_ =	sdelay $0x1  }
0xf1: {  	v2 =	vunpack.i.l.bf16.f32 v1  }
0xf2: {  	s31 =	sadd.s32 $0x880, s23;
	v1 =	vunpack.i.u.bf16.f32 v1;
	[tilespmem:s16+$0x64F0] =	vst v2  }
0xf3: {  	s19 =	sor.u32 s24, s31;
	[tilespmem:s16+$0x70F0] =	vst v1  }
0xf4: {  	s20 =	sadd.s32 s26, s31;
	v1 =	vld [tilespmem:s19+$0x0]  }
0xf5: {  	v2 =	vld [tilespmem:s20+$0x0];
	_ =	sdelay $0x4  }
0xf6: {  	v1 =	vadd.bf16 v2, v1;
	_ =	sdelay $0x1  }
0xf7: {  	v2 =	vunpack.i.l.bf16.f32 v1  }
0xf8: {  	v1 =	vunpack.i.u.bf16.f32 v1;
	[tilespmem:s16+$0x6880] =	vst v2  }
0xf9: {  	[tilespmem:s16+$0x7480] =	vst v1  }
0xfa: {  	v1 =	vld [tilespmem:s19+$0x10]  }
0xfb: {  	v2 =	vld [tilespmem:s20+$0x10];
	_ =	sdelay $0x4  }
0xfc: {  	v1 =	vadd.bf16 v2, v1;
	_ =	sdelay $0x1  }
0xfd: {  	v2 =	vunpack.i.l.bf16.f32 v1  }
0xfe: {  	v1 =	vunpack.i.u.bf16.f32 v1;
	[tilespmem:s16+$0x6890] =	vst v2  }
0xff: {  	[tilespmem:s16+$0x7490] =	vst v1  }
0x100: {  	v1 =	vld [tilespmem:s19+$0x20]  }
0x101: {  	v2 =	vld [tilespmem:s20+$0x20];
	_ =	sdelay $0x4  }
0x102: {  	v1 =	vadd.bf16 v2, v1;
	_ =	sdelay $0x1  }
0x103: {  	v2 =	vunpack.i.l.bf16.f32 v1  }
0x104: {  	v1 =	vunpack.i.u.bf16.f32 v1;
	[tilespmem:s16+$0x68A0] =	vst v2  }
0x105: {  	[tilespmem:s16+$0x74A0] =	vst v1  }
0x106: {  	v1 =	vld [tilespmem:s19+$0x30]  }
0x107: {  	s17 =	simm.s32 $0x1;
	s18 =	simm.s32 $0x0;
	v2 =	vld [tilespmem:s20+$0x30]  }
.LBB2_9:
0x108: {  	_ =	sdelay $0x3  }
0x109: {  	p0 =	sne.s32 s17, $0xF;
	s15 =	sadd.s32 $0x80, s15;
	s18 =	sadd.s32 $0x100, s18;
	v1 =	vadd.bf16 v2, v1  }
0x10a: {  	s25 =	smov.u32 s17;
	s17 =	sadd.s32 $0x1, s17  }
0x10b: {  	v2 =	vunpack.i.u.bf16.f32 v1;
	v1 =	vunpack.i.l.bf16.f32 v1  }
0x10c: {  	[tilespmem:s16+$0x68B0] =	vst v1  }
0x10d: {  	[tilespmem:s16+$0x74B0] =	vst v2  }
0x10e: {  	v1 =	vld [tilespmem:s19+$0x40]  }
0x10f: {  	v2 =	vld [tilespmem:s20+$0x40];
	_ =	sdelay $0x4  }
0x110: {  	v1 =	vadd.bf16 v2, v1;
	_ =	sdelay $0x1  }
0x111: {  	v2 =	vunpack.i.u.bf16.f32 v1;
	v1 =	vunpack.i.l.bf16.f32 v1  }
0x112: {  	[tilespmem:s16+$0x68C0] =	vst v1  }
0x113: {  	[tilespmem:s16+$0x74C0] =	vst v2  }
0x114: {  	v1 =	vld [tilespmem:s19+$0x50]  }
0x115: {  	v2 =	vld [tilespmem:s20+$0x50];
	_ =	sdelay $0x4  }
0x116: {  	v1 =	vadd.bf16 v2, v1;
	_ =	sdelay $0x1  }
0x117: {  	v2 =	vunpack.i.u.bf16.f32 v1;
	v1 =	vunpack.i.l.bf16.f32 v1  }
0x118: {  	[tilespmem:s16+$0x68D0] =	vst v1  }
0x119: {  	[tilespmem:s16+$0x74D0] =	vst v2  }
0x11a: {  	v1 =	vld [tilespmem:s19+$0x60]  }
0x11b: {  	v2 =	vld [tilespmem:s20+$0x60];
	_ =	sdelay $0x4  }
0x11c: {  	v1 =	vadd.bf16 v2, v1;
	_ =	sdelay $0x1  }
0x11d: {  	v2 =	vunpack.i.u.bf16.f32 v1;
	v1 =	vunpack.i.l.bf16.f32 v1  }
0x11e: {  	[tilespmem:s16+$0x68E0] =	vst v1  }
0x11f: {  	[tilespmem:s16+$0x74E0] =	vst v2  }
0x120: {  	v1 =	vld [tilespmem:s19+$0x70]  }
0x121: {  	v2 =	vld [tilespmem:s20+$0x70];
	_ =	sdelay $0x3  }
0x122: {  	s19 =	sshrl.u32 s25, $0x2  }
0x123: {  	s20 =	smul.u32 $0x3000, s19;
	v1 =	vadd.bf16 v2, v1;
	_ =	sdelay $0x1  }
0x124: {  	s19 =	sand.u32 $0x300, s18;
	s21 =	sshra.s32 s20, $0x2;
	v2 =	vunpack.i.u.bf16.f32 v1;
	v1 =	vunpack.i.l.bf16.f32 v1  }
0x125: {  	s20 =	sor.u32 $0x80, s19;
	s23 =	sor.u32 $0x80, s21;
	s22 =	sadd.s32 $0x480, s21;
	[tilespmem:s16+$0x68F0] =	vst v1  }
0x126: {  	s21 =	sadd.s32 $0x880, s21;
	s24 =	sor.u32 s19, s23;
	s23 =	sadd.s32 s20, s23;
	[tilespmem:s16+$0x74F0] =	vst v2  }
0x127: {  	v1 =	vld [tilespmem:s24+$0x0]  }
0x128: {  	v2 =	vld [tilespmem:s23+$0x0];
	_ =	sdelay $0x2  }
0x129: {  	s16 =	sshrl.u32 s25, $0x3  }
0x12a: {  	s16 =	smul.u32 $0x6000, s16  }
0x12b: {  	v1 =	vadd.bf16 v2, v1  }
0x12c: {  	s25 =	sand.u32 $0x380, s15;
	s16 =	sshra.s32 s16, $0x2  }
0x12d: {  	s16 =	sor.u32 s25, s16;
	v2 =	vunpack.i.u.bf16.f32 v1;
	v1 =	vunpack.i.l.bf16.f32 v1  }
0x12e: {  	[tilespmem:s16+$0x6080] =	vst v1  }
0x12f: {  	[tilespmem:s16+$0x6C80] =	vst v2  }
0x130: {  	v1 =	vld [tilespmem:s24+$0x10]  }
0x131: {  	v2 =	vld [tilespmem:s23+$0x10];
	_ =	sdelay $0x4  }
0x132: {  	v1 =	vadd.bf16 v2, v1;
	_ =	sdelay $0x1  }
0x133: {  	v2 =	vunpack.i.u.bf16.f32 v1;
	v1 =	vunpack.i.l.bf16.f32 v1  }
0x134: {  	[tilespmem:s16+$0x6090] =	vst v1  }
0x135: {  	[tilespmem:s16+$0x6C90] =	vst v2  }
0x136: {  	v1 =	vld [tilespmem:s24+$0x20]  }
0x137: {  	v2 =	vld [tilespmem:s23+$0x20];
	_ =	sdelay $0x4  }
0x138: {  	v1 =	vadd.bf16 v2, v1;
	_ =	sdelay $0x1  }
0x139: {  	v2 =	vunpack.i.u.bf16.f32 v1;
	v1 =	vunpack.i.l.bf16.f32 v1  }
0x13a: {  	[tilespmem:s16+$0x60A0] =	vst v1  }
0x13b: {  	[tilespmem:s16+$0x6CA0] =	vst v2  }
0x13c: {  	v1 =	vld [tilespmem:s24+$0x30]  }
0x13d: {  	v2 =	vld [tilespmem:s23+$0x30];
	_ =	sdelay $0x4  }
0x13e: {  	v1 =	vadd.bf16 v2, v1;
	_ =	sdelay $0x1  }
0x13f: {  	v2 =	vunpack.i.u.bf16.f32 v1;
	v1 =	vunpack.i.l.bf16.f32 v1  }
0x140: {  	[tilespmem:s16+$0x60B0] =	vst v1  }
0x141: {  	[tilespmem:s16+$0x6CB0] =	vst v2  }
0x142: {  	v1 =	vld [tilespmem:s24+$0x40]  }
0x143: {  	v2 =	vld [tilespmem:s23+$0x40];
	_ =	sdelay $0x4  }
0x144: {  	v1 =	vadd.bf16 v2, v1;
	_ =	sdelay $0x1  }
0x145: {  	v2 =	vunpack.i.u.bf16.f32 v1;
	v1 =	vunpack.i.l.bf16.f32 v1  }
0x146: {  	[tilespmem:s16+$0x60C0] =	vst v1  }
0x147: {  	[tilespmem:s16+$0x6CC0] =	vst v2  }
0x148: {  	v1 =	vld [tilespmem:s24+$0x50]  }
0x149: {  	v2 =	vld [tilespmem:s23+$0x50];
	_ =	sdelay $0x4  }
0x14a: {  	v1 =	vadd.bf16 v2, v1;
	_ =	sdelay $0x1  }
0x14b: {  	v2 =	vunpack.i.u.bf16.f32 v1;
	v1 =	vunpack.i.l.bf16.f32 v1  }
0x14c: {  	[tilespmem:s16+$0x60D0] =	vst v1  }
0x14d: {  	[tilespmem:s16+$0x6CD0] =	vst v2  }
0x14e: {  	v1 =	vld [tilespmem:s24+$0x60]  }
0x14f: {  	v2 =	vld [tilespmem:s23+$0x60];
	_ =	sdelay $0x4  }
0x150: {  	v1 =	vadd.bf16 v2, v1;
	_ =	sdelay $0x1  }
0x151: {  	v2 =	vunpack.i.u.bf16.f32 v1;
	v1 =	vunpack.i.l.bf16.f32 v1  }
0x152: {  	[tilespmem:s16+$0x60E0] =	vst v1  }
0x153: {  	[tilespmem:s16+$0x6CE0] =	vst v2  }
0x154: {  	v1 =	vld [tilespmem:s24+$0x70]  }
0x155: {  	v2 =	vld [tilespmem:s23+$0x70];
	_ =	sdelay $0x4  }
0x156: {  	v1 =	vadd.bf16 v2, v1;
	_ =	sdelay $0x1  }
0x157: {  	v2 =	vunpack.i.u.bf16.f32 v1;
	v1 =	vunpack.i.l.bf16.f32 v1  }
0x158: {  	[tilespmem:s16+$0x60F0] =	vst v1  }
0x159: {  	s23 =	sor.u32 s19, s22;
	[tilespmem:s16+$0x6CF0] =	vst v2  }
0x15a: {  	s22 =	sadd.s32 s20, s22;
	v1 =	vld [tilespmem:s23+$0x0]  }
0x15b: {  	v2 =	vld [tilespmem:s22+$0x0];
	_ =	sdelay $0x4  }
0x15c: {  	v1 =	vadd.bf16 v2, v1;
	_ =	sdelay $0x1  }
0x15d: {  	v2 =	vunpack.i.u.bf16.f32 v1;
	v1 =	vunpack.i.l.bf16.f32 v1  }
0x15e: {  	[tilespmem:s16+$0x6480] =	vst v1  }
0x15f: {  	[tilespmem:s16+$0x7080] =	vst v2  }
0x160: {  	v1 =	vld [tilespmem:s23+$0x10]  }
0x161: {  	v2 =	vld [tilespmem:s22+$0x10];
	_ =	sdelay $0x4  }
0x162: {  	v1 =	vadd.bf16 v2, v1;
	_ =	sdelay $0x1  }
0x163: {  	v2 =	vunpack.i.u.bf16.f32 v1;
	v1 =	vunpack.i.l.bf16.f32 v1  }
0x164: {  	[tilespmem:s16+$0x6490] =	vst v1  }
0x165: {  	[tilespmem:s16+$0x7090] =	vst v2  }
0x166: {  	v1 =	vld [tilespmem:s23+$0x20]  }
0x167: {  	v2 =	vld [tilespmem:s22+$0x20];
	_ =	sdelay $0x4  }
0x168: {  	v1 =	vadd.bf16 v2, v1;
	_ =	sdelay $0x1  }
0x169: {  	v2 =	vunpack.i.u.bf16.f32 v1;
	v1 =	vunpack.i.l.bf16.f32 v1  }
0x16a: {  	[tilespmem:s16+$0x64A0] =	vst v1  }
0x16b: {  	[tilespmem:s16+$0x70A0] =	vst v2  }
0x16c: {  	v1 =	vld [tilespmem:s23+$0x30]  }
0x16d: {  	v2 =	vld [tilespmem:s22+$0x30];
	_ =	sdelay $0x4  }
0x16e: {  	v1 =	vadd.bf16 v2, v1;
	_ =	sdelay $0x1  }
0x16f: {  	v2 =	vunpack.i.u.bf16.f32 v1;
	v1 =	vunpack.i.l.bf16.f32 v1  }
0x170: {  	[tilespmem:s16+$0x64B0] =	vst v1  }
0x171: {  	[tilespmem:s16+$0x70B0] =	vst v2  }
0x172: {  	v1 =	vld [tilespmem:s23+$0x40]  }
0x173: {  	v2 =	vld [tilespmem:s22+$0x40];
	_ =	sdelay $0x4  }
0x174: {  	v1 =	vadd.bf16 v2, v1;
	_ =	sdelay $0x1  }
0x175: {  	v2 =	vunpack.i.u.bf16.f32 v1;
	v1 =	vunpack.i.l.bf16.f32 v1  }
0x176: {  	[tilespmem:s16+$0x64C0] =	vst v1  }
0x177: {  	[tilespmem:s16+$0x70C0] =	vst v2  }
0x178: {  	v1 =	vld [tilespmem:s23+$0x50]  }
0x179: {  	v2 =	vld [tilespmem:s22+$0x50];
	_ =	sdelay $0x4  }
0x17a: {  	v1 =	vadd.bf16 v2, v1;
	_ =	sdelay $0x1  }
0x17b: {  	v2 =	vunpack.i.u.bf16.f32 v1;
	v1 =	vunpack.i.l.bf16.f32 v1  }
0x17c: {  	[tilespmem:s16+$0x64D0] =	vst v1  }
0x17d: {  	[tilespmem:s16+$0x70D0] =	vst v2  }
0x17e: {  	v1 =	vld [tilespmem:s23+$0x60]  }
0x17f: {  	v2 =	vld [tilespmem:s22+$0x60];
	_ =	sdelay $0x4  }
0x180: {  	v1 =	vadd.bf16 v2, v1;
	_ =	sdelay $0x1  }
0x181: {  	v2 =	vunpack.i.u.bf16.f32 v1;
	v1 =	vunpack.i.l.bf16.f32 v1  }
0x182: {  	[tilespmem:s16+$0x64E0] =	vst v1  }
0x183: {  	[tilespmem:s16+$0x70E0] =	vst v2  }
0x184: {  	v1 =	vld [tilespmem:s23+$0x70]  }
0x185: {  	v2 =	vld [tilespmem:s22+$0x70];
	_ =	sdelay $0x4  }
0x186: {  	v1 =	vadd.bf16 v2, v1;
	_ =	sdelay $0x1  }
0x187: {  	v2 =	vunpack.i.u.bf16.f32 v1;
	v1 =	vunpack.i.l.bf16.f32 v1  }
0x188: {  	[tilespmem:s16+$0x64F0] =	vst v1  }
0x189: {  	s19 =	sor.u32 s19, s21;
	[tilespmem:s16+$0x70F0] =	vst v2  }
0x18a: {  	s20 =	sadd.s32 s20, s21;
	v1 =	vld [tilespmem:s19+$0x0]  }
0x18b: {  	v2 =	vld [tilespmem:s20+$0x0];
	_ =	sdelay $0x4  }
0x18c: {  	v1 =	vadd.bf16 v2, v1;
	_ =	sdelay $0x1  }
0x18d: {  	v2 =	vunpack.i.u.bf16.f32 v1;
	v1 =	vunpack.i.l.bf16.f32 v1  }
0x18e: {  	[tilespmem:s16+$0x6880] =	vst v1  }
0x18f: {  	[tilespmem:s16+$0x7480] =	vst v2  }
0x190: {  	v1 =	vld [tilespmem:s19+$0x10]  }
0x191: {  	v2 =	vld [tilespmem:s20+$0x10];
	_ =	sdelay $0x4  }
0x192: {  	v1 =	vadd.bf16 v2, v1;
	_ =	sdelay $0x1  }
0x193: {  	v2 =	vunpack.i.u.bf16.f32 v1;
	v1 =	vunpack.i.l.bf16.f32 v1  }
0x194: {  	[tilespmem:s16+$0x6890] =	vst v1  }
0x195: {  	[tilespmem:s16+$0x7490] =	vst v2  }
0x196: {  	v1 =	vld [tilespmem:s19+$0x20]  }
0x197: {  	v2 =	vld [tilespmem:s20+$0x20];
	_ =	sdelay $0x4  }
0x198: {  	v1 =	vadd.bf16 v2, v1;
	_ =	sdelay $0x1  }
.Ltmp4:
0x199: {  	v2 =	vunpack.i.u.bf16.f32 v1;
	v1 =	vunpack.i.l.bf16.f32 v1;
	(pc) =	sbr.rel @p0 .LBB2_9-.Ltmp4, $4  }
0x19a: {  	[tilespmem:s16+$0x68A0] =	vst v1  }
0x19b: {  	[tilespmem:s16+$0x74A0] =	vst v2  }
0x19c: {  	v1 =	vld [tilespmem:s19+$0x30]  }
0x19d: {  	v2 =	vld [tilespmem:s20+$0x30]  }
0x19e: {  	_ =	sdelay $0x3  }
0x19f: {  	v1 =	vadd.bf16 v2, v1;
	_ =	sdelay $0x1  }
0x1a0: {  	v2 =	vunpack.i.l.bf16.f32 v1  }
0x1a1: {  	v1 =	vunpack.i.u.bf16.f32 v1;
	[tilespmem:s16+$0x68B0] =	vst v2  }
0x1a2: {  	[tilespmem:s16+$0x74B0] =	vst v1  }
0x1a3: {  	v1 =	vld [tilespmem:s19+$0x40]  }
0x1a4: {  	v2 =	vld [tilespmem:s20+$0x40];
	_ =	sdelay $0x4  }
0x1a5: {  	v1 =	vadd.bf16 v2, v1;
	_ =	sdelay $0x1  }
0x1a6: {  	v2 =	vunpack.i.l.bf16.f32 v1  }
0x1a7: {  	v1 =	vunpack.i.u.bf16.f32 v1;
	[tilespmem:s16+$0x68C0] =	vst v2  }
0x1a8: {  	[tilespmem:s16+$0x74C0] =	vst v1  }
0x1a9: {  	v1 =	vld [tilespmem:s19+$0x50]  }
0x1aa: {  	v2 =	vld [tilespmem:s20+$0x50];
	_ =	sdelay $0x4  }
0x1ab: {  	v1 =	vadd.bf16 v2, v1;
	_ =	sdelay $0x1  }
0x1ac: {  	v2 =	vunpack.i.l.bf16.f32 v1  }
0x1ad: {  	v1 =	vunpack.i.u.bf16.f32 v1;
	[tilespmem:s16+$0x68D0] =	vst v2  }
0x1ae: {  	[tilespmem:s16+$0x74D0] =	vst v1  }
0x1af: {  	v1 =	vld [tilespmem:s19+$0x60]  }
0x1b0: {  	v2 =	vld [tilespmem:s20+$0x60];
	_ =	sdelay $0x4  }
0x1b1: {  	v1 =	vadd.bf16 v2, v1;
	_ =	sdelay $0x1  }
0x1b2: {  	v2 =	vunpack.i.l.bf16.f32 v1  }
0x1b3: {  	v1 =	vunpack.i.u.bf16.f32 v1;
	[tilespmem:s16+$0x68E0] =	vst v2  }
0x1b4: {  	[tilespmem:s16+$0x74E0] =	vst v1  }
0x1b5: {  	v1 =	vld [tilespmem:s19+$0x70]  }
0x1b6: {  	v2 =	vld [tilespmem:s20+$0x70];
	_ =	sdelay $0x4  }
0x1b7: {  	v1 =	vadd.bf16 v2, v1;
	_ =	sdelay $0x1  }
0x1b8: {  	v2 =	vunpack.i.l.bf16.f32 v1  }
0x1b9: {  	v1 =	vunpack.i.u.bf16.f32 v1;
	[tilespmem:s16+$0x68F0] =	vst v2  }
0x1ba: {  	s15 =	simm.s32 $0x0;
	[tilespmem:s16+$0x74F0] =	vst v1  }
0x1bb: {  	[hbm4b:s5+s15] =	stream.linear.scatter [tilespmem:s12], [sflag:$0x3], $0x3000, $0x38;
	[tilespmem:$0x9080] =	vst v63  }
0x1bc: {  	_ =	swait.ge [sflag:s10], $0x3000  }
0x1bd: {  	[sflag:s10] =	ssyncset.done $0x0  }
0x1be: {  	s20 =	sand.u32 $0x10, s15;
	[sflag:s10] =	ssyncadd.s32 $0xFFFFD000  }
0x1bf: {  	v1 =	vld [tilespmem:s20+$0x40];
	_ =	sdelay $0x1  }
0x1c0: {  	s21 =	sand.u32 $0xF, s15  }
0x1c1: {  	v2 =	vmov s21  }
0x1c2: {  	vm0 =	veq.s32 v2, v0  }
0x1c3: {  	v1 =	vnsel vm0, $0x0, v1  }
0x1c4: {  	(xrf0) =	vadd.scan.msk.s32 $0xffff, v1;
	_ =	sdelay $0x5  }
0x1c5: {  	v1, _, _ =	vpop (xrf0)  }
0x1c6: {  	(v2sf) =	vpush v1, $0xF;
	_ =	sdelay $0xe  }
0x1c7: {  	s22 =	simm.s32 $0x0;
	s17 =	spop (v2sf)  }
0x1c8: {  	s16 =	smul.u32 $0x3000, s22;
	s18 =	sshrl.u32 s17, $0x3  }
0x1c9: {  	s17 =	sshll.u32 s17, $0x7;
	s18 =	smul.u32 $0xC00, s18  }
0x1ca: {  	s17 =	sand.u32 $0x380, s17  }
0x1cb: {  	s23 =	sand.u32 $0x380, s15;
	s16 =	sshra.s32 s16, $0x2;
	s17 =	sor.u32 s17, s18  }
0x1cc: {  	s24 =	sor.u32 s23, s16;
	s25 =	sshrl.u32 s17, $0x3  }
0x1cd: {  	s26 =	sadd.s32 $0x80, s24;
	s28 =	sadd.s32 s3, s25  }
0x1ce: {  	[tilespmem:s26], [sflag:$0x1] =	stream.linear.gather [hbm4b:s28+s2], $0x80, $0x38;
	[tilespmem:$0x9080] =	vst v63  }
0x1cf: {  	s29 =	sadd.s32 $0x480, s24;
	s16 =	sadd.s32 $0x80, s28  }
0x1d0: {  	[tilespmem:s29], [sflag:$0x1] =	stream.linear.gather [hbm4b:s16+s2], $0x80, $0x38;
	[tilespmem:$0x9080] =	vst v63  }
0x1d1: {  	s16 =	simm.s32 $0x1  }
0x1d2: {  	s18 =	sadd.s32 $0x880, s24;
	s30 =	sadd.s32 $0x100, s28;
	s31 =	sand.u32 $0x10, s16  }
0x1d3: {  	[tilespmem:s18], [sflag:$0x1] =	stream.linear.gather [hbm4b:s30+s2], $0x80, $0x38;
	[tilespmem:$0x9080] =	vst v63  }
0x1d4: {  	s17 =	simm.s32 $0x2;
	v1 =	vld [tilespmem:s31+$0x40]  }
.LBB2_11:
0x1d5: {  	p0 =	sne.s32 s17, $0x1F  }
0x1d6: {  	s18 =	sand.u32 $0xF, s16  }
0x1d7: {  	v2 =	vmov s18  }
0x1d8: {  	vm0 =	veq.s32 v2, v0  }
0x1d9: {  	v1 =	vnsel vm0, $0x0, v1  }
0x1da: {  	(xrf0) =	vadd.scan.msk.s32 $0xffff, v1;
	_ =	sdelay $0x5  }
0x1db: {  	v1, _, _ =	vpop (xrf0)  }
0x1dc: {  	(v2sf) =	vpush v1, $0xF;
	_ =	sdelay $0xe  }
0x1dd: {  	s18 =	sshrl.u32 s16, $0x3;
	s16 =	smov.u32 s17;
	s19 =	spop (v2sf)  }
0x1de: {  	s18 =	smul.u32 $0x3000, s18;
	s20 =	sshrl.u32 s19, $0x3  }
0x1df: {  	s19 =	sshll.u32 s19, $0x7;
	s20 =	smul.u32 $0xC00, s20  }
0x1e0: {  	s15 =	sadd.s32 $0x80, s15;
	s19 =	sand.u32 $0x380, s19  }
0x1e1: {  	s21 =	sand.u32 $0x380, s15;
	s18 =	sshra.s32 s18, $0x2;
	s19 =	sor.u32 s19, s20  }
0x1e2: {  	s18 =	sor.u32 s21, s18;
	s19 =	sshrl.u32 s19, $0x3  }
0x1e3: {  	s20 =	sadd.s32 $0x80, s18;
	s19 =	sadd.s32 s3, s19  }
0x1e4: {  	[tilespmem:s20], [sflag:$0x1] =	stream.linear.gather [hbm4b:s19+s2], $0x80, $0x38;
	[tilespmem:$0x9080] =	vst v63  }
.Ltmp5:
0x1e5: {  	s21 =	sadd.s32 $0x480, s18;
	s20 =	sadd.s32 $0x80, s19;
	(pc) =	sbr.rel @p0 .LBB2_11-.Ltmp5, $4  }
0x1e6: {  	[tilespmem:s21], [sflag:$0x1] =	stream.linear.gather [hbm4b:s20+s2], $0x80, $0x38;
	[tilespmem:$0x9080] =	vst v63  }
0x1e7: {  	s18 =	sadd.s32 $0x880, s18;
	s19 =	sadd.s32 $0x100, s19;
	s20 =	sand.u32 $0x10, s17  }
0x1e8: {  	[tilespmem:s18], [sflag:$0x1] =	stream.linear.gather [hbm4b:s19+s2], $0x80, $0x38;
	[tilespmem:$0x9080] =	vst v63  }
0x1e9: {  	s17 =	sadd.s32 $0x1, s17;
	v1 =	vld [tilespmem:s20+$0x40]  }
0x1ea: {  	_ = 	snop  }
0x1eb: {  	s17 =	sand.u32 $0xF, s16  }
0x1ec: {  	v2 =	vmov s17  }
0x1ed: {  	vm0 =	veq.s32 v2, v0  }
0x1ee: {  	v1 =	vnsel vm0, $0x0, v1  }
0x1ef: {  	(xrf0) =	vadd.scan.msk.s32 $0xffff, v1;
	_ =	sdelay $0x5  }
0x1f0: {  	v1, _, _ =	vpop (xrf0)  }
0x1f1: {  	(v2sf) =	vpush v1, $0xF;
	_ =	sdelay $0xe  }
0x1f2: {  	s30 =	sshrl.u32 s16, $0x3;
	s31 =	spop (v2sf)  }
0x1f3: {  	s16 =	smul.u32 $0x3000, s30;
	s18 =	sshrl.u32 s31, $0x3  }
0x1f4: {  	s17 =	sshll.u32 s31, $0x7;
	s18 =	smul.u32 $0xC00, s18  }
0x1f5: {  	s15 =	sadd.s32 $0x80, s15;
	s17 =	sand.u32 $0x380, s17  }
0x1f6: {  	s15 =	sand.u32 $0x380, s15;
	s16 =	sshra.s32 s16, $0x2;
	s17 =	sor.u32 s17, s18  }
0x1f7: {  	s15 =	sor.u32 s15, s16;
	s19 =	sshrl.u32 s17, $0x3  }
0x1f8: {  	s20 =	sadd.s32 $0x80, s15;
	s16 =	sadd.s32 s3, s19  }
0x1f9: {  	[tilespmem:s20], [sflag:$0x1] =	stream.linear.gather [hbm4b:s16+s2], $0x80, $0x38;
	[tilespmem:$0x9080] =	vst v63  }
0x1fa: {  	s23 =	simm.s32 $0x0;
	s22 =	sadd.s32 $0x480, s15;
	s21 =	sadd.s32 $0x80, s16  }
0x1fb: {  	[tilespmem:s22], [sflag:$0x1] =	stream.linear.gather [hbm4b:s21+s2], $0x80, $0x38;
	[tilespmem:$0x9080] =	vst v63  }
0x1fc: {  	s15 =	sadd.s32 $0x880, s15;
	s17 =	smul.u32 $0x3000, s23;
	s16 =	sadd.s32 $0x100, s16  }
0x1fd: {  	[tilespmem:s15], [sflag:$0x1] =	stream.linear.gather [hbm4b:s16+s2], $0x80, $0x38;
	[tilespmem:$0x9080] =	vst v63  }
0x1fe: {  	s19 =	sshra.s32 s17, $0x2;
	s15 =	simm.s32 $0x0;
	_ =	swait.ge [sflag:s13], $0x3000  }
0x1ff: {  	s25 =	sadd.s32 $0x3080, s19;
	s24 =	sand.u32 $0x300, s15;
	[sflag:s13] =	ssyncset.done $0x0  }
0x200: {  	s26 =	sor.u32 $0x80, s24;
	s20 =	sor.u32 s24, s25;
	[sflag:s13] =	ssyncadd.s32 $0xFFFFD000  }
0x201: {  	s21 =	sadd.s32 s26, s25;
	v1 =	vld [tilespmem:s20+$0x0]  }
0x202: {  	v2 =	vld [tilespmem:s21+$0x0];
	_ =	sdelay $0x2  }
0x203: {  	s28 =	simm.s32 $0x0  }
0x204: {  	s16 =	smul.u32 $0x6000, s28  }
0x205: {  	v1 =	vadd.bf16 v2, v1  }
0x206: {  	s22 =	sand.u32 $0x380, s15;
	s16 =	sshra.s32 s16, $0x2  }
0x207: {  	s16 =	sor.u32 s22, s16;
	v2 =	vunpack.i.l.bf16.f32 v1  }
0x208: {  	v1 =	vunpack.i.u.bf16.f32 v1;
	[tilespmem:s16+$0x6080] =	vst v2  }
0x209: {  	[tilespmem:s16+$0x6C80] =	vst v1  }
0x20a: {  	v1 =	vld [tilespmem:s20+$0x10]  }
0x20b: {  	v2 =	vld [tilespmem:s21+$0x10];
	_ =	sdelay $0x4  }
0x20c: {  	v1 =	vadd.bf16 v2, v1;
	_ =	sdelay $0x1  }
0x20d: {  	v2 =	vunpack.i.l.bf16.f32 v1  }
0x20e: {  	v1 =	vunpack.i.u.bf16.f32 v1;
	[tilespmem:s16+$0x6090] =	vst v2  }
0x20f: {  	[tilespmem:s16+$0x6C90] =	vst v1  }
0x210: {  	v1 =	vld [tilespmem:s20+$0x20]  }
0x211: {  	v2 =	vld [tilespmem:s21+$0x20];
	_ =	sdelay $0x4  }
0x212: {  	v1 =	vadd.bf16 v2, v1;
	_ =	sdelay $0x1  }
0x213: {  	v2 =	vunpack.i.l.bf16.f32 v1  }
0x214: {  	v1 =	vunpack.i.u.bf16.f32 v1;
	[tilespmem:s16+$0x60A0] =	vst v2  }
0x215: {  	[tilespmem:s16+$0x6CA0] =	vst v1  }
0x216: {  	v1 =	vld [tilespmem:s20+$0x30]  }
0x217: {  	v2 =	vld [tilespmem:s21+$0x30];
	_ =	sdelay $0x4  }
0x218: {  	v1 =	vadd.bf16 v2, v1;
	_ =	sdelay $0x1  }
0x219: {  	v2 =	vunpack.i.l.bf16.f32 v1  }
0x21a: {  	v1 =	vunpack.i.u.bf16.f32 v1;
	[tilespmem:s16+$0x60B0] =	vst v2  }
0x21b: {  	[tilespmem:s16+$0x6CB0] =	vst v1  }
0x21c: {  	v1 =	vld [tilespmem:s20+$0x40]  }
0x21d: {  	v2 =	vld [tilespmem:s21+$0x40];
	_ =	sdelay $0x4  }
0x21e: {  	v1 =	vadd.bf16 v2, v1;
	_ =	sdelay $0x1  }
0x21f: {  	v2 =	vunpack.i.l.bf16.f32 v1  }
0x220: {  	v1 =	vunpack.i.u.bf16.f32 v1;
	[tilespmem:s16+$0x60C0] =	vst v2  }
0x221: {  	[tilespmem:s16+$0x6CC0] =	vst v1  }
0x222: {  	v1 =	vld [tilespmem:s20+$0x50]  }
0x223: {  	v2 =	vld [tilespmem:s21+$0x50];
	_ =	sdelay $0x4  }
0x224: {  	v1 =	vadd.bf16 v2, v1;
	_ =	sdelay $0x1  }
0x225: {  	v2 =	vunpack.i.l.bf16.f32 v1  }
0x226: {  	v1 =	vunpack.i.u.bf16.f32 v1;
	[tilespmem:s16+$0x60D0] =	vst v2  }
0x227: {  	[tilespmem:s16+$0x6CD0] =	vst v1  }
0x228: {  	v1 =	vld [tilespmem:s20+$0x60]  }
0x229: {  	v2 =	vld [tilespmem:s21+$0x60];
	_ =	sdelay $0x4  }
0x22a: {  	v1 =	vadd.bf16 v2, v1;
	_ =	sdelay $0x1  }
0x22b: {  	v2 =	vunpack.i.l.bf16.f32 v1  }
0x22c: {  	v1 =	vunpack.i.u.bf16.f32 v1;
	[tilespmem:s16+$0x60E0] =	vst v2  }
0x22d: {  	[tilespmem:s16+$0x6CE0] =	vst v1  }
0x22e: {  	v1 =	vld [tilespmem:s20+$0x70]  }
0x22f: {  	v2 =	vld [tilespmem:s21+$0x70];
	_ =	sdelay $0x4  }
0x230: {  	v1 =	vadd.bf16 v2, v1;
	_ =	sdelay $0x1  }
0x231: {  	v2 =	vunpack.i.l.bf16.f32 v1  }
0x232: {  	s29 =	sadd.s32 $0x3480, s19;
	v1 =	vunpack.i.u.bf16.f32 v1;
	[tilespmem:s16+$0x60F0] =	vst v2  }
0x233: {  	s30 =	sor.u32 s24, s29;
	[tilespmem:s16+$0x6CF0] =	vst v1  }
0x234: {  	s20 =	sadd.s32 s26, s29;
	v1 =	vld [tilespmem:s30+$0x0]  }
0x235: {  	v2 =	vld [tilespmem:s20+$0x0];
	_ =	sdelay $0x4  }
0x236: {  	v1 =	vadd.bf16 v2, v1;
	_ =	sdelay $0x1  }
0x237: {  	v2 =	vunpack.i.l.bf16.f32 v1  }
0x238: {  	v1 =	vunpack.i.u.bf16.f32 v1;
	[tilespmem:s16+$0x6480] =	vst v2  }
0x239: {  	[tilespmem:s16+$0x7080] =	vst v1  }
0x23a: {  	v1 =	vld [tilespmem:s30+$0x10]  }
0x23b: {  	v2 =	vld [tilespmem:s20+$0x10];
	_ =	sdelay $0x4  }
0x23c: {  	v1 =	vadd.bf16 v2, v1;
	_ =	sdelay $0x1  }
0x23d: {  	v2 =	vunpack.i.l.bf16.f32 v1  }
0x23e: {  	v1 =	vunpack.i.u.bf16.f32 v1;
	[tilespmem:s16+$0x6490] =	vst v2  }
0x23f: {  	[tilespmem:s16+$0x7090] =	vst v1  }
0x240: {  	v1 =	vld [tilespmem:s30+$0x20]  }
0x241: {  	v2 =	vld [tilespmem:s20+$0x20];
	_ =	sdelay $0x4  }
0x242: {  	v1 =	vadd.bf16 v2, v1;
	_ =	sdelay $0x1  }
0x243: {  	v2 =	vunpack.i.l.bf16.f32 v1  }
0x244: {  	v1 =	vunpack.i.u.bf16.f32 v1;
	[tilespmem:s16+$0x64A0] =	vst v2  }
0x245: {  	[tilespmem:s16+$0x70A0] =	vst v1  }
0x246: {  	v1 =	vld [tilespmem:s30+$0x30]  }
0x247: {  	v2 =	vld [tilespmem:s20+$0x30];
	_ =	sdelay $0x4  }
0x248: {  	v1 =	vadd.bf16 v2, v1;
	_ =	sdelay $0x1  }
0x249: {  	v2 =	vunpack.i.l.bf16.f32 v1  }
0x24a: {  	v1 =	vunpack.i.u.bf16.f32 v1;
	[tilespmem:s16+$0x64B0] =	vst v2  }
0x24b: {  	[tilespmem:s16+$0x70B0] =	vst v1  }
0x24c: {  	v1 =	vld [tilespmem:s30+$0x40]  }
0x24d: {  	v2 =	vld [tilespmem:s20+$0x40];
	_ =	sdelay $0x4  }
0x24e: {  	v1 =	vadd.bf16 v2, v1;
	_ =	sdelay $0x1  }
0x24f: {  	v2 =	vunpack.i.l.bf16.f32 v1  }
0x250: {  	v1 =	vunpack.i.u.bf16.f32 v1;
	[tilespmem:s16+$0x64C0] =	vst v2  }
0x251: {  	[tilespmem:s16+$0x70C0] =	vst v1  }
0x252: {  	v1 =	vld [tilespmem:s30+$0x50]  }
0x253: {  	v2 =	vld [tilespmem:s20+$0x50];
	_ =	sdelay $0x4  }
0x254: {  	v1 =	vadd.bf16 v2, v1;
	_ =	sdelay $0x1  }
0x255: {  	v2 =	vunpack.i.l.bf16.f32 v1  }
0x256: {  	v1 =	vunpack.i.u.bf16.f32 v1;
	[tilespmem:s16+$0x64D0] =	vst v2  }
0x257: {  	[tilespmem:s16+$0x70D0] =	vst v1  }
0x258: {  	v1 =	vld [tilespmem:s30+$0x60]  }
0x259: {  	v2 =	vld [tilespmem:s20+$0x60];
	_ =	sdelay $0x4  }
0x25a: {  	v1 =	vadd.bf16 v2, v1;
	_ =	sdelay $0x1  }
0x25b: {  	v2 =	vunpack.i.l.bf16.f32 v1  }
0x25c: {  	v1 =	vunpack.i.u.bf16.f32 v1;
	[tilespmem:s16+$0x64E0] =	vst v2  }
0x25d: {  	[tilespmem:s16+$0x70E0] =	vst v1  }
0x25e: {  	v1 =	vld [tilespmem:s30+$0x70]  }
0x25f: {  	v2 =	vld [tilespmem:s20+$0x70];
	_ =	sdelay $0x4  }
0x260: {  	v1 =	vadd.bf16 v2, v1;
	_ =	sdelay $0x1  }
0x261: {  	v2 =	vunpack.i.l.bf16.f32 v1  }
0x262: {  	s31 =	sadd.s32 $0x3880, s19;
	v1 =	vunpack.i.u.bf16.f32 v1;
	[tilespmem:s16+$0x64F0] =	vst v2  }
0x263: {  	s19 =	sor.u32 s24, s31;
	[tilespmem:s16+$0x70F0] =	vst v1  }
0x264: {  	s20 =	sadd.s32 s26, s31;
	v1 =	vld [tilespmem:s19+$0x0]  }
0x265: {  	v2 =	vld [tilespmem:s20+$0x0];
	_ =	sdelay $0x4  }
0x266: {  	v1 =	vadd.bf16 v2, v1;
	_ =	sdelay $0x1  }
0x267: {  	v2 =	vunpack.i.l.bf16.f32 v1  }
0x268: {  	v1 =	vunpack.i.u.bf16.f32 v1;
	[tilespmem:s16+$0x6880] =	vst v2  }
0x269: {  	[tilespmem:s16+$0x7480] =	vst v1  }
0x26a: {  	v1 =	vld [tilespmem:s19+$0x10]  }
0x26b: {  	v2 =	vld [tilespmem:s20+$0x10];
	_ =	sdelay $0x4  }
0x26c: {  	v1 =	vadd.bf16 v2, v1;
	_ =	sdelay $0x1  }
0x26d: {  	v2 =	vunpack.i.l.bf16.f32 v1  }
0x26e: {  	v1 =	vunpack.i.u.bf16.f32 v1;
	[tilespmem:s16+$0x6890] =	vst v2  }
0x26f: {  	[tilespmem:s16+$0x7490] =	vst v1  }
0x270: {  	v1 =	vld [tilespmem:s19+$0x20]  }
0x271: {  	v2 =	vld [tilespmem:s20+$0x20];
	_ =	sdelay $0x4  }
0x272: {  	v1 =	vadd.bf16 v2, v1;
	_ =	sdelay $0x1  }
0x273: {  	v2 =	vunpack.i.l.bf16.f32 v1  }
0x274: {  	v1 =	vunpack.i.u.bf16.f32 v1;
	[tilespmem:s16+$0x68A0] =	vst v2  }
0x275: {  	[tilespmem:s16+$0x74A0] =	vst v1  }
0x276: {  	v1 =	vld [tilespmem:s19+$0x30]  }
0x277: {  	s18 =	simm.s32 $0x0;
	s17 =	simm.s32 $0x1;
	v2 =	vld [tilespmem:s20+$0x30]  }
.LBB2_13:
0x278: {  	_ =	sdelay $0x3  }
0x279: {  	p0 =	sne.s32 s17, $0xF;
	s15 =	sadd.s32 $0x80, s15;
	s18 =	sadd.s32 $0x100, s18;
	v1 =	vadd.bf16 v2, v1  }
0x27a: {  	s25 =	smov.u32 s17;
	s17 =	sadd.s32 $0x1, s17  }
0x27b: {  	v2 =	vunpack.i.u.bf16.f32 v1;
	v1 =	vunpack.i.l.bf16.f32 v1  }
0x27c: {  	[tilespmem:s16+$0x68B0] =	vst v1  }
0x27d: {  	[tilespmem:s16+$0x74B0] =	vst v2  }
0x27e: {  	v1 =	vld [tilespmem:s19+$0x40]  }
0x27f: {  	v2 =	vld [tilespmem:s20+$0x40];
	_ =	sdelay $0x4  }
0x280: {  	v1 =	vadd.bf16 v2, v1;
	_ =	sdelay $0x1  }
0x281: {  	v2 =	vunpack.i.u.bf16.f32 v1;
	v1 =	vunpack.i.l.bf16.f32 v1  }
0x282: {  	[tilespmem:s16+$0x68C0] =	vst v1  }
0x283: {  	[tilespmem:s16+$0x74C0] =	vst v2  }
0x284: {  	v1 =	vld [tilespmem:s19+$0x50]  }
0x285: {  	v2 =	vld [tilespmem:s20+$0x50];
	_ =	sdelay $0x4  }
0x286: {  	v1 =	vadd.bf16 v2, v1;
	_ =	sdelay $0x1  }
0x287: {  	v2 =	vunpack.i.u.bf16.f32 v1;
	v1 =	vunpack.i.l.bf16.f32 v1  }
0x288: {  	[tilespmem:s16+$0x68D0] =	vst v1  }
0x289: {  	[tilespmem:s16+$0x74D0] =	vst v2  }
0x28a: {  	v1 =	vld [tilespmem:s19+$0x60]  }
0x28b: {  	v2 =	vld [tilespmem:s20+$0x60];
	_ =	sdelay $0x4  }
0x28c: {  	v1 =	vadd.bf16 v2, v1;
	_ =	sdelay $0x1  }
0x28d: {  	v2 =	vunpack.i.u.bf16.f32 v1;
	v1 =	vunpack.i.l.bf16.f32 v1  }
0x28e: {  	[tilespmem:s16+$0x68E0] =	vst v1  }
0x28f: {  	[tilespmem:s16+$0x74E0] =	vst v2  }
0x290: {  	v1 =	vld [tilespmem:s19+$0x70]  }
0x291: {  	v2 =	vld [tilespmem:s20+$0x70];
	_ =	sdelay $0x3  }
0x292: {  	s19 =	sshrl.u32 s25, $0x2  }
0x293: {  	s20 =	smul.u32 $0x3000, s19;
	v1 =	vadd.bf16 v2, v1;
	_ =	sdelay $0x1  }
0x294: {  	s19 =	sand.u32 $0x300, s18;
	s21 =	sshra.s32 s20, $0x2;
	v2 =	vunpack.i.u.bf16.f32 v1;
	v1 =	vunpack.i.l.bf16.f32 v1  }
0x295: {  	s20 =	sor.u32 $0x80, s19;
	s23 =	sadd.s32 $0x3080, s21;
	s22 =	sadd.s32 $0x3480, s21;
	[tilespmem:s16+$0x68F0] =	vst v1  }
0x296: {  	s21 =	sadd.s32 $0x3880, s21;
	s24 =	sor.u32 s19, s23;
	s23 =	sadd.s32 s20, s23;
	[tilespmem:s16+$0x74F0] =	vst v2  }
0x297: {  	v1 =	vld [tilespmem:s24+$0x0]  }
0x298: {  	v2 =	vld [tilespmem:s23+$0x0];
	_ =	sdelay $0x2  }
0x299: {  	s16 =	sshrl.u32 s25, $0x3  }
0x29a: {  	s16 =	smul.u32 $0x6000, s16  }
0x29b: {  	v1 =	vadd.bf16 v2, v1  }
0x29c: {  	s25 =	sand.u32 $0x380, s15;
	s16 =	sshra.s32 s16, $0x2  }
0x29d: {  	s16 =	sor.u32 s25, s16;
	v2 =	vunpack.i.u.bf16.f32 v1;
	v1 =	vunpack.i.l.bf16.f32 v1  }
0x29e: {  	[tilespmem:s16+$0x6080] =	vst v1  }
0x29f: {  	[tilespmem:s16+$0x6C80] =	vst v2  }
0x2a0: {  	v1 =	vld [tilespmem:s24+$0x10]  }
0x2a1: {  	v2 =	vld [tilespmem:s23+$0x10];
	_ =	sdelay $0x4  }
0x2a2: {  	v1 =	vadd.bf16 v2, v1;
	_ =	sdelay $0x1  }
0x2a3: {  	v2 =	vunpack.i.u.bf16.f32 v1;
	v1 =	vunpack.i.l.bf16.f32 v1  }
0x2a4: {  	[tilespmem:s16+$0x6090] =	vst v1  }
0x2a5: {  	[tilespmem:s16+$0x6C90] =	vst v2  }
0x2a6: {  	v1 =	vld [tilespmem:s24+$0x20]  }
0x2a7: {  	v2 =	vld [tilespmem:s23+$0x20];
	_ =	sdelay $0x4  }
0x2a8: {  	v1 =	vadd.bf16 v2, v1;
	_ =	sdelay $0x1  }
0x2a9: {  	v2 =	vunpack.i.u.bf16.f32 v1;
	v1 =	vunpack.i.l.bf16.f32 v1  }
0x2aa: {  	[tilespmem:s16+$0x60A0] =	vst v1  }
0x2ab: {  	[tilespmem:s16+$0x6CA0] =	vst v2  }
0x2ac: {  	v1 =	vld [tilespmem:s24+$0x30]  }
0x2ad: {  	v2 =	vld [tilespmem:s23+$0x30];
	_ =	sdelay $0x4  }
0x2ae: {  	v1 =	vadd.bf16 v2, v1;
	_ =	sdelay $0x1  }
0x2af: {  	v2 =	vunpack.i.u.bf16.f32 v1;
	v1 =	vunpack.i.l.bf16.f32 v1  }
0x2b0: {  	[tilespmem:s16+$0x60B0] =	vst v1  }
0x2b1: {  	[tilespmem:s16+$0x6CB0] =	vst v2  }
0x2b2: {  	v1 =	vld [tilespmem:s24+$0x40]  }
0x2b3: {  	v2 =	vld [tilespmem:s23+$0x40];
	_ =	sdelay $0x4  }
0x2b4: {  	v1 =	vadd.bf16 v2, v1;
	_ =	sdelay $0x1  }
0x2b5: {  	v2 =	vunpack.i.u.bf16.f32 v1;
	v1 =	vunpack.i.l.bf16.f32 v1  }
0x2b6: {  	[tilespmem:s16+$0x60C0] =	vst v1  }
0x2b7: {  	[tilespmem:s16+$0x6CC0] =	vst v2  }
0x2b8: {  	v1 =	vld [tilespmem:s24+$0x50]  }
0x2b9: {  	v2 =	vld [tilespmem:s23+$0x50];
	_ =	sdelay $0x4  }
0x2ba: {  	v1 =	vadd.bf16 v2, v1;
	_ =	sdelay $0x1  }
0x2bb: {  	v2 =	vunpack.i.u.bf16.f32 v1;
	v1 =	vunpack.i.l.bf16.f32 v1  }
0x2bc: {  	[tilespmem:s16+$0x60D0] =	vst v1  }
0x2bd: {  	[tilespmem:s16+$0x6CD0] =	vst v2  }
0x2be: {  	v1 =	vld [tilespmem:s24+$0x60]  }
0x2bf: {  	v2 =	vld [tilespmem:s23+$0x60];
	_ =	sdelay $0x4  }
0x2c0: {  	v1 =	vadd.bf16 v2, v1;
	_ =	sdelay $0x1  }
0x2c1: {  	v2 =	vunpack.i.u.bf16.f32 v1;
	v1 =	vunpack.i.l.bf16.f32 v1  }
0x2c2: {  	[tilespmem:s16+$0x60E0] =	vst v1  }
0x2c3: {  	[tilespmem:s16+$0x6CE0] =	vst v2  }
0x2c4: {  	v1 =	vld [tilespmem:s24+$0x70]  }
0x2c5: {  	v2 =	vld [tilespmem:s23+$0x70];
	_ =	sdelay $0x4  }
0x2c6: {  	v1 =	vadd.bf16 v2, v1;
	_ =	sdelay $0x1  }
0x2c7: {  	v2 =	vunpack.i.u.bf16.f32 v1;
	v1 =	vunpack.i.l.bf16.f32 v1  }
0x2c8: {  	[tilespmem:s16+$0x60F0] =	vst v1  }
0x2c9: {  	s23 =	sor.u32 s19, s22;
	[tilespmem:s16+$0x6CF0] =	vst v2  }
0x2ca: {  	s22 =	sadd.s32 s20, s22;
	v1 =	vld [tilespmem:s23+$0x0]  }
0x2cb: {  	v2 =	vld [tilespmem:s22+$0x0];
	_ =	sdelay $0x4  }
0x2cc: {  	v1 =	vadd.bf16 v2, v1;
	_ =	sdelay $0x1  }
0x2cd: {  	v2 =	vunpack.i.u.bf16.f32 v1;
	v1 =	vunpack.i.l.bf16.f32 v1  }
0x2ce: {  	[tilespmem:s16+$0x6480] =	vst v1  }
0x2cf: {  	[tilespmem:s16+$0x7080] =	vst v2  }
0x2d0: {  	v1 =	vld [tilespmem:s23+$0x10]  }
0x2d1: {  	v2 =	vld [tilespmem:s22+$0x10];
	_ =	sdelay $0x4  }
0x2d2: {  	v1 =	vadd.bf16 v2, v1;
	_ =	sdelay $0x1  }
0x2d3: {  	v2 =	vunpack.i.u.bf16.f32 v1;
	v1 =	vunpack.i.l.bf16.f32 v1  }
0x2d4: {  	[tilespmem:s16+$0x6490] =	vst v1  }
0x2d5: {  	[tilespmem:s16+$0x7090] =	vst v2  }
0x2d6: {  	v1 =	vld [tilespmem:s23+$0x20]  }
0x2d7: {  	v2 =	vld [tilespmem:s22+$0x20];
	_ =	sdelay $0x4  }
0x2d8: {  	v1 =	vadd.bf16 v2, v1;
	_ =	sdelay $0x1  }
0x2d9: {  	v2 =	vunpack.i.u.bf16.f32 v1;
	v1 =	vunpack.i.l.bf16.f32 v1  }
0x2da: {  	[tilespmem:s16+$0x64A0] =	vst v1  }
0x2db: {  	[tilespmem:s16+$0x70A0] =	vst v2  }
0x2dc: {  	v1 =	vld [tilespmem:s23+$0x30]  }
0x2dd: {  	v2 =	vld [tilespmem:s22+$0x30];
	_ =	sdelay $0x4  }
0x2de: {  	v1 =	vadd.bf16 v2, v1;
	_ =	sdelay $0x1  }
0x2df: {  	v2 =	vunpack.i.u.bf16.f32 v1;
	v1 =	vunpack.i.l.bf16.f32 v1  }
0x2e0: {  	[tilespmem:s16+$0x64B0] =	vst v1  }
0x2e1: {  	[tilespmem:s16+$0x70B0] =	vst v2  }
0x2e2: {  	v1 =	vld [tilespmem:s23+$0x40]  }
0x2e3: {  	v2 =	vld [tilespmem:s22+$0x40];
	_ =	sdelay $0x4  }
0x2e4: {  	v1 =	vadd.bf16 v2, v1;
	_ =	sdelay $0x1  }
0x2e5: {  	v2 =	vunpack.i.u.bf16.f32 v1;
	v1 =	vunpack.i.l.bf16.f32 v1  }
0x2e6: {  	[tilespmem:s16+$0x64C0] =	vst v1  }
0x2e7: {  	[tilespmem:s16+$0x70C0] =	vst v2  }
0x2e8: {  	v1 =	vld [tilespmem:s23+$0x50]  }
0x2e9: {  	v2 =	vld [tilespmem:s22+$0x50];
	_ =	sdelay $0x4  }
0x2ea: {  	v1 =	vadd.bf16 v2, v1;
	_ =	sdelay $0x1  }
0x2eb: {  	v2 =	vunpack.i.u.bf16.f32 v1;
	v1 =	vunpack.i.l.bf16.f32 v1  }
0x2ec: {  	[tilespmem:s16+$0x64D0] =	vst v1  }
0x2ed: {  	[tilespmem:s16+$0x70D0] =	vst v2  }
0x2ee: {  	v1 =	vld [tilespmem:s23+$0x60]  }
0x2ef: {  	v2 =	vld [tilespmem:s22+$0x60];
	_ =	sdelay $0x4  }
0x2f0: {  	v1 =	vadd.bf16 v2, v1;
	_ =	sdelay $0x1  }
0x2f1: {  	v2 =	vunpack.i.u.bf16.f32 v1;
	v1 =	vunpack.i.l.bf16.f32 v1  }
0x2f2: {  	[tilespmem:s16+$0x64E0] =	vst v1  }
0x2f3: {  	[tilespmem:s16+$0x70E0] =	vst v2  }
0x2f4: {  	v1 =	vld [tilespmem:s23+$0x70]  }
0x2f5: {  	v2 =	vld [tilespmem:s22+$0x70];
	_ =	sdelay $0x4  }
0x2f6: {  	v1 =	vadd.bf16 v2, v1;
	_ =	sdelay $0x1  }
0x2f7: {  	v2 =	vunpack.i.u.bf16.f32 v1;
	v1 =	vunpack.i.l.bf16.f32 v1  }
0x2f8: {  	[tilespmem:s16+$0x64F0] =	vst v1  }
0x2f9: {  	s19 =	sor.u32 s19, s21;
	[tilespmem:s16+$0x70F0] =	vst v2  }
0x2fa: {  	s20 =	sadd.s32 s20, s21;
	v1 =	vld [tilespmem:s19+$0x0]  }
0x2fb: {  	v2 =	vld [tilespmem:s20+$0x0];
	_ =	sdelay $0x4  }
0x2fc: {  	v1 =	vadd.bf16 v2, v1;
	_ =	sdelay $0x1  }
0x2fd: {  	v2 =	vunpack.i.u.bf16.f32 v1;
	v1 =	vunpack.i.l.bf16.f32 v1  }
0x2fe: {  	[tilespmem:s16+$0x6880] =	vst v1  }
0x2ff: {  	[tilespmem:s16+$0x7480] =	vst v2  }
0x300: {  	v1 =	vld [tilespmem:s19+$0x10]  }
0x301: {  	v2 =	vld [tilespmem:s20+$0x10];
	_ =	sdelay $0x4  }
0x302: {  	v1 =	vadd.bf16 v2, v1;
	_ =	sdelay $0x1  }
0x303: {  	v2 =	vunpack.i.u.bf16.f32 v1;
	v1 =	vunpack.i.l.bf16.f32 v1  }
0x304: {  	[tilespmem:s16+$0x6890] =	vst v1  }
0x305: {  	[tilespmem:s16+$0x7490] =	vst v2  }
0x306: {  	v1 =	vld [tilespmem:s19+$0x20]  }
0x307: {  	v2 =	vld [tilespmem:s20+$0x20];
	_ =	sdelay $0x4  }
0x308: {  	v1 =	vadd.bf16 v2, v1;
	_ =	sdelay $0x1  }
.Ltmp6:
0x309: {  	v2 =	vunpack.i.u.bf16.f32 v1;
	v1 =	vunpack.i.l.bf16.f32 v1;
	(pc) =	sbr.rel @p0 .LBB2_13-.Ltmp6, $4  }
0x30a: {  	[tilespmem:s16+$0x68A0] =	vst v1  }
0x30b: {  	[tilespmem:s16+$0x74A0] =	vst v2  }
0x30c: {  	v1 =	vld [tilespmem:s19+$0x30]  }
0x30d: {  	v2 =	vld [tilespmem:s20+$0x30]  }
0x30e: {  	_ =	sdelay $0x3  }
0x30f: {  	v1 =	vadd.bf16 v2, v1;
	_ =	sdelay $0x1  }
0x310: {  	v2 =	vunpack.i.l.bf16.f32 v1  }
0x311: {  	v1 =	vunpack.i.u.bf16.f32 v1;
	[tilespmem:s16+$0x68B0] =	vst v2  }
0x312: {  	[tilespmem:s16+$0x74B0] =	vst v1  }
0x313: {  	v1 =	vld [tilespmem:s19+$0x40]  }
0x314: {  	v2 =	vld [tilespmem:s20+$0x40];
	_ =	sdelay $0x4  }
0x315: {  	v1 =	vadd.bf16 v2, v1;
	_ =	sdelay $0x1  }
0x316: {  	v2 =	vunpack.i.l.bf16.f32 v1  }
0x317: {  	v1 =	vunpack.i.u.bf16.f32 v1;
	[tilespmem:s16+$0x68C0] =	vst v2  }
0x318: {  	[tilespmem:s16+$0x74C0] =	vst v1  }
0x319: {  	v1 =	vld [tilespmem:s19+$0x50]  }
0x31a: {  	v2 =	vld [tilespmem:s20+$0x50];
	_ =	sdelay $0x4  }
0x31b: {  	v1 =	vadd.bf16 v2, v1;
	_ =	sdelay $0x1  }
0x31c: {  	v2 =	vunpack.i.l.bf16.f32 v1  }
0x31d: {  	v1 =	vunpack.i.u.bf16.f32 v1;
	[tilespmem:s16+$0x68D0] =	vst v2  }
0x31e: {  	[tilespmem:s16+$0x74D0] =	vst v1  }
0x31f: {  	v1 =	vld [tilespmem:s19+$0x60]  }
0x320: {  	v2 =	vld [tilespmem:s20+$0x60];
	_ =	sdelay $0x4  }
0x321: {  	v1 =	vadd.bf16 v2, v1;
	_ =	sdelay $0x1  }
0x322: {  	v2 =	vunpack.i.l.bf16.f32 v1  }
0x323: {  	v1 =	vunpack.i.u.bf16.f32 v1;
	[tilespmem:s16+$0x68E0] =	vst v2  }
0x324: {  	[tilespmem:s16+$0x74E0] =	vst v1  }
0x325: {  	v1 =	vld [tilespmem:s19+$0x70]  }
0x326: {  	v2 =	vld [tilespmem:s20+$0x70];
	_ =	sdelay $0x4  }
0x327: {  	v1 =	vadd.bf16 v2, v1;
	_ =	sdelay $0x1  }
0x328: {  	v2 =	vunpack.i.l.bf16.f32 v1  }
0x329: {  	v1 =	vunpack.i.u.bf16.f32 v1;
	[tilespmem:s16+$0x68F0] =	vst v2  }
0x32a: {  	s15 =	simm.s32 $0x0;
	[tilespmem:s16+$0x74F0] =	vst v1  }
0x32b: {  	[hbm4b:s6+s15] =	stream.linear.scatter [tilespmem:s12], [sflag:$0x3], $0x3000, $0x38;
	[tilespmem:$0x9080] =	vst v63  }
0x32c: {  	_ =	swait.ge [sflag:s10], $0x3000  }
0x32d: {  	[sflag:s10] =	ssyncset.done $0x0  }
0x32e: {  	s20 =	sand.u32 $0x10, s15;
	[sflag:s10] =	ssyncadd.s32 $0xFFFFD000  }
0x32f: {  	v1 =	vld [tilespmem:s20+$0x60];
	_ =	sdelay $0x1  }
0x330: {  	s21 =	sand.u32 $0xF, s15  }
0x331: {  	v2 =	vmov s21  }
0x332: {  	vm0 =	veq.s32 v2, v0  }
0x333: {  	v1 =	vnsel vm0, $0x0, v1  }
0x334: {  	(xrf0) =	vadd.scan.msk.s32 $0xffff, v1;
	_ =	sdelay $0x5  }
0x335: {  	v1, _, _ =	vpop (xrf0)  }
0x336: {  	(v2sf) =	vpush v1, $0xF;
	_ =	sdelay $0xe  }
0x337: {  	s22 =	simm.s32 $0x0;
	s17 =	spop (v2sf)  }
0x338: {  	s16 =	smul.u32 $0x3000, s22;
	s18 =	sshrl.u32 s17, $0x3  }
0x339: {  	s17 =	sshll.u32 s17, $0x7;
	s18 =	smul.u32 $0xC00, s18  }
0x33a: {  	s17 =	sand.u32 $0x380, s17  }
0x33b: {  	s23 =	sand.u32 $0x380, s15;
	s16 =	sshra.s32 s16, $0x2;
	s17 =	sor.u32 s17, s18  }
0x33c: {  	s24 =	sor.u32 s23, s16;
	s25 =	sshrl.u32 s17, $0x3  }
0x33d: {  	s26 =	sadd.s32 $0x3080, s24;
	s28 =	sadd.s32 s3, s25  }
0x33e: {  	[tilespmem:s26], [sflag:$0x2] =	stream.linear.gather [hbm4b:s28+s2], $0x80, $0x38;
	[tilespmem:$0x9080] =	vst v63  }
0x33f: {  	s29 =	sadd.s32 $0x3480, s24;
	s16 =	sadd.s32 $0x80, s28  }
0x340: {  	[tilespmem:s29], [sflag:$0x2] =	stream.linear.gather [hbm4b:s16+s2], $0x80, $0x38;
	[tilespmem:$0x9080] =	vst v63  }
0x341: {  	s16 =	simm.s32 $0x1  }
0x342: {  	s18 =	sadd.s32 $0x3880, s24;
	s30 =	sadd.s32 $0x100, s28;
	s31 =	sand.u32 $0x10, s16  }
0x343: {  	[tilespmem:s18], [sflag:$0x2] =	stream.linear.gather [hbm4b:s30+s2], $0x80, $0x38;
	[tilespmem:$0x9080] =	vst v63  }
0x344: {  	s17 =	simm.s32 $0x2;
	v1 =	vld [tilespmem:s31+$0x60]  }
.LBB2_15:
0x345: {  	p0 =	sne.s32 s17, $0x1F  }
0x346: {  	s18 =	sand.u32 $0xF, s16  }
0x347: {  	v2 =	vmov s18  }
0x348: {  	vm0 =	veq.s32 v2, v0  }
0x349: {  	v1 =	vnsel vm0, $0x0, v1  }
0x34a: {  	(xrf0) =	vadd.scan.msk.s32 $0xffff, v1;
	_ =	sdelay $0x5  }
0x34b: {  	v1, _, _ =	vpop (xrf0)  }
0x34c: {  	(v2sf) =	vpush v1, $0xF;
	_ =	sdelay $0xe  }
0x34d: {  	s18 =	sshrl.u32 s16, $0x3;
	s16 =	smov.u32 s17;
	s19 =	spop (v2sf)  }
0x34e: {  	s18 =	smul.u32 $0x3000, s18;
	s20 =	sshrl.u32 s19, $0x3  }
0x34f: {  	s19 =	sshll.u32 s19, $0x7;
	s20 =	smul.u32 $0xC00, s20  }
0x350: {  	s15 =	sadd.s32 $0x80, s15;
	s19 =	sand.u32 $0x380, s19  }
0x351: {  	s21 =	sand.u32 $0x380, s15;
	s18 =	sshra.s32 s18, $0x2;
	s19 =	sor.u32 s19, s20  }
0x352: {  	s18 =	sor.u32 s21, s18;
	s19 =	sshrl.u32 s19, $0x3  }
0x353: {  	s20 =	sadd.s32 $0x3080, s18;
	s19 =	sadd.s32 s3, s19  }
0x354: {  	[tilespmem:s20], [sflag:$0x2] =	stream.linear.gather [hbm4b:s19+s2], $0x80, $0x38;
	[tilespmem:$0x9080] =	vst v63  }
.Ltmp7:
0x355: {  	s21 =	sadd.s32 $0x3480, s18;
	s20 =	sadd.s32 $0x80, s19;
	(pc) =	sbr.rel @p0 .LBB2_15-.Ltmp7, $4  }
0x356: {  	[tilespmem:s21], [sflag:$0x2] =	stream.linear.gather [hbm4b:s20+s2], $0x80, $0x38;
	[tilespmem:$0x9080] =	vst v63  }
0x357: {  	s18 =	sadd.s32 $0x3880, s18;
	s19 =	sadd.s32 $0x100, s19;
	s20 =	sand.u32 $0x10, s17  }
0x358: {  	[tilespmem:s18], [sflag:$0x2] =	stream.linear.gather [hbm4b:s19+s2], $0x80, $0x38;
	[tilespmem:$0x9080] =	vst v63  }
0x359: {  	s17 =	sadd.s32 $0x1, s17;
	v1 =	vld [tilespmem:s20+$0x60]  }
0x35a: {  	_ = 	snop  }
0x35b: {  	s17 =	sand.u32 $0xF, s16  }
0x35c: {  	v2 =	vmov s17  }
0x35d: {  	vm0 =	veq.s32 v2, v0  }
0x35e: {  	v1 =	vnsel vm0, $0x0, v1  }
0x35f: {  	(xrf0) =	vadd.scan.msk.s32 $0xffff, v1;
	_ =	sdelay $0x5  }
0x360: {  	v1, _, _ =	vpop (xrf0)  }
0x361: {  	(v2sf) =	vpush v1, $0xF;
	_ =	sdelay $0xe  }
0x362: {  	s30 =	sshrl.u32 s16, $0x3;
	s31 =	spop (v2sf)  }
0x363: {  	s16 =	smul.u32 $0x3000, s30;
	s18 =	sshrl.u32 s31, $0x3  }
0x364: {  	s17 =	sshll.u32 s31, $0x7;
	s18 =	smul.u32 $0xC00, s18  }
0x365: {  	s15 =	sadd.s32 $0x80, s15;
	s17 =	sand.u32 $0x380, s17  }
0x366: {  	s15 =	sand.u32 $0x380, s15;
	s16 =	sshra.s32 s16, $0x2;
	s17 =	sor.u32 s17, s18  }
0x367: {  	s15 =	sor.u32 s15, s16;
	s19 =	sshrl.u32 s17, $0x3  }
0x368: {  	s20 =	sadd.s32 $0x3080, s15;
	s16 =	sadd.s32 s3, s19  }
0x369: {  	[tilespmem:s20], [sflag:$0x2] =	stream.linear.gather [hbm4b:s16+s2], $0x80, $0x38;
	[tilespmem:$0x9080] =	vst v63  }
0x36a: {  	s23 =	simm.s32 $0x0;
	s22 =	sadd.s32 $0x3480, s15;
	s21 =	sadd.s32 $0x80, s16  }
0x36b: {  	[tilespmem:s22], [sflag:$0x2] =	stream.linear.gather [hbm4b:s21+s2], $0x80, $0x38;
	[tilespmem:$0x9080] =	vst v63  }
0x36c: {  	s15 =	sadd.s32 $0x3880, s15;
	s17 =	smul.u32 $0x3000, s23;
	s16 =	sadd.s32 $0x100, s16  }
0x36d: {  	[tilespmem:s15], [sflag:$0x2] =	stream.linear.gather [hbm4b:s16+s2], $0x80, $0x38;
	[tilespmem:$0x9080] =	vst v63  }
0x36e: {  	s19 =	sshra.s32 s17, $0x2;
	s15 =	simm.s32 $0x0;
	_ =	swait.ge [sflag:s11], $0x3000  }
0x36f: {  	s25 =	sor.u32 $0x80, s19;
	s24 =	sand.u32 $0x300, s15;
	[sflag:s11] =	ssyncset.done $0x0  }
0x370: {  	s26 =	sor.u32 $0x80, s24;
	s20 =	sor.u32 s24, s25;
	[sflag:s11] =	ssyncadd.s32 $0xFFFFD000  }
0x371: {  	s21 =	sadd.s32 s26, s25;
	v1 =	vld [tilespmem:s20+$0x0]  }
0x372: {  	v2 =	vld [tilespmem:s21+$0x0];
	_ =	sdelay $0x2  }
0x373: {  	s28 =	simm.s32 $0x0  }
0x374: {  	s16 =	smul.u32 $0x6000, s28  }
0x375: {  	v1 =	vadd.bf16 v2, v1  }
0x376: {  	s22 =	sand.u32 $0x380, s15;
	s16 =	sshra.s32 s16, $0x2  }
0x377: {  	s16 =	sor.u32 s22, s16;
	v2 =	vunpack.i.l.bf16.f32 v1  }
0x378: {  	v1 =	vunpack.i.u.bf16.f32 v1;
	[tilespmem:s16+$0x6080] =	vst v2  }
0x379: {  	[tilespmem:s16+$0x6C80] =	vst v1  }
0x37a: {  	v1 =	vld [tilespmem:s20+$0x10]  }
0x37b: {  	v2 =	vld [tilespmem:s21+$0x10];
	_ =	sdelay $0x4  }
0x37c: {  	v1 =	vadd.bf16 v2, v1;
	_ =	sdelay $0x1  }
0x37d: {  	v2 =	vunpack.i.l.bf16.f32 v1  }
0x37e: {  	v1 =	vunpack.i.u.bf16.f32 v1;
	[tilespmem:s16+$0x6090] =	vst v2  }
0x37f: {  	[tilespmem:s16+$0x6C90] =	vst v1  }
0x380: {  	v1 =	vld [tilespmem:s20+$0x20]  }
0x381: {  	v2 =	vld [tilespmem:s21+$0x20];
	_ =	sdelay $0x4  }
0x382: {  	v1 =	vadd.bf16 v2, v1;
	_ =	sdelay $0x1  }
0x383: {  	v2 =	vunpack.i.l.bf16.f32 v1  }
0x384: {  	v1 =	vunpack.i.u.bf16.f32 v1;
	[tilespmem:s16+$0x60A0] =	vst v2  }
0x385: {  	[tilespmem:s16+$0x6CA0] =	vst v1  }
0x386: {  	v1 =	vld [tilespmem:s20+$0x30]  }
0x387: {  	v2 =	vld [tilespmem:s21+$0x30];
	_ =	sdelay $0x4  }
0x388: {  	v1 =	vadd.bf16 v2, v1;
	_ =	sdelay $0x1  }
0x389: {  	v2 =	vunpack.i.l.bf16.f32 v1  }
0x38a: {  	v1 =	vunpack.i.u.bf16.f32 v1;
	[tilespmem:s16+$0x60B0] =	vst v2  }
0x38b: {  	[tilespmem:s16+$0x6CB0] =	vst v1  }
0x38c: {  	v1 =	vld [tilespmem:s20+$0x40]  }
0x38d: {  	v2 =	vld [tilespmem:s21+$0x40];
	_ =	sdelay $0x4  }
0x38e: {  	v1 =	vadd.bf16 v2, v1;
	_ =	sdelay $0x1  }
0x38f: {  	v2 =	vunpack.i.l.bf16.f32 v1  }
0x390: {  	v1 =	vunpack.i.u.bf16.f32 v1;
	[tilespmem:s16+$0x60C0] =	vst v2  }
0x391: {  	[tilespmem:s16+$0x6CC0] =	vst v1  }
0x392: {  	v1 =	vld [tilespmem:s20+$0x50]  }
0x393: {  	v2 =	vld [tilespmem:s21+$0x50];
	_ =	sdelay $0x4  }
0x394: {  	v1 =	vadd.bf16 v2, v1;
	_ =	sdelay $0x1  }
0x395: {  	v2 =	vunpack.i.l.bf16.f32 v1  }
0x396: {  	v1 =	vunpack.i.u.bf16.f32 v1;
	[tilespmem:s16+$0x60D0] =	vst v2  }
0x397: {  	[tilespmem:s16+$0x6CD0] =	vst v1  }
0x398: {  	v1 =	vld [tilespmem:s20+$0x60]  }
0x399: {  	v2 =	vld [tilespmem:s21+$0x60];
	_ =	sdelay $0x4  }
0x39a: {  	v1 =	vadd.bf16 v2, v1;
	_ =	sdelay $0x1  }
0x39b: {  	v2 =	vunpack.i.l.bf16.f32 v1  }
0x39c: {  	v1 =	vunpack.i.u.bf16.f32 v1;
	[tilespmem:s16+$0x60E0] =	vst v2  }
0x39d: {  	[tilespmem:s16+$0x6CE0] =	vst v1  }
0x39e: {  	v1 =	vld [tilespmem:s20+$0x70]  }
0x39f: {  	v2 =	vld [tilespmem:s21+$0x70];
	_ =	sdelay $0x4  }
0x3a0: {  	v1 =	vadd.bf16 v2, v1;
	_ =	sdelay $0x1  }
0x3a1: {  	v2 =	vunpack.i.l.bf16.f32 v1  }
0x3a2: {  	s29 =	sadd.s32 $0x480, s19;
	v1 =	vunpack.i.u.bf16.f32 v1;
	[tilespmem:s16+$0x60F0] =	vst v2  }
0x3a3: {  	s30 =	sor.u32 s24, s29;
	[tilespmem:s16+$0x6CF0] =	vst v1  }
0x3a4: {  	s20 =	sadd.s32 s26, s29;
	v1 =	vld [tilespmem:s30+$0x0]  }
0x3a5: {  	v2 =	vld [tilespmem:s20+$0x0];
	_ =	sdelay $0x4  }
0x3a6: {  	v1 =	vadd.bf16 v2, v1;
	_ =	sdelay $0x1  }
0x3a7: {  	v2 =	vunpack.i.l.bf16.f32 v1  }
0x3a8: {  	v1 =	vunpack.i.u.bf16.f32 v1;
	[tilespmem:s16+$0x6480] =	vst v2  }
0x3a9: {  	[tilespmem:s16+$0x7080] =	vst v1  }
0x3aa: {  	v1 =	vld [tilespmem:s30+$0x10]  }
0x3ab: {  	v2 =	vld [tilespmem:s20+$0x10];
	_ =	sdelay $0x4  }
0x3ac: {  	v1 =	vadd.bf16 v2, v1;
	_ =	sdelay $0x1  }
0x3ad: {  	v2 =	vunpack.i.l.bf16.f32 v1  }
0x3ae: {  	v1 =	vunpack.i.u.bf16.f32 v1;
	[tilespmem:s16+$0x6490] =	vst v2  }
0x3af: {  	[tilespmem:s16+$0x7090] =	vst v1  }
0x3b0: {  	v1 =	vld [tilespmem:s30+$0x20]  }
0x3b1: {  	v2 =	vld [tilespmem:s20+$0x20];
	_ =	sdelay $0x4  }
0x3b2: {  	v1 =	vadd.bf16 v2, v1;
	_ =	sdelay $0x1  }
0x3b3: {  	v2 =	vunpack.i.l.bf16.f32 v1  }
0x3b4: {  	v1 =	vunpack.i.u.bf16.f32 v1;
	[tilespmem:s16+$0x64A0] =	vst v2  }
0x3b5: {  	[tilespmem:s16+$0x70A0] =	vst v1  }
0x3b6: {  	v1 =	vld [tilespmem:s30+$0x30]  }
0x3b7: {  	v2 =	vld [tilespmem:s20+$0x30];
	_ =	sdelay $0x4  }
0x3b8: {  	v1 =	vadd.bf16 v2, v1;
	_ =	sdelay $0x1  }
0x3b9: {  	v2 =	vunpack.i.l.bf16.f32 v1  }
0x3ba: {  	v1 =	vunpack.i.u.bf16.f32 v1;
	[tilespmem:s16+$0x64B0] =	vst v2  }
0x3bb: {  	[tilespmem:s16+$0x70B0] =	vst v1  }
0x3bc: {  	v1 =	vld [tilespmem:s30+$0x40]  }
0x3bd: {  	v2 =	vld [tilespmem:s20+$0x40];
	_ =	sdelay $0x4  }
0x3be: {  	v1 =	vadd.bf16 v2, v1;
	_ =	sdelay $0x1  }
0x3bf: {  	v2 =	vunpack.i.l.bf16.f32 v1  }
0x3c0: {  	v1 =	vunpack.i.u.bf16.f32 v1;
	[tilespmem:s16+$0x64C0] =	vst v2  }
0x3c1: {  	[tilespmem:s16+$0x70C0] =	vst v1  }
0x3c2: {  	v1 =	vld [tilespmem:s30+$0x50]  }
0x3c3: {  	v2 =	vld [tilespmem:s20+$0x50];
	_ =	sdelay $0x4  }
0x3c4: {  	v1 =	vadd.bf16 v2, v1;
	_ =	sdelay $0x1  }
0x3c5: {  	v2 =	vunpack.i.l.bf16.f32 v1  }
0x3c6: {  	v1 =	vunpack.i.u.bf16.f32 v1;
	[tilespmem:s16+$0x64D0] =	vst v2  }
0x3c7: {  	[tilespmem:s16+$0x70D0] =	vst v1  }
0x3c8: {  	v1 =	vld [tilespmem:s30+$0x60]  }
0x3c9: {  	v2 =	vld [tilespmem:s20+$0x60];
	_ =	sdelay $0x4  }
0x3ca: {  	v1 =	vadd.bf16 v2, v1;
	_ =	sdelay $0x1  }
0x3cb: {  	v2 =	vunpack.i.l.bf16.f32 v1  }
0x3cc: {  	v1 =	vunpack.i.u.bf16.f32 v1;
	[tilespmem:s16+$0x64E0] =	vst v2  }
0x3cd: {  	[tilespmem:s16+$0x70E0] =	vst v1  }
0x3ce: {  	v1 =	vld [tilespmem:s30+$0x70]  }
0x3cf: {  	v2 =	vld [tilespmem:s20+$0x70];
	_ =	sdelay $0x4  }
0x3d0: {  	v1 =	vadd.bf16 v2, v1;
	_ =	sdelay $0x1  }
0x3d1: {  	v2 =	vunpack.i.l.bf16.f32 v1  }
0x3d2: {  	s31 =	sadd.s32 $0x880, s19;
	v1 =	vunpack.i.u.bf16.f32 v1;
	[tilespmem:s16+$0x64F0] =	vst v2  }
0x3d3: {  	s19 =	sor.u32 s24, s31;
	[tilespmem:s16+$0x70F0] =	vst v1  }
0x3d4: {  	s20 =	sadd.s32 s26, s31;
	v1 =	vld [tilespmem:s19+$0x0]  }
0x3d5: {  	v2 =	vld [tilespmem:s20+$0x0];
	_ =	sdelay $0x4  }
0x3d6: {  	v1 =	vadd.bf16 v2, v1;
	_ =	sdelay $0x1  }
0x3d7: {  	v2 =	vunpack.i.l.bf16.f32 v1  }
0x3d8: {  	v1 =	vunpack.i.u.bf16.f32 v1;
	[tilespmem:s16+$0x6880] =	vst v2  }
0x3d9: {  	[tilespmem:s16+$0x7480] =	vst v1  }
0x3da: {  	v1 =	vld [tilespmem:s19+$0x10]  }
0x3db: {  	v2 =	vld [tilespmem:s20+$0x10];
	_ =	sdelay $0x4  }
0x3dc: {  	v1 =	vadd.bf16 v2, v1;
	_ =	sdelay $0x1  }
0x3dd: {  	v2 =	vunpack.i.l.bf16.f32 v1  }
0x3de: {  	v1 =	vunpack.i.u.bf16.f32 v1;
	[tilespmem:s16+$0x6890] =	vst v2  }
0x3df: {  	[tilespmem:s16+$0x7490] =	vst v1  }
0x3e0: {  	v1 =	vld [tilespmem:s19+$0x20]  }
0x3e1: {  	v2 =	vld [tilespmem:s20+$0x20];
	_ =	sdelay $0x4  }
0x3e2: {  	v1 =	vadd.bf16 v2, v1;
	_ =	sdelay $0x1  }
0x3e3: {  	v2 =	vunpack.i.l.bf16.f32 v1  }
0x3e4: {  	v1 =	vunpack.i.u.bf16.f32 v1;
	[tilespmem:s16+$0x68A0] =	vst v2  }
0x3e5: {  	[tilespmem:s16+$0x74A0] =	vst v1  }
0x3e6: {  	v1 =	vld [tilespmem:s19+$0x30]  }
0x3e7: {  	s18 =	simm.s32 $0x0;
	s17 =	simm.s32 $0x1;
	v2 =	vld [tilespmem:s20+$0x30]  }
.LBB2_17:
0x3e8: {  	_ =	sdelay $0x3  }
0x3e9: {  	p0 =	sne.s32 s17, $0xF;
	s15 =	sadd.s32 $0x80, s15;
	s18 =	sadd.s32 $0x100, s18;
	v1 =	vadd.bf16 v2, v1  }
0x3ea: {  	s25 =	smov.u32 s17;
	s17 =	sadd.s32 $0x1, s17  }
0x3eb: {  	v2 =	vunpack.i.u.bf16.f32 v1;
	v1 =	vunpack.i.l.bf16.f32 v1  }
0x3ec: {  	[tilespmem:s16+$0x68B0] =	vst v1  }
0x3ed: {  	[tilespmem:s16+$0x74B0] =	vst v2  }
0x3ee: {  	v1 =	vld [tilespmem:s19+$0x40]  }
0x3ef: {  	v2 =	vld [tilespmem:s20+$0x40];
	_ =	sdelay $0x4  }
0x3f0: {  	v1 =	vadd.bf16 v2, v1;
	_ =	sdelay $0x1  }
0x3f1: {  	v2 =	vunpack.i.u.bf16.f32 v1;
	v1 =	vunpack.i.l.bf16.f32 v1  }
0x3f2: {  	[tilespmem:s16+$0x68C0] =	vst v1  }
0x3f3: {  	[tilespmem:s16+$0x74C0] =	vst v2  }
0x3f4: {  	v1 =	vld [tilespmem:s19+$0x50]  }
0x3f5: {  	v2 =	vld [tilespmem:s20+$0x50];
	_ =	sdelay $0x4  }
0x3f6: {  	v1 =	vadd.bf16 v2, v1;
	_ =	sdelay $0x1  }
0x3f7: {  	v2 =	vunpack.i.u.bf16.f32 v1;
	v1 =	vunpack.i.l.bf16.f32 v1  }
0x3f8: {  	[tilespmem:s16+$0x68D0] =	vst v1  }
0x3f9: {  	[tilespmem:s16+$0x74D0] =	vst v2  }
0x3fa: {  	v1 =	vld [tilespmem:s19+$0x60]  }
0x3fb: {  	v2 =	vld [tilespmem:s20+$0x60];
	_ =	sdelay $0x4  }
0x3fc: {  	v1 =	vadd.bf16 v2, v1;
	_ =	sdelay $0x1  }
0x3fd: {  	v2 =	vunpack.i.u.bf16.f32 v1;
	v1 =	vunpack.i.l.bf16.f32 v1  }
0x3fe: {  	[tilespmem:s16+$0x68E0] =	vst v1  }
0x3ff: {  	[tilespmem:s16+$0x74E0] =	vst v2  }
0x400: {  	v1 =	vld [tilespmem:s19+$0x70]  }
0x401: {  	v2 =	vld [tilespmem:s20+$0x70];
	_ =	sdelay $0x3  }
0x402: {  	s19 =	sshrl.u32 s25, $0x2  }
0x403: {  	s20 =	smul.u32 $0x3000, s19;
	v1 =	vadd.bf16 v2, v1;
	_ =	sdelay $0x1  }
0x404: {  	s19 =	sand.u32 $0x300, s18;
	s21 =	sshra.s32 s20, $0x2;
	v2 =	vunpack.i.u.bf16.f32 v1;
	v1 =	vunpack.i.l.bf16.f32 v1  }
0x405: {  	s20 =	sor.u32 $0x80, s19;
	s23 =	sor.u32 $0x80, s21;
	s22 =	sadd.s32 $0x480, s21;
	[tilespmem:s16+$0x68F0] =	vst v1  }
0x406: {  	s21 =	sadd.s32 $0x880, s21;
	s24 =	sor.u32 s19, s23;
	s23 =	sadd.s32 s20, s23;
	[tilespmem:s16+$0x74F0] =	vst v2  }
0x407: {  	v1 =	vld [tilespmem:s24+$0x0]  }
0x408: {  	v2 =	vld [tilespmem:s23+$0x0];
	_ =	sdelay $0x2  }
0x409: {  	s16 =	sshrl.u32 s25, $0x3  }
0x40a: {  	s16 =	smul.u32 $0x6000, s16  }
0x40b: {  	v1 =	vadd.bf16 v2, v1  }
0x40c: {  	s25 =	sand.u32 $0x380, s15;
	s16 =	sshra.s32 s16, $0x2  }
0x40d: {  	s16 =	sor.u32 s25, s16;
	v2 =	vunpack.i.u.bf16.f32 v1;
	v1 =	vunpack.i.l.bf16.f32 v1  }
0x40e: {  	[tilespmem:s16+$0x6080] =	vst v1  }
0x40f: {  	[tilespmem:s16+$0x6C80] =	vst v2  }
0x410: {  	v1 =	vld [tilespmem:s24+$0x10]  }
0x411: {  	v2 =	vld [tilespmem:s23+$0x10];
	_ =	sdelay $0x4  }
0x412: {  	v1 =	vadd.bf16 v2, v1;
	_ =	sdelay $0x1  }
0x413: {  	v2 =	vunpack.i.u.bf16.f32 v1;
	v1 =	vunpack.i.l.bf16.f32 v1  }
0x414: {  	[tilespmem:s16+$0x6090] =	vst v1  }
0x415: {  	[tilespmem:s16+$0x6C90] =	vst v2  }
0x416: {  	v1 =	vld [tilespmem:s24+$0x20]  }
0x417: {  	v2 =	vld [tilespmem:s23+$0x20];
	_ =	sdelay $0x4  }
0x418: {  	v1 =	vadd.bf16 v2, v1;
	_ =	sdelay $0x1  }
0x419: {  	v2 =	vunpack.i.u.bf16.f32 v1;
	v1 =	vunpack.i.l.bf16.f32 v1  }
0x41a: {  	[tilespmem:s16+$0x60A0] =	vst v1  }
0x41b: {  	[tilespmem:s16+$0x6CA0] =	vst v2  }
0x41c: {  	v1 =	vld [tilespmem:s24+$0x30]  }
0x41d: {  	v2 =	vld [tilespmem:s23+$0x30];
	_ =	sdelay $0x4  }
0x41e: {  	v1 =	vadd.bf16 v2, v1;
	_ =	sdelay $0x1  }
0x41f: {  	v2 =	vunpack.i.u.bf16.f32 v1;
	v1 =	vunpack.i.l.bf16.f32 v1  }
0x420: {  	[tilespmem:s16+$0x60B0] =	vst v1  }
0x421: {  	[tilespmem:s16+$0x6CB0] =	vst v2  }
0x422: {  	v1 =	vld [tilespmem:s24+$0x40]  }
0x423: {  	v2 =	vld [tilespmem:s23+$0x40];
	_ =	sdelay $0x4  }
0x424: {  	v1 =	vadd.bf16 v2, v1;
	_ =	sdelay $0x1  }
0x425: {  	v2 =	vunpack.i.u.bf16.f32 v1;
	v1 =	vunpack.i.l.bf16.f32 v1  }
0x426: {  	[tilespmem:s16+$0x60C0] =	vst v1  }
0x427: {  	[tilespmem:s16+$0x6CC0] =	vst v2  }
0x428: {  	v1 =	vld [tilespmem:s24+$0x50]  }
0x429: {  	v2 =	vld [tilespmem:s23+$0x50];
	_ =	sdelay $0x4  }
0x42a: {  	v1 =	vadd.bf16 v2, v1;
	_ =	sdelay $0x1  }
0x42b: {  	v2 =	vunpack.i.u.bf16.f32 v1;
	v1 =	vunpack.i.l.bf16.f32 v1  }
0x42c: {  	[tilespmem:s16+$0x60D0] =	vst v1  }
0x42d: {  	[tilespmem:s16+$0x6CD0] =	vst v2  }
0x42e: {  	v1 =	vld [tilespmem:s24+$0x60]  }
0x42f: {  	v2 =	vld [tilespmem:s23+$0x60];
	_ =	sdelay $0x4  }
0x430: {  	v1 =	vadd.bf16 v2, v1;
	_ =	sdelay $0x1  }
0x431: {  	v2 =	vunpack.i.u.bf16.f32 v1;
	v1 =	vunpack.i.l.bf16.f32 v1  }
0x432: {  	[tilespmem:s16+$0x60E0] =	vst v1  }
0x433: {  	[tilespmem:s16+$0x6CE0] =	vst v2  }
0x434: {  	v1 =	vld [tilespmem:s24+$0x70]  }
0x435: {  	v2 =	vld [tilespmem:s23+$0x70];
	_ =	sdelay $0x4  }
0x436: {  	v1 =	vadd.bf16 v2, v1;
	_ =	sdelay $0x1  }
0x437: {  	v2 =	vunpack.i.u.bf16.f32 v1;
	v1 =	vunpack.i.l.bf16.f32 v1  }
0x438: {  	[tilespmem:s16+$0x60F0] =	vst v1  }
0x439: {  	s23 =	sor.u32 s19, s22;
	[tilespmem:s16+$0x6CF0] =	vst v2  }
0x43a: {  	s22 =	sadd.s32 s20, s22;
	v1 =	vld [tilespmem:s23+$0x0]  }
0x43b: {  	v2 =	vld [tilespmem:s22+$0x0];
	_ =	sdelay $0x4  }
0x43c: {  	v1 =	vadd.bf16 v2, v1;
	_ =	sdelay $0x1  }
0x43d: {  	v2 =	vunpack.i.u.bf16.f32 v1;
	v1 =	vunpack.i.l.bf16.f32 v1  }
0x43e: {  	[tilespmem:s16+$0x6480] =	vst v1  }
0x43f: {  	[tilespmem:s16+$0x7080] =	vst v2  }
0x440: {  	v1 =	vld [tilespmem:s23+$0x10]  }
0x441: {  	v2 =	vld [tilespmem:s22+$0x10];
	_ =	sdelay $0x4  }
0x442: {  	v1 =	vadd.bf16 v2, v1;
	_ =	sdelay $0x1  }
0x443: {  	v2 =	vunpack.i.u.bf16.f32 v1;
	v1 =	vunpack.i.l.bf16.f32 v1  }
0x444: {  	[tilespmem:s16+$0x6490] =	vst v1  }
0x445: {  	[tilespmem:s16+$0x7090] =	vst v2  }
0x446: {  	v1 =	vld [tilespmem:s23+$0x20]  }
0x447: {  	v2 =	vld [tilespmem:s22+$0x20];
	_ =	sdelay $0x4  }
0x448: {  	v1 =	vadd.bf16 v2, v1;
	_ =	sdelay $0x1  }
0x449: {  	v2 =	vunpack.i.u.bf16.f32 v1;
	v1 =	vunpack.i.l.bf16.f32 v1  }
0x44a: {  	[tilespmem:s16+$0x64A0] =	vst v1  }
0x44b: {  	[tilespmem:s16+$0x70A0] =	vst v2  }
0x44c: {  	v1 =	vld [tilespmem:s23+$0x30]  }
0x44d: {  	v2 =	vld [tilespmem:s22+$0x30];
	_ =	sdelay $0x4  }
0x44e: {  	v1 =	vadd.bf16 v2, v1;
	_ =	sdelay $0x1  }
0x44f: {  	v2 =	vunpack.i.u.bf16.f32 v1;
	v1 =	vunpack.i.l.bf16.f32 v1  }
0x450: {  	[tilespmem:s16+$0x64B0] =	vst v1  }
0x451: {  	[tilespmem:s16+$0x70B0] =	vst v2  }
0x452: {  	v1 =	vld [tilespmem:s23+$0x40]  }
0x453: {  	v2 =	vld [tilespmem:s22+$0x40];
	_ =	sdelay $0x4  }
0x454: {  	v1 =	vadd.bf16 v2, v1;
	_ =	sdelay $0x1  }
0x455: {  	v2 =	vunpack.i.u.bf16.f32 v1;
	v1 =	vunpack.i.l.bf16.f32 v1  }
0x456: {  	[tilespmem:s16+$0x64C0] =	vst v1  }
0x457: {  	[tilespmem:s16+$0x70C0] =	vst v2  }
0x458: {  	v1 =	vld [tilespmem:s23+$0x50]  }
0x459: {  	v2 =	vld [tilespmem:s22+$0x50];
	_ =	sdelay $0x4  }
0x45a: {  	v1 =	vadd.bf16 v2, v1;
	_ =	sdelay $0x1  }
0x45b: {  	v2 =	vunpack.i.u.bf16.f32 v1;
	v1 =	vunpack.i.l.bf16.f32 v1  }
0x45c: {  	[tilespmem:s16+$0x64D0] =	vst v1  }
0x45d: {  	[tilespmem:s16+$0x70D0] =	vst v2  }
0x45e: {  	v1 =	vld [tilespmem:s23+$0x60]  }
0x45f: {  	v2 =	vld [tilespmem:s22+$0x60];
	_ =	sdelay $0x4  }
0x460: {  	v1 =	vadd.bf16 v2, v1;
	_ =	sdelay $0x1  }
0x461: {  	v2 =	vunpack.i.u.bf16.f32 v1;
	v1 =	vunpack.i.l.bf16.f32 v1  }
0x462: {  	[tilespmem:s16+$0x64E0] =	vst v1  }
0x463: {  	[tilespmem:s16+$0x70E0] =	vst v2  }
0x464: {  	v1 =	vld [tilespmem:s23+$0x70]  }
0x465: {  	v2 =	vld [tilespmem:s22+$0x70];
	_ =	sdelay $0x4  }
0x466: {  	v1 =	vadd.bf16 v2, v1;
	_ =	sdelay $0x1  }
0x467: {  	v2 =	vunpack.i.u.bf16.f32 v1;
	v1 =	vunpack.i.l.bf16.f32 v1  }
0x468: {  	[tilespmem:s16+$0x64F0] =	vst v1  }
0x469: {  	s19 =	sor.u32 s19, s21;
	[tilespmem:s16+$0x70F0] =	vst v2  }
0x46a: {  	s20 =	sadd.s32 s20, s21;
	v1 =	vld [tilespmem:s19+$0x0]  }
0x46b: {  	v2 =	vld [tilespmem:s20+$0x0];
	_ =	sdelay $0x4  }
0x46c: {  	v1 =	vadd.bf16 v2, v1;
	_ =	sdelay $0x1  }
0x46d: {  	v2 =	vunpack.i.u.bf16.f32 v1;
	v1 =	vunpack.i.l.bf16.f32 v1  }
0x46e: {  	[tilespmem:s16+$0x6880] =	vst v1  }
0x46f: {  	[tilespmem:s16+$0x7480] =	vst v2  }
0x470: {  	v1 =	vld [tilespmem:s19+$0x10]  }
0x471: {  	v2 =	vld [tilespmem:s20+$0x10];
	_ =	sdelay $0x4  }
0x472: {  	v1 =	vadd.bf16 v2, v1;
	_ =	sdelay $0x1  }
0x473: {  	v2 =	vunpack.i.u.bf16.f32 v1;
	v1 =	vunpack.i.l.bf16.f32 v1  }
0x474: {  	[tilespmem:s16+$0x6890] =	vst v1  }
0x475: {  	[tilespmem:s16+$0x7490] =	vst v2  }
0x476: {  	v1 =	vld [tilespmem:s19+$0x20]  }
0x477: {  	v2 =	vld [tilespmem:s20+$0x20];
	_ =	sdelay $0x4  }
0x478: {  	v1 =	vadd.bf16 v2, v1;
	_ =	sdelay $0x1  }
.Ltmp8:
0x479: {  	v2 =	vunpack.i.u.bf16.f32 v1;
	v1 =	vunpack.i.l.bf16.f32 v1;
	(pc) =	sbr.rel @p0 .LBB2_17-.Ltmp8, $4  }
0x47a: {  	[tilespmem:s16+$0x68A0] =	vst v1  }
0x47b: {  	[tilespmem:s16+$0x74A0] =	vst v2  }
0x47c: {  	v1 =	vld [tilespmem:s19+$0x30]  }
0x47d: {  	v2 =	vld [tilespmem:s20+$0x30]  }
0x47e: {  	_ =	sdelay $0x3  }
0x47f: {  	v1 =	vadd.bf16 v2, v1;
	_ =	sdelay $0x1  }
0x480: {  	v2 =	vunpack.i.l.bf16.f32 v1  }
0x481: {  	v1 =	vunpack.i.u.bf16.f32 v1;
	[tilespmem:s16+$0x68B0] =	vst v2  }
0x482: {  	[tilespmem:s16+$0x74B0] =	vst v1  }
0x483: {  	v1 =	vld [tilespmem:s19+$0x40]  }
0x484: {  	v2 =	vld [tilespmem:s20+$0x40];
	_ =	sdelay $0x4  }
0x485: {  	v1 =	vadd.bf16 v2, v1;
	_ =	sdelay $0x1  }
0x486: {  	v2 =	vunpack.i.l.bf16.f32 v1  }
0x487: {  	v1 =	vunpack.i.u.bf16.f32 v1;
	[tilespmem:s16+$0x68C0] =	vst v2  }
0x488: {  	[tilespmem:s16+$0x74C0] =	vst v1  }
0x489: {  	v1 =	vld [tilespmem:s19+$0x50]  }
0x48a: {  	v2 =	vld [tilespmem:s20+$0x50];
	_ =	sdelay $0x4  }
0x48b: {  	v1 =	vadd.bf16 v2, v1;
	_ =	sdelay $0x1  }
0x48c: {  	v2 =	vunpack.i.l.bf16.f32 v1  }
0x48d: {  	v1 =	vunpack.i.u.bf16.f32 v1;
	[tilespmem:s16+$0x68D0] =	vst v2  }
0x48e: {  	[tilespmem:s16+$0x74D0] =	vst v1  }
0x48f: {  	v1 =	vld [tilespmem:s19+$0x60]  }
0x490: {  	v2 =	vld [tilespmem:s20+$0x60];
	_ =	sdelay $0x4  }
0x491: {  	v1 =	vadd.bf16 v2, v1;
	_ =	sdelay $0x1  }
0x492: {  	v2 =	vunpack.i.l.bf16.f32 v1  }
0x493: {  	v1 =	vunpack.i.u.bf16.f32 v1;
	[tilespmem:s16+$0x68E0] =	vst v2  }
0x494: {  	[tilespmem:s16+$0x74E0] =	vst v1  }
0x495: {  	v1 =	vld [tilespmem:s19+$0x70]  }
0x496: {  	v2 =	vld [tilespmem:s20+$0x70];
	_ =	sdelay $0x4  }
0x497: {  	v1 =	vadd.bf16 v2, v1;
	_ =	sdelay $0x1  }
0x498: {  	v2 =	vunpack.i.l.bf16.f32 v1  }
0x499: {  	v1 =	vunpack.i.u.bf16.f32 v1;
	[tilespmem:s16+$0x68F0] =	vst v2  }
0x49a: {  	s15 =	simm.s32 $0x0;
	[tilespmem:s16+$0x74F0] =	vst v1  }
0x49b: {  	[hbm4b:s7+s15] =	stream.linear.scatter [tilespmem:s12], [sflag:$0x3], $0x3000, $0x38;
	[tilespmem:$0x9080] =	vst v63  }
0x49c: {  	s24 =	simm.s32 $0x0;
	_ =	swait.ge [sflag:s10], $0x3000  }
0x49d: {  	s16 =	smul.u32 $0x3000, s24;
	[sflag:s10] =	ssyncset.done $0x0  }
0x49e: {  	[sflag:s10] =	ssyncadd.s32 $0xFFFFD000  }
0x49f: {  	s25 =	sshra.s32 s16, $0x2;
	_ =	swait.ge [sflag:s13], $0x3000  }
0x4a0: {  	s17 =	sand.u32 $0x300, s15;
	s16 =	sadd.s32 $0x3080, s25;
	[sflag:s13] =	ssyncset.done $0x0  }
0x4a1: {  	s18 =	sor.u32 $0x80, s17;
	s26 =	sor.u32 s17, s16;
	[sflag:s13] =	ssyncadd.s32 $0xFFFFD000  }
0x4a2: {  	s21 =	sadd.s32 s18, s16;
	v1 =	vld [tilespmem:s26+$0x0]  }
0x4a3: {  	v2 =	vld [tilespmem:s21+$0x0];
	_ =	sdelay $0x2  }
0x4a4: {  	s28 =	simm.s32 $0x0  }
0x4a5: {  	s16 =	smul.u32 $0x6000, s28  }
0x4a6: {  	v1 =	vadd.bf16 v2, v1  }
0x4a7: {  	s22 =	sand.u32 $0x380, s15;
	s16 =	sshra.s32 s16, $0x2  }
0x4a8: {  	s16 =	sor.u32 s22, s16;
	v2 =	vunpack.i.l.bf16.f32 v1  }
0x4a9: {  	v1 =	vunpack.i.u.bf16.f32 v1;
	[tilespmem:s16+$0x6080] =	vst v2  }
0x4aa: {  	[tilespmem:s16+$0x6C80] =	vst v1  }
0x4ab: {  	v1 =	vld [tilespmem:s26+$0x10]  }
0x4ac: {  	v2 =	vld [tilespmem:s21+$0x10];
	_ =	sdelay $0x4  }
0x4ad: {  	v1 =	vadd.bf16 v2, v1;
	_ =	sdelay $0x1  }
0x4ae: {  	v2 =	vunpack.i.l.bf16.f32 v1  }
0x4af: {  	v1 =	vunpack.i.u.bf16.f32 v1;
	[tilespmem:s16+$0x6090] =	vst v2  }
0x4b0: {  	[tilespmem:s16+$0x6C90] =	vst v1  }
0x4b1: {  	v1 =	vld [tilespmem:s26+$0x20]  }
0x4b2: {  	v2 =	vld [tilespmem:s21+$0x20];
	_ =	sdelay $0x4  }
0x4b3: {  	v1 =	vadd.bf16 v2, v1;
	_ =	sdelay $0x1  }
0x4b4: {  	v2 =	vunpack.i.l.bf16.f32 v1  }
0x4b5: {  	v1 =	vunpack.i.u.bf16.f32 v1;
	[tilespmem:s16+$0x60A0] =	vst v2  }
0x4b6: {  	[tilespmem:s16+$0x6CA0] =	vst v1  }
0x4b7: {  	v1 =	vld [tilespmem:s26+$0x30]  }
0x4b8: {  	v2 =	vld [tilespmem:s21+$0x30];
	_ =	sdelay $0x4  }
0x4b9: {  	v1 =	vadd.bf16 v2, v1;
	_ =	sdelay $0x1  }
0x4ba: {  	v2 =	vunpack.i.l.bf16.f32 v1  }
0x4bb: {  	v1 =	vunpack.i.u.bf16.f32 v1;
	[tilespmem:s16+$0x60B0] =	vst v2  }
0x4bc: {  	[tilespmem:s16+$0x6CB0] =	vst v1  }
0x4bd: {  	v1 =	vld [tilespmem:s26+$0x40]  }
0x4be: {  	v2 =	vld [tilespmem:s21+$0x40];
	_ =	sdelay $0x4  }
0x4bf: {  	v1 =	vadd.bf16 v2, v1;
	_ =	sdelay $0x1  }
0x4c0: {  	v2 =	vunpack.i.l.bf16.f32 v1  }
0x4c1: {  	v1 =	vunpack.i.u.bf16.f32 v1;
	[tilespmem:s16+$0x60C0] =	vst v2  }
0x4c2: {  	[tilespmem:s16+$0x6CC0] =	vst v1  }
0x4c3: {  	v1 =	vld [tilespmem:s26+$0x50]  }
0x4c4: {  	v2 =	vld [tilespmem:s21+$0x50];
	_ =	sdelay $0x4  }
0x4c5: {  	v1 =	vadd.bf16 v2, v1;
	_ =	sdelay $0x1  }
0x4c6: {  	v2 =	vunpack.i.l.bf16.f32 v1  }
0x4c7: {  	v1 =	vunpack.i.u.bf16.f32 v1;
	[tilespmem:s16+$0x60D0] =	vst v2  }
0x4c8: {  	[tilespmem:s16+$0x6CD0] =	vst v1  }
0x4c9: {  	v1 =	vld [tilespmem:s26+$0x60]  }
0x4ca: {  	v2 =	vld [tilespmem:s21+$0x60];
	_ =	sdelay $0x4  }
0x4cb: {  	v1 =	vadd.bf16 v2, v1;
	_ =	sdelay $0x1  }
0x4cc: {  	v2 =	vunpack.i.l.bf16.f32 v1  }
0x4cd: {  	v1 =	vunpack.i.u.bf16.f32 v1;
	[tilespmem:s16+$0x60E0] =	vst v2  }
0x4ce: {  	[tilespmem:s16+$0x6CE0] =	vst v1  }
0x4cf: {  	v1 =	vld [tilespmem:s26+$0x70]  }
0x4d0: {  	v2 =	vld [tilespmem:s21+$0x70];
	_ =	sdelay $0x4  }
0x4d1: {  	v1 =	vadd.bf16 v2, v1;
	_ =	sdelay $0x1  }
0x4d2: {  	v2 =	vunpack.i.l.bf16.f32 v1  }
0x4d3: {  	s29 =	sadd.s32 $0x3480, s25;
	v1 =	vunpack.i.u.bf16.f32 v1;
	[tilespmem:s16+$0x60F0] =	vst v2  }
0x4d4: {  	s30 =	sor.u32 s17, s29;
	[tilespmem:s16+$0x6CF0] =	vst v1  }
0x4d5: {  	s20 =	sadd.s32 s18, s29;
	v1 =	vld [tilespmem:s30+$0x0]  }
0x4d6: {  	v2 =	vld [tilespmem:s20+$0x0];
	_ =	sdelay $0x4  }
0x4d7: {  	v1 =	vadd.bf16 v2, v1;
	_ =	sdelay $0x1  }
0x4d8: {  	v2 =	vunpack.i.l.bf16.f32 v1  }
0x4d9: {  	v1 =	vunpack.i.u.bf16.f32 v1;
	[tilespmem:s16+$0x6480] =	vst v2  }
0x4da: {  	[tilespmem:s16+$0x7080] =	vst v1  }
0x4db: {  	v1 =	vld [tilespmem:s30+$0x10]  }
0x4dc: {  	v2 =	vld [tilespmem:s20+$0x10];
	_ =	sdelay $0x4  }
0x4dd: {  	v1 =	vadd.bf16 v2, v1;
	_ =	sdelay $0x1  }
0x4de: {  	v2 =	vunpack.i.l.bf16.f32 v1  }
0x4df: {  	v1 =	vunpack.i.u.bf16.f32 v1;
	[tilespmem:s16+$0x6490] =	vst v2  }
0x4e0: {  	[tilespmem:s16+$0x7090] =	vst v1  }
0x4e1: {  	v1 =	vld [tilespmem:s30+$0x20]  }
0x4e2: {  	v2 =	vld [tilespmem:s20+$0x20];
	_ =	sdelay $0x4  }
0x4e3: {  	v1 =	vadd.bf16 v2, v1;
	_ =	sdelay $0x1  }
0x4e4: {  	v2 =	vunpack.i.l.bf16.f32 v1  }
0x4e5: {  	v1 =	vunpack.i.u.bf16.f32 v1;
	[tilespmem:s16+$0x64A0] =	vst v2  }
0x4e6: {  	[tilespmem:s16+$0x70A0] =	vst v1  }
0x4e7: {  	v1 =	vld [tilespmem:s30+$0x30]  }
0x4e8: {  	v2 =	vld [tilespmem:s20+$0x30];
	_ =	sdelay $0x4  }
0x4e9: {  	v1 =	vadd.bf16 v2, v1;
	_ =	sdelay $0x1  }
0x4ea: {  	v2 =	vunpack.i.l.bf16.f32 v1  }
0x4eb: {  	v1 =	vunpack.i.u.bf16.f32 v1;
	[tilespmem:s16+$0x64B0] =	vst v2  }
0x4ec: {  	[tilespmem:s16+$0x70B0] =	vst v1  }
0x4ed: {  	v1 =	vld [tilespmem:s30+$0x40]  }
0x4ee: {  	v2 =	vld [tilespmem:s20+$0x40];
	_ =	sdelay $0x4  }
0x4ef: {  	v1 =	vadd.bf16 v2, v1;
	_ =	sdelay $0x1  }
0x4f0: {  	v2 =	vunpack.i.l.bf16.f32 v1  }
0x4f1: {  	v1 =	vunpack.i.u.bf16.f32 v1;
	[tilespmem:s16+$0x64C0] =	vst v2  }
0x4f2: {  	[tilespmem:s16+$0x70C0] =	vst v1  }
0x4f3: {  	v1 =	vld [tilespmem:s30+$0x50]  }
0x4f4: {  	v2 =	vld [tilespmem:s20+$0x50];
	_ =	sdelay $0x4  }
0x4f5: {  	v1 =	vadd.bf16 v2, v1;
	_ =	sdelay $0x1  }
0x4f6: {  	v2 =	vunpack.i.l.bf16.f32 v1  }
0x4f7: {  	v1 =	vunpack.i.u.bf16.f32 v1;
	[tilespmem:s16+$0x64D0] =	vst v2  }
0x4f8: {  	[tilespmem:s16+$0x70D0] =	vst v1  }
0x4f9: {  	v1 =	vld [tilespmem:s30+$0x60]  }
0x4fa: {  	v2 =	vld [tilespmem:s20+$0x60];
	_ =	sdelay $0x4  }
0x4fb: {  	v1 =	vadd.bf16 v2, v1;
	_ =	sdelay $0x1  }
0x4fc: {  	v2 =	vunpack.i.l.bf16.f32 v1  }
0x4fd: {  	v1 =	vunpack.i.u.bf16.f32 v1;
	[tilespmem:s16+$0x64E0] =	vst v2  }
0x4fe: {  	[tilespmem:s16+$0x70E0] =	vst v1  }
0x4ff: {  	v1 =	vld [tilespmem:s30+$0x70]  }
0x500: {  	v2 =	vld [tilespmem:s20+$0x70];
	_ =	sdelay $0x4  }
0x501: {  	v1 =	vadd.bf16 v2, v1;
	_ =	sdelay $0x1  }
0x502: {  	v2 =	vunpack.i.l.bf16.f32 v1  }
0x503: {  	s31 =	sadd.s32 $0x3880, s25;
	v1 =	vunpack.i.u.bf16.f32 v1;
	[tilespmem:s16+$0x64F0] =	vst v2  }
0x504: {  	s19 =	sor.u32 s17, s31;
	[tilespmem:s16+$0x70F0] =	vst v1  }
0x505: {  	s20 =	sadd.s32 s18, s31;
	v1 =	vld [tilespmem:s19+$0x0]  }
0x506: {  	v2 =	vld [tilespmem:s20+$0x0];
	_ =	sdelay $0x4  }
0x507: {  	v1 =	vadd.bf16 v2, v1;
	_ =	sdelay $0x1  }
0x508: {  	v2 =	vunpack.i.l.bf16.f32 v1  }
0x509: {  	v1 =	vunpack.i.u.bf16.f32 v1;
	[tilespmem:s16+$0x6880] =	vst v2  }
0x50a: {  	[tilespmem:s16+$0x7480] =	vst v1  }
0x50b: {  	v1 =	vld [tilespmem:s19+$0x10]  }
0x50c: {  	v2 =	vld [tilespmem:s20+$0x10];
	_ =	sdelay $0x4  }
0x50d: {  	v1 =	vadd.bf16 v2, v1;
	_ =	sdelay $0x1  }
0x50e: {  	v2 =	vunpack.i.l.bf16.f32 v1  }
0x50f: {  	v1 =	vunpack.i.u.bf16.f32 v1;
	[tilespmem:s16+$0x6890] =	vst v2  }
0x510: {  	[tilespmem:s16+$0x7490] =	vst v1  }
0x511: {  	v1 =	vld [tilespmem:s19+$0x20]  }
0x512: {  	v2 =	vld [tilespmem:s20+$0x20];
	_ =	sdelay $0x4  }
0x513: {  	v1 =	vadd.bf16 v2, v1;
	_ =	sdelay $0x1  }
0x514: {  	v2 =	vunpack.i.l.bf16.f32 v1  }
0x515: {  	v1 =	vunpack.i.u.bf16.f32 v1;
	[tilespmem:s16+$0x68A0] =	vst v2  }
0x516: {  	[tilespmem:s16+$0x74A0] =	vst v1  }
0x517: {  	v1 =	vld [tilespmem:s19+$0x30]  }
0x518: {  	s17 =	simm.s32 $0x1;
	s18 =	simm.s32 $0x0;
	v2 =	vld [tilespmem:s20+$0x30]  }
.LBB2_19:
0x519: {  	_ =	sdelay $0x3  }
0x51a: {  	p0 =	sne.s32 s17, $0xF;
	s15 =	sadd.s32 $0x80, s15;
	s18 =	sadd.s32 $0x100, s18;
	v1 =	vadd.bf16 v2, v1  }
0x51b: {  	s25 =	smov.u32 s17;
	s17 =	sadd.s32 $0x1, s17  }
0x51c: {  	v2 =	vunpack.i.u.bf16.f32 v1;
	v1 =	vunpack.i.l.bf16.f32 v1  }
0x51d: {  	[tilespmem:s16+$0x68B0] =	vst v1  }
0x51e: {  	[tilespmem:s16+$0x74B0] =	vst v2  }
0x51f: {  	v1 =	vld [tilespmem:s19+$0x40]  }
0x520: {  	v2 =	vld [tilespmem:s20+$0x40];
	_ =	sdelay $0x4  }
0x521: {  	v1 =	vadd.bf16 v2, v1;
	_ =	sdelay $0x1  }
0x522: {  	v2 =	vunpack.i.u.bf16.f32 v1;
	v1 =	vunpack.i.l.bf16.f32 v1  }
0x523: {  	[tilespmem:s16+$0x68C0] =	vst v1  }
0x524: {  	[tilespmem:s16+$0x74C0] =	vst v2  }
0x525: {  	v1 =	vld [tilespmem:s19+$0x50]  }
0x526: {  	v2 =	vld [tilespmem:s20+$0x50];
	_ =	sdelay $0x4  }
0x527: {  	v1 =	vadd.bf16 v2, v1;
	_ =	sdelay $0x1  }
0x528: {  	v2 =	vunpack.i.u.bf16.f32 v1;
	v1 =	vunpack.i.l.bf16.f32 v1  }
0x529: {  	[tilespmem:s16+$0x68D0] =	vst v1  }
0x52a: {  	[tilespmem:s16+$0x74D0] =	vst v2  }
0x52b: {  	v1 =	vld [tilespmem:s19+$0x60]  }
0x52c: {  	v2 =	vld [tilespmem:s20+$0x60];
	_ =	sdelay $0x4  }
0x52d: {  	v1 =	vadd.bf16 v2, v1;
	_ =	sdelay $0x1  }
0x52e: {  	v2 =	vunpack.i.u.bf16.f32 v1;
	v1 =	vunpack.i.l.bf16.f32 v1  }
0x52f: {  	[tilespmem:s16+$0x68E0] =	vst v1  }
0x530: {  	[tilespmem:s16+$0x74E0] =	vst v2  }
0x531: {  	v1 =	vld [tilespmem:s19+$0x70]  }
0x532: {  	v2 =	vld [tilespmem:s20+$0x70];
	_ =	sdelay $0x3  }
0x533: {  	s19 =	sshrl.u32 s25, $0x2  }
0x534: {  	s20 =	smul.u32 $0x3000, s19;
	v1 =	vadd.bf16 v2, v1;
	_ =	sdelay $0x1  }
0x535: {  	s19 =	sand.u32 $0x300, s18;
	s21 =	sshra.s32 s20, $0x2;
	v2 =	vunpack.i.u.bf16.f32 v1;
	v1 =	vunpack.i.l.bf16.f32 v1  }
0x536: {  	s20 =	sor.u32 $0x80, s19;
	s23 =	sadd.s32 $0x3080, s21;
	s22 =	sadd.s32 $0x3480, s21;
	[tilespmem:s16+$0x68F0] =	vst v1  }
0x537: {  	s21 =	sadd.s32 $0x3880, s21;
	s24 =	sor.u32 s19, s23;
	s23 =	sadd.s32 s20, s23;
	[tilespmem:s16+$0x74F0] =	vst v2  }
0x538: {  	v1 =	vld [tilespmem:s24+$0x0]  }
0x539: {  	v2 =	vld [tilespmem:s23+$0x0];
	_ =	sdelay $0x2  }
0x53a: {  	s16 =	sshrl.u32 s25, $0x3  }
0x53b: {  	s16 =	smul.u32 $0x6000, s16  }
0x53c: {  	v1 =	vadd.bf16 v2, v1  }
0x53d: {  	s25 =	sand.u32 $0x380, s15;
	s16 =	sshra.s32 s16, $0x2  }
0x53e: {  	s16 =	sor.u32 s25, s16;
	v2 =	vunpack.i.u.bf16.f32 v1;
	v1 =	vunpack.i.l.bf16.f32 v1  }
0x53f: {  	[tilespmem:s16+$0x6080] =	vst v1  }
0x540: {  	[tilespmem:s16+$0x6C80] =	vst v2  }
0x541: {  	v1 =	vld [tilespmem:s24+$0x10]  }
0x542: {  	v2 =	vld [tilespmem:s23+$0x10];
	_ =	sdelay $0x4  }
0x543: {  	v1 =	vadd.bf16 v2, v1;
	_ =	sdelay $0x1  }
0x544: {  	v2 =	vunpack.i.u.bf16.f32 v1;
	v1 =	vunpack.i.l.bf16.f32 v1  }
0x545: {  	[tilespmem:s16+$0x6090] =	vst v1  }
0x546: {  	[tilespmem:s16+$0x6C90] =	vst v2  }
0x547: {  	v1 =	vld [tilespmem:s24+$0x20]  }
0x548: {  	v2 =	vld [tilespmem:s23+$0x20];
	_ =	sdelay $0x4  }
0x549: {  	v1 =	vadd.bf16 v2, v1;
	_ =	sdelay $0x1  }
0x54a: {  	v2 =	vunpack.i.u.bf16.f32 v1;
	v1 =	vunpack.i.l.bf16.f32 v1  }
0x54b: {  	[tilespmem:s16+$0x60A0] =	vst v1  }
0x54c: {  	[tilespmem:s16+$0x6CA0] =	vst v2  }
0x54d: {  	v1 =	vld [tilespmem:s24+$0x30]  }
0x54e: {  	v2 =	vld [tilespmem:s23+$0x30];
	_ =	sdelay $0x4  }
0x54f: {  	v1 =	vadd.bf16 v2, v1;
	_ =	sdelay $0x1  }
0x550: {  	v2 =	vunpack.i.u.bf16.f32 v1;
	v1 =	vunpack.i.l.bf16.f32 v1  }
0x551: {  	[tilespmem:s16+$0x60B0] =	vst v1  }
0x552: {  	[tilespmem:s16+$0x6CB0] =	vst v2  }
0x553: {  	v1 =	vld [tilespmem:s24+$0x40]  }
0x554: {  	v2 =	vld [tilespmem:s23+$0x40];
	_ =	sdelay $0x4  }
0x555: {  	v1 =	vadd.bf16 v2, v1;
	_ =	sdelay $0x1  }
0x556: {  	v2 =	vunpack.i.u.bf16.f32 v1;
	v1 =	vunpack.i.l.bf16.f32 v1  }
0x557: {  	[tilespmem:s16+$0x60C0] =	vst v1  }
0x558: {  	[tilespmem:s16+$0x6CC0] =	vst v2  }
0x559: {  	v1 =	vld [tilespmem:s24+$0x50]  }
0x55a: {  	v2 =	vld [tilespmem:s23+$0x50];
	_ =	sdelay $0x4  }
0x55b: {  	v1 =	vadd.bf16 v2, v1;
	_ =	sdelay $0x1  }
0x55c: {  	v2 =	vunpack.i.u.bf16.f32 v1;
	v1 =	vunpack.i.l.bf16.f32 v1  }
0x55d: {  	[tilespmem:s16+$0x60D0] =	vst v1  }
0x55e: {  	[tilespmem:s16+$0x6CD0] =	vst v2  }
0x55f: {  	v1 =	vld [tilespmem:s24+$0x60]  }
0x560: {  	v2 =	vld [tilespmem:s23+$0x60];
	_ =	sdelay $0x4  }
0x561: {  	v1 =	vadd.bf16 v2, v1;
	_ =	sdelay $0x1  }
0x562: {  	v2 =	vunpack.i.u.bf16.f32 v1;
	v1 =	vunpack.i.l.bf16.f32 v1  }
0x563: {  	[tilespmem:s16+$0x60E0] =	vst v1  }
0x564: {  	[tilespmem:s16+$0x6CE0] =	vst v2  }
0x565: {  	v1 =	vld [tilespmem:s24+$0x70]  }
0x566: {  	v2 =	vld [tilespmem:s23+$0x70];
	_ =	sdelay $0x4  }
0x567: {  	v1 =	vadd.bf16 v2, v1;
	_ =	sdelay $0x1  }
0x568: {  	v2 =	vunpack.i.u.bf16.f32 v1;
	v1 =	vunpack.i.l.bf16.f32 v1  }
0x569: {  	[tilespmem:s16+$0x60F0] =	vst v1  }
0x56a: {  	s23 =	sor.u32 s19, s22;
	[tilespmem:s16+$0x6CF0] =	vst v2  }
0x56b: {  	s22 =	sadd.s32 s20, s22;
	v1 =	vld [tilespmem:s23+$0x0]  }
0x56c: {  	v2 =	vld [tilespmem:s22+$0x0];
	_ =	sdelay $0x4  }
0x56d: {  	v1 =	vadd.bf16 v2, v1;
	_ =	sdelay $0x1  }
0x56e: {  	v2 =	vunpack.i.u.bf16.f32 v1;
	v1 =	vunpack.i.l.bf16.f32 v1  }
0x56f: {  	[tilespmem:s16+$0x6480] =	vst v1  }
0x570: {  	[tilespmem:s16+$0x7080] =	vst v2  }
0x571: {  	v1 =	vld [tilespmem:s23+$0x10]  }
0x572: {  	v2 =	vld [tilespmem:s22+$0x10];
	_ =	sdelay $0x4  }
0x573: {  	v1 =	vadd.bf16 v2, v1;
	_ =	sdelay $0x1  }
0x574: {  	v2 =	vunpack.i.u.bf16.f32 v1;
	v1 =	vunpack.i.l.bf16.f32 v1  }
0x575: {  	[tilespmem:s16+$0x6490] =	vst v1  }
0x576: {  	[tilespmem:s16+$0x7090] =	vst v2  }
0x577: {  	v1 =	vld [tilespmem:s23+$0x20]  }
0x578: {  	v2 =	vld [tilespmem:s22+$0x20];
	_ =	sdelay $0x4  }
0x579: {  	v1 =	vadd.bf16 v2, v1;
	_ =	sdelay $0x1  }
0x57a: {  	v2 =	vunpack.i.u.bf16.f32 v1;
	v1 =	vunpack.i.l.bf16.f32 v1  }
0x57b: {  	[tilespmem:s16+$0x64A0] =	vst v1  }
0x57c: {  	[tilespmem:s16+$0x70A0] =	vst v2  }
0x57d: {  	v1 =	vld [tilespmem:s23+$0x30]  }
0x57e: {  	v2 =	vld [tilespmem:s22+$0x30];
	_ =	sdelay $0x4  }
0x57f: {  	v1 =	vadd.bf16 v2, v1;
	_ =	sdelay $0x1  }
0x580: {  	v2 =	vunpack.i.u.bf16.f32 v1;
	v1 =	vunpack.i.l.bf16.f32 v1  }
0x581: {  	[tilespmem:s16+$0x64B0] =	vst v1  }
0x582: {  	[tilespmem:s16+$0x70B0] =	vst v2  }
0x583: {  	v1 =	vld [tilespmem:s23+$0x40]  }
0x584: {  	v2 =	vld [tilespmem:s22+$0x40];
	_ =	sdelay $0x4  }
0x585: {  	v1 =	vadd.bf16 v2, v1;
	_ =	sdelay $0x1  }
0x586: {  	v2 =	vunpack.i.u.bf16.f32 v1;
	v1 =	vunpack.i.l.bf16.f32 v1  }
0x587: {  	[tilespmem:s16+$0x64C0] =	vst v1  }
0x588: {  	[tilespmem:s16+$0x70C0] =	vst v2  }
0x589: {  	v1 =	vld [tilespmem:s23+$0x50]  }
0x58a: {  	v2 =	vld [tilespmem:s22+$0x50];
	_ =	sdelay $0x4  }
0x58b: {  	v1 =	vadd.bf16 v2, v1;
	_ =	sdelay $0x1  }
0x58c: {  	v2 =	vunpack.i.u.bf16.f32 v1;
	v1 =	vunpack.i.l.bf16.f32 v1  }
0x58d: {  	[tilespmem:s16+$0x64D0] =	vst v1  }
0x58e: {  	[tilespmem:s16+$0x70D0] =	vst v2  }
0x58f: {  	v1 =	vld [tilespmem:s23+$0x60]  }
0x590: {  	v2 =	vld [tilespmem:s22+$0x60];
	_ =	sdelay $0x4  }
0x591: {  	v1 =	vadd.bf16 v2, v1;
	_ =	sdelay $0x1  }
0x592: {  	v2 =	vunpack.i.u.bf16.f32 v1;
	v1 =	vunpack.i.l.bf16.f32 v1  }
0x593: {  	[tilespmem:s16+$0x64E0] =	vst v1  }
0x594: {  	[tilespmem:s16+$0x70E0] =	vst v2  }
0x595: {  	v1 =	vld [tilespmem:s23+$0x70]  }
0x596: {  	v2 =	vld [tilespmem:s22+$0x70];
	_ =	sdelay $0x4  }
0x597: {  	v1 =	vadd.bf16 v2, v1;
	_ =	sdelay $0x1  }
0x598: {  	v2 =	vunpack.i.u.bf16.f32 v1;
	v1 =	vunpack.i.l.bf16.f32 v1  }
0x599: {  	[tilespmem:s16+$0x64F0] =	vst v1  }
0x59a: {  	s19 =	sor.u32 s19, s21;
	[tilespmem:s16+$0x70F0] =	vst v2  }
0x59b: {  	s20 =	sadd.s32 s20, s21;
	v1 =	vld [tilespmem:s19+$0x0]  }
0x59c: {  	v2 =	vld [tilespmem:s20+$0x0];
	_ =	sdelay $0x4  }
0x59d: {  	v1 =	vadd.bf16 v2, v1;
	_ =	sdelay $0x1  }
0x59e: {  	v2 =	vunpack.i.u.bf16.f32 v1;
	v1 =	vunpack.i.l.bf16.f32 v1  }
0x59f: {  	[tilespmem:s16+$0x6880] =	vst v1  }
0x5a0: {  	[tilespmem:s16+$0x7480] =	vst v2  }
0x5a1: {  	v1 =	vld [tilespmem:s19+$0x10]  }
0x5a2: {  	v2 =	vld [tilespmem:s20+$0x10];
	_ =	sdelay $0x4  }
0x5a3: {  	v1 =	vadd.bf16 v2, v1;
	_ =	sdelay $0x1  }
0x5a4: {  	v2 =	vunpack.i.u.bf16.f32 v1;
	v1 =	vunpack.i.l.bf16.f32 v1  }
0x5a5: {  	[tilespmem:s16+$0x6890] =	vst v1  }
0x5a6: {  	[tilespmem:s16+$0x7490] =	vst v2  }
0x5a7: {  	v1 =	vld [tilespmem:s19+$0x20]  }
0x5a8: {  	v2 =	vld [tilespmem:s20+$0x20];
	_ =	sdelay $0x4  }
0x5a9: {  	v1 =	vadd.bf16 v2, v1;
	_ =	sdelay $0x1  }
.Ltmp9:
0x5aa: {  	v2 =	vunpack.i.u.bf16.f32 v1;
	v1 =	vunpack.i.l.bf16.f32 v1;
	(pc) =	sbr.rel @p0 .LBB2_19-.Ltmp9, $4  }
0x5ab: {  	[tilespmem:s16+$0x68A0] =	vst v1  }
0x5ac: {  	[tilespmem:s16+$0x74A0] =	vst v2  }
0x5ad: {  	v1 =	vld [tilespmem:s19+$0x30]  }
0x5ae: {  	v2 =	vld [tilespmem:s20+$0x30]  }
0x5af: {  	_ =	sdelay $0x3  }
0x5b0: {  	v1 =	vadd.bf16 v2, v1;
	_ =	sdelay $0x1  }
0x5b1: {  	v2 =	vunpack.i.l.bf16.f32 v1  }
0x5b2: {  	v1 =	vunpack.i.u.bf16.f32 v1;
	[tilespmem:s16+$0x68B0] =	vst v2  }
0x5b3: {  	[tilespmem:s16+$0x74B0] =	vst v1  }
0x5b4: {  	v1 =	vld [tilespmem:s19+$0x40]  }
0x5b5: {  	v2 =	vld [tilespmem:s20+$0x40];
	_ =	sdelay $0x4  }
0x5b6: {  	v1 =	vadd.bf16 v2, v1;
	_ =	sdelay $0x1  }
0x5b7: {  	v2 =	vunpack.i.l.bf16.f32 v1  }
0x5b8: {  	v1 =	vunpack.i.u.bf16.f32 v1;
	[tilespmem:s16+$0x68C0] =	vst v2  }
0x5b9: {  	[tilespmem:s16+$0x74C0] =	vst v1  }
0x5ba: {  	v1 =	vld [tilespmem:s19+$0x50]  }
0x5bb: {  	v2 =	vld [tilespmem:s20+$0x50];
	_ =	sdelay $0x4  }
0x5bc: {  	v1 =	vadd.bf16 v2, v1;
	_ =	sdelay $0x1  }
0x5bd: {  	v2 =	vunpack.i.l.bf16.f32 v1  }
0x5be: {  	v1 =	vunpack.i.u.bf16.f32 v1;
	[tilespmem:s16+$0x68D0] =	vst v2  }
0x5bf: {  	[tilespmem:s16+$0x74D0] =	vst v1  }
0x5c0: {  	v1 =	vld [tilespmem:s19+$0x60]  }
0x5c1: {  	v2 =	vld [tilespmem:s20+$0x60];
	_ =	sdelay $0x4  }
0x5c2: {  	v1 =	vadd.bf16 v2, v1;
	_ =	sdelay $0x1  }
0x5c3: {  	v2 =	vunpack.i.l.bf16.f32 v1  }
0x5c4: {  	v1 =	vunpack.i.u.bf16.f32 v1;
	[tilespmem:s16+$0x68E0] =	vst v2  }
0x5c5: {  	[tilespmem:s16+$0x74E0] =	vst v1  }
0x5c6: {  	v1 =	vld [tilespmem:s19+$0x70]  }
0x5c7: {  	v2 =	vld [tilespmem:s20+$0x70];
	_ =	sdelay $0x4  }
0x5c8: {  	v1 =	vadd.bf16 v2, v1;
	_ =	sdelay $0x1  }
0x5c9: {  	v2 =	vunpack.i.l.bf16.f32 v1  }
0x5ca: {  	s14 =	sadd.s32 $0x1, s14;
	v1 =	vunpack.i.u.bf16.f32 v1;
	[tilespmem:s16+$0x68F0] =	vst v2  }
0x5cb: {  	p0 =	sne.s32 s14, s9;
	[tilespmem:s16+$0x74F0] =	vst v1  }
0x5cc: {  	[hbm4b:s8+s2] =	stream.linear.scatter [tilespmem:s12], [sflag:$0x3], $0x3000, $0x38;
	[tilespmem:$0x9080] =	vst v63  }
.Ltmp10:
0x5cd: {  	_ = 	snop;
	(pc) =	sbr.rel @p0 .LBB2_1-.Ltmp10, $4  }
.Ltmp11:
0x5ce: {  	_ = 	snop;
	(pc) =	sbr.rel @!p0 .LBB2_21-.Ltmp11, $4  }
0x5cf: {  	_ =	swait.ge [sflag:s10], $0x3000  }
0x5d0: {  	[sflag:s10] =	ssyncset.done $0x0  }
0x5d1: {  	[sflag:s10] =	ssyncadd.s32 $0xFFFFD000  }
0x5d2: {  	_ = 	snop  }
.LBB2_4:
.Ltmp12:
0x5d3: {  	(pc) =	sbr.rel .LBB2_8-.Ltmp12, $2  }
0x5d4: {  	_ =	sdelay $0x2  }
0x5d5: {  	s16 =	simm.s32 $0x0;
	s17 =	simm.s32 $0x0  }
.LBB2_6:
.Ltmp13:
0x5d6: {  	(pc) =	sbr.rel .LBB2_8-.Ltmp13, $2  }
0x5d7: {  	_ =	sdelay $0x2  }
0x5d8: {  	s17 =	simm.s32 $0x0  }
.LBB2_21:
0x5d9: {  	_ =	sfence.sel $0x180000  }
0x5da: {  	[bflag:$0x0] =	sbarrier.arrive $0xFFFF  }
0x5db: {  	p0 =	sne.s32 s1, $0x0;
	_ =	strace $0x9000004A  }
0x5dc: {  	s0 =	sadd.s32 @!p0 $0x100000, s0;
	[bflag:$0x2] =	sbarrier.arrive $0xFFFF  }
0x5dd: {  	[sflag:s0] =	ssyncadd.tile.s32 @!p0 $0x1;
	_ =	shalt  }
.Lfunc_end2:
_tile_overlayer_lowered:
.L_overlay_start_2:
0x5de: {  	(tag) =	ssettag $0x2  }
0x5df: {  	s0 =	rddreg [dreg:$0x0];
	s2 =	stileid.u32  }
0x5e0: {  	s1 =	rddreg [dreg:$0x1];
	p0 =	sne.s32 s2, $0x0  }
0x5e1: {  	s3 =	rddreg [dreg:$0x2];
	[bflag:$0x3] =	sbarrier.arrive $0xFFFF;
	s2 =	simm.s32 @!p0 $0x1C03  }
0x5e2: {  	[timem:s3], [sflag:s2] =	dma.local @!p0 [hbm:s0], s1  }
0x5e3: {  	s0 =	simm.s32 @!p0 $0x3  }
0x5e4: {  	_ =	swait.ge @!p0 [sflag:s0], s1  }
0x5e5: {  	s1 =	ssub.s32 @!p0 $0x0, s1;
	[sflag:s0] =	ssyncset.done @!p0 $0x0  }
0x5e6: {  	[sflag:s0] =	ssyncadd.s32 @!p0 s1  }
0x5e7: {  	[bflag:$0x3] =	sbarrier.arrive $0xFFFF  }
0x5e8: {  	_ =	shalt  }

</sc_bundles>
